<compile_context>
chip_gen: v7x
topology: tpu7x:2x2x1
jax: 0.10.2.dev20260603
libtpu: 0.0.44.dev20260713+nightly
codegen_flags: <defaults>
</compile_context>

<pallas_src>
import functools

import jax
import jax.numpy as jnp
from jax import lax
from jax.experimental import pallas as pl
from jax.experimental.pallas import tpu as pltpu
from jax.experimental.pallas import tpu_sc as plsc

N = 10000
E = 320000
H = 128
HH = 64
C = 112
EPS = 1e-7

NC = 2
NT = 16
B = 128
CHUNKS = 160
E_PAD = NT * B * CHUNKS
NH = N // 2
N_ACC = 5120
ROWS_PT = N_ACC // NT
JUNK = 5100

EH = E_PAD // 2
RB = 200
GRID_N = N // RB


@functools.cache
def _build_sc_edge_pass():
    mesh = plsc.VectorSubcoreMesh(
        core_axis_name="c", subcore_axis_name="s", num_cores=NC,
        num_subcores=NT)

    @functools.partial(
        pl.kernel,
        out_type=jax.ShapeDtypeStruct((NC, 2, N_ACC, H), jnp.float32),
        mesh=mesh,
        scratch_types=[
            pltpu.VMEM((4, B), jnp.int32),
            pltpu.VMEM((B, H), jnp.float32),
            pltpu.VMEM((B, H), jnp.float32),
            pltpu.VMEM((B // 2, H), jnp.float32),
            pltpu.VMEM((B // 2, H), jnp.float32),
            pltpu.VMEM((B, H), jnp.float32),
            pltpu.VMEM((8, B), jnp.int32),
            pltpu.VMEM((HH,), jnp.float32),
            pltpu.VMEM((HH,), jnp.float32),
            pltpu.VMEM((16,), jnp.float32),
            pltpu.VMEM_SHARED((N_ACC, H), jnp.float32),
            pltpu.SemaphoreType.DMA,
            pltpu.SemaphoreType.DMA,
            pltpu.SemaphoreType.DMA,
            pltpu.SemaphoreType.DMA,
            pltpu.SemaphoreType.DMA,
            pltpu.SemaphoreType.DMA,
        ],
    )
    def k(z_h, ea0_h, ea1_h, src_h, dst_h, zmax_h, eamax_h, tvec_h, out_h,
          idxs, zb_a, zb_b, ea_a, ea_b, cbuf, idxb, zmv, emv, tv,
          acc, sem_za, sem_zb, sem_ea, sem_eb, sem_ia, sem_ib):
        c = lax.axis_index("c")
        s = lax.axis_index("s")
        zrow = s * ROWS_PT

        pltpu.sync_copy(zmax_h.at[pl.ds(c * HH, HH)], zmv)
        pltpu.sync_copy(eamax_h.at[pl.ds(c * HH, HH)], emv)
        pltpu.sync_copy(tvec_h, tv)
        treg = tv[...]
        lbs = []
        for f in range(HH // 16):
            sl = pl.ds(f * 16, 16)
            m = jnp.maximum(zmv[sl] + emv[sl], 0.0) + EPS
            lbs.append(jnp.maximum(m * treg, EPS * treg) - EPS * treg)

        cN = c * N
        ea_base = s * CHUNKS * (B // 2)

        for hp in range(2):
            @pl.loop(0, B)
            def _zero(r):
                for f in range(H // 16):
                    cbuf[r, pl.ds(f * 16, 16)] = jnp.zeros((16,), jnp.float32)

            for kk in range(ROWS_PT // B):
                pltpu.sync_copy(cbuf, acc.at[pl.ds(zrow + kk * B, B)])
            rem = ROWS_PT % B
            if rem:
                pltpu.sync_copy(cbuf.at[pl.ds(0, rem)],
                                acc.at[pl.ds(zrow + (ROWS_PT // B) * B, rem)])

            plsc.subcore_barrier()

            def issue_idx(j, half, si):
                base = (s * CHUNKS + j) * B
                pltpu.async_copy(src_h.at[pl.ds(base, B)],
                                 idxs.at[2 * half], si)
                pltpu.async_copy(dst_h.at[pl.ds(base, B)],
                                 idxs.at[2 * half + 1], si)

            def issue_gather(j, half, zb, eb, sz, se, si):
                pltpu.make_async_copy(src_h.at[pl.ds(0, B)],
                                      idxs.at[0], si).wait()
                pltpu.make_async_copy(src_h.at[pl.ds(0, B)],
                                      idxs.at[0], si).wait()
                for f in range(B // 16):
                    sl = pl.ds(f * 16, 16)
                    idxs[2 * half, sl] = idxs[2 * half, sl] + cN
                pltpu.async_copy(z_h.at[idxs.at[2 * half]], zb, sz)
                erows = pl.ds(ea_base + j * (B // 2), B // 2)

                @pl.when(c == 0)
                def _():
                    pltpu.async_copy(ea0_h.at[erows], eb, se)

                @pl.when(c == 1)
                def _():
                    pltpu.async_copy(ea1_h.at[erows], eb, se)

            def do_chunk(half, zb, eb, sz, se):
                for f in range(B // 16):
                    sl = pl.ds(f * 16, 16)
                    loc = idxs[2 * half + 1, sl] - hp * NH
                    ok = (loc >= 0) & (loc < NH)
                    idxb[half, sl] = jnp.where(ok, loc, JUNK)
                pltpu.make_async_copy(z_h.at[idxs.at[2 * half]],
                                      zb, sz).wait()
                pltpu.make_async_copy(
                    ea0_h.at[pl.ds(0, B // 2)], eb, se).wait()

                @pl.loop(0, B // 2)
                def _pair(pr):
                    for par in range(2):
                        r = par * (B // 2) + pr
                        for f in range(HH // 16):
                            zsl = pl.ds(f * 16, 16)
                            esl = pl.ds(par * HH + f * 16, 16)
                            m0 = jnp.maximum(
                                zb[r, zsl] + eb[pr, esl], 0.0)
                            ex = jnp.exp(m0 * treg - lbs[f])
                            cbuf[r, pl.ds(f * 16, 16)] = ex
                            cbuf[r, pl.ds(HH + f * 16, 16)] = m0 * ex

                pltpu.sync_copy(cbuf, acc.at[idxb.at[half]], add=True)

            issue_idx(0, 0, sem_ia)
            issue_gather(0, 0, zb_a, ea_a, sem_za, sem_ea, sem_ia)
            issue_idx(1, 1, sem_ib)

            @pl.loop(0, CHUNKS, step=2)
            def _chunk2(j):
                issue_gather(j + 1, 1, zb_b, ea_b, sem_zb, sem_eb, sem_ib)
                do_chunk(0, zb_a, ea_a, sem_za, sem_ea)

                @pl.when(j + 2 < CHUNKS)
                def _():
                    issue_idx(j + 2, 0, sem_ia)
                    issue_gather(j + 2, 0, zb_a, ea_a, sem_za, sem_ea,
                                 sem_ia)

                do_chunk(1, zb_b, ea_b, sem_zb, sem_eb)

                @pl.when(j + 3 < CHUNKS)
                def _():
                    issue_idx(j + 3, 1, sem_ib)

            plsc.subcore_barrier()

            pltpu.sync_copy(acc.at[pl.ds(zrow, ROWS_PT)],
                            out_h.at[c, hp, pl.ds(zrow, ROWS_PT)])

            if hp == 0:
                plsc.subcore_barrier()

    return k


def _sc_edge_pass(z, ea_p0, ea_p1, src2d, dst2d, zmaxv, eamaxv, tvec):
    return _build_sc_edge_pass()(z, ea_p0, ea_p1, src2d, dst2d, zmaxv,
                                 eamaxv, tvec)


def _node_proj(x, w, b):
    def body(x_r, w_r, b_r, z_r, m_r):
        i = pl.program_id(0)
        h = jnp.dot(x_r[...], w_r[...],
                    preferred_element_type=jnp.float32) + b_r[...]
        z_r[0] = h
        z_r[1] = jnp.concatenate([h[:, HH:], h[:, :HH]], axis=-1)
        m = jnp.max(h, axis=0, keepdims=True)

        @pl.when(i == 0)
        def _():
            m_r[...] = m

        @pl.when(i != 0)
        def _():
            m_r[...] = jnp.maximum(m_r[...], m)

    return pl.pallas_call(
        body,
        grid=(GRID_N,),
        in_specs=[
            pl.BlockSpec((RB, H), lambda i: (i, 0)),
            pl.BlockSpec((H, H), lambda i: (0, 0)),
            pl.BlockSpec((1, H), lambda i: (0, 0)),
        ],
        out_specs=[
            pl.BlockSpec((2, RB, H), lambda i: (0, i, 0)),
            pl.BlockSpec((1, H), lambda i: (0, 0)),
        ],
        out_shape=[
            jax.ShapeDtypeStruct((2, N, H), jnp.float32),
            jax.ShapeDtypeStruct((1, H), jnp.float32),
        ],
    )(x, w, b)


def _edge_proj(eap, w, b, c0):
    EB = 2048
    grid = EH // EB

    def body(a_lo, a_hi, w_r, b_r, e_r, m_r):
        i = pl.program_id(0)
        wv = w_r[...]
        bv = b_r[...]
        lo = jnp.dot(a_lo[...], wv, preferred_element_type=jnp.float32) + bv
        hi = jnp.dot(a_hi[...], wv, preferred_element_type=jnp.float32) + bv
        e_r[...] = jnp.concatenate(
            [lo[:, c0:c0 + HH], hi[:, c0:c0 + HH]], axis=-1)
        m = jnp.maximum(jnp.max(lo, axis=0, keepdims=True),
                        jnp.max(hi, axis=0, keepdims=True))

        @pl.when(i == 0)
        def _():
            m_r[...] = m

        @pl.when(i != 0)
        def _():
            m_r[...] = jnp.maximum(m_r[...], m)

    return pl.pallas_call(
        body,
        grid=(grid,),
        in_specs=[
            pl.BlockSpec((EB, 16), lambda i: (i, 0)),
            pl.BlockSpec((EB, 16), lambda i: (i + EH // EB, 0)),
            pl.BlockSpec((16, H), lambda i: (0, 0)),
            pl.BlockSpec((1, H), lambda i: (0, 0)),
        ],
        out_specs=[
            pl.BlockSpec((EB, H), lambda i: (i, 0)),
            pl.BlockSpec((1, H), lambda i: (0, 0)),
        ],
        out_shape=[
            jax.ShapeDtypeStruct((EH, H), jnp.float32),
            jax.ShapeDtypeStruct((1, H), jnp.float32),
        ],
    )(eap, eap, w, b)


def _layer_norm_blk(u, g, b):
    m = jnp.mean(u, axis=-1, keepdims=True)
    v = jnp.mean((u - m) ** 2, axis=-1, keepdims=True)
    return (u - m) / jnp.sqrt(v + 1e-5) * g + b


def _combine_mlp(comb, z, h_prev, w1, b1, mg, mb, w2, b2, nlg, nlb):

    def body(lo_r, hi_r, z_r, hp_r, w1_r, b1_r, mg_r, mb_r, w2_r, b2_r,
             g_r, bb_r, h_r, zn_r, m_r):
        lo = lo_r[0, 0]
        hi = hi_r[0, 0]
        den = jnp.concatenate([lo[:, :HH], hi[:, :HH]], axis=-1)
        num = jnp.concatenate([lo[:, HH:], hi[:, HH:]], axis=-1) + EPS * den
        out = num / (den + 1e-16) + z_r[0]
        u = jnp.dot(out, w1_r[...], preferred_element_type=jnp.float32)
        u = _layer_norm_blk(u + b1_r[...], mg_r[...], mb_r[...])
        u = jnp.maximum(u, 0.0)
        v = jnp.dot(u, w2_r[...], preferred_element_type=jnp.float32)
        h = hp_r[...] + v + b2_r[...]
        zn = jnp.maximum(_layer_norm_blk(h, g_r[...], bb_r[...]), 0.0)
        h_r[...] = h
        zn_r[0] = zn
        zn_r[1] = jnp.concatenate([zn[:, HH:], zn[:, :HH]], axis=-1)
        i = pl.program_id(0)
        m = jnp.max(zn, axis=0, keepdims=True)

        @pl.when(i == 0)
        def _():
            m_r[...] = m

        @pl.when(i != 0)
        def _():
            m_r[...] = jnp.maximum(m_r[...], m)

    BPH = NH // RB

    in_specs = [
        pl.BlockSpec((1, 1, RB, H),
                     lambda i: (0, i // BPH, i % BPH, 0)),
        pl.BlockSpec((1, 1, RB, H),
                     lambda i: (1, i // BPH, i % BPH, 0)),
        pl.BlockSpec((1, RB, H), lambda i: (0, i, 0)),
        pl.BlockSpec((RB, H), lambda i: (i, 0)),
        pl.BlockSpec((H, 2 * H), lambda i: (0, 0)),
        pl.BlockSpec((1, 2 * H), lambda i: (0, 0)),
        pl.BlockSpec((1, 2 * H), lambda i: (0, 0)),
        pl.BlockSpec((1, 2 * H), lambda i: (0, 0)),
        pl.BlockSpec((2 * H, H), lambda i: (0, 0)),
        pl.BlockSpec((1, H), lambda i: (0, 0)),
        pl.BlockSpec((1, H), lambda i: (0, 0)),
        pl.BlockSpec((1, H), lambda i: (0, 0)),
    ]
    out_specs = [
        pl.BlockSpec((RB, H), lambda i: (i, 0)),
        pl.BlockSpec((2, RB, H), lambda i: (0, i, 0)),
        pl.BlockSpec((1, H), lambda i: (0, 0)),
    ]
    out_shape = [
        jax.ShapeDtypeStruct((N, H), jnp.float32),
        jax.ShapeDtypeStruct((2, N, H), jnp.float32),
        jax.ShapeDtypeStruct((1, H), jnp.float32),
    ]
    return pl.pallas_call(
        body,
        grid=(GRID_N,),
        in_specs=in_specs,
        out_specs=out_specs,
        out_shape=out_shape,
    )(comb, comb, z, h_prev, w1, b1.reshape(1, -1), mg.reshape(1, -1),
      mb.reshape(1, -1), w2, b2.reshape(1, -1), nlg.reshape(1, -1),
      nlb.reshape(1, -1))


def _head(z, w, b):
    def body(z_r, w_r, b_r, y_r):
        y_r[...] = jnp.dot(z_r[0], w_r[...],
                           preferred_element_type=jnp.float32) + b_r[...]

    return pl.pallas_call(
        body,
        grid=(GRID_N,),
        in_specs=[
            pl.BlockSpec((1, RB, H), lambda i: (0, i, 0)),
            pl.BlockSpec((H, C), lambda i: (0, 0)),
            pl.BlockSpec((1, C), lambda i: (0, 0)),
        ],
        out_specs=pl.BlockSpec((RB, C), lambda i: (i, 0)),
        out_shape=jax.ShapeDtypeStruct((N, C), jnp.float32),
    )(z, w, b.reshape(1, -1))


def kernel(x, edge_index, edge_attr, params):
    src = edge_index[0].astype(jnp.int32)
    dst = edge_index[1].astype(jnp.int32)
    pad = E_PAD - E
    src_p = jnp.concatenate([src, jnp.zeros((pad,), jnp.int32)])
    dst_p = jnp.concatenate([dst, jnp.full((pad,), N, jnp.int32)])
    src2d = jnp.concatenate([src_p[:EH].reshape(-1, B // 2),
                             src_p[EH:].reshape(-1, B // 2)],
                            axis=1).reshape(E_PAD)
    dst2d = jnp.concatenate([dst_p[:EH].reshape(-1, B // 2),
                             dst_p[EH:].reshape(-1, B // 2)],
                            axis=1).reshape(E_PAD)
    eap = jnp.concatenate(
        [edge_attr, jnp.zeros((pad, edge_attr.shape[1]), jnp.float32)])

    ea_p0, eamax = _edge_proj(eap, params['W_edge'],
                              params['b_edge'].reshape(1, -1), 0)
    ea_p1, _ = _edge_proj(eap, params['W_edge'],
                          params['b_edge'].reshape(1, -1), HH)
    eamaxv = eamax.reshape(H)

    z, zmax = _node_proj(x, params['W_node'], params['b_node'].reshape(1, -1))

    ls = params['layers']
    nxt_g = jnp.stack([ls[1]['ln_g'], ls[2]['ln_g'], ls[0]['ln_g']])
    nxt_b = jnp.stack([ls[1]['ln_b'], ls[2]['ln_b'], ls[0]['ln_b']])
    xs = {
        't': jnp.stack([p['t'] for p in ls]),
        'W1': jnp.stack([p['W1'] for p in ls]),
        'b1': jnp.stack([p['b1'] for p in ls]),
        'mg': jnp.stack([p['mln_g'] for p in ls]),
        'mb': jnp.stack([p['mln_b'] for p in ls]),
        'W2': jnp.stack([p['W2'] for p in ls]),
        'b2': jnp.stack([p['b2'] for p in ls]),
        'ng': nxt_g,
        'nb': nxt_b,
    }

    def step(carry, p):
        h, zc, zm = carry
        tvec = jnp.full((16,), p['t'], jnp.float32)
        comb = _sc_edge_pass(zc.reshape(2 * N, H), ea_p0, ea_p1, src2d,
                             dst2d, zm.reshape(H), eamaxv, tvec)
        h2, z2, zm2 = _combine_mlp(comb, zc, h, p['W1'], p['b1'], p['mg'],
                                   p['mb'], p['W2'], p['b2'], p['ng'],
                                   p['nb'])
        return (h2, z2, zm2), None

    h0 = jnp.zeros((N, H), jnp.float32)
    (h, z, zmax), _ = jax.lax.scan(step, (h0, z, zmax), xs)
    return _head(z, params['W_lin'], params['b_lin'])

# --- scband reference (transcript-rebuilt; emitter-appended) ---
"""Pipeline reference for scband-cgcnn-74964359185021 (READ-ONLY COPY).

The authoritative reference and input builder live on the scoring server;
editing this copy changes nothing except your own understanding.
"""

import jax, jax.numpy as jnp
import numpy as np

N = 10000
E = 320000
D_FEAT = 128
D_EDGE = 16
H = 128
C = 112
L = 3
EPS = 1e-7


def _layer_norm(x, g, b):
    m = jnp.mean(x, axis=-1, keepdims=True)
    v = jnp.mean((x - m) ** 2, axis=-1, keepdims=True)
    return (x - m) / jnp.sqrt(v + 1e-5) * g + b


def _gen_conv(x, src, dst, edge_attr, p):
    # GENConv message: relu(x_j + edge_attr) + eps
    msg = jax.nn.relu(x[src] + edge_attr) + EPS
    # softmax aggregation with learnable temperature t (per-feature softmax over incoming edges)
    logits = msg * p['t']
    seg_max = jax.lax.stop_gradient(jax.ops.segment_max(logits, dst, num_segments=N))
    seg_max = jnp.where(jnp.isfinite(seg_max), seg_max, 0.0)
    ex = jnp.exp(logits - seg_max[dst])
    denom = jax.ops.segment_sum(ex, dst, num_segments=N)
    alpha = ex / (denom[dst] + 1e-16)
    out = jax.ops.segment_sum(msg * alpha, dst, num_segments=N)
    # GENConv: out = mlp(aggr + x_root); MLP = [H, 2H, H] with LayerNorm+ReLU between
    out = out + x
    h = out @ p['W1'] + p['b1']
    h = _layer_norm(h, p['mln_g'], p['mln_b'])
    h = jax.nn.relu(h)
    return h @ p['W2'] + p['b2']


def setup_inputs(seed: int = 0):
    key = jax.random.key(seed)
    ks = jax.random.split(key, 6 + L)
    x = jax.random.normal(ks[0], (N, D_FEAT), dtype=jnp.float32)
    edge_index = jax.random.randint(ks[1], (2, E), 0, N)
    edge_attr = jax.random.normal(ks[2], (E, D_EDGE), dtype=jnp.float32)

    def dense(k, fin, fout):
        return jax.random.normal(k, (fin, fout), dtype=jnp.float32) * 0.05

    params = {
        'W_node': dense(ks[3], D_FEAT, H), 'b_node': jnp.zeros((H,), jnp.float32),
        'W_edge': dense(ks[4], D_EDGE, H), 'b_edge': jnp.zeros((H,), jnp.float32),
        'W_lin': dense(ks[5], H, C), 'b_lin': jnp.zeros((C,), jnp.float32),
        'layers': [],
    }
    for i in range(L):
        k1, k2 = jax.random.split(ks[6 + i] if 6 + i < len(ks) else jax.random.fold_in(key, 100 + i), 2)
        params['layers'].append({
            't': jnp.float32(1.0),
            'W1': dense(k1, H, 2 * H), 'b1': jnp.zeros((2 * H,), jnp.float32),
            'mln_g': jnp.ones((2 * H,), jnp.float32), 'mln_b': jnp.zeros((2 * H,), jnp.float32),
            'W2': dense(k2, 2 * H, H), 'b2': jnp.zeros((H,), jnp.float32),
            'ln_g': jnp.ones((H,), jnp.float32), 'ln_b': jnp.zeros((H,), jnp.float32),
        })
    return {'x': x, 'edge_index': edge_index, 'edge_attr': edge_attr, 'params': params}


def reference(x, edge_index, edge_attr, params):
    src, dst = edge_index[0], edge_index[1]
    h = x @ params['W_node'] + params['b_node']
    ea = edge_attr @ params['W_edge'] + params['b_edge']
    # first layer: raw conv
    h = _gen_conv(h, src, dst, ea, params['layers'][0])
    # remaining layers: DeepGCNLayer res+ blocks (LN -> ReLU -> conv -> residual); dropout off (eval)
    for p in params['layers'][1:]:
        z = _layer_norm(h, p['ln_g'], p['ln_b'])
        z = jax.nn.relu(z)
        z = _gen_conv(z, src, dst, ea, p)
        h = h + z
    p0 = params['layers'][0]
    h = jax.nn.relu(_layer_norm(h, p0['ln_g'], p0['ln_b']))
    return h @ params['W_lin'] + params['b_lin']

if __name__ == "__main__":
    import jax
    _d = setup_inputs()
    print(jax.jit(kernel)(*tuple(_d.values())))

</pallas_src>

<mosaic_0001>
#map = affine_map<(d0, d1) -> (0, 0)>
#map1 = affine_map<(d0, d1) -> (0)>
#map2 = affine_map<(d0, d1) -> (0, 0, 0, 0)>
module attributes {stable_mosaic.version = 14 : i64} {
  func.func @k(%arg0: i32, %arg1: i32, %arg2: memref<20000x128xf32, #tpu.memory_space<hbm>>, %arg3: memref<163840x128xf32, #tpu.memory_space<hbm>>, %arg4: memref<163840x128xf32, #tpu.memory_space<hbm>>, %arg5: memref<327680xi32, #tpu.memory_space<hbm>>, %arg6: memref<327680xi32, #tpu.memory_space<hbm>>, %arg7: memref<128xf32, #tpu.memory_space<hbm>>, %arg8: memref<128xf32, #tpu.memory_space<hbm>>, %arg9: memref<16xf32, #tpu.memory_space<hbm>>, %arg10: memref<2x2x5120x128xf32, #tpu.memory_space<hbm>>, %arg11: memref<4x128xi32, #tpu.memory_space<vmem>>, %arg12: memref<128x128xf32, #tpu.memory_space<vmem>>, %arg13: memref<128x128xf32, #tpu.memory_space<vmem>>, %arg14: memref<64x128xf32, #tpu.memory_space<vmem>>, %arg15: memref<64x128xf32, #tpu.memory_space<vmem>>, %arg16: memref<128x128xf32, #tpu.memory_space<vmem>>, %arg17: memref<8x128xi32, #tpu.memory_space<vmem>>, %arg18: memref<64xf32, #tpu.memory_space<vmem>>, %arg19: memref<64xf32, #tpu.memory_space<vmem>>, %arg20: memref<16xf32, #tpu.memory_space<vmem>>, %arg21: memref<5120x128xf32, #tpu.memory_space<vmem_shared>>, %arg22: memref<!tpu.dma_semaphore, #tpu.memory_space<semaphore_mem>>, %arg23: memref<!tpu.dma_semaphore, #tpu.memory_space<semaphore_mem>>, %arg24: memref<!tpu.dma_semaphore, #tpu.memory_space<semaphore_mem>>, %arg25: memref<!tpu.dma_semaphore, #tpu.memory_space<semaphore_mem>>, %arg26: memref<!tpu.dma_semaphore, #tpu.memory_space<semaphore_mem>>, %arg27: memref<!tpu.dma_semaphore, #tpu.memory_space<semaphore_mem>>) attributes {dimension_semantics = [#tpu.dimension_semantics<core_parallel>, #tpu.dimension_semantics<subcore_parallel>], iteration_bounds = array<i64: 2, 16>, scalar_prefetch = 0 : i64, scratch_operands = 17 : i64, tpu.core_type = #tpu.core_type<sc_vector_subcore>, window_params = [{transform_indices = #map}, {transform_indices = #map}, {transform_indices = #map}, {transform_indices = #map1}, {transform_indices = #map1}, {transform_indices = #map1}, {transform_indices = #map1}, {transform_indices = #map1}, {transform_indices = #map2}]} {
    %mul3A = arith.constant 320 : i32
    %mul3A_0 = arith.muli %arg1, %mul3A : i32
    %mul3A_1 = arith.constant 64 : i32
    %mul3A_2 = arith.muli %arg0, %mul3A_1 : i32
    "tpu.region"() ({
      %run_scoped3A_514 = tpu.sem_alloc : memref<!tpu.dma_semaphore, #tpu.memory_space<semaphore_mem>>
      %dma_start3A_515 = tpu.memref_slice %arg7[%mul3A_2] : memref<128xf32, #tpu.memory_space<hbm>> -> memref<64xf32, #tpu.memory_space<hbm>>
      %dma_start3A_516 = tpu.memref_slice %arg7[%mul3A_2] : memref<128xf32, #tpu.memory_space<hbm>> -> memref<64xf32, #tpu.memory_space<hbm>>
      tpu.enqueue_dma source(%dma_start3A_516 : memref<64xf32, #tpu.memory_space<hbm>>) target(%arg18 : memref<64xf32, #tpu.memory_space<vmem>>) target_semaphore(%run_scoped3A_514 : memref<!tpu.dma_semaphore, #tpu.memory_space<semaphore_mem>>)
      %dma_wait3A_517 = tpu.memref_slice %arg7[%mul3A_2] : memref<128xf32, #tpu.memory_space<hbm>> -> memref<64xf32, #tpu.memory_space<hbm>>
      %dma_wait3A_518 = tpu.memref_slice %arg7[%mul3A_2] : memref<128xf32, #tpu.memory_space<hbm>> -> memref<64xf32, #tpu.memory_space<hbm>>
      tpu.wait_dma2 semaphore(%run_scoped3A_514 : memref<!tpu.dma_semaphore, #tpu.memory_space<semaphore_mem>>) src(%dma_wait3A_518 : memref<64xf32, #tpu.memory_space<hbm>>) dst(%arg18 : memref<64xf32, #tpu.memory_space<vmem>>)
      tpu.yield
    }) : () -> ()
    %mul3A_3 = arith.constant 64 : i32
    %mul3A_4 = arith.muli %arg0, %mul3A_3 : i32
    "tpu.region"() ({
      %run_scoped3A_514 = tpu.sem_alloc : memref<!tpu.dma_semaphore, #tpu.memory_space<semaphore_mem>>
      %dma_start3A_515 = tpu.memref_slice %arg8[%mul3A_4] : memref<128xf32, #tpu.memory_space<hbm>> -> memref<64xf32, #tpu.memory_space<hbm>>
      %dma_start3A_516 = tpu.memref_slice %arg8[%mul3A_4] : memref<128xf32, #tpu.memory_space<hbm>> -> memref<64xf32, #tpu.memory_space<hbm>>
      tpu.enqueue_dma source(%dma_start3A_516 : memref<64xf32, #tpu.memory_space<hbm>>) target(%arg19 : memref<64xf32, #tpu.memory_space<vmem>>) target_semaphore(%run_scoped3A_514 : memref<!tpu.dma_semaphore, #tpu.memory_space<semaphore_mem>>)
      %dma_wait3A_517 = tpu.memref_slice %arg8[%mul3A_4] : memref<128xf32, #tpu.memory_space<hbm>> -> memref<64xf32, #tpu.memory_space<hbm>>
      %dma_wait3A_518 = tpu.memref_slice %arg8[%mul3A_4] : memref<128xf32, #tpu.memory_space<hbm>> -> memref<64xf32, #tpu.memory_space<hbm>>
      tpu.wait_dma2 semaphore(%run_scoped3A_514 : memref<!tpu.dma_semaphore, #tpu.memory_space<semaphore_mem>>) src(%dma_wait3A_518 : memref<64xf32, #tpu.memory_space<hbm>>) dst(%arg19 : memref<64xf32, #tpu.memory_space<vmem>>)
      tpu.yield
    }) : () -> ()
    "tpu.region"() ({
      %run_scoped3A_514 = tpu.sem_alloc : memref<!tpu.dma_semaphore, #tpu.memory_space<semaphore_mem>>
      tpu.enqueue_dma source(%arg9 : memref<16xf32, #tpu.memory_space<hbm>>) target(%arg20 : memref<16xf32, #tpu.memory_space<vmem>>) target_semaphore(%run_scoped3A_514 : memref<!tpu.dma_semaphore, #tpu.memory_space<semaphore_mem>>)
      tpu.wait_dma2 semaphore(%run_scoped3A_514 : memref<!tpu.dma_semaphore, #tpu.memory_space<semaphore_mem>>) src(%arg9 : memref<16xf32, #tpu.memory_space<hbm>>) dst(%arg20 : memref<16xf32, #tpu.memory_space<vmem>>)
      tpu.yield
    }) : () -> ()
    %get3A = arith.constant 0 : index
    %get3A_5 = tpu.vector_load %arg20[%get3A] {strides = array<i32>} : memref<16xf32, #tpu.memory_space<vmem>>, vector<16xf32>,
    %get3A_6 = vector.shape_cast %get3A_5 : vector<16xf32> to vector<16xf32>
    %get3A_7 = arith.constant 0 : index
    %get3A_8 = tpu.vector_load %arg18[%get3A_7] {strides = array<i32>} : memref<64xf32, #tpu.memory_space<vmem>>, vector<16xf32>,
    %get3A_9 = vector.shape_cast %get3A_8 : vector<16xf32> to vector<16xf32>
    %get3A_10 = arith.constant 0 : index
    %get3A_11 = tpu.vector_load %arg19[%get3A_10] {strides = array<i32>} : memref<64xf32, #tpu.memory_space<vmem>>, vector<16xf32>,
    %get3A_12 = vector.shape_cast %get3A_11 : vector<16xf32> to vector<16xf32>
    %add3A = arith.addf %get3A_9, %get3A_12 : vector<16xf32>
    %max3A = arith.constant 0.000000e+00 : f32
    %max3A_13 = vector.broadcast %max3A : f32 to vector<16xf32>
    %max3A_14 = arith.maximumf %add3A, %max3A_13 : vector<16xf32>
    %add3A_15 = arith.constant 1.000000e-07 : f32
    %add3A_16 = vector.broadcast %add3A_15 : f32 to vector<16xf32>
    %add3A_17 = arith.addf %max3A_14, %add3A_16 : vector<16xf32>
    %mul3A_18 = arith.mulf %add3A_17, %get3A_6 : vector<16xf32>
    %mul3A_19 = arith.constant 1.000000e-07 : f32
    %mul3A_20 = vector.broadcast %mul3A_19 : f32 to vector<16xf32>
    %mul3A_21 = arith.mulf %mul3A_20, %get3A_6 : vector<16xf32>
    %max3A_22 = arith.maximumf %mul3A_18, %mul3A_21 : vector<16xf32>
    %mul3A_23 = arith.constant 1.000000e-07 : f32
    %mul3A_24 = vector.broadcast %mul3A_23 : f32 to vector<16xf32>
    %mul3A_25 = arith.mulf %mul3A_24, %get3A_6 : vector<16xf32>
    %sub3A = arith.subf %max3A_22, %mul3A_25 : vector<16xf32>
    %get3A_26 = arith.constant 16 : index
    %get3A_27 = tpu.vector_load %arg18[%get3A_26] {strides = array<i32>} : memref<64xf32, #tpu.memory_space<vmem>>, vector<16xf32>,
    %get3A_28 = vector.shape_cast %get3A_27 : vector<16xf32> to vector<16xf32>
    %get3A_29 = arith.constant 16 : index
    %get3A_30 = tpu.vector_load %arg19[%get3A_29] {strides = array<i32>} : memref<64xf32, #tpu.memory_space<vmem>>, vector<16xf32>,
    %get3A_31 = vector.shape_cast %get3A_30 : vector<16xf32> to vector<16xf32>
    %add3A_32 = arith.addf %get3A_28, %get3A_31 : vector<16xf32>
    %max3A_33 = arith.constant 0.000000e+00 : f32
    %max3A_34 = vector.broadcast %max3A_33 : f32 to vector<16xf32>
    %max3A_35 = arith.maximumf %add3A_32, %max3A_34 : vector<16xf32>
    %add3A_36 = arith.constant 1.000000e-07 : f32
    %add3A_37 = vector.broadcast %add3A_36 : f32 to vector<16xf32>
    %add3A_38 = arith.addf %max3A_35, %add3A_37 : vector<16xf32>
    %mul3A_39 = arith.mulf %add3A_38, %get3A_6 : vector<16xf32>
    %mul3A_40 = arith.constant 1.000000e-07 : f32
    %mul3A_41 = vector.broadcast %mul3A_40 : f32 to vector<16xf32>
    %mul3A_42 = arith.mulf %mul3A_41, %get3A_6 : vector<16xf32>
    %max3A_43 = arith.maximumf %mul3A_39, %mul3A_42 : vector<16xf32>
    %mul3A_44 = arith.constant 1.000000e-07 : f32
    %mul3A_45 = vector.broadcast %mul3A_44 : f32 to vector<16xf32>
    %mul3A_46 = arith.mulf %mul3A_45, %get3A_6 : vector<16xf32>
    %sub3A_47 = arith.subf %max3A_43, %mul3A_46 : vector<16xf32>
    %get3A_48 = arith.constant 32 : index
    %get3A_49 = tpu.vector_load %arg18[%get3A_48] {strides = array<i32>} : memref<64xf32, #tpu.memory_space<vmem>>, vector<16xf32>,
    %get3A_50 = vector.shape_cast %get3A_49 : vector<16xf32> to vector<16xf32>
    %get3A_51 = arith.constant 32 : index
    %get3A_52 = tpu.vector_load %arg19[%get3A_51] {strides = array<i32>} : memref<64xf32, #tpu.memory_space<vmem>>, vector<16xf32>,
    %get3A_53 = vector.shape_cast %get3A_52 : vector<16xf32> to vector<16xf32>
    %add3A_54 = arith.addf %get3A_50, %get3A_53 : vector<16xf32>
    %max3A_55 = arith.constant 0.000000e+00 : f32
    %max3A_56 = vector.broadcast %max3A_55 : f32 to vector<16xf32>
    %max3A_57 = arith.maximumf %add3A_54, %max3A_56 : vector<16xf32>
    %add3A_58 = arith.constant 1.000000e-07 : f32
    %add3A_59 = vector.broadcast %add3A_58 : f32 to vector<16xf32>
    %add3A_60 = arith.addf %max3A_57, %add3A_59 : vector<16xf32>
    %mul3A_61 = arith.mulf %add3A_60, %get3A_6 : vector<16xf32>
    %mul3A_62 = arith.constant 1.000000e-07 : f32
    %mul3A_63 = vector.broadcast %mul3A_62 : f32 to vector<16xf32>
    %mul3A_64 = arith.mulf %mul3A_63, %get3A_6 : vector<16xf32>
    %max3A_65 = arith.maximumf %mul3A_61, %mul3A_64 : vector<16xf32>
    %mul3A_66 = arith.constant 1.000000e-07 : f32
    %mul3A_67 = vector.broadcast %mul3A_66 : f32 to vector<16xf32>
    %mul3A_68 = arith.mulf %mul3A_67, %get3A_6 : vector<16xf32>
    %sub3A_69 = arith.subf %max3A_65, %mul3A_68 : vector<16xf32>
    %get3A_70 = arith.constant 48 : index
    %get3A_71 = tpu.vector_load %arg18[%get3A_70] {strides = array<i32>} : memref<64xf32, #tpu.memory_space<vmem>>, vector<16xf32>,
    %get3A_72 = vector.shape_cast %get3A_71 : vector<16xf32> to vector<16xf32>
    %get3A_73 = arith.constant 48 : index
    %get3A_74 = tpu.vector_load %arg19[%get3A_73] {strides = array<i32>} : memref<64xf32, #tpu.memory_space<vmem>>, vector<16xf32>,
    %get3A_75 = vector.shape_cast %get3A_74 : vector<16xf32> to vector<16xf32>
    %add3A_76 = arith.addf %get3A_72, %get3A_75 : vector<16xf32>
    %max3A_77 = arith.constant 0.000000e+00 : f32
    %max3A_78 = vector.broadcast %max3A_77 : f32 to vector<16xf32>
    %max3A_79 = arith.maximumf %add3A_76, %max3A_78 : vector<16xf32>
    %add3A_80 = arith.constant 1.000000e-07 : f32
    %add3A_81 = vector.broadcast %add3A_80 : f32 to vector<16xf32>
    %add3A_82 = arith.addf %max3A_79, %add3A_81 : vector<16xf32>
    %mul3A_83 = arith.mulf %add3A_82, %get3A_6 : vector<16xf32>
    %mul3A_84 = arith.constant 1.000000e-07 : f32
    %mul3A_85 = vector.broadcast %mul3A_84 : f32 to vector<16xf32>
    %mul3A_86 = arith.mulf %mul3A_85, %get3A_6 : vector<16xf32>
    %max3A_87 = arith.maximumf %mul3A_83, %mul3A_86 : vector<16xf32>
    %mul3A_88 = arith.constant 1.000000e-07 : f32
    %mul3A_89 = vector.broadcast %mul3A_88 : f32 to vector<16xf32>
    %mul3A_90 = arith.mulf %mul3A_89, %get3A_6 : vector<16xf32>
    %sub3A_91 = arith.subf %max3A_87, %mul3A_90 : vector<16xf32>
    %mul3A_92 = arith.constant 10000 : i32
    %mul3A_93 = arith.muli %arg0, %mul3A_92 : i32
    %mul3A_94 = arith.constant 160 : i32
    %mul3A_95 = arith.muli %arg1, %mul3A_94 : i32
    %mul3A_96 = arith.constant 64 : i32
    %mul3A_97 = arith.muli %mul3A_95, %mul3A_96 : i32
    %scan3A = arith.constant 0 : i32
    %scan3A_98 = arith.constant 128 : i32
    %scan3A_99 = arith.addi %scan3A, %scan3A_98 : i32
    %scan3A_100 = arith.constant 1 : i32
    scf.for %scan3A_514 = %scan3A to %scan3A_99 step %scan3A_100  : i32 {
      %mul3A_515 = arith.constant 1 : i32
      %mul3A_516 = arith.muli %scan3A_514, %mul3A_515 : i32
      %add3A_517 = arith.constant 0 : i32
      %add3A_518 = arith.addi %add3A_517, %mul3A_516 : i32
      %broadcast_in_dim3A = arith.constant 0.000000e+00 : f32
      %broadcast_in_dim3A_519 = vector.broadcast %broadcast_in_dim3A : f32 to vector<16xf32>
      %swap3A_520 = arith.index_cast %add3A_518 : i32 to index
      %swap3A_521 = arith.constant 0 : index
      %swap3A_522 = tpu.vector_load %arg16[%swap3A_520, %swap3A_521] {strides = array<i32>} : memref<128x128xf32, #tpu.memory_space<vmem>>, vector<1x16xf32>,
      %swap3A_523 = vector.shape_cast %swap3A_522 : vector<1x16xf32> to vector<16xf32>
      %swap3A_524 = vector.shape_cast %broadcast_in_dim3A_519 : vector<16xf32> to vector<1x16xf32>
      tpu.vector_store %arg16[%swap3A_520, %swap3A_521], %swap3A_524 {strides = array<i32>} : memref<128x128xf32, #tpu.memory_space<vmem>>, vector<1x16xf32>,
      %broadcast_in_dim3A_525 = arith.constant 0.000000e+00 : f32
      %broadcast_in_dim3A_526 = vector.broadcast %broadcast_in_dim3A_525 : f32 to vector<16xf32>
      %swap3A_527 = arith.index_cast %add3A_518 : i32 to index
      %swap3A_528 = arith.constant 16 : index
      %swap3A_529 = tpu.vector_load %arg16[%swap3A_527, %swap3A_528] {strides = array<i32>} : memref<128x128xf32, #tpu.memory_space<vmem>>, vector<1x16xf32>,
      %swap3A_530 = vector.shape_cast %swap3A_529 : vector<1x16xf32> to vector<16xf32>
      %swap3A_531 = vector.shape_cast %broadcast_in_dim3A_526 : vector<16xf32> to vector<1x16xf32>
      tpu.vector_store %arg16[%swap3A_527, %swap3A_528], %swap3A_531 {strides = array<i32>} : memref<128x128xf32, #tpu.memory_space<vmem>>, vector<1x16xf32>,
      %broadcast_in_dim3A_532 = arith.constant 0.000000e+00 : f32
      %broadcast_in_dim3A_533 = vector.broadcast %broadcast_in_dim3A_532 : f32 to vector<16xf32>
      %swap3A_534 = arith.index_cast %add3A_518 : i32 to index
      %swap3A_535 = arith.constant 32 : index
      %swap3A_536 = tpu.vector_load %arg16[%swap3A_534, %swap3A_535] {strides = array<i32>} : memref<128x128xf32, #tpu.memory_space<vmem>>, vector<1x16xf32>,
      %swap3A_537 = vector.shape_cast %swap3A_536 : vector<1x16xf32> to vector<16xf32>
      %swap3A_538 = vector.shape_cast %broadcast_in_dim3A_533 : vector<16xf32> to vector<1x16xf32>
      tpu.vector_store %arg16[%swap3A_534, %swap3A_535], %swap3A_538 {strides = array<i32>} : memref<128x128xf32, #tpu.memory_space<vmem>>, vector<1x16xf32>,
      %broadcast_in_dim3A_539 = arith.constant 0.000000e+00 : f32
      %broadcast_in_dim3A_540 = vector.broadcast %broadcast_in_dim3A_539 : f32 to vector<16xf32>
      %swap3A_541 = arith.index_cast %add3A_518 : i32 to index
      %swap3A_542 = arith.constant 48 : index
      %swap3A_543 = tpu.vector_load %arg16[%swap3A_541, %swap3A_542] {strides = array<i32>} : memref<128x128xf32, #tpu.memory_space<vmem>>, vector<1x16xf32>,
      %swap3A_544 = vector.shape_cast %swap3A_543 : vector<1x16xf32> to vector<16xf32>
      %swap3A_545 = vector.shape_cast %broadcast_in_dim3A_540 : vector<16xf32> to vector<1x16xf32>
      tpu.vector_store %arg16[%swap3A_541, %swap3A_542], %swap3A_545 {strides = array<i32>} : memref<128x128xf32, #tpu.memory_space<vmem>>, vector<1x16xf32>,
      %broadcast_in_dim3A_546 = arith.constant 0.000000e+00 : f32
      %broadcast_in_dim3A_547 = vector.broadcast %broadcast_in_dim3A_546 : f32 to vector<16xf32>
      %swap3A_548 = arith.index_cast %add3A_518 : i32 to index
      %swap3A_549 = arith.constant 64 : index
      %swap3A_550 = tpu.vector_load %arg16[%swap3A_548, %swap3A_549] {strides = array<i32>} : memref<128x128xf32, #tpu.memory_space<vmem>>, vector<1x16xf32>,
      %swap3A_551 = vector.shape_cast %swap3A_550 : vector<1x16xf32> to vector<16xf32>
      %swap3A_552 = vector.shape_cast %broadcast_in_dim3A_547 : vector<16xf32> to vector<1x16xf32>
      tpu.vector_store %arg16[%swap3A_548, %swap3A_549], %swap3A_552 {strides = array<i32>} : memref<128x128xf32, #tpu.memory_space<vmem>>, vector<1x16xf32>,
      %broadcast_in_dim3A_553 = arith.constant 0.000000e+00 : f32
      %broadcast_in_dim3A_554 = vector.broadcast %broadcast_in_dim3A_553 : f32 to vector<16xf32>
      %swap3A_555 = arith.index_cast %add3A_518 : i32 to index
      %swap3A_556 = arith.constant 80 : index
      %swap3A_557 = tpu.vector_load %arg16[%swap3A_555, %swap3A_556] {strides = array<i32>} : memref<128x128xf32, #tpu.memory_space<vmem>>, vector<1x16xf32>,
      %swap3A_558 = vector.shape_cast %swap3A_557 : vector<1x16xf32> to vector<16xf32>
      %swap3A_559 = vector.shape_cast %broadcast_in_dim3A_554 : vector<16xf32> to vector<1x16xf32>
      tpu.vector_store %arg16[%swap3A_555, %swap3A_556], %swap3A_559 {strides = array<i32>} : memref<128x128xf32, #tpu.memory_space<vmem>>, vector<1x16xf32>,
      %broadcast_in_dim3A_560 = arith.constant 0.000000e+00 : f32
      %broadcast_in_dim3A_561 = vector.broadcast %broadcast_in_dim3A_560 : f32 to vector<16xf32>
      %swap3A_562 = arith.index_cast %add3A_518 : i32 to index
      %swap3A_563 = arith.constant 96 : index
      %swap3A_564 = tpu.vector_load %arg16[%swap3A_562, %swap3A_563] {strides = array<i32>} : memref<128x128xf32, #tpu.memory_space<vmem>>, vector<1x16xf32>,
      %swap3A_565 = vector.shape_cast %swap3A_564 : vector<1x16xf32> to vector<16xf32>
      %swap3A_566 = vector.shape_cast %broadcast_in_dim3A_561 : vector<16xf32> to vector<1x16xf32>
      tpu.vector_store %arg16[%swap3A_562, %swap3A_563], %swap3A_566 {strides = array<i32>} : memref<128x128xf32, #tpu.memory_space<vmem>>, vector<1x16xf32>,
      %broadcast_in_dim3A_567 = arith.constant 0.000000e+00 : f32
      %broadcast_in_dim3A_568 = vector.broadcast %broadcast_in_dim3A_567 : f32 to vector<16xf32>
      %swap3A_569 = arith.index_cast %add3A_518 : i32 to index
      %swap3A_570 = arith.constant 112 : index
      %swap3A_571 = tpu.vector_load %arg16[%swap3A_569, %swap3A_570] {strides = array<i32>} : memref<128x128xf32, #tpu.memory_space<vmem>>, vector<1x16xf32>,
      %swap3A_572 = vector.shape_cast %swap3A_571 : vector<1x16xf32> to vector<16xf32>
      %swap3A_573 = vector.shape_cast %broadcast_in_dim3A_568 : vector<16xf32> to vector<1x16xf32>
      tpu.vector_store %arg16[%swap3A_569, %swap3A_570], %swap3A_573 {strides = array<i32>} : memref<128x128xf32, #tpu.memory_space<vmem>>, vector<1x16xf32>,
    }
    %scan3A_101 = arith.constant 128 : i32
    %add3A_102 = arith.constant 0 : i32
    %add3A_103 = arith.addi %mul3A_0, %add3A_102 : i32
    "tpu.region"() ({
      %run_scoped3A_514 = tpu.sem_alloc : memref<!tpu.dma_semaphore, #tpu.memory_space<semaphore_mem>>
      %dma_start3A_515 = arith.constant 0 : i32
      %dma_start3A_516 = tpu.memref_slice %arg21[%add3A_103, %dma_start3A_515] : memref<5120x128xf32, #tpu.memory_space<vmem_shared>> -> memref<128x128xf32, #tpu.memory_space<vmem_shared>>
      %dma_start3A_517 = arith.constant 0 : i32
      %dma_start3A_518 = tpu.memref_slice %arg21[%add3A_103, %dma_start3A_517] : memref<5120x128xf32, #tpu.memory_space<vmem_shared>> -> memref<128x128xf32, #tpu.memory_space<vmem_shared>>
      tpu.enqueue_dma source(%arg16 : memref<128x128xf32, #tpu.memory_space<vmem>>) target(%dma_start3A_518 : memref<128x128xf32, #tpu.memory_space<vmem_shared>>) target_semaphore(%run_scoped3A_514 : memref<!tpu.dma_semaphore, #tpu.memory_space<semaphore_mem>>)
      %dma_wait3A_519 = arith.constant 0 : i32
      %dma_wait3A_520 = tpu.memref_slice %arg21[%add3A_103, %dma_wait3A_519] : memref<5120x128xf32, #tpu.memory_space<vmem_shared>> -> memref<128x128xf32, #tpu.memory_space<vmem_shared>>
      %dma_wait3A_521 = arith.constant 0 : i32
      %dma_wait3A_522 = tpu.memref_slice %arg21[%add3A_103, %dma_wait3A_521] : memref<5120x128xf32, #tpu.memory_space<vmem_shared>> -> memref<128x128xf32, #tpu.memory_space<vmem_shared>>
      tpu.wait_dma2 semaphore(%run_scoped3A_514 : memref<!tpu.dma_semaphore, #tpu.memory_space<semaphore_mem>>) src(%arg16 : memref<128x128xf32, #tpu.memory_space<vmem>>) dst(%dma_wait3A_522 : memref<128x128xf32, #tpu.memory_space<vmem_shared>>)
      tpu.yield
    }) : () -> ()
    %add3A_104 = arith.constant 128 : i32
    %add3A_105 = arith.addi %mul3A_0, %add3A_104 : i32
    "tpu.region"() ({
      %run_scoped3A_514 = tpu.sem_alloc : memref<!tpu.dma_semaphore, #tpu.memory_space<semaphore_mem>>
      %dma_start3A_515 = arith.constant 0 : i32
      %dma_start3A_516 = tpu.memref_slice %arg21[%add3A_105, %dma_start3A_515] : memref<5120x128xf32, #tpu.memory_space<vmem_shared>> -> memref<128x128xf32, #tpu.memory_space<vmem_shared>>
      %dma_start3A_517 = arith.constant 0 : i32
      %dma_start3A_518 = tpu.memref_slice %arg21[%add3A_105, %dma_start3A_517] : memref<5120x128xf32, #tpu.memory_space<vmem_shared>> -> memref<128x128xf32, #tpu.memory_space<vmem_shared>>
      tpu.enqueue_dma source(%arg16 : memref<128x128xf32, #tpu.memory_space<vmem>>) target(%dma_start3A_518 : memref<128x128xf32, #tpu.memory_space<vmem_shared>>) target_semaphore(%run_scoped3A_514 : memref<!tpu.dma_semaphore, #tpu.memory_space<semaphore_mem>>)
      %dma_wait3A_519 = arith.constant 0 : i32
      %dma_wait3A_520 = tpu.memref_slice %arg21[%add3A_105, %dma_wait3A_519] : memref<5120x128xf32, #tpu.memory_space<vmem_shared>> -> memref<128x128xf32, #tpu.memory_space<vmem_shared>>
      %dma_wait3A_521 = arith.constant 0 : i32
      %dma_wait3A_522 = tpu.memref_slice %arg21[%add3A_105, %dma_wait3A_521] : memref<5120x128xf32, #tpu.memory_space<vmem_shared>> -> memref<128x128xf32, #tpu.memory_space<vmem_shared>>
      tpu.wait_dma2 semaphore(%run_scoped3A_514 : memref<!tpu.dma_semaphore, #tpu.memory_space<semaphore_mem>>) src(%arg16 : memref<128x128xf32, #tpu.memory_space<vmem>>) dst(%dma_wait3A_522 : memref<128x128xf32, #tpu.memory_space<vmem_shared>>)
      tpu.yield
    }) : () -> ()
    %add3A_106 = arith.constant 256 : i32
    %add3A_107 = arith.addi %mul3A_0, %add3A_106 : i32
    "tpu.region"() ({
      %run_scoped3A_514 = tpu.sem_alloc : memref<!tpu.dma_semaphore, #tpu.memory_space<semaphore_mem>>
      %dma_start3A_515 = arith.constant 0 : i32
      %dma_start3A_516 = arith.constant 0 : i32
      %dma_start3A_517 = tpu.memref_slice %arg16[%dma_start3A_515, %dma_start3A_516] : memref<128x128xf32, #tpu.memory_space<vmem>> -> memref<64x128xf32, #tpu.memory_space<vmem>>
      %dma_start3A_518 = arith.constant 0 : i32
      %dma_start3A_519 = tpu.memref_slice %arg21[%add3A_107, %dma_start3A_518] : memref<5120x128xf32, #tpu.memory_space<vmem_shared>> -> memref<64x128xf32, #tpu.memory_space<vmem_shared>>
      %dma_start3A_520 = arith.constant 0 : i32
      %dma_start3A_521 = tpu.memref_slice %arg21[%add3A_107, %dma_start3A_520] : memref<5120x128xf32, #tpu.memory_space<vmem_shared>> -> memref<64x128xf32, #tpu.memory_space<vmem_shared>>
      %dma_start3A_522 = arith.constant 0 : i32
      %dma_start3A_523 = arith.constant 0 : i32
      %dma_start3A_524 = tpu.memref_slice %arg16[%dma_start3A_522, %dma_start3A_523] : memref<128x128xf32, #tpu.memory_space<vmem>> -> memref<64x128xf32, #tpu.memory_space<vmem>>
      tpu.enqueue_dma source(%dma_start3A_524 : memref<64x128xf32, #tpu.memory_space<vmem>>) target(%dma_start3A_521 : memref<64x128xf32, #tpu.memory_space<vmem_shared>>) target_semaphore(%run_scoped3A_514 : memref<!tpu.dma_semaphore, #tpu.memory_space<semaphore_mem>>)
      %dma_wait3A_525 = arith.constant 0 : i32
      %dma_wait3A_526 = arith.constant 0 : i32
      %dma_wait3A_527 = tpu.memref_slice %arg16[%dma_wait3A_525, %dma_wait3A_526] : memref<128x128xf32, #tpu.memory_space<vmem>> -> memref<64x128xf32, #tpu.memory_space<vmem>>
      %dma_wait3A_528 = arith.constant 0 : i32
      %dma_wait3A_529 = tpu.memref_slice %arg21[%add3A_107, %dma_wait3A_528] : memref<5120x128xf32, #tpu.memory_space<vmem_shared>> -> memref<64x128xf32, #tpu.memory_space<vmem_shared>>
      %dma_wait3A_530 = arith.constant 0 : i32
      %dma_wait3A_531 = tpu.memref_slice %arg21[%add3A_107, %dma_wait3A_530] : memref<5120x128xf32, #tpu.memory_space<vmem_shared>> -> memref<64x128xf32, #tpu.memory_space<vmem_shared>>
      %dma_wait3A_532 = arith.constant 0 : i32
      %dma_wait3A_533 = arith.constant 0 : i32
      %dma_wait3A_534 = tpu.memref_slice %arg16[%dma_wait3A_532, %dma_wait3A_533] : memref<128x128xf32, #tpu.memory_space<vmem>> -> memref<64x128xf32, #tpu.memory_space<vmem>>
      tpu.wait_dma2 semaphore(%run_scoped3A_514 : memref<!tpu.dma_semaphore, #tpu.memory_space<semaphore_mem>>) src(%dma_wait3A_534 : memref<64x128xf32, #tpu.memory_space<vmem>>) dst(%dma_wait3A_531 : memref<64x128xf32, #tpu.memory_space<vmem_shared>>)
      tpu.yield
    }) : () -> ()
    %barrier3A = arith.constant 0 : index
    tpu.barrier barrier_id(%barrier3A)
    %mul3A_108 = arith.constant 160 : i32
    %mul3A_109 = arith.muli %arg1, %mul3A_108 : i32
    %add3A_110 = arith.constant 0 : i32
    %add3A_111 = arith.addi %mul3A_109, %add3A_110 : i32
    %mul3A_112 = arith.constant 128 : i32
    %mul3A_113 = arith.muli %add3A_111, %mul3A_112 : i32
    %dma_start3A = arith.constant 0 : i32
    %dma_start3A_114 = arith.constant 0 : i32
    %dma_start3A_115 = tpu.memref_slice %arg11[%dma_start3A, %dma_start3A_114] : memref<4x128xi32, #tpu.memory_space<vmem>> -> memref<1x128xi32, #tpu.memory_space<vmem>>
    %dma_start3A_116 = tpu.memref_squeeze %dma_start3A_115 : memref<1x128xi32, #tpu.memory_space<vmem>> -> memref<128xi32, #tpu.memory_space<vmem>>
    %dma_start3A_117 = tpu.memref_slice %arg5[%mul3A_113] : memref<327680xi32, #tpu.memory_space<hbm>> -> memref<128xi32, #tpu.memory_space<hbm>>
    %dma_start3A_118 = arith.constant 0 : i32
    %dma_start3A_119 = tpu.memref_slice %arg11[%dma_start3A, %dma_start3A_118] : memref<4x128xi32, #tpu.memory_space<vmem>> -> memref<1x128xi32, #tpu.memory_space<vmem>>
    %dma_start3A_120 = tpu.memref_squeeze %dma_start3A_119 : memref<1x128xi32, #tpu.memory_space<vmem>> -> memref<128xi32, #tpu.memory_space<vmem>>
    %dma_start3A_121 = tpu.memref_slice %arg5[%mul3A_113] : memref<327680xi32, #tpu.memory_space<hbm>> -> memref<128xi32, #tpu.memory_space<hbm>>
    tpu.enqueue_dma source(%dma_start3A_121 : memref<128xi32, #tpu.memory_space<hbm>>) target(%dma_start3A_120 : memref<128xi32, #tpu.memory_space<vmem>>) target_semaphore(%arg26 : memref<!tpu.dma_semaphore, #tpu.memory_space<semaphore_mem>>)
    %dma_start3A_122 = arith.constant 1 : i32
    %dma_start3A_123 = arith.constant 0 : i32
    %dma_start3A_124 = tpu.memref_slice %arg11[%dma_start3A_122, %dma_start3A_123] : memref<4x128xi32, #tpu.memory_space<vmem>> -> memref<1x128xi32, #tpu.memory_space<vmem>>
    %dma_start3A_125 = tpu.memref_squeeze %dma_start3A_124 : memref<1x128xi32, #tpu.memory_space<vmem>> -> memref<128xi32, #tpu.memory_space<vmem>>
    %dma_start3A_126 = tpu.memref_slice %arg6[%mul3A_113] : memref<327680xi32, #tpu.memory_space<hbm>> -> memref<128xi32, #tpu.memory_space<hbm>>
    %dma_start3A_127 = arith.constant 0 : i32
    %dma_start3A_128 = tpu.memref_slice %arg11[%dma_start3A_122, %dma_start3A_127] : memref<4x128xi32, #tpu.memory_space<vmem>> -> memref<1x128xi32, #tpu.memory_space<vmem>>
    %dma_start3A_129 = tpu.memref_squeeze %dma_start3A_128 : memref<1x128xi32, #tpu.memory_space<vmem>> -> memref<128xi32, #tpu.memory_space<vmem>>
    %dma_start3A_130 = tpu.memref_slice %arg6[%mul3A_113] : memref<327680xi32, #tpu.memory_space<hbm>> -> memref<128xi32, #tpu.memory_space<hbm>>
    tpu.enqueue_dma source(%dma_start3A_130 : memref<128xi32, #tpu.memory_space<hbm>>) target(%dma_start3A_129 : memref<128xi32, #tpu.memory_space<vmem>>) target_semaphore(%arg26 : memref<!tpu.dma_semaphore, #tpu.memory_space<semaphore_mem>>)
    %dma_wait3A = arith.constant 0 : i32
    %dma_wait3A_131 = arith.constant 0 : i32
    %dma_wait3A_132 = tpu.memref_slice %arg11[%dma_wait3A, %dma_wait3A_131] : memref<4x128xi32, #tpu.memory_space<vmem>> -> memref<1x128xi32, #tpu.memory_space<vmem>>
    %dma_wait3A_133 = tpu.memref_squeeze %dma_wait3A_132 : memref<1x128xi32, #tpu.memory_space<vmem>> -> memref<128xi32, #tpu.memory_space<vmem>>
    %dma_wait3A_134 = arith.constant 0 : i32
    %dma_wait3A_135 = tpu.memref_slice %arg5[%dma_wait3A_134] : memref<327680xi32, #tpu.memory_space<hbm>> -> memref<128xi32, #tpu.memory_space<hbm>>
    %dma_wait3A_136 = arith.constant 0 : i32
    %dma_wait3A_137 = tpu.memref_slice %arg11[%dma_wait3A, %dma_wait3A_136] : memref<4x128xi32, #tpu.memory_space<vmem>> -> memref<1x128xi32, #tpu.memory_space<vmem>>
    %dma_wait3A_138 = tpu.memref_squeeze %dma_wait3A_137 : memref<1x128xi32, #tpu.memory_space<vmem>> -> memref<128xi32, #tpu.memory_space<vmem>>
    %dma_wait3A_139 = arith.constant 0 : i32
    %dma_wait3A_140 = tpu.memref_slice %arg5[%dma_wait3A_139] : memref<327680xi32, #tpu.memory_space<hbm>> -> memref<128xi32, #tpu.memory_space<hbm>>
    tpu.wait_dma2 semaphore(%arg26 : memref<!tpu.dma_semaphore, #tpu.memory_space<semaphore_mem>>) src(%dma_wait3A_140 : memref<128xi32, #tpu.memory_space<hbm>>) dst(%dma_wait3A_138 : memref<128xi32, #tpu.memory_space<vmem>>)
    %dma_wait3A_141 = arith.constant 0 : i32
    %dma_wait3A_142 = arith.constant 0 : i32
    %dma_wait3A_143 = tpu.memref_slice %arg11[%dma_wait3A_141, %dma_wait3A_142] : memref<4x128xi32, #tpu.memory_space<vmem>> -> memref<1x128xi32, #tpu.memory_space<vmem>>
    %dma_wait3A_144 = tpu.memref_squeeze %dma_wait3A_143 : memref<1x128xi32, #tpu.memory_space<vmem>> -> memref<128xi32, #tpu.memory_space<vmem>>
    %dma_wait3A_145 = arith.constant 0 : i32
    %dma_wait3A_146 = tpu.memref_slice %arg5[%dma_wait3A_145] : memref<327680xi32, #tpu.memory_space<hbm>> -> memref<128xi32, #tpu.memory_space<hbm>>
    %dma_wait3A_147 = arith.constant 0 : i32
    %dma_wait3A_148 = tpu.memref_slice %arg11[%dma_wait3A_141, %dma_wait3A_147] : memref<4x128xi32, #tpu.memory_space<vmem>> -> memref<1x128xi32, #tpu.memory_space<vmem>>
    %dma_wait3A_149 = tpu.memref_squeeze %dma_wait3A_148 : memref<1x128xi32, #tpu.memory_space<vmem>> -> memref<128xi32, #tpu.memory_space<vmem>>
    %dma_wait3A_150 = arith.constant 0 : i32
    %dma_wait3A_151 = tpu.memref_slice %arg5[%dma_wait3A_150] : memref<327680xi32, #tpu.memory_space<hbm>> -> memref<128xi32, #tpu.memory_space<hbm>>
    tpu.wait_dma2 semaphore(%arg26 : memref<!tpu.dma_semaphore, #tpu.memory_space<semaphore_mem>>) src(%dma_wait3A_151 : memref<128xi32, #tpu.memory_space<hbm>>) dst(%dma_wait3A_149 : memref<128xi32, #tpu.memory_space<vmem>>)
    %get3A_152 = arith.constant 0 : i32
    %get3A_153 = arith.index_cast %get3A_152 : i32 to index
    %get3A_154 = arith.constant 0 : index
    %get3A_155 = tpu.vector_load %arg11[%get3A_153, %get3A_154] {strides = array<i32>} : memref<4x128xi32, #tpu.memory_space<vmem>>, vector<1x16xi32>,
    %get3A_156 = vector.shape_cast %get3A_155 : vector<1x16xi32> to vector<16xi32>
    %add3A_157 = vector.broadcast %mul3A_93 : i32 to vector<16xi32>
    %add3A_158 = arith.addi %get3A_156, %add3A_157 : vector<16xi32>
    %swap3A = arith.constant 0 : i32
    %swap3A_159 = arith.index_cast %swap3A : i32 to index
    %swap3A_160 = arith.constant 0 : index
    %swap3A_161 = tpu.vector_load %arg11[%swap3A_159, %swap3A_160] {strides = array<i32>} : memref<4x128xi32, #tpu.memory_space<vmem>>, vector<1x16xi32>,
    %swap3A_162 = vector.shape_cast %swap3A_161 : vector<1x16xi32> to vector<16xi32>
    %swap3A_163 = vector.shape_cast %add3A_158 : vector<16xi32> to vector<1x16xi32>
    tpu.vector_store %arg11[%swap3A_159, %swap3A_160], %swap3A_163 {strides = array<i32>} : memref<4x128xi32, #tpu.memory_space<vmem>>, vector<1x16xi32>,
    %get3A_164 = arith.constant 0 : i32
    %get3A_165 = arith.index_cast %get3A_164 : i32 to index
    %get3A_166 = arith.constant 16 : index
    %get3A_167 = tpu.vector_load %arg11[%get3A_165, %get3A_166] {strides = array<i32>} : memref<4x128xi32, #tpu.memory_space<vmem>>, vector<1x16xi32>,
    %get3A_168 = vector.shape_cast %get3A_167 : vector<1x16xi32> to vector<16xi32>
    %add3A_169 = vector.broadcast %mul3A_93 : i32 to vector<16xi32>
    %add3A_170 = arith.addi %get3A_168, %add3A_169 : vector<16xi32>
    %swap3A_171 = arith.constant 0 : i32
    %swap3A_172 = arith.index_cast %swap3A_171 : i32 to index
    %swap3A_173 = arith.constant 16 : index
    %swap3A_174 = tpu.vector_load %arg11[%swap3A_172, %swap3A_173] {strides = array<i32>} : memref<4x128xi32, #tpu.memory_space<vmem>>, vector<1x16xi32>,
    %swap3A_175 = vector.shape_cast %swap3A_174 : vector<1x16xi32> to vector<16xi32>
    %swap3A_176 = vector.shape_cast %add3A_170 : vector<16xi32> to vector<1x16xi32>
    tpu.vector_store %arg11[%swap3A_172, %swap3A_173], %swap3A_176 {strides = array<i32>} : memref<4x128xi32, #tpu.memory_space<vmem>>, vector<1x16xi32>,
    %get3A_177 = arith.constant 0 : i32
    %get3A_178 = arith.index_cast %get3A_177 : i32 to index
    %get3A_179 = arith.constant 32 : index
    %get3A_180 = tpu.vector_load %arg11[%get3A_178, %get3A_179] {strides = array<i32>} : memref<4x128xi32, #tpu.memory_space<vmem>>, vector<1x16xi32>,
    %get3A_181 = vector.shape_cast %get3A_180 : vector<1x16xi32> to vector<16xi32>
    %add3A_182 = vector.broadcast %mul3A_93 : i32 to vector<16xi32>
    %add3A_183 = arith.addi %get3A_181, %add3A_182 : vector<16xi32>
    %swap3A_184 = arith.constant 0 : i32
    %swap3A_185 = arith.index_cast %swap3A_184 : i32 to index
    %swap3A_186 = arith.constant 32 : index
    %swap3A_187 = tpu.vector_load %arg11[%swap3A_185, %swap3A_186] {strides = array<i32>} : memref<4x128xi32, #tpu.memory_space<vmem>>, vector<1x16xi32>,
    %swap3A_188 = vector.shape_cast %swap3A_187 : vector<1x16xi32> to vector<16xi32>
    %swap3A_189 = vector.shape_cast %add3A_183 : vector<16xi32> to vector<1x16xi32>
    tpu.vector_store %arg11[%swap3A_185, %swap3A_186], %swap3A_189 {strides = array<i32>} : memref<4x128xi32, #tpu.memory_space<vmem>>, vector<1x16xi32>,
    %get3A_190 = arith.constant 0 : i32
    %get3A_191 = arith.index_cast %get3A_190 : i32 to index
    %get3A_192 = arith.constant 48 : index
    %get3A_193 = tpu.vector_load %arg11[%get3A_191, %get3A_192] {strides = array<i32>} : memref<4x128xi32, #tpu.memory_space<vmem>>, vector<1x16xi32>,
    %get3A_194 = vector.shape_cast %get3A_193 : vector<1x16xi32> to vector<16xi32>
    %add3A_195 = vector.broadcast %mul3A_93 : i32 to vector<16xi32>
    %add3A_196 = arith.addi %get3A_194, %add3A_195 : vector<16xi32>
    %swap3A_197 = arith.constant 0 : i32
    %swap3A_198 = arith.index_cast %swap3A_197 : i32 to index
    %swap3A_199 = arith.constant 48 : index
    %swap3A_200 = tpu.vector_load %arg11[%swap3A_198, %swap3A_199] {strides = array<i32>} : memref<4x128xi32, #tpu.memory_space<vmem>>, vector<1x16xi32>,
    %swap3A_201 = vector.shape_cast %swap3A_200 : vector<1x16xi32> to vector<16xi32>
    %swap3A_202 = vector.shape_cast %add3A_196 : vector<16xi32> to vector<1x16xi32>
    tpu.vector_store %arg11[%swap3A_198, %swap3A_199], %swap3A_202 {strides = array<i32>} : memref<4x128xi32, #tpu.memory_space<vmem>>, vector<1x16xi32>,
    %get3A_203 = arith.constant 0 : i32
    %get3A_204 = arith.index_cast %get3A_203 : i32 to index
    %get3A_205 = arith.constant 64 : index
    %get3A_206 = tpu.vector_load %arg11[%get3A_204, %get3A_205] {strides = array<i32>} : memref<4x128xi32, #tpu.memory_space<vmem>>, vector<1x16xi32>,
    %get3A_207 = vector.shape_cast %get3A_206 : vector<1x16xi32> to vector<16xi32>
    %add3A_208 = vector.broadcast %mul3A_93 : i32 to vector<16xi32>
    %add3A_209 = arith.addi %get3A_207, %add3A_208 : vector<16xi32>
    %swap3A_210 = arith.constant 0 : i32
    %swap3A_211 = arith.index_cast %swap3A_210 : i32 to index
    %swap3A_212 = arith.constant 64 : index
    %swap3A_213 = tpu.vector_load %arg11[%swap3A_211, %swap3A_212] {strides = array<i32>} : memref<4x128xi32, #tpu.memory_space<vmem>>, vector<1x16xi32>,
    %swap3A_214 = vector.shape_cast %swap3A_213 : vector<1x16xi32> to vector<16xi32>
    %swap3A_215 = vector.shape_cast %add3A_209 : vector<16xi32> to vector<1x16xi32>
    tpu.vector_store %arg11[%swap3A_211, %swap3A_212], %swap3A_215 {strides = array<i32>} : memref<4x128xi32, #tpu.memory_space<vmem>>, vector<1x16xi32>,
    %get3A_216 = arith.constant 0 : i32
    %get3A_217 = arith.index_cast %get3A_216 : i32 to index
    %get3A_218 = arith.constant 80 : index
    %get3A_219 = tpu.vector_load %arg11[%get3A_217, %get3A_218] {strides = array<i32>} : memref<4x128xi32, #tpu.memory_space<vmem>>, vector<1x16xi32>,
    %get3A_220 = vector.shape_cast %get3A_219 : vector<1x16xi32> to vector<16xi32>
    %add3A_221 = vector.broadcast %mul3A_93 : i32 to vector<16xi32>
    %add3A_222 = arith.addi %get3A_220, %add3A_221 : vector<16xi32>
    %swap3A_223 = arith.constant 0 : i32
    %swap3A_224 = arith.index_cast %swap3A_223 : i32 to index
    %swap3A_225 = arith.constant 80 : index
    %swap3A_226 = tpu.vector_load %arg11[%swap3A_224, %swap3A_225] {strides = array<i32>} : memref<4x128xi32, #tpu.memory_space<vmem>>, vector<1x16xi32>,
    %swap3A_227 = vector.shape_cast %swap3A_226 : vector<1x16xi32> to vector<16xi32>
    %swap3A_228 = vector.shape_cast %add3A_222 : vector<16xi32> to vector<1x16xi32>
    tpu.vector_store %arg11[%swap3A_224, %swap3A_225], %swap3A_228 {strides = array<i32>} : memref<4x128xi32, #tpu.memory_space<vmem>>, vector<1x16xi32>,
    %get3A_229 = arith.constant 0 : i32
    %get3A_230 = arith.index_cast %get3A_229 : i32 to index
    %get3A_231 = arith.constant 96 : index
    %get3A_232 = tpu.vector_load %arg11[%get3A_230, %get3A_231] {strides = array<i32>} : memref<4x128xi32, #tpu.memory_space<vmem>>, vector<1x16xi32>,
    %get3A_233 = vector.shape_cast %get3A_232 : vector<1x16xi32> to vector<16xi32>
    %add3A_234 = vector.broadcast %mul3A_93 : i32 to vector<16xi32>
    %add3A_235 = arith.addi %get3A_233, %add3A_234 : vector<16xi32>
    %swap3A_236 = arith.constant 0 : i32
    %swap3A_237 = arith.index_cast %swap3A_236 : i32 to index
    %swap3A_238 = arith.constant 96 : index
    %swap3A_239 = tpu.vector_load %arg11[%swap3A_237, %swap3A_238] {strides = array<i32>} : memref<4x128xi32, #tpu.memory_space<vmem>>, vector<1x16xi32>,
    %swap3A_240 = vector.shape_cast %swap3A_239 : vector<1x16xi32> to vector<16xi32>
    %swap3A_241 = vector.shape_cast %add3A_235 : vector<16xi32> to vector<1x16xi32>
    tpu.vector_store %arg11[%swap3A_237, %swap3A_238], %swap3A_241 {strides = array<i32>} : memref<4x128xi32, #tpu.memory_space<vmem>>, vector<1x16xi32>,
    %get3A_242 = arith.constant 0 : i32
    %get3A_243 = arith.index_cast %get3A_242 : i32 to index
    %get3A_244 = arith.constant 112 : index
    %get3A_245 = tpu.vector_load %arg11[%get3A_243, %get3A_244] {strides = array<i32>} : memref<4x128xi32, #tpu.memory_space<vmem>>, vector<1x16xi32>,
    %get3A_246 = vector.shape_cast %get3A_245 : vector<1x16xi32> to vector<16xi32>
    %add3A_247 = vector.broadcast %mul3A_93 : i32 to vector<16xi32>
    %add3A_248 = arith.addi %get3A_246, %add3A_247 : vector<16xi32>
    %swap3A_249 = arith.constant 0 : i32
    %swap3A_250 = arith.index_cast %swap3A_249 : i32 to index
    %swap3A_251 = arith.constant 112 : index
    %swap3A_252 = tpu.vector_load %arg11[%swap3A_250, %swap3A_251] {strides = array<i32>} : memref<4x128xi32, #tpu.memory_space<vmem>>, vector<1x16xi32>,
    %swap3A_253 = vector.shape_cast %swap3A_252 : vector<1x16xi32> to vector<16xi32>
    %swap3A_254 = vector.shape_cast %add3A_248 : vector<16xi32> to vector<1x16xi32>
    tpu.vector_store %arg11[%swap3A_250, %swap3A_251], %swap3A_254 {strides = array<i32>} : memref<4x128xi32, #tpu.memory_space<vmem>>, vector<1x16xi32>,
    %dma_start3A_255 = arith.constant 0 : i32
    %dma_start3A_256 = arith.constant 0 : i32
    %dma_start3A_257 = tpu.memref_slice %arg11[%dma_start3A_255, %dma_start3A_256] : memref<4x128xi32, #tpu.memory_space<vmem>> -> memref<1x128xi32, #tpu.memory_space<vmem>>
    %dma_start3A_258 = tpu.memref_squeeze %dma_start3A_257 : memref<1x128xi32, #tpu.memory_space<vmem>> -> memref<128xi32, #tpu.memory_space<vmem>>
    %dma_start3A_259 = arith.constant 0 : i32
    %dma_start3A_260 = arith.constant 0 : i32
    %dma_start3A_261 = tpu.memref_slice %arg2[%dma_start3A_259, %dma_start3A_260] : memref<20000x128xf32, #tpu.memory_space<hbm>> -> memref<20000x128xf32, #tpu.memory_space<hbm>>
    tpu.enqueue_indirect_dma source(%dma_start3A_261 : memref<20000x128xf32, #tpu.memory_space<hbm>>) target(%arg12 : memref<128x128xf32, #tpu.memory_space<vmem>>) offsets(%dma_start3A_258 : memref<128xi32, #tpu.memory_space<vmem>>) semaphore(%arg22 : memref<!tpu.dma_semaphore, #tpu.memory_space<semaphore_mem>>)
    %add3A_262 = arith.constant 0 : i32
    %add3A_263 = arith.addi %mul3A_97, %add3A_262 : i32
    %eq3A = arith.constant 0 : i32
    %eq3A_264 = arith.cmpi eq, %arg0, %eq3A : i32
    %convert_element_type3A = arith.extui %eq3A_264 : i1 to i32
    %cond3A = arith.constant 0 : i32
    %cond3A_265 = arith.cmpi ne, %convert_element_type3A, %cond3A : i32
    scf.if %cond3A_265 {
      %dma_start3A_514 = arith.constant 0 : i32
      %dma_start3A_515 = tpu.memref_slice %arg3[%add3A_263, %dma_start3A_514] : memref<163840x128xf32, #tpu.memory_space<hbm>> -> memref<64x128xf32, #tpu.memory_space<hbm>>
      %dma_start3A_516 = arith.constant 0 : i32
      %dma_start3A_517 = tpu.memref_slice %arg3[%add3A_263, %dma_start3A_516] : memref<163840x128xf32, #tpu.memory_space<hbm>> -> memref<64x128xf32, #tpu.memory_space<hbm>>
      tpu.enqueue_dma source(%dma_start3A_517 : memref<64x128xf32, #tpu.memory_space<hbm>>) target(%arg14 : memref<64x128xf32, #tpu.memory_space<vmem>>) target_semaphore(%arg24 : memref<!tpu.dma_semaphore, #tpu.memory_space<semaphore_mem>>)
    } else {
    }
    %eq3A_266 = arith.constant 1 : i32
    %eq3A_267 = arith.cmpi eq, %arg0, %eq3A_266 : i32
    %convert_element_type3A_268 = arith.extui %eq3A_267 : i1 to i32
    %cond3A_269 = arith.constant 0 : i32
    %cond3A_270 = arith.cmpi ne, %convert_element_type3A_268, %cond3A_269 : i32
    scf.if %cond3A_270 {
      %dma_start3A_514 = arith.constant 0 : i32
      %dma_start3A_515 = tpu.memref_slice %arg4[%add3A_263, %dma_start3A_514] : memref<163840x128xf32, #tpu.memory_space<hbm>> -> memref<64x128xf32, #tpu.memory_space<hbm>>
      %dma_start3A_516 = arith.constant 0 : i32
      %dma_start3A_517 = tpu.memref_slice %arg4[%add3A_263, %dma_start3A_516] : memref<163840x128xf32, #tpu.memory_space<hbm>> -> memref<64x128xf32, #tpu.memory_space<hbm>>
      tpu.enqueue_dma source(%dma_start3A_517 : memref<64x128xf32, #tpu.memory_space<hbm>>) target(%arg14 : memref<64x128xf32, #tpu.memory_space<vmem>>) target_semaphore(%arg24 : memref<!tpu.dma_semaphore, #tpu.memory_space<semaphore_mem>>)
    } else {
    }
    %mul3A_271 = arith.constant 160 : i32
    %mul3A_272 = arith.muli %arg1, %mul3A_271 : i32
    %add3A_273 = arith.constant 1 : i32
    %add3A_274 = arith.addi %mul3A_272, %add3A_273 : i32
    %mul3A_275 = arith.constant 128 : i32
    %mul3A_276 = arith.muli %add3A_274, %mul3A_275 : i32
    %dma_start3A_277 = arith.constant 2 : i32
    %dma_start3A_278 = arith.constant 0 : i32
    %dma_start3A_279 = tpu.memref_slice %arg11[%dma_start3A_277, %dma_start3A_278] : memref<4x128xi32, #tpu.memory_space<vmem>> -> memref<1x128xi32, #tpu.memory_space<vmem>>
    %dma_start3A_280 = tpu.memref_squeeze %dma_start3A_279 : memref<1x128xi32, #tpu.memory_space<vmem>> -> memref<128xi32, #tpu.memory_space<vmem>>
    %dma_start3A_281 = tpu.memref_slice %arg5[%mul3A_276] : memref<327680xi32, #tpu.memory_space<hbm>> -> memref<128xi32, #tpu.memory_space<hbm>>
    %dma_start3A_282 = arith.constant 0 : i32
    %dma_start3A_283 = tpu.memref_slice %arg11[%dma_start3A_277, %dma_start3A_282] : memref<4x128xi32, #tpu.memory_space<vmem>> -> memref<1x128xi32, #tpu.memory_space<vmem>>
    %dma_start3A_284 = tpu.memref_squeeze %dma_start3A_283 : memref<1x128xi32, #tpu.memory_space<vmem>> -> memref<128xi32, #tpu.memory_space<vmem>>
    %dma_start3A_285 = tpu.memref_slice %arg5[%mul3A_276] : memref<327680xi32, #tpu.memory_space<hbm>> -> memref<128xi32, #tpu.memory_space<hbm>>
    tpu.enqueue_dma source(%dma_start3A_285 : memref<128xi32, #tpu.memory_space<hbm>>) target(%dma_start3A_284 : memref<128xi32, #tpu.memory_space<vmem>>) target_semaphore(%arg27 : memref<!tpu.dma_semaphore, #tpu.memory_space<semaphore_mem>>)
    %dma_start3A_286 = arith.constant 3 : i32
    %dma_start3A_287 = arith.constant 0 : i32
    %dma_start3A_288 = tpu.memref_slice %arg11[%dma_start3A_286, %dma_start3A_287] : memref<4x128xi32, #tpu.memory_space<vmem>> -> memref<1x128xi32, #tpu.memory_space<vmem>>
    %dma_start3A_289 = tpu.memref_squeeze %dma_start3A_288 : memref<1x128xi32, #tpu.memory_space<vmem>> -> memref<128xi32, #tpu.memory_space<vmem>>
    %dma_start3A_290 = tpu.memref_slice %arg6[%mul3A_276] : memref<327680xi32, #tpu.memory_space<hbm>> -> memref<128xi32, #tpu.memory_space<hbm>>
    %dma_start3A_291 = arith.constant 0 : i32
    %dma_start3A_292 = tpu.memref_slice %arg11[%dma_start3A_286, %dma_start3A_291] : memref<4x128xi32, #tpu.memory_space<vmem>> -> memref<1x128xi32, #tpu.memory_space<vmem>>
    %dma_start3A_293 = tpu.memref_squeeze %dma_start3A_292 : memref<1x128xi32, #tpu.memory_space<vmem>> -> memref<128xi32, #tpu.memory_space<vmem>>
    %dma_start3A_294 = tpu.memref_slice %arg6[%mul3A_276] : memref<327680xi32, #tpu.memory_space<hbm>> -> memref<128xi32, #tpu.memory_space<hbm>>
    tpu.enqueue_dma source(%dma_start3A_294 : memref<128xi32, #tpu.memory_space<hbm>>) target(%dma_start3A_293 : memref<128xi32, #tpu.memory_space<vmem>>) target_semaphore(%arg27 : memref<!tpu.dma_semaphore, #tpu.memory_space<semaphore_mem>>)
    %scan3A_295 = arith.constant 0 : i32
    %scan3A_296 = arith.constant 80 : i32
    %scan3A_297 = arith.addi %scan3A_295, %scan3A_296 : i32
    %scan3A_298 = arith.constant 1 : i32
    scf.for %scan3A_514 = %scan3A_295 to %scan3A_297 step %scan3A_298  : i32 {
      %mul3A_515 = arith.constant 2 : i32
      %mul3A_516 = arith.muli %scan3A_514, %mul3A_515 : i32
      %add3A_517 = arith.constant 0 : i32
      %add3A_518 = arith.addi %add3A_517, %mul3A_516 : i32
      %add3A_519 = arith.constant 1 : i32
      %add3A_520 = arith.addi %add3A_518, %add3A_519 : i32
      %dma_wait3A_521 = arith.constant 0 : i32
      %dma_wait3A_522 = arith.constant 0 : i32
      %dma_wait3A_523 = tpu.memref_slice %arg11[%dma_wait3A_521, %dma_wait3A_522] : memref<4x128xi32, #tpu.memory_space<vmem>> -> memref<1x128xi32, #tpu.memory_space<vmem>>
      %dma_wait3A_524 = tpu.memref_squeeze %dma_wait3A_523 : memref<1x128xi32, #tpu.memory_space<vmem>> -> memref<128xi32, #tpu.memory_space<vmem>>
      %dma_wait3A_525 = arith.constant 0 : i32
      %dma_wait3A_526 = tpu.memref_slice %arg5[%dma_wait3A_525] : memref<327680xi32, #tpu.memory_space<hbm>> -> memref<128xi32, #tpu.memory_space<hbm>>
      %dma_wait3A_527 = arith.constant 0 : i32
      %dma_wait3A_528 = tpu.memref_slice %arg11[%dma_wait3A_521, %dma_wait3A_527] : memref<4x128xi32, #tpu.memory_space<vmem>> -> memref<1x128xi32, #tpu.memory_space<vmem>>
      %dma_wait3A_529 = tpu.memref_squeeze %dma_wait3A_528 : memref<1x128xi32, #tpu.memory_space<vmem>> -> memref<128xi32, #tpu.memory_space<vmem>>
      %dma_wait3A_530 = arith.constant 0 : i32
      %dma_wait3A_531 = tpu.memref_slice %arg5[%dma_wait3A_530] : memref<327680xi32, #tpu.memory_space<hbm>> -> memref<128xi32, #tpu.memory_space<hbm>>
      tpu.wait_dma2 semaphore(%arg27 : memref<!tpu.dma_semaphore, #tpu.memory_space<semaphore_mem>>) src(%dma_wait3A_531 : memref<128xi32, #tpu.memory_space<hbm>>) dst(%dma_wait3A_529 : memref<128xi32, #tpu.memory_space<vmem>>)
      %dma_wait3A_532 = arith.constant 0 : i32
      %dma_wait3A_533 = arith.constant 0 : i32
      %dma_wait3A_534 = tpu.memref_slice %arg11[%dma_wait3A_532, %dma_wait3A_533] : memref<4x128xi32, #tpu.memory_space<vmem>> -> memref<1x128xi32, #tpu.memory_space<vmem>>
      %dma_wait3A_535 = tpu.memref_squeeze %dma_wait3A_534 : memref<1x128xi32, #tpu.memory_space<vmem>> -> memref<128xi32, #tpu.memory_space<vmem>>
      %dma_wait3A_536 = arith.constant 0 : i32
      %dma_wait3A_537 = tpu.memref_slice %arg5[%dma_wait3A_536] : memref<327680xi32, #tpu.memory_space<hbm>> -> memref<128xi32, #tpu.memory_space<hbm>>
      %dma_wait3A_538 = arith.constant 0 : i32
      %dma_wait3A_539 = tpu.memref_slice %arg11[%dma_wait3A_532, %dma_wait3A_538] : memref<4x128xi32, #tpu.memory_space<vmem>> -> memref<1x128xi32, #tpu.memory_space<vmem>>
      %dma_wait3A_540 = tpu.memref_squeeze %dma_wait3A_539 : memref<1x128xi32, #tpu.memory_space<vmem>> -> memref<128xi32, #tpu.memory_space<vmem>>
      %dma_wait3A_541 = arith.constant 0 : i32
      %dma_wait3A_542 = tpu.memref_slice %arg5[%dma_wait3A_541] : memref<327680xi32, #tpu.memory_space<hbm>> -> memref<128xi32, #tpu.memory_space<hbm>>
      tpu.wait_dma2 semaphore(%arg27 : memref<!tpu.dma_semaphore, #tpu.memory_space<semaphore_mem>>) src(%dma_wait3A_542 : memref<128xi32, #tpu.memory_space<hbm>>) dst(%dma_wait3A_540 : memref<128xi32, #tpu.memory_space<vmem>>)
      %get3A_543 = arith.constant 2 : i32
      %get3A_544 = arith.index_cast %get3A_543 : i32 to index
      %get3A_545 = arith.constant 0 : index
      %get3A_546 = tpu.vector_load %arg11[%get3A_544, %get3A_545] {strides = array<i32>} : memref<4x128xi32, #tpu.memory_space<vmem>>, vector<1x16xi32>,
      %get3A_547 = vector.shape_cast %get3A_546 : vector<1x16xi32> to vector<16xi32>
      %add3A_548 = vector.broadcast %mul3A_93 : i32 to vector<16xi32>
      %add3A_549 = arith.addi %get3A_547, %add3A_548 : vector<16xi32>
      %swap3A_550 = arith.constant 2 : i32
      %swap3A_551 = arith.index_cast %swap3A_550 : i32 to index
      %swap3A_552 = arith.constant 0 : index
      %swap3A_553 = tpu.vector_load %arg11[%swap3A_551, %swap3A_552] {strides = array<i32>} : memref<4x128xi32, #tpu.memory_space<vmem>>, vector<1x16xi32>,
      %swap3A_554 = vector.shape_cast %swap3A_553 : vector<1x16xi32> to vector<16xi32>
      %swap3A_555 = vector.shape_cast %add3A_549 : vector<16xi32> to vector<1x16xi32>
      tpu.vector_store %arg11[%swap3A_551, %swap3A_552], %swap3A_555 {strides = array<i32>} : memref<4x128xi32, #tpu.memory_space<vmem>>, vector<1x16xi32>,
      %get3A_556 = arith.constant 2 : i32
      %get3A_557 = arith.index_cast %get3A_556 : i32 to index
      %get3A_558 = arith.constant 16 : index
      %get3A_559 = tpu.vector_load %arg11[%get3A_557, %get3A_558] {strides = array<i32>} : memref<4x128xi32, #tpu.memory_space<vmem>>, vector<1x16xi32>,
      %get3A_560 = vector.shape_cast %get3A_559 : vector<1x16xi32> to vector<16xi32>
      %add3A_561 = vector.broadcast %mul3A_93 : i32 to vector<16xi32>
      %add3A_562 = arith.addi %get3A_560, %add3A_561 : vector<16xi32>
      %swap3A_563 = arith.constant 2 : i32
      %swap3A_564 = arith.index_cast %swap3A_563 : i32 to index
      %swap3A_565 = arith.constant 16 : index
      %swap3A_566 = tpu.vector_load %arg11[%swap3A_564, %swap3A_565] {strides = array<i32>} : memref<4x128xi32, #tpu.memory_space<vmem>>, vector<1x16xi32>,
      %swap3A_567 = vector.shape_cast %swap3A_566 : vector<1x16xi32> to vector<16xi32>
      %swap3A_568 = vector.shape_cast %add3A_562 : vector<16xi32> to vector<1x16xi32>
      tpu.vector_store %arg11[%swap3A_564, %swap3A_565], %swap3A_568 {strides = array<i32>} : memref<4x128xi32, #tpu.memory_space<vmem>>, vector<1x16xi32>,
      %get3A_569 = arith.constant 2 : i32
      %get3A_570 = arith.index_cast %get3A_569 : i32 to index
      %get3A_571 = arith.constant 32 : index
      %get3A_572 = tpu.vector_load %arg11[%get3A_570, %get3A_571] {strides = array<i32>} : memref<4x128xi32, #tpu.memory_space<vmem>>, vector<1x16xi32>,
      %get3A_573 = vector.shape_cast %get3A_572 : vector<1x16xi32> to vector<16xi32>
      %add3A_574 = vector.broadcast %mul3A_93 : i32 to vector<16xi32>
      %add3A_575 = arith.addi %get3A_573, %add3A_574 : vector<16xi32>
      %swap3A_576 = arith.constant 2 : i32
      %swap3A_577 = arith.index_cast %swap3A_576 : i32 to index
      %swap3A_578 = arith.constant 32 : index
      %swap3A_579 = tpu.vector_load %arg11[%swap3A_577, %swap3A_578] {strides = array<i32>} : memref<4x128xi32, #tpu.memory_space<vmem>>, vector<1x16xi32>,
      %swap3A_580 = vector.shape_cast %swap3A_579 : vector<1x16xi32> to vector<16xi32>
      %swap3A_581 = vector.shape_cast %add3A_575 : vector<16xi32> to vector<1x16xi32>
      tpu.vector_store %arg11[%swap3A_577, %swap3A_578], %swap3A_581 {strides = array<i32>} : memref<4x128xi32, #tpu.memory_space<vmem>>, vector<1x16xi32>,
      %get3A_582 = arith.constant 2 : i32
      %get3A_583 = arith.index_cast %get3A_582 : i32 to index
      %get3A_584 = arith.constant 48 : index
      %get3A_585 = tpu.vector_load %arg11[%get3A_583, %get3A_584] {strides = array<i32>} : memref<4x128xi32, #tpu.memory_space<vmem>>, vector<1x16xi32>,
      %get3A_586 = vector.shape_cast %get3A_585 : vector<1x16xi32> to vector<16xi32>
      %add3A_587 = vector.broadcast %mul3A_93 : i32 to vector<16xi32>
      %add3A_588 = arith.addi %get3A_586, %add3A_587 : vector<16xi32>
      %swap3A_589 = arith.constant 2 : i32
      %swap3A_590 = arith.index_cast %swap3A_589 : i32 to index
      %swap3A_591 = arith.constant 48 : index
      %swap3A_592 = tpu.vector_load %arg11[%swap3A_590, %swap3A_591] {strides = array<i32>} : memref<4x128xi32, #tpu.memory_space<vmem>>, vector<1x16xi32>,
      %swap3A_593 = vector.shape_cast %swap3A_592 : vector<1x16xi32> to vector<16xi32>
      %swap3A_594 = vector.shape_cast %add3A_588 : vector<16xi32> to vector<1x16xi32>
      tpu.vector_store %arg11[%swap3A_590, %swap3A_591], %swap3A_594 {strides = array<i32>} : memref<4x128xi32, #tpu.memory_space<vmem>>, vector<1x16xi32>,
      %get3A_595 = arith.constant 2 : i32
      %get3A_596 = arith.index_cast %get3A_595 : i32 to index
      %get3A_597 = arith.constant 64 : index
      %get3A_598 = tpu.vector_load %arg11[%get3A_596, %get3A_597] {strides = array<i32>} : memref<4x128xi32, #tpu.memory_space<vmem>>, vector<1x16xi32>,
      %get3A_599 = vector.shape_cast %get3A_598 : vector<1x16xi32> to vector<16xi32>
      %add3A_600 = vector.broadcast %mul3A_93 : i32 to vector<16xi32>
      %add3A_601 = arith.addi %get3A_599, %add3A_600 : vector<16xi32>
      %swap3A_602 = arith.constant 2 : i32
      %swap3A_603 = arith.index_cast %swap3A_602 : i32 to index
      %swap3A_604 = arith.constant 64 : index
      %swap3A_605 = tpu.vector_load %arg11[%swap3A_603, %swap3A_604] {strides = array<i32>} : memref<4x128xi32, #tpu.memory_space<vmem>>, vector<1x16xi32>,
      %swap3A_606 = vector.shape_cast %swap3A_605 : vector<1x16xi32> to vector<16xi32>
      %swap3A_607 = vector.shape_cast %add3A_601 : vector<16xi32> to vector<1x16xi32>
      tpu.vector_store %arg11[%swap3A_603, %swap3A_604], %swap3A_607 {strides = array<i32>} : memref<4x128xi32, #tpu.memory_space<vmem>>, vector<1x16xi32>,
      %get3A_608 = arith.constant 2 : i32
      %get3A_609 = arith.index_cast %get3A_608 : i32 to index
      %get3A_610 = arith.constant 80 : index
      %get3A_611 = tpu.vector_load %arg11[%get3A_609, %get3A_610] {strides = array<i32>} : memref<4x128xi32, #tpu.memory_space<vmem>>, vector<1x16xi32>,
      %get3A_612 = vector.shape_cast %get3A_611 : vector<1x16xi32> to vector<16xi32>
      %add3A_613 = vector.broadcast %mul3A_93 : i32 to vector<16xi32>
      %add3A_614 = arith.addi %get3A_612, %add3A_613 : vector<16xi32>
      %swap3A_615 = arith.constant 2 : i32
      %swap3A_616 = arith.index_cast %swap3A_615 : i32 to index
      %swap3A_617 = arith.constant 80 : index
      %swap3A_618 = tpu.vector_load %arg11[%swap3A_616, %swap3A_617] {strides = array<i32>} : memref<4x128xi32, #tpu.memory_space<vmem>>, vector<1x16xi32>,
      %swap3A_619 = vector.shape_cast %swap3A_618 : vector<1x16xi32> to vector<16xi32>
      %swap3A_620 = vector.shape_cast %add3A_614 : vector<16xi32> to vector<1x16xi32>
      tpu.vector_store %arg11[%swap3A_616, %swap3A_617], %swap3A_620 {strides = array<i32>} : memref<4x128xi32, #tpu.memory_space<vmem>>, vector<1x16xi32>,
      %get3A_621 = arith.constant 2 : i32
      %get3A_622 = arith.index_cast %get3A_621 : i32 to index
      %get3A_623 = arith.constant 96 : index
      %get3A_624 = tpu.vector_load %arg11[%get3A_622, %get3A_623] {strides = array<i32>} : memref<4x128xi32, #tpu.memory_space<vmem>>, vector<1x16xi32>,
      %get3A_625 = vector.shape_cast %get3A_624 : vector<1x16xi32> to vector<16xi32>
      %add3A_626 = vector.broadcast %mul3A_93 : i32 to vector<16xi32>
      %add3A_627 = arith.addi %get3A_625, %add3A_626 : vector<16xi32>
      %swap3A_628 = arith.constant 2 : i32
      %swap3A_629 = arith.index_cast %swap3A_628 : i32 to index
      %swap3A_630 = arith.constant 96 : index
      %swap3A_631 = tpu.vector_load %arg11[%swap3A_629, %swap3A_630] {strides = array<i32>} : memref<4x128xi32, #tpu.memory_space<vmem>>, vector<1x16xi32>,
      %swap3A_632 = vector.shape_cast %swap3A_631 : vector<1x16xi32> to vector<16xi32>
      %swap3A_633 = vector.shape_cast %add3A_627 : vector<16xi32> to vector<1x16xi32>
      tpu.vector_store %arg11[%swap3A_629, %swap3A_630], %swap3A_633 {strides = array<i32>} : memref<4x128xi32, #tpu.memory_space<vmem>>, vector<1x16xi32>,
      %get3A_634 = arith.constant 2 : i32
      %get3A_635 = arith.index_cast %get3A_634 : i32 to index
      %get3A_636 = arith.constant 112 : index
      %get3A_637 = tpu.vector_load %arg11[%get3A_635, %get3A_636] {strides = array<i32>} : memref<4x128xi32, #tpu.memory_space<vmem>>, vector<1x16xi32>,
      %get3A_638 = vector.shape_cast %get3A_637 : vector<1x16xi32> to vector<16xi32>
      %add3A_639 = vector.broadcast %mul3A_93 : i32 to vector<16xi32>
      %add3A_640 = arith.addi %get3A_638, %add3A_639 : vector<16xi32>
      %swap3A_641 = arith.constant 2 : i32
      %swap3A_642 = arith.index_cast %swap3A_641 : i32 to index
      %swap3A_643 = arith.constant 112 : index
      %swap3A_644 = tpu.vector_load %arg11[%swap3A_642, %swap3A_643] {strides = array<i32>} : memref<4x128xi32, #tpu.memory_space<vmem>>, vector<1x16xi32>,
      %swap3A_645 = vector.shape_cast %swap3A_644 : vector<1x16xi32> to vector<16xi32>
      %swap3A_646 = vector.shape_cast %add3A_640 : vector<16xi32> to vector<1x16xi32>
      tpu.vector_store %arg11[%swap3A_642, %swap3A_643], %swap3A_646 {strides = array<i32>} : memref<4x128xi32, #tpu.memory_space<vmem>>, vector<1x16xi32>,
      %dma_start3A_647 = arith.constant 2 : i32
      %dma_start3A_648 = arith.constant 0 : i32
      %dma_start3A_649 = tpu.memref_slice %arg11[%dma_start3A_647, %dma_start3A_648] : memref<4x128xi32, #tpu.memory_space<vmem>> -> memref<1x128xi32, #tpu.memory_space<vmem>>
      %dma_start3A_650 = tpu.memref_squeeze %dma_start3A_649 : memref<1x128xi32, #tpu.memory_space<vmem>> -> memref<128xi32, #tpu.memory_space<vmem>>
      %dma_start3A_651 = arith.constant 0 : i32
      %dma_start3A_652 = arith.constant 0 : i32
      %dma_start3A_653 = tpu.memref_slice %arg2[%dma_start3A_651, %dma_start3A_652] : memref<20000x128xf32, #tpu.memory_space<hbm>> -> memref<20000x128xf32, #tpu.memory_space<hbm>>
      tpu.enqueue_indirect_dma source(%dma_start3A_653 : memref<20000x128xf32, #tpu.memory_space<hbm>>) target(%arg13 : memref<128x128xf32, #tpu.memory_space<vmem>>) offsets(%dma_start3A_650 : memref<128xi32, #tpu.memory_space<vmem>>) semaphore(%arg23 : memref<!tpu.dma_semaphore, #tpu.memory_space<semaphore_mem>>)
      %mul3A_654 = arith.constant 64 : i32
      %mul3A_655 = arith.muli %add3A_520, %mul3A_654 : i32
      %add3A_656 = arith.addi %mul3A_97, %mul3A_655 : i32
      %eq3A_657 = arith.constant 0 : i32
      %eq3A_658 = arith.cmpi eq, %arg0, %eq3A_657 : i32
      %convert_element_type3A_659 = arith.extui %eq3A_658 : i1 to i32
      %cond3A_660 = arith.constant 0 : i32
      %cond3A_661 = arith.cmpi ne, %convert_element_type3A_659, %cond3A_660 : i32
      scf.if %cond3A_661 {
        %dma_start3A_1097 = arith.constant 0 : i32
        %dma_start3A_1098 = tpu.memref_slice %arg3[%add3A_656, %dma_start3A_1097] : memref<163840x128xf32, #tpu.memory_space<hbm>> -> memref<64x128xf32, #tpu.memory_space<hbm>>
        %dma_start3A_1099 = arith.constant 0 : i32
        %dma_start3A_1100 = tpu.memref_slice %arg3[%add3A_656, %dma_start3A_1099] : memref<163840x128xf32, #tpu.memory_space<hbm>> -> memref<64x128xf32, #tpu.memory_space<hbm>>
        tpu.enqueue_dma source(%dma_start3A_1100 : memref<64x128xf32, #tpu.memory_space<hbm>>) target(%arg15 : memref<64x128xf32, #tpu.memory_space<vmem>>) target_semaphore(%arg25 : memref<!tpu.dma_semaphore, #tpu.memory_space<semaphore_mem>>)
      } else {
      }
      %eq3A_662 = arith.constant 1 : i32
      %eq3A_663 = arith.cmpi eq, %arg0, %eq3A_662 : i32
      %convert_element_type3A_664 = arith.extui %eq3A_663 : i1 to i32
      %cond3A_665 = arith.constant 0 : i32
      %cond3A_666 = arith.cmpi ne, %convert_element_type3A_664, %cond3A_665 : i32
      scf.if %cond3A_666 {
        %dma_start3A_1097 = arith.constant 0 : i32
        %dma_start3A_1098 = tpu.memref_slice %arg4[%add3A_656, %dma_start3A_1097] : memref<163840x128xf32, #tpu.memory_space<hbm>> -> memref<64x128xf32, #tpu.memory_space<hbm>>
        %dma_start3A_1099 = arith.constant 0 : i32
        %dma_start3A_1100 = tpu.memref_slice %arg4[%add3A_656, %dma_start3A_1099] : memref<163840x128xf32, #tpu.memory_space<hbm>> -> memref<64x128xf32, #tpu.memory_space<hbm>>
        tpu.enqueue_dma source(%dma_start3A_1100 : memref<64x128xf32, #tpu.memory_space<hbm>>) target(%arg15 : memref<64x128xf32, #tpu.memory_space<vmem>>) target_semaphore(%arg25 : memref<!tpu.dma_semaphore, #tpu.memory_space<semaphore_mem>>)
      } else {
      }
      %get3A_667 = arith.constant 1 : i32
      %get3A_668 = arith.index_cast %get3A_667 : i32 to index
      %get3A_669 = arith.constant 0 : index
      %get3A_670 = tpu.vector_load %arg11[%get3A_668, %get3A_669] {strides = array<i32>} : memref<4x128xi32, #tpu.memory_space<vmem>>, vector<1x16xi32>,
      %get3A_671 = vector.shape_cast %get3A_670 : vector<1x16xi32> to vector<16xi32>
      %sub3A_672 = arith.constant 0 : i32
      %sub3A_673 = vector.broadcast %sub3A_672 : i32 to vector<16xi32>
      %sub3A_674 = arith.subi %get3A_671, %sub3A_673 : vector<16xi32>
      %ge3A = arith.constant 0 : i32
      %ge3A_675 = vector.broadcast %ge3A : i32 to vector<16xi32>
      %ge3A_676 = arith.cmpi sge, %sub3A_674, %ge3A_675 : vector<16xi32>
      %lt3A = arith.constant 5000 : i32
      %lt3A_677 = vector.broadcast %lt3A : i32 to vector<16xi32>
      %lt3A_678 = arith.cmpi slt, %sub3A_674, %lt3A_677 : vector<16xi32>
      %and3A = arith.andi %ge3A_676, %lt3A_678 : vector<16xi1>
      %jit3A = arith.constant 5100 : i32
      %broadcast_in_dim3A = vector.broadcast %jit3A : i32 to vector<16xi32>
      %select_n3A = arith.select %and3A, %sub3A_674, %broadcast_in_dim3A : vector<16xi1>, vector<16xi32>
      %swap3A_679 = arith.constant 0 : i32
      %swap3A_680 = arith.index_cast %swap3A_679 : i32 to index
      %swap3A_681 = arith.constant 0 : index
      %swap3A_682 = tpu.vector_load %arg17[%swap3A_680, %swap3A_681] {strides = array<i32>} : memref<8x128xi32, #tpu.memory_space<vmem>>, vector<1x16xi32>,
      %swap3A_683 = vector.shape_cast %swap3A_682 : vector<1x16xi32> to vector<16xi32>
      %swap3A_684 = vector.shape_cast %select_n3A : vector<16xi32> to vector<1x16xi32>
      tpu.vector_store %arg17[%swap3A_680, %swap3A_681], %swap3A_684 {strides = array<i32>} : memref<8x128xi32, #tpu.memory_space<vmem>>, vector<1x16xi32>,
      %get3A_685 = arith.constant 1 : i32
      %get3A_686 = arith.index_cast %get3A_685 : i32 to index
      %get3A_687 = arith.constant 16 : index
      %get3A_688 = tpu.vector_load %arg11[%get3A_686, %get3A_687] {strides = array<i32>} : memref<4x128xi32, #tpu.memory_space<vmem>>, vector<1x16xi32>,
      %get3A_689 = vector.shape_cast %get3A_688 : vector<1x16xi32> to vector<16xi32>
      %sub3A_690 = arith.constant 0 : i32
      %sub3A_691 = vector.broadcast %sub3A_690 : i32 to vector<16xi32>
      %sub3A_692 = arith.subi %get3A_689, %sub3A_691 : vector<16xi32>
      %ge3A_693 = arith.constant 0 : i32
      %ge3A_694 = vector.broadcast %ge3A_693 : i32 to vector<16xi32>
      %ge3A_695 = arith.cmpi sge, %sub3A_692, %ge3A_694 : vector<16xi32>
      %lt3A_696 = arith.constant 5000 : i32
      %lt3A_697 = vector.broadcast %lt3A_696 : i32 to vector<16xi32>
      %lt3A_698 = arith.cmpi slt, %sub3A_692, %lt3A_697 : vector<16xi32>
      %and3A_699 = arith.andi %ge3A_695, %lt3A_698 : vector<16xi1>
      %jit3A_700 = arith.constant 5100 : i32
      %broadcast_in_dim3A_701 = vector.broadcast %jit3A_700 : i32 to vector<16xi32>
      %select_n3A_702 = arith.select %and3A_699, %sub3A_692, %broadcast_in_dim3A_701 : vector<16xi1>, vector<16xi32>
      %swap3A_703 = arith.constant 0 : i32
      %swap3A_704 = arith.index_cast %swap3A_703 : i32 to index
      %swap3A_705 = arith.constant 16 : index
      %swap3A_706 = tpu.vector_load %arg17[%swap3A_704, %swap3A_705] {strides = array<i32>} : memref<8x128xi32, #tpu.memory_space<vmem>>, vector<1x16xi32>,
      %swap3A_707 = vector.shape_cast %swap3A_706 : vector<1x16xi32> to vector<16xi32>
      %swap3A_708 = vector.shape_cast %select_n3A_702 : vector<16xi32> to vector<1x16xi32>
      tpu.vector_store %arg17[%swap3A_704, %swap3A_705], %swap3A_708 {strides = array<i32>} : memref<8x128xi32, #tpu.memory_space<vmem>>, vector<1x16xi32>,
      %get3A_709 = arith.constant 1 : i32
      %get3A_710 = arith.index_cast %get3A_709 : i32 to index
      %get3A_711 = arith.constant 32 : index
      %get3A_712 = tpu.vector_load %arg11[%get3A_710, %get3A_711] {strides = array<i32>} : memref<4x128xi32, #tpu.memory_space<vmem>>, vector<1x16xi32>,
      %get3A_713 = vector.shape_cast %get3A_712 : vector<1x16xi32> to vector<16xi32>
      %sub3A_714 = arith.constant 0 : i32
      %sub3A_715 = vector.broadcast %sub3A_714 : i32 to vector<16xi32>
      %sub3A_716 = arith.subi %get3A_713, %sub3A_715 : vector<16xi32>
      %ge3A_717 = arith.constant 0 : i32
      %ge3A_718 = vector.broadcast %ge3A_717 : i32 to vector<16xi32>
      %ge3A_719 = arith.cmpi sge, %sub3A_716, %ge3A_718 : vector<16xi32>
      %lt3A_720 = arith.constant 5000 : i32
      %lt3A_721 = vector.broadcast %lt3A_720 : i32 to vector<16xi32>
      %lt3A_722 = arith.cmpi slt, %sub3A_716, %lt3A_721 : vector<16xi32>
      %and3A_723 = arith.andi %ge3A_719, %lt3A_722 : vector<16xi1>
      %jit3A_724 = arith.constant 5100 : i32
      %broadcast_in_dim3A_725 = vector.broadcast %jit3A_724 : i32 to vector<16xi32>
      %select_n3A_726 = arith.select %and3A_723, %sub3A_716, %broadcast_in_dim3A_725 : vector<16xi1>, vector<16xi32>
      %swap3A_727 = arith.constant 0 : i32
      %swap3A_728 = arith.index_cast %swap3A_727 : i32 to index
      %swap3A_729 = arith.constant 32 : index
      %swap3A_730 = tpu.vector_load %arg17[%swap3A_728, %swap3A_729] {strides = array<i32>} : memref<8x128xi32, #tpu.memory_space<vmem>>, vector<1x16xi32>,
      %swap3A_731 = vector.shape_cast %swap3A_730 : vector<1x16xi32> to vector<16xi32>
      %swap3A_732 = vector.shape_cast %select_n3A_726 : vector<16xi32> to vector<1x16xi32>
      tpu.vector_store %arg17[%swap3A_728, %swap3A_729], %swap3A_732 {strides = array<i32>} : memref<8x128xi32, #tpu.memory_space<vmem>>, vector<1x16xi32>,
      %get3A_733 = arith.constant 1 : i32
      %get3A_734 = arith.index_cast %get3A_733 : i32 to index
      %get3A_735 = arith.constant 48 : index
      %get3A_736 = tpu.vector_load %arg11[%get3A_734, %get3A_735] {strides = array<i32>} : memref<4x128xi32, #tpu.memory_space<vmem>>, vector<1x16xi32>,
      %get3A_737 = vector.shape_cast %get3A_736 : vector<1x16xi32> to vector<16xi32>
      %sub3A_738 = arith.constant 0 : i32
      %sub3A_739 = vector.broadcast %sub3A_738 : i32 to vector<16xi32>
      %sub3A_740 = arith.subi %get3A_737, %sub3A_739 : vector<16xi32>
      %ge3A_741 = arith.constant 0 : i32
      %ge3A_742 = vector.broadcast %ge3A_741 : i32 to vector<16xi32>
      %ge3A_743 = arith.cmpi sge, %sub3A_740, %ge3A_742 : vector<16xi32>
      %lt3A_744 = arith.constant 5000 : i32
      %lt3A_745 = vector.broadcast %lt3A_744 : i32 to vector<16xi32>
      %lt3A_746 = arith.cmpi slt, %sub3A_740, %lt3A_745 : vector<16xi32>
      %and3A_747 = arith.andi %ge3A_743, %lt3A_746 : vector<16xi1>
      %jit3A_748 = arith.constant 5100 : i32
      %broadcast_in_dim3A_749 = vector.broadcast %jit3A_748 : i32 to vector<16xi32>
      %select_n3A_750 = arith.select %and3A_747, %sub3A_740, %broadcast_in_dim3A_749 : vector<16xi1>, vector<16xi32>
      %swap3A_751 = arith.constant 0 : i32
      %swap3A_752 = arith.index_cast %swap3A_751 : i32 to index
      %swap3A_753 = arith.constant 48 : index
      %swap3A_754 = tpu.vector_load %arg17[%swap3A_752, %swap3A_753] {strides = array<i32>} : memref<8x128xi32, #tpu.memory_space<vmem>>, vector<1x16xi32>,
      %swap3A_755 = vector.shape_cast %swap3A_754 : vector<1x16xi32> to vector<16xi32>
      %swap3A_756 = vector.shape_cast %select_n3A_750 : vector<16xi32> to vector<1x16xi32>
      tpu.vector_store %arg17[%swap3A_752, %swap3A_753], %swap3A_756 {strides = array<i32>} : memref<8x128xi32, #tpu.memory_space<vmem>>, vector<1x16xi32>,
      %get3A_757 = arith.constant 1 : i32
      %get3A_758 = arith.index_cast %get3A_757 : i32 to index
      %get3A_759 = arith.constant 64 : index
      %get3A_760 = tpu.vector_load %arg11[%get3A_758, %get3A_759] {strides = array<i32>} : memref<4x128xi32, #tpu.memory_space<vmem>>, vector<1x16xi32>,
      %get3A_761 = vector.shape_cast %get3A_760 : vector<1x16xi32> to vector<16xi32>
      %sub3A_762 = arith.constant 0 : i32
      %sub3A_763 = vector.broadcast %sub3A_762 : i32 to vector<16xi32>
      %sub3A_764 = arith.subi %get3A_761, %sub3A_763 : vector<16xi32>
      %ge3A_765 = arith.constant 0 : i32
      %ge3A_766 = vector.broadcast %ge3A_765 : i32 to vector<16xi32>
      %ge3A_767 = arith.cmpi sge, %sub3A_764, %ge3A_766 : vector<16xi32>
      %lt3A_768 = arith.constant 5000 : i32
      %lt3A_769 = vector.broadcast %lt3A_768 : i32 to vector<16xi32>
      %lt3A_770 = arith.cmpi slt, %sub3A_764, %lt3A_769 : vector<16xi32>
      %and3A_771 = arith.andi %ge3A_767, %lt3A_770 : vector<16xi1>
      %jit3A_772 = arith.constant 5100 : i32
      %broadcast_in_dim3A_773 = vector.broadcast %jit3A_772 : i32 to vector<16xi32>
      %select_n3A_774 = arith.select %and3A_771, %sub3A_764, %broadcast_in_dim3A_773 : vector<16xi1>, vector<16xi32>
      %swap3A_775 = arith.constant 0 : i32
      %swap3A_776 = arith.index_cast %swap3A_775 : i32 to index
      %swap3A_777 = arith.constant 64 : index
      %swap3A_778 = tpu.vector_load %arg17[%swap3A_776, %swap3A_777] {strides = array<i32>} : memref<8x128xi32, #tpu.memory_space<vmem>>, vector<1x16xi32>,
      %swap3A_779 = vector.shape_cast %swap3A_778 : vector<1x16xi32> to vector<16xi32>
      %swap3A_780 = vector.shape_cast %select_n3A_774 : vector<16xi32> to vector<1x16xi32>
      tpu.vector_store %arg17[%swap3A_776, %swap3A_777], %swap3A_780 {strides = array<i32>} : memref<8x128xi32, #tpu.memory_space<vmem>>, vector<1x16xi32>,
      %get3A_781 = arith.constant 1 : i32
      %get3A_782 = arith.index_cast %get3A_781 : i32 to index
      %get3A_783 = arith.constant 80 : index
      %get3A_784 = tpu.vector_load %arg11[%get3A_782, %get3A_783] {strides = array<i32>} : memref<4x128xi32, #tpu.memory_space<vmem>>, vector<1x16xi32>,
      %get3A_785 = vector.shape_cast %get3A_784 : vector<1x16xi32> to vector<16xi32>
      %sub3A_786 = arith.constant 0 : i32
      %sub3A_787 = vector.broadcast %sub3A_786 : i32 to vector<16xi32>
      %sub3A_788 = arith.subi %get3A_785, %sub3A_787 : vector<16xi32>
      %ge3A_789 = arith.constant 0 : i32
      %ge3A_790 = vector.broadcast %ge3A_789 : i32 to vector<16xi32>
      %ge3A_791 = arith.cmpi sge, %sub3A_788, %ge3A_790 : vector<16xi32>
      %lt3A_792 = arith.constant 5000 : i32
      %lt3A_793 = vector.broadcast %lt3A_792 : i32 to vector<16xi32>
      %lt3A_794 = arith.cmpi slt, %sub3A_788, %lt3A_793 : vector<16xi32>
      %and3A_795 = arith.andi %ge3A_791, %lt3A_794 : vector<16xi1>
      %jit3A_796 = arith.constant 5100 : i32
      %broadcast_in_dim3A_797 = vector.broadcast %jit3A_796 : i32 to vector<16xi32>
      %select_n3A_798 = arith.select %and3A_795, %sub3A_788, %broadcast_in_dim3A_797 : vector<16xi1>, vector<16xi32>
      %swap3A_799 = arith.constant 0 : i32
      %swap3A_800 = arith.index_cast %swap3A_799 : i32 to index
      %swap3A_801 = arith.constant 80 : index
      %swap3A_802 = tpu.vector_load %arg17[%swap3A_800, %swap3A_801] {strides = array<i32>} : memref<8x128xi32, #tpu.memory_space<vmem>>, vector<1x16xi32>,
      %swap3A_803 = vector.shape_cast %swap3A_802 : vector<1x16xi32> to vector<16xi32>
      %swap3A_804 = vector.shape_cast %select_n3A_798 : vector<16xi32> to vector<1x16xi32>
      tpu.vector_store %arg17[%swap3A_800, %swap3A_801], %swap3A_804 {strides = array<i32>} : memref<8x128xi32, #tpu.memory_space<vmem>>, vector<1x16xi32>,
      %get3A_805 = arith.constant 1 : i32
      %get3A_806 = arith.index_cast %get3A_805 : i32 to index
      %get3A_807 = arith.constant 96 : index
      %get3A_808 = tpu.vector_load %arg11[%get3A_806, %get3A_807] {strides = array<i32>} : memref<4x128xi32, #tpu.memory_space<vmem>>, vector<1x16xi32>,
      %get3A_809 = vector.shape_cast %get3A_808 : vector<1x16xi32> to vector<16xi32>
      %sub3A_810 = arith.constant 0 : i32
      %sub3A_811 = vector.broadcast %sub3A_810 : i32 to vector<16xi32>
      %sub3A_812 = arith.subi %get3A_809, %sub3A_811 : vector<16xi32>
      %ge3A_813 = arith.constant 0 : i32
      %ge3A_814 = vector.broadcast %ge3A_813 : i32 to vector<16xi32>
      %ge3A_815 = arith.cmpi sge, %sub3A_812, %ge3A_814 : vector<16xi32>
      %lt3A_816 = arith.constant 5000 : i32
      %lt3A_817 = vector.broadcast %lt3A_816 : i32 to vector<16xi32>
      %lt3A_818 = arith.cmpi slt, %sub3A_812, %lt3A_817 : vector<16xi32>
      %and3A_819 = arith.andi %ge3A_815, %lt3A_818 : vector<16xi1>
      %jit3A_820 = arith.constant 5100 : i32
      %broadcast_in_dim3A_821 = vector.broadcast %jit3A_820 : i32 to vector<16xi32>
      %select_n3A_822 = arith.select %and3A_819, %sub3A_812, %broadcast_in_dim3A_821 : vector<16xi1>, vector<16xi32>
      %swap3A_823 = arith.constant 0 : i32
      %swap3A_824 = arith.index_cast %swap3A_823 : i32 to index
      %swap3A_825 = arith.constant 96 : index
      %swap3A_826 = tpu.vector_load %arg17[%swap3A_824, %swap3A_825] {strides = array<i32>} : memref<8x128xi32, #tpu.memory_space<vmem>>, vector<1x16xi32>,
      %swap3A_827 = vector.shape_cast %swap3A_826 : vector<1x16xi32> to vector<16xi32>
      %swap3A_828 = vector.shape_cast %select_n3A_822 : vector<16xi32> to vector<1x16xi32>
      tpu.vector_store %arg17[%swap3A_824, %swap3A_825], %swap3A_828 {strides = array<i32>} : memref<8x128xi32, #tpu.memory_space<vmem>>, vector<1x16xi32>,
      %get3A_829 = arith.constant 1 : i32
      %get3A_830 = arith.index_cast %get3A_829 : i32 to index
      %get3A_831 = arith.constant 112 : index
      %get3A_832 = tpu.vector_load %arg11[%get3A_830, %get3A_831] {strides = array<i32>} : memref<4x128xi32, #tpu.memory_space<vmem>>, vector<1x16xi32>,
      %get3A_833 = vector.shape_cast %get3A_832 : vector<1x16xi32> to vector<16xi32>
      %sub3A_834 = arith.constant 0 : i32
      %sub3A_835 = vector.broadcast %sub3A_834 : i32 to vector<16xi32>
      %sub3A_836 = arith.subi %get3A_833, %sub3A_835 : vector<16xi32>
      %ge3A_837 = arith.constant 0 : i32
      %ge3A_838 = vector.broadcast %ge3A_837 : i32 to vector<16xi32>
      %ge3A_839 = arith.cmpi sge, %sub3A_836, %ge3A_838 : vector<16xi32>
      %lt3A_840 = arith.constant 5000 : i32
      %lt3A_841 = vector.broadcast %lt3A_840 : i32 to vector<16xi32>
      %lt3A_842 = arith.cmpi slt, %sub3A_836, %lt3A_841 : vector<16xi32>
      %and3A_843 = arith.andi %ge3A_839, %lt3A_842 : vector<16xi1>
      %jit3A_844 = arith.constant 5100 : i32
      %broadcast_in_dim3A_845 = vector.broadcast %jit3A_844 : i32 to vector<16xi32>
      %select_n3A_846 = arith.select %and3A_843, %sub3A_836, %broadcast_in_dim3A_845 : vector<16xi1>, vector<16xi32>
      %swap3A_847 = arith.constant 0 : i32
      %swap3A_848 = arith.index_cast %swap3A_847 : i32 to index
      %swap3A_849 = arith.constant 112 : index
      %swap3A_850 = tpu.vector_load %arg17[%swap3A_848, %swap3A_849] {strides = array<i32>} : memref<8x128xi32, #tpu.memory_space<vmem>>, vector<1x16xi32>,
      %swap3A_851 = vector.shape_cast %swap3A_850 : vector<1x16xi32> to vector<16xi32>
      %swap3A_852 = vector.shape_cast %select_n3A_846 : vector<16xi32> to vector<1x16xi32>
      tpu.vector_store %arg17[%swap3A_848, %swap3A_849], %swap3A_852 {strides = array<i32>} : memref<8x128xi32, #tpu.memory_space<vmem>>, vector<1x16xi32>,
      %dma_wait3A_853 = arith.constant 0 : i32
      %dma_wait3A_854 = arith.constant 0 : i32
      %dma_wait3A_855 = tpu.memref_slice %arg11[%dma_wait3A_853, %dma_wait3A_854] : memref<4x128xi32, #tpu.memory_space<vmem>> -> memref<1x128xi32, #tpu.memory_space<vmem>>
      %dma_wait3A_856 = tpu.memref_squeeze %dma_wait3A_855 : memref<1x128xi32, #tpu.memory_space<vmem>> -> memref<128xi32, #tpu.memory_space<vmem>>
      %dma_wait3A_857 = arith.constant 0 : i32
      %dma_wait3A_858 = arith.constant 0 : i32
      %dma_wait3A_859 = tpu.memref_slice %arg2[%dma_wait3A_857, %dma_wait3A_858] : memref<20000x128xf32, #tpu.memory_space<hbm>> -> memref<20000x128xf32, #tpu.memory_space<hbm>>
      tpu.wait_indirect_dma semaphore(%arg22 : memref<!tpu.dma_semaphore, #tpu.memory_space<semaphore_mem>>) src(%dma_wait3A_859 : memref<20000x128xf32, #tpu.memory_space<hbm>>) dst(%arg12 : memref<128x128xf32, #tpu.memory_space<vmem>>)
      %dma_wait3A_860 = arith.constant 0 : i32
      %dma_wait3A_861 = arith.constant 0 : i32
      %dma_wait3A_862 = tpu.memref_slice %arg3[%dma_wait3A_860, %dma_wait3A_861] : memref<163840x128xf32, #tpu.memory_space<hbm>> -> memref<64x128xf32, #tpu.memory_space<hbm>>
      %dma_wait3A_863 = arith.constant 0 : i32
      %dma_wait3A_864 = arith.constant 0 : i32
      %dma_wait3A_865 = tpu.memref_slice %arg3[%dma_wait3A_863, %dma_wait3A_864] : memref<163840x128xf32, #tpu.memory_space<hbm>> -> memref<64x128xf32, #tpu.memory_space<hbm>>
      tpu.wait_dma2 semaphore(%arg24 : memref<!tpu.dma_semaphore, #tpu.memory_space<semaphore_mem>>) src(%dma_wait3A_865 : memref<64x128xf32, #tpu.memory_space<hbm>>) dst(%arg14 : memref<64x128xf32, #tpu.memory_space<vmem>>)
      %scan3A_866 = arith.constant 0 : i32
      %scan3A_867 = arith.constant 64 : i32
      %scan3A_868 = arith.addi %scan3A_866, %scan3A_867 : i32
      %scan3A_869 = arith.constant 1 : i32
      scf.for %scan3A_1097 = %scan3A_866 to %scan3A_868 step %scan3A_869  : i32 {
        %mul3A_1098 = arith.constant 1 : i32
        %mul3A_1099 = arith.muli %scan3A_1097, %mul3A_1098 : i32
        %add3A_1100 = arith.constant 0 : i32
        %add3A_1101 = arith.addi %add3A_1100, %mul3A_1099 : i32
        %add3A_1102 = arith.constant 0 : i32
        %add3A_1103 = arith.addi %add3A_1102, %add3A_1101 : i32
        %get3A_1104 = arith.index_cast %add3A_1103 : i32 to index
        %get3A_1105 = arith.constant 0 : index
        %get3A_1106 = tpu.vector_load %arg12[%get3A_1104, %get3A_1105] {strides = array<i32>} : memref<128x128xf32, #tpu.memory_space<vmem>>, vector<1x16xf32>,
        %get3A_1107 = vector.shape_cast %get3A_1106 : vector<1x16xf32> to vector<16xf32>
        %get3A_1108 = arith.index_cast %add3A_1101 : i32 to index
        %get3A_1109 = arith.constant 0 : index
        %get3A_1110 = tpu.vector_load %arg14[%get3A_1108, %get3A_1109] {strides = array<i32>} : memref<64x128xf32, #tpu.memory_space<vmem>>, vector<1x16xf32>,
        %get3A_1111 = vector.shape_cast %get3A_1110 : vector<1x16xf32> to vector<16xf32>
        %add3A_1112 = arith.addf %get3A_1107, %get3A_1111 : vector<16xf32>
        %max3A_1113 = arith.constant 0.000000e+00 : f32
        %max3A_1114 = vector.broadcast %max3A_1113 : f32 to vector<16xf32>
        %max3A_1115 = arith.maximumf %add3A_1112, %max3A_1114 : vector<16xf32>
        %mul3A_1116 = arith.mulf %max3A_1115, %get3A_6 : vector<16xf32>
        %sub3A_1117 = arith.subf %mul3A_1116, %sub3A : vector<16xf32>
        %exp3A = math.exp %sub3A_1117 : vector<16xf32>
        %swap3A_1118 = arith.index_cast %add3A_1103 : i32 to index
        %swap3A_1119 = arith.constant 0 : index
        %swap3A_1120 = tpu.vector_load %arg16[%swap3A_1118, %swap3A_1119] {strides = array<i32>} : memref<128x128xf32, #tpu.memory_space<vmem>>, vector<1x16xf32>,
        %swap3A_1121 = vector.shape_cast %swap3A_1120 : vector<1x16xf32> to vector<16xf32>
        %swap3A_1122 = vector.shape_cast %exp3A : vector<16xf32> to vector<1x16xf32>
        tpu.vector_store %arg16[%swap3A_1118, %swap3A_1119], %swap3A_1122 {strides = array<i32>} : memref<128x128xf32, #tpu.memory_space<vmem>>, vector<1x16xf32>,
        %mul3A_1123 = arith.mulf %max3A_1115, %exp3A : vector<16xf32>
        %swap3A_1124 = arith.index_cast %add3A_1103 : i32 to index
        %swap3A_1125 = arith.constant 64 : index
        %swap3A_1126 = tpu.vector_load %arg16[%swap3A_1124, %swap3A_1125] {strides = array<i32>} : memref<128x128xf32, #tpu.memory_space<vmem>>, vector<1x16xf32>,
        %swap3A_1127 = vector.shape_cast %swap3A_1126 : vector<1x16xf32> to vector<16xf32>
        %swap3A_1128 = vector.shape_cast %mul3A_1123 : vector<16xf32> to vector<1x16xf32>
        tpu.vector_store %arg16[%swap3A_1124, %swap3A_1125], %swap3A_1128 {strides = array<i32>} : memref<128x128xf32, #tpu.memory_space<vmem>>, vector<1x16xf32>,
        %get3A_1129 = arith.index_cast %add3A_1103 : i32 to index
        %get3A_1130 = arith.constant 16 : index
        %get3A_1131 = tpu.vector_load %arg12[%get3A_1129, %get3A_1130] {strides = array<i32>} : memref<128x128xf32, #tpu.memory_space<vmem>>, vector<1x16xf32>,
        %get3A_1132 = vector.shape_cast %get3A_1131 : vector<1x16xf32> to vector<16xf32>
        %get3A_1133 = arith.index_cast %add3A_1101 : i32 to index
        %get3A_1134 = arith.constant 16 : index
        %get3A_1135 = tpu.vector_load %arg14[%get3A_1133, %get3A_1134] {strides = array<i32>} : memref<64x128xf32, #tpu.memory_space<vmem>>, vector<1x16xf32>,
        %get3A_1136 = vector.shape_cast %get3A_1135 : vector<1x16xf32> to vector<16xf32>
        %add3A_1137 = arith.addf %get3A_1132, %get3A_1136 : vector<16xf32>
        %max3A_1138 = arith.constant 0.000000e+00 : f32
        %max3A_1139 = vector.broadcast %max3A_1138 : f32 to vector<16xf32>
        %max3A_1140 = arith.maximumf %add3A_1137, %max3A_1139 : vector<16xf32>
        %mul3A_1141 = arith.mulf %max3A_1140, %get3A_6 : vector<16xf32>
        %sub3A_1142 = arith.subf %mul3A_1141, %sub3A_47 : vector<16xf32>
        %exp3A_1143 = math.exp %sub3A_1142 : vector<16xf32>
        %swap3A_1144 = arith.index_cast %add3A_1103 : i32 to index
        %swap3A_1145 = arith.constant 16 : index
        %swap3A_1146 = tpu.vector_load %arg16[%swap3A_1144, %swap3A_1145] {strides = array<i32>} : memref<128x128xf32, #tpu.memory_space<vmem>>, vector<1x16xf32>,
        %swap3A_1147 = vector.shape_cast %swap3A_1146 : vector<1x16xf32> to vector<16xf32>
        %swap3A_1148 = vector.shape_cast %exp3A_1143 : vector<16xf32> to vector<1x16xf32>
        tpu.vector_store %arg16[%swap3A_1144, %swap3A_1145], %swap3A_1148 {strides = array<i32>} : memref<128x128xf32, #tpu.memory_space<vmem>>, vector<1x16xf32>,
        %mul3A_1149 = arith.mulf %max3A_1140, %exp3A_1143 : vector<16xf32>
        %swap3A_1150 = arith.index_cast %add3A_1103 : i32 to index
        %swap3A_1151 = arith.constant 80 : index
        %swap3A_1152 = tpu.vector_load %arg16[%swap3A_1150, %swap3A_1151] {strides = array<i32>} : memref<128x128xf32, #tpu.memory_space<vmem>>, vector<1x16xf32>,
        %swap3A_1153 = vector.shape_cast %swap3A_1152 : vector<1x16xf32> to vector<16xf32>
        %swap3A_1154 = vector.shape_cast %mul3A_1149 : vector<16xf32> to vector<1x16xf32>
        tpu.vector_store %arg16[%swap3A_1150, %swap3A_1151], %swap3A_1154 {strides = array<i32>} : memref<128x128xf32, #tpu.memory_space<vmem>>, vector<1x16xf32>,
        %get3A_1155 = arith.index_cast %add3A_1103 : i32 to index
        %get3A_1156 = arith.constant 32 : index
        %get3A_1157 = tpu.vector_load %arg12[%get3A_1155, %get3A_1156] {strides = array<i32>} : memref<128x128xf32, #tpu.memory_space<vmem>>, vector<1x16xf32>,
        %get3A_1158 = vector.shape_cast %get3A_1157 : vector<1x16xf32> to vector<16xf32>
        %get3A_1159 = arith.index_cast %add3A_1101 : i32 to index
        %get3A_1160 = arith.constant 32 : index
        %get3A_1161 = tpu.vector_load %arg14[%get3A_1159, %get3A_1160] {strides = array<i32>} : memref<64x128xf32, #tpu.memory_space<vmem>>, vector<1x16xf32>,
        %get3A_1162 = vector.shape_cast %get3A_1161 : vector<1x16xf32> to vector<16xf32>
        %add3A_1163 = arith.addf %get3A_1158, %get3A_1162 : vector<16xf32>
        %max3A_1164 = arith.constant 0.000000e+00 : f32
        %max3A_1165 = vector.broadcast %max3A_1164 : f32 to vector<16xf32>
        %max3A_1166 = arith.maximumf %add3A_1163, %max3A_1165 : vector<16xf32>
        %mul3A_1167 = arith.mulf %max3A_1166, %get3A_6 : vector<16xf32>
        %sub3A_1168 = arith.subf %mul3A_1167, %sub3A_69 : vector<16xf32>
        %exp3A_1169 = math.exp %sub3A_1168 : vector<16xf32>
        %swap3A_1170 = arith.index_cast %add3A_1103 : i32 to index
        %swap3A_1171 = arith.constant 32 : index
        %swap3A_1172 = tpu.vector_load %arg16[%swap3A_1170, %swap3A_1171] {strides = array<i32>} : memref<128x128xf32, #tpu.memory_space<vmem>>, vector<1x16xf32>,
        %swap3A_1173 = vector.shape_cast %swap3A_1172 : vector<1x16xf32> to vector<16xf32>
        %swap3A_1174 = vector.shape_cast %exp3A_1169 : vector<16xf32> to vector<1x16xf32>
        tpu.vector_store %arg16[%swap3A_1170, %swap3A_1171], %swap3A_1174 {strides = array<i32>} : memref<128x128xf32, #tpu.memory_space<vmem>>, vector<1x16xf32>,
        %mul3A_1175 = arith.mulf %max3A_1166, %exp3A_1169 : vector<16xf32>
        %swap3A_1176 = arith.index_cast %add3A_1103 : i32 to index
        %swap3A_1177 = arith.constant 96 : index
        %swap3A_1178 = tpu.vector_load %arg16[%swap3A_1176, %swap3A_1177] {strides = array<i32>} : memref<128x128xf32, #tpu.memory_space<vmem>>, vector<1x16xf32>,
        %swap3A_1179 = vector.shape_cast %swap3A_1178 : vector<1x16xf32> to vector<16xf32>
        %swap3A_1180 = vector.shape_cast %mul3A_1175 : vector<16xf32> to vector<1x16xf32>
        tpu.vector_store %arg16[%swap3A_1176, %swap3A_1177], %swap3A_1180 {strides = array<i32>} : memref<128x128xf32, #tpu.memory_space<vmem>>, vector<1x16xf32>,
        %get3A_1181 = arith.index_cast %add3A_1103 : i32 to index
        %get3A_1182 = arith.constant 48 : index
        %get3A_1183 = tpu.vector_load %arg12[%get3A_1181, %get3A_1182] {strides = array<i32>} : memref<128x128xf32, #tpu.memory_space<vmem>>, vector<1x16xf32>,
        %get3A_1184 = vector.shape_cast %get3A_1183 : vector<1x16xf32> to vector<16xf32>
        %get3A_1185 = arith.index_cast %add3A_1101 : i32 to index
        %get3A_1186 = arith.constant 48 : index
        %get3A_1187 = tpu.vector_load %arg14[%get3A_1185, %get3A_1186] {strides = array<i32>} : memref<64x128xf32, #tpu.memory_space<vmem>>, vector<1x16xf32>,
        %get3A_1188 = vector.shape_cast %get3A_1187 : vector<1x16xf32> to vector<16xf32>
        %add3A_1189 = arith.addf %get3A_1184, %get3A_1188 : vector<16xf32>
        %max3A_1190 = arith.constant 0.000000e+00 : f32
        %max3A_1191 = vector.broadcast %max3A_1190 : f32 to vector<16xf32>
        %max3A_1192 = arith.maximumf %add3A_1189, %max3A_1191 : vector<16xf32>
        %mul3A_1193 = arith.mulf %max3A_1192, %get3A_6 : vector<16xf32>
        %sub3A_1194 = arith.subf %mul3A_1193, %sub3A_91 : vector<16xf32>
        %exp3A_1195 = math.exp %sub3A_1194 : vector<16xf32>
        %swap3A_1196 = arith.index_cast %add3A_1103 : i32 to index
        %swap3A_1197 = arith.constant 48 : index
        %swap3A_1198 = tpu.vector_load %arg16[%swap3A_1196, %swap3A_1197] {strides = array<i32>} : memref<128x128xf32, #tpu.memory_space<vmem>>, vector<1x16xf32>,
        %swap3A_1199 = vector.shape_cast %swap3A_1198 : vector<1x16xf32> to vector<16xf32>
        %swap3A_1200 = vector.shape_cast %exp3A_1195 : vector<16xf32> to vector<1x16xf32>
        tpu.vector_store %arg16[%swap3A_1196, %swap3A_1197], %swap3A_1200 {strides = array<i32>} : memref<128x128xf32, #tpu.memory_space<vmem>>, vector<1x16xf32>,
        %mul3A_1201 = arith.mulf %max3A_1192, %exp3A_1195 : vector<16xf32>
        %swap3A_1202 = arith.index_cast %add3A_1103 : i32 to index
        %swap3A_1203 = arith.constant 112 : index
        %swap3A_1204 = tpu.vector_load %arg16[%swap3A_1202, %swap3A_1203] {strides = array<i32>} : memref<128x128xf32, #tpu.memory_space<vmem>>, vector<1x16xf32>,
        %swap3A_1205 = vector.shape_cast %swap3A_1204 : vector<1x16xf32> to vector<16xf32>
        %swap3A_1206 = vector.shape_cast %mul3A_1201 : vector<16xf32> to vector<1x16xf32>
        tpu.vector_store %arg16[%swap3A_1202, %swap3A_1203], %swap3A_1206 {strides = array<i32>} : memref<128x128xf32, #tpu.memory_space<vmem>>, vector<1x16xf32>,
        %add3A_1207 = arith.constant 64 : i32
        %add3A_1208 = arith.addi %add3A_1207, %add3A_1101 : i32
        %get3A_1209 = arith.index_cast %add3A_1208 : i32 to index
        %get3A_1210 = arith.constant 0 : index
        %get3A_1211 = tpu.vector_load %arg12[%get3A_1209, %get3A_1210] {strides = array<i32>} : memref<128x128xf32, #tpu.memory_space<vmem>>, vector<1x16xf32>,
        %get3A_1212 = vector.shape_cast %get3A_1211 : vector<1x16xf32> to vector<16xf32>
        %get3A_1213 = arith.index_cast %add3A_1101 : i32 to index
        %get3A_1214 = arith.constant 64 : index
        %get3A_1215 = tpu.vector_load %arg14[%get3A_1213, %get3A_1214] {strides = array<i32>} : memref<64x128xf32, #tpu.memory_space<vmem>>, vector<1x16xf32>,
        %get3A_1216 = vector.shape_cast %get3A_1215 : vector<1x16xf32> to vector<16xf32>
        %add3A_1217 = arith.addf %get3A_1212, %get3A_1216 : vector<16xf32>
        %max3A_1218 = arith.constant 0.000000e+00 : f32
        %max3A_1219 = vector.broadcast %max3A_1218 : f32 to vector<16xf32>
        %max3A_1220 = arith.maximumf %add3A_1217, %max3A_1219 : vector<16xf32>
        %mul3A_1221 = arith.mulf %max3A_1220, %get3A_6 : vector<16xf32>
        %sub3A_1222 = arith.subf %mul3A_1221, %sub3A : vector<16xf32>
        %exp3A_1223 = math.exp %sub3A_1222 : vector<16xf32>
        %swap3A_1224 = arith.index_cast %add3A_1208 : i32 to index
        %swap3A_1225 = arith.constant 0 : index
        %swap3A_1226 = tpu.vector_load %arg16[%swap3A_1224, %swap3A_1225] {strides = array<i32>} : memref<128x128xf32, #tpu.memory_space<vmem>>, vector<1x16xf32>,
        %swap3A_1227 = vector.shape_cast %swap3A_1226 : vector<1x16xf32> to vector<16xf32>
        %swap3A_1228 = vector.shape_cast %exp3A_1223 : vector<16xf32> to vector<1x16xf32>
        tpu.vector_store %arg16[%swap3A_1224, %swap3A_1225], %swap3A_1228 {strides = array<i32>} : memref<128x128xf32, #tpu.memory_space<vmem>>, vector<1x16xf32>,
        %mul3A_1229 = arith.mulf %max3A_1220, %exp3A_1223 : vector<16xf32>
        %swap3A_1230 = arith.index_cast %add3A_1208 : i32 to index
        %swap3A_1231 = arith.constant 64 : index
        %swap3A_1232 = tpu.vector_load %arg16[%swap3A_1230, %swap3A_1231] {strides = array<i32>} : memref<128x128xf32, #tpu.memory_space<vmem>>, vector<1x16xf32>,
        %swap3A_1233 = vector.shape_cast %swap3A_1232 : vector<1x16xf32> to vector<16xf32>
        %swap3A_1234 = vector.shape_cast %mul3A_1229 : vector<16xf32> to vector<1x16xf32>
        tpu.vector_store %arg16[%swap3A_1230, %swap3A_1231], %swap3A_1234 {strides = array<i32>} : memref<128x128xf32, #tpu.memory_space<vmem>>, vector<1x16xf32>,
        %get3A_1235 = arith.index_cast %add3A_1208 : i32 to index
        %get3A_1236 = arith.constant 16 : index
        %get3A_1237 = tpu.vector_load %arg12[%get3A_1235, %get3A_1236] {strides = array<i32>} : memref<128x128xf32, #tpu.memory_space<vmem>>, vector<1x16xf32>,
        %get3A_1238 = vector.shape_cast %get3A_1237 : vector<1x16xf32> to vector<16xf32>
        %get3A_1239 = arith.index_cast %add3A_1101 : i32 to index
        %get3A_1240 = arith.constant 80 : index
        %get3A_1241 = tpu.vector_load %arg14[%get3A_1239, %get3A_1240] {strides = array<i32>} : memref<64x128xf32, #tpu.memory_space<vmem>>, vector<1x16xf32>,
        %get3A_1242 = vector.shape_cast %get3A_1241 : vector<1x16xf32> to vector<16xf32>
        %add3A_1243 = arith.addf %get3A_1238, %get3A_1242 : vector<16xf32>
        %max3A_1244 = arith.constant 0.000000e+00 : f32
        %max3A_1245 = vector.broadcast %max3A_1244 : f32 to vector<16xf32>
        %max3A_1246 = arith.maximumf %add3A_1243, %max3A_1245 : vector<16xf32>
        %mul3A_1247 = arith.mulf %max3A_1246, %get3A_6 : vector<16xf32>
        %sub3A_1248 = arith.subf %mul3A_1247, %sub3A_47 : vector<16xf32>
        %exp3A_1249 = math.exp %sub3A_1248 : vector<16xf32>
        %swap3A_1250 = arith.index_cast %add3A_1208 : i32 to index
        %swap3A_1251 = arith.constant 16 : index
        %swap3A_1252 = tpu.vector_load %arg16[%swap3A_1250, %swap3A_1251] {strides = array<i32>} : memref<128x128xf32, #tpu.memory_space<vmem>>, vector<1x16xf32>,
        %swap3A_1253 = vector.shape_cast %swap3A_1252 : vector<1x16xf32> to vector<16xf32>
        %swap3A_1254 = vector.shape_cast %exp3A_1249 : vector<16xf32> to vector<1x16xf32>
        tpu.vector_store %arg16[%swap3A_1250, %swap3A_1251], %swap3A_1254 {strides = array<i32>} : memref<128x128xf32, #tpu.memory_space<vmem>>, vector<1x16xf32>,
        %mul3A_1255 = arith.mulf %max3A_1246, %exp3A_1249 : vector<16xf32>
        %swap3A_1256 = arith.index_cast %add3A_1208 : i32 to index
        %swap3A_1257 = arith.constant 80 : index
        %swap3A_1258 = tpu.vector_load %arg16[%swap3A_1256, %swap3A_1257] {strides = array<i32>} : memref<128x128xf32, #tpu.memory_space<vmem>>, vector<1x16xf32>,
        %swap3A_1259 = vector.shape_cast %swap3A_1258 : vector<1x16xf32> to vector<16xf32>
        %swap3A_1260 = vector.shape_cast %mul3A_1255 : vector<16xf32> to vector<1x16xf32>
        tpu.vector_store %arg16[%swap3A_1256, %swap3A_1257], %swap3A_1260 {strides = array<i32>} : memref<128x128xf32, #tpu.memory_space<vmem>>, vector<1x16xf32>,
        %get3A_1261 = arith.index_cast %add3A_1208 : i32 to index
        %get3A_1262 = arith.constant 32 : index
        %get3A_1263 = tpu.vector_load %arg12[%get3A_1261, %get3A_1262] {strides = array<i32>} : memref<128x128xf32, #tpu.memory_space<vmem>>, vector<1x16xf32>,
        %get3A_1264 = vector.shape_cast %get3A_1263 : vector<1x16xf32> to vector<16xf32>
        %get3A_1265 = arith.index_cast %add3A_1101 : i32 to index
        %get3A_1266 = arith.constant 96 : index
        %get3A_1267 = tpu.vector_load %arg14[%get3A_1265, %get3A_1266] {strides = array<i32>} : memref<64x128xf32, #tpu.memory_space<vmem>>, vector<1x16xf32>,
        %get3A_1268 = vector.shape_cast %get3A_1267 : vector<1x16xf32> to vector<16xf32>
        %add3A_1269 = arith.addf %get3A_1264, %get3A_1268 : vector<16xf32>
        %max3A_1270 = arith.constant 0.000000e+00 : f32
        %max3A_1271 = vector.broadcast %max3A_1270 : f32 to vector<16xf32>
        %max3A_1272 = arith.maximumf %add3A_1269, %max3A_1271 : vector<16xf32>
        %mul3A_1273 = arith.mulf %max3A_1272, %get3A_6 : vector<16xf32>
        %sub3A_1274 = arith.subf %mul3A_1273, %sub3A_69 : vector<16xf32>
        %exp3A_1275 = math.exp %sub3A_1274 : vector<16xf32>
        %swap3A_1276 = arith.index_cast %add3A_1208 : i32 to index
        %swap3A_1277 = arith.constant 32 : index
        %swap3A_1278 = tpu.vector_load %arg16[%swap3A_1276, %swap3A_1277] {strides = array<i32>} : memref<128x128xf32, #tpu.memory_space<vmem>>, vector<1x16xf32>,
        %swap3A_1279 = vector.shape_cast %swap3A_1278 : vector<1x16xf32> to vector<16xf32>
        %swap3A_1280 = vector.shape_cast %exp3A_1275 : vector<16xf32> to vector<1x16xf32>
        tpu.vector_store %arg16[%swap3A_1276, %swap3A_1277], %swap3A_1280 {strides = array<i32>} : memref<128x128xf32, #tpu.memory_space<vmem>>, vector<1x16xf32>,
        %mul3A_1281 = arith.mulf %max3A_1272, %exp3A_1275 : vector<16xf32>
        %swap3A_1282 = arith.index_cast %add3A_1208 : i32 to index
        %swap3A_1283 = arith.constant 96 : index
        %swap3A_1284 = tpu.vector_load %arg16[%swap3A_1282, %swap3A_1283] {strides = array<i32>} : memref<128x128xf32, #tpu.memory_space<vmem>>, vector<1x16xf32>,
        %swap3A_1285 = vector.shape_cast %swap3A_1284 : vector<1x16xf32> to vector<16xf32>
        %swap3A_1286 = vector.shape_cast %mul3A_1281 : vector<16xf32> to vector<1x16xf32>
        tpu.vector_store %arg16[%swap3A_1282, %swap3A_1283], %swap3A_1286 {strides = array<i32>} : memref<128x128xf32, #tpu.memory_space<vmem>>, vector<1x16xf32>,
        %get3A_1287 = arith.index_cast %add3A_1208 : i32 to index
        %get3A_1288 = arith.constant 48 : index
        %get3A_1289 = tpu.vector_load %arg12[%get3A_1287, %get3A_1288] {strides = array<i32>} : memref<128x128xf32, #tpu.memory_space<vmem>>, vector<1x16xf32>,
        %get3A_1290 = vector.shape_cast %get3A_1289 : vector<1x16xf32> to vector<16xf32>
        %get3A_1291 = arith.index_cast %add3A_1101 : i32 to index
        %get3A_1292 = arith.constant 112 : index
        %get3A_1293 = tpu.vector_load %arg14[%get3A_1291, %get3A_1292] {strides = array<i32>} : memref<64x128xf32, #tpu.memory_space<vmem>>, vector<1x16xf32>,
        %get3A_1294 = vector.shape_cast %get3A_1293 : vector<1x16xf32> to vector<16xf32>
        %add3A_1295 = arith.addf %get3A_1290, %get3A_1294 : vector<16xf32>
        %max3A_1296 = arith.constant 0.000000e+00 : f32
        %max3A_1297 = vector.broadcast %max3A_1296 : f32 to vector<16xf32>
        %max3A_1298 = arith.maximumf %add3A_1295, %max3A_1297 : vector<16xf32>
        %mul3A_1299 = arith.mulf %max3A_1298, %get3A_6 : vector<16xf32>
        %sub3A_1300 = arith.subf %mul3A_1299, %sub3A_91 : vector<16xf32>
        %exp3A_1301 = math.exp %sub3A_1300 : vector<16xf32>
        %swap3A_1302 = arith.index_cast %add3A_1208 : i32 to index
        %swap3A_1303 = arith.constant 48 : index
        %swap3A_1304 = tpu.vector_load %arg16[%swap3A_1302, %swap3A_1303] {strides = array<i32>} : memref<128x128xf32, #tpu.memory_space<vmem>>, vector<1x16xf32>,
        %swap3A_1305 = vector.shape_cast %swap3A_1304 : vector<1x16xf32> to vector<16xf32>
        %swap3A_1306 = vector.shape_cast %exp3A_1301 : vector<16xf32> to vector<1x16xf32>
        tpu.vector_store %arg16[%swap3A_1302, %swap3A_1303], %swap3A_1306 {strides = array<i32>} : memref<128x128xf32, #tpu.memory_space<vmem>>, vector<1x16xf32>,
        %mul3A_1307 = arith.mulf %max3A_1298, %exp3A_1301 : vector<16xf32>
        %swap3A_1308 = arith.index_cast %add3A_1208 : i32 to index
        %swap3A_1309 = arith.constant 112 : index
        %swap3A_1310 = tpu.vector_load %arg16[%swap3A_1308, %swap3A_1309] {strides = array<i32>} : memref<128x128xf32, #tpu.memory_space<vmem>>, vector<1x16xf32>,
        %swap3A_1311 = vector.shape_cast %swap3A_1310 : vector<1x16xf32> to vector<16xf32>
        %swap3A_1312 = vector.shape_cast %mul3A_1307 : vector<16xf32> to vector<1x16xf32>
        tpu.vector_store %arg16[%swap3A_1308, %swap3A_1309], %swap3A_1312 {strides = array<i32>} : memref<128x128xf32, #tpu.memory_space<vmem>>, vector<1x16xf32>,
      }
      %scan3A_870 = arith.constant 64 : i32
      %run_scoped3A_871 = arith.constant 0 : i32
      "tpu.region"() ({
        %run_scoped3A_1097 = tpu.sem_alloc : memref<!tpu.dma_semaphore, #tpu.memory_space<semaphore_mem>>
        %dma_start3A_1098 = arith.constant 0 : i32
        %dma_start3A_1099 = tpu.memref_slice %arg17[%run_scoped3A_871, %dma_start3A_1098] : memref<8x128xi32, #tpu.memory_space<vmem>> -> memref<1x128xi32, #tpu.memory_space<vmem>>
        %dma_start3A_1100 = tpu.memref_squeeze %dma_start3A_1099 : memref<1x128xi32, #tpu.memory_space<vmem>> -> memref<128xi32, #tpu.memory_space<vmem>>
        %dma_start3A_1101 = arith.constant 0 : i32
        %dma_start3A_1102 = arith.constant 0 : i32
        %dma_start3A_1103 = tpu.memref_slice %arg21[%dma_start3A_1101, %dma_start3A_1102] : memref<5120x128xf32, #tpu.memory_space<vmem_shared>> -> memref<5120x128xf32, #tpu.memory_space<vmem_shared>>
        tpu.enqueue_indirect_dma source(%arg16 : memref<128x128xf32, #tpu.memory_space<vmem>>) target(%dma_start3A_1103 : memref<5120x128xf32, #tpu.memory_space<vmem_shared>>) offsets(%dma_start3A_1100 : memref<128xi32, #tpu.memory_space<vmem>>) semaphore(%run_scoped3A_1097 : memref<!tpu.dma_semaphore, #tpu.memory_space<semaphore_mem>>) {add = true}
        %dma_wait3A_1104 = arith.constant 0 : i32
        %dma_wait3A_1105 = tpu.memref_slice %arg17[%run_scoped3A_871, %dma_wait3A_1104] : memref<8x128xi32, #tpu.memory_space<vmem>> -> memref<1x128xi32, #tpu.memory_space<vmem>>
        %dma_wait3A_1106 = tpu.memref_squeeze %dma_wait3A_1105 : memref<1x128xi32, #tpu.memory_space<vmem>> -> memref<128xi32, #tpu.memory_space<vmem>>
        %dma_wait3A_1107 = arith.constant 0 : i32
        %dma_wait3A_1108 = arith.constant 0 : i32
        %dma_wait3A_1109 = tpu.memref_slice %arg21[%dma_wait3A_1107, %dma_wait3A_1108] : memref<5120x128xf32, #tpu.memory_space<vmem_shared>> -> memref<5120x128xf32, #tpu.memory_space<vmem_shared>>
        tpu.wait_indirect_dma semaphore(%run_scoped3A_1097 : memref<!tpu.dma_semaphore, #tpu.memory_space<semaphore_mem>>) src(%arg16 : memref<128x128xf32, #tpu.memory_space<vmem>>) dst(%dma_wait3A_1109 : memref<5120x128xf32, #tpu.memory_space<vmem_shared>>)
        tpu.yield
      }) : () -> ()
      %add3A_872 = arith.constant 2 : i32
      %add3A_873 = arith.addi %add3A_518, %add3A_872 : i32
      %lt3A_874 = arith.constant 160 : i32
      %lt3A_875 = arith.cmpi slt, %add3A_873, %lt3A_874 : i32
      %convert_element_type3A_876 = arith.extui %lt3A_875 : i1 to i32
      %cond3A_877 = arith.constant 0 : i32
      %cond3A_878 = arith.cmpi ne, %convert_element_type3A_876, %cond3A_877 : i32
      scf.if %cond3A_878 {
        %add3A_1097 = arith.constant 2 : i32
        %add3A_1098 = arith.addi %add3A_518, %add3A_1097 : i32
        %mul3A_1099 = arith.constant 160 : i32
        %mul3A_1100 = arith.muli %arg1, %mul3A_1099 : i32
        %add3A_1101 = arith.addi %mul3A_1100, %add3A_1098 : i32
        %mul3A_1102 = arith.constant 128 : i32
        %mul3A_1103 = arith.muli %add3A_1101, %mul3A_1102 : i32
        %dma_start3A_1104 = arith.constant 0 : i32
        %dma_start3A_1105 = arith.constant 0 : i32
        %dma_start3A_1106 = tpu.memref_slice %arg11[%dma_start3A_1104, %dma_start3A_1105] : memref<4x128xi32, #tpu.memory_space<vmem>> -> memref<1x128xi32, #tpu.memory_space<vmem>>
        %dma_start3A_1107 = tpu.memref_squeeze %dma_start3A_1106 : memref<1x128xi32, #tpu.memory_space<vmem>> -> memref<128xi32, #tpu.memory_space<vmem>>
        %dma_start3A_1108 = tpu.memref_slice %arg5[%mul3A_1103] : memref<327680xi32, #tpu.memory_space<hbm>> -> memref<128xi32, #tpu.memory_space<hbm>>
        %dma_start3A_1109 = arith.constant 0 : i32
        %dma_start3A_1110 = tpu.memref_slice %arg11[%dma_start3A_1104, %dma_start3A_1109] : memref<4x128xi32, #tpu.memory_space<vmem>> -> memref<1x128xi32, #tpu.memory_space<vmem>>
        %dma_start3A_1111 = tpu.memref_squeeze %dma_start3A_1110 : memref<1x128xi32, #tpu.memory_space<vmem>> -> memref<128xi32, #tpu.memory_space<vmem>>
        %dma_start3A_1112 = tpu.memref_slice %arg5[%mul3A_1103] : memref<327680xi32, #tpu.memory_space<hbm>> -> memref<128xi32, #tpu.memory_space<hbm>>
        tpu.enqueue_dma source(%dma_start3A_1112 : memref<128xi32, #tpu.memory_space<hbm>>) target(%dma_start3A_1111 : memref<128xi32, #tpu.memory_space<vmem>>) target_semaphore(%arg26 : memref<!tpu.dma_semaphore, #tpu.memory_space<semaphore_mem>>)
        %dma_start3A_1113 = arith.constant 1 : i32
        %dma_start3A_1114 = arith.constant 0 : i32
        %dma_start3A_1115 = tpu.memref_slice %arg11[%dma_start3A_1113, %dma_start3A_1114] : memref<4x128xi32, #tpu.memory_space<vmem>> -> memref<1x128xi32, #tpu.memory_space<vmem>>
        %dma_start3A_1116 = tpu.memref_squeeze %dma_start3A_1115 : memref<1x128xi32, #tpu.memory_space<vmem>> -> memref<128xi32, #tpu.memory_space<vmem>>
        %dma_start3A_1117 = tpu.memref_slice %arg6[%mul3A_1103] : memref<327680xi32, #tpu.memory_space<hbm>> -> memref<128xi32, #tpu.memory_space<hbm>>
        %dma_start3A_1118 = arith.constant 0 : i32
        %dma_start3A_1119 = tpu.memref_slice %arg11[%dma_start3A_1113, %dma_start3A_1118] : memref<4x128xi32, #tpu.memory_space<vmem>> -> memref<1x128xi32, #tpu.memory_space<vmem>>
        %dma_start3A_1120 = tpu.memref_squeeze %dma_start3A_1119 : memref<1x128xi32, #tpu.memory_space<vmem>> -> memref<128xi32, #tpu.memory_space<vmem>>
        %dma_start3A_1121 = tpu.memref_slice %arg6[%mul3A_1103] : memref<327680xi32, #tpu.memory_space<hbm>> -> memref<128xi32, #tpu.memory_space<hbm>>
        tpu.enqueue_dma source(%dma_start3A_1121 : memref<128xi32, #tpu.memory_space<hbm>>) target(%dma_start3A_1120 : memref<128xi32, #tpu.memory_space<vmem>>) target_semaphore(%arg26 : memref<!tpu.dma_semaphore, #tpu.memory_space<semaphore_mem>>)
        %add3A_1122 = arith.constant 2 : i32
        %add3A_1123 = arith.addi %add3A_518, %add3A_1122 : i32
        %dma_wait3A_1124 = arith.constant 0 : i32
        %dma_wait3A_1125 = arith.constant 0 : i32
        %dma_wait3A_1126 = tpu.memref_slice %arg11[%dma_wait3A_1124, %dma_wait3A_1125] : memref<4x128xi32, #tpu.memory_space<vmem>> -> memref<1x128xi32, #tpu.memory_space<vmem>>
        %dma_wait3A_1127 = tpu.memref_squeeze %dma_wait3A_1126 : memref<1x128xi32, #tpu.memory_space<vmem>> -> memref<128xi32, #tpu.memory_space<vmem>>
        %dma_wait3A_1128 = arith.constant 0 : i32
        %dma_wait3A_1129 = tpu.memref_slice %arg5[%dma_wait3A_1128] : memref<327680xi32, #tpu.memory_space<hbm>> -> memref<128xi32, #tpu.memory_space<hbm>>
        %dma_wait3A_1130 = arith.constant 0 : i32
        %dma_wait3A_1131 = tpu.memref_slice %arg11[%dma_wait3A_1124, %dma_wait3A_1130] : memref<4x128xi32, #tpu.memory_space<vmem>> -> memref<1x128xi32, #tpu.memory_space<vmem>>
        %dma_wait3A_1132 = tpu.memref_squeeze %dma_wait3A_1131 : memref<1x128xi32, #tpu.memory_space<vmem>> -> memref<128xi32, #tpu.memory_space<vmem>>
        %dma_wait3A_1133 = arith.constant 0 : i32
        %dma_wait3A_1134 = tpu.memref_slice %arg5[%dma_wait3A_1133] : memref<327680xi32, #tpu.memory_space<hbm>> -> memref<128xi32, #tpu.memory_space<hbm>>
        tpu.wait_dma2 semaphore(%arg26 : memref<!tpu.dma_semaphore, #tpu.memory_space<semaphore_mem>>) src(%dma_wait3A_1134 : memref<128xi32, #tpu.memory_space<hbm>>) dst(%dma_wait3A_1132 : memref<128xi32, #tpu.memory_space<vmem>>)
        %dma_wait3A_1135 = arith.constant 0 : i32
        %dma_wait3A_1136 = arith.constant 0 : i32
        %dma_wait3A_1137 = tpu.memref_slice %arg11[%dma_wait3A_1135, %dma_wait3A_1136] : memref<4x128xi32, #tpu.memory_space<vmem>> -> memref<1x128xi32, #tpu.memory_space<vmem>>
        %dma_wait3A_1138 = tpu.memref_squeeze %dma_wait3A_1137 : memref<1x128xi32, #tpu.memory_space<vmem>> -> memref<128xi32, #tpu.memory_space<vmem>>
        %dma_wait3A_1139 = arith.constant 0 : i32
        %dma_wait3A_1140 = tpu.memref_slice %arg5[%dma_wait3A_1139] : memref<327680xi32, #tpu.memory_space<hbm>> -> memref<128xi32, #tpu.memory_space<hbm>>
        %dma_wait3A_1141 = arith.constant 0 : i32
        %dma_wait3A_1142 = tpu.memref_slice %arg11[%dma_wait3A_1135, %dma_wait3A_1141] : memref<4x128xi32, #tpu.memory_space<vmem>> -> memref<1x128xi32, #tpu.memory_space<vmem>>
        %dma_wait3A_1143 = tpu.memref_squeeze %dma_wait3A_1142 : memref<1x128xi32, #tpu.memory_space<vmem>> -> memref<128xi32, #tpu.memory_space<vmem>>
        %dma_wait3A_1144 = arith.constant 0 : i32
        %dma_wait3A_1145 = tpu.memref_slice %arg5[%dma_wait3A_1144] : memref<327680xi32, #tpu.memory_space<hbm>> -> memref<128xi32, #tpu.memory_space<hbm>>
        tpu.wait_dma2 semaphore(%arg26 : memref<!tpu.dma_semaphore, #tpu.memory_space<semaphore_mem>>) src(%dma_wait3A_1145 : memref<128xi32, #tpu.memory_space<hbm>>) dst(%dma_wait3A_1143 : memref<128xi32, #tpu.memory_space<vmem>>)
        %get3A_1146 = arith.constant 0 : i32
        %get3A_1147 = arith.index_cast %get3A_1146 : i32 to index
        %get3A_1148 = arith.constant 0 : index
        %get3A_1149 = tpu.vector_load %arg11[%get3A_1147, %get3A_1148] {strides = array<i32>} : memref<4x128xi32, #tpu.memory_space<vmem>>, vector<1x16xi32>,
        %get3A_1150 = vector.shape_cast %get3A_1149 : vector<1x16xi32> to vector<16xi32>
        %add3A_1151 = vector.broadcast %mul3A_93 : i32 to vector<16xi32>
        %add3A_1152 = arith.addi %get3A_1150, %add3A_1151 : vector<16xi32>
        %swap3A_1153 = arith.constant 0 : i32
        %swap3A_1154 = arith.index_cast %swap3A_1153 : i32 to index
        %swap3A_1155 = arith.constant 0 : index
        %swap3A_1156 = tpu.vector_load %arg11[%swap3A_1154, %swap3A_1155] {strides = array<i32>} : memref<4x128xi32, #tpu.memory_space<vmem>>, vector<1x16xi32>,
        %swap3A_1157 = vector.shape_cast %swap3A_1156 : vector<1x16xi32> to vector<16xi32>
        %swap3A_1158 = vector.shape_cast %add3A_1152 : vector<16xi32> to vector<1x16xi32>
        tpu.vector_store %arg11[%swap3A_1154, %swap3A_1155], %swap3A_1158 {strides = array<i32>} : memref<4x128xi32, #tpu.memory_space<vmem>>, vector<1x16xi32>,
        %get3A_1159 = arith.constant 0 : i32
        %get3A_1160 = arith.index_cast %get3A_1159 : i32 to index
        %get3A_1161 = arith.constant 16 : index
        %get3A_1162 = tpu.vector_load %arg11[%get3A_1160, %get3A_1161] {strides = array<i32>} : memref<4x128xi32, #tpu.memory_space<vmem>>, vector<1x16xi32>,
        %get3A_1163 = vector.shape_cast %get3A_1162 : vector<1x16xi32> to vector<16xi32>
        %add3A_1164 = vector.broadcast %mul3A_93 : i32 to vector<16xi32>
        %add3A_1165 = arith.addi %get3A_1163, %add3A_1164 : vector<16xi32>
        %swap3A_1166 = arith.constant 0 : i32
        %swap3A_1167 = arith.index_cast %swap3A_1166 : i32 to index
        %swap3A_1168 = arith.constant 16 : index
        %swap3A_1169 = tpu.vector_load %arg11[%swap3A_1167, %swap3A_1168] {strides = array<i32>} : memref<4x128xi32, #tpu.memory_space<vmem>>, vector<1x16xi32>,
        %swap3A_1170 = vector.shape_cast %swap3A_1169 : vector<1x16xi32> to vector<16xi32>
        %swap3A_1171 = vector.shape_cast %add3A_1165 : vector<16xi32> to vector<1x16xi32>
        tpu.vector_store %arg11[%swap3A_1167, %swap3A_1168], %swap3A_1171 {strides = array<i32>} : memref<4x128xi32, #tpu.memory_space<vmem>>, vector<1x16xi32>,
        %get3A_1172 = arith.constant 0 : i32
        %get3A_1173 = arith.index_cast %get3A_1172 : i32 to index
        %get3A_1174 = arith.constant 32 : index
        %get3A_1175 = tpu.vector_load %arg11[%get3A_1173, %get3A_1174] {strides = array<i32>} : memref<4x128xi32, #tpu.memory_space<vmem>>, vector<1x16xi32>,
        %get3A_1176 = vector.shape_cast %get3A_1175 : vector<1x16xi32> to vector<16xi32>
        %add3A_1177 = vector.broadcast %mul3A_93 : i32 to vector<16xi32>
        %add3A_1178 = arith.addi %get3A_1176, %add3A_1177 : vector<16xi32>
        %swap3A_1179 = arith.constant 0 : i32
        %swap3A_1180 = arith.index_cast %swap3A_1179 : i32 to index
        %swap3A_1181 = arith.constant 32 : index
        %swap3A_1182 = tpu.vector_load %arg11[%swap3A_1180, %swap3A_1181] {strides = array<i32>} : memref<4x128xi32, #tpu.memory_space<vmem>>, vector<1x16xi32>,
        %swap3A_1183 = vector.shape_cast %swap3A_1182 : vector<1x16xi32> to vector<16xi32>
        %swap3A_1184 = vector.shape_cast %add3A_1178 : vector<16xi32> to vector<1x16xi32>
        tpu.vector_store %arg11[%swap3A_1180, %swap3A_1181], %swap3A_1184 {strides = array<i32>} : memref<4x128xi32, #tpu.memory_space<vmem>>, vector<1x16xi32>,
        %get3A_1185 = arith.constant 0 : i32
        %get3A_1186 = arith.index_cast %get3A_1185 : i32 to index
        %get3A_1187 = arith.constant 48 : index
        %get3A_1188 = tpu.vector_load %arg11[%get3A_1186, %get3A_1187] {strides = array<i32>} : memref<4x128xi32, #tpu.memory_space<vmem>>, vector<1x16xi32>,
        %get3A_1189 = vector.shape_cast %get3A_1188 : vector<1x16xi32> to vector<16xi32>
        %add3A_1190 = vector.broadcast %mul3A_93 : i32 to vector<16xi32>
        %add3A_1191 = arith.addi %get3A_1189, %add3A_1190 : vector<16xi32>
        %swap3A_1192 = arith.constant 0 : i32
        %swap3A_1193 = arith.index_cast %swap3A_1192 : i32 to index
        %swap3A_1194 = arith.constant 48 : index
        %swap3A_1195 = tpu.vector_load %arg11[%swap3A_1193, %swap3A_1194] {strides = array<i32>} : memref<4x128xi32, #tpu.memory_space<vmem>>, vector<1x16xi32>,
        %swap3A_1196 = vector.shape_cast %swap3A_1195 : vector<1x16xi32> to vector<16xi32>
        %swap3A_1197 = vector.shape_cast %add3A_1191 : vector<16xi32> to vector<1x16xi32>
        tpu.vector_store %arg11[%swap3A_1193, %swap3A_1194], %swap3A_1197 {strides = array<i32>} : memref<4x128xi32, #tpu.memory_space<vmem>>, vector<1x16xi32>,
        %get3A_1198 = arith.constant 0 : i32
        %get3A_1199 = arith.index_cast %get3A_1198 : i32 to index
        %get3A_1200 = arith.constant 64 : index
        %get3A_1201 = tpu.vector_load %arg11[%get3A_1199, %get3A_1200] {strides = array<i32>} : memref<4x128xi32, #tpu.memory_space<vmem>>, vector<1x16xi32>,
        %get3A_1202 = vector.shape_cast %get3A_1201 : vector<1x16xi32> to vector<16xi32>
        %add3A_1203 = vector.broadcast %mul3A_93 : i32 to vector<16xi32>
        %add3A_1204 = arith.addi %get3A_1202, %add3A_1203 : vector<16xi32>
        %swap3A_1205 = arith.constant 0 : i32
        %swap3A_1206 = arith.index_cast %swap3A_1205 : i32 to index
        %swap3A_1207 = arith.constant 64 : index
        %swap3A_1208 = tpu.vector_load %arg11[%swap3A_1206, %swap3A_1207] {strides = array<i32>} : memref<4x128xi32, #tpu.memory_space<vmem>>, vector<1x16xi32>,
        %swap3A_1209 = vector.shape_cast %swap3A_1208 : vector<1x16xi32> to vector<16xi32>
        %swap3A_1210 = vector.shape_cast %add3A_1204 : vector<16xi32> to vector<1x16xi32>
        tpu.vector_store %arg11[%swap3A_1206, %swap3A_1207], %swap3A_1210 {strides = array<i32>} : memref<4x128xi32, #tpu.memory_space<vmem>>, vector<1x16xi32>,
        %get3A_1211 = arith.constant 0 : i32
        %get3A_1212 = arith.index_cast %get3A_1211 : i32 to index
        %get3A_1213 = arith.constant 80 : index
        %get3A_1214 = tpu.vector_load %arg11[%get3A_1212, %get3A_1213] {strides = array<i32>} : memref<4x128xi32, #tpu.memory_space<vmem>>, vector<1x16xi32>,
        %get3A_1215 = vector.shape_cast %get3A_1214 : vector<1x16xi32> to vector<16xi32>
        %add3A_1216 = vector.broadcast %mul3A_93 : i32 to vector<16xi32>
        %add3A_1217 = arith.addi %get3A_1215, %add3A_1216 : vector<16xi32>
        %swap3A_1218 = arith.constant 0 : i32
        %swap3A_1219 = arith.index_cast %swap3A_1218 : i32 to index
        %swap3A_1220 = arith.constant 80 : index
        %swap3A_1221 = tpu.vector_load %arg11[%swap3A_1219, %swap3A_1220] {strides = array<i32>} : memref<4x128xi32, #tpu.memory_space<vmem>>, vector<1x16xi32>,
        %swap3A_1222 = vector.shape_cast %swap3A_1221 : vector<1x16xi32> to vector<16xi32>
        %swap3A_1223 = vector.shape_cast %add3A_1217 : vector<16xi32> to vector<1x16xi32>
        tpu.vector_store %arg11[%swap3A_1219, %swap3A_1220], %swap3A_1223 {strides = array<i32>} : memref<4x128xi32, #tpu.memory_space<vmem>>, vector<1x16xi32>,
        %get3A_1224 = arith.constant 0 : i32
        %get3A_1225 = arith.index_cast %get3A_1224 : i32 to index
        %get3A_1226 = arith.constant 96 : index
        %get3A_1227 = tpu.vector_load %arg11[%get3A_1225, %get3A_1226] {strides = array<i32>} : memref<4x128xi32, #tpu.memory_space<vmem>>, vector<1x16xi32>,
        %get3A_1228 = vector.shape_cast %get3A_1227 : vector<1x16xi32> to vector<16xi32>
        %add3A_1229 = vector.broadcast %mul3A_93 : i32 to vector<16xi32>
        %add3A_1230 = arith.addi %get3A_1228, %add3A_1229 : vector<16xi32>
        %swap3A_1231 = arith.constant 0 : i32
        %swap3A_1232 = arith.index_cast %swap3A_1231 : i32 to index
        %swap3A_1233 = arith.constant 96 : index
        %swap3A_1234 = tpu.vector_load %arg11[%swap3A_1232, %swap3A_1233] {strides = array<i32>} : memref<4x128xi32, #tpu.memory_space<vmem>>, vector<1x16xi32>,
        %swap3A_1235 = vector.shape_cast %swap3A_1234 : vector<1x16xi32> to vector<16xi32>
        %swap3A_1236 = vector.shape_cast %add3A_1230 : vector<16xi32> to vector<1x16xi32>
        tpu.vector_store %arg11[%swap3A_1232, %swap3A_1233], %swap3A_1236 {strides = array<i32>} : memref<4x128xi32, #tpu.memory_space<vmem>>, vector<1x16xi32>,
        %get3A_1237 = arith.constant 0 : i32
        %get3A_1238 = arith.index_cast %get3A_1237 : i32 to index
        %get3A_1239 = arith.constant 112 : index
        %get3A_1240 = tpu.vector_load %arg11[%get3A_1238, %get3A_1239] {strides = array<i32>} : memref<4x128xi32, #tpu.memory_space<vmem>>, vector<1x16xi32>,
        %get3A_1241 = vector.shape_cast %get3A_1240 : vector<1x16xi32> to vector<16xi32>
        %add3A_1242 = vector.broadcast %mul3A_93 : i32 to vector<16xi32>
        %add3A_1243 = arith.addi %get3A_1241, %add3A_1242 : vector<16xi32>
        %swap3A_1244 = arith.constant 0 : i32
        %swap3A_1245 = arith.index_cast %swap3A_1244 : i32 to index
        %swap3A_1246 = arith.constant 112 : index
        %swap3A_1247 = tpu.vector_load %arg11[%swap3A_1245, %swap3A_1246] {strides = array<i32>} : memref<4x128xi32, #tpu.memory_space<vmem>>, vector<1x16xi32>,
        %swap3A_1248 = vector.shape_cast %swap3A_1247 : vector<1x16xi32> to vector<16xi32>
        %swap3A_1249 = vector.shape_cast %add3A_1243 : vector<16xi32> to vector<1x16xi32>
        tpu.vector_store %arg11[%swap3A_1245, %swap3A_1246], %swap3A_1249 {strides = array<i32>} : memref<4x128xi32, #tpu.memory_space<vmem>>, vector<1x16xi32>,
        %dma_start3A_1250 = arith.constant 0 : i32
        %dma_start3A_1251 = arith.constant 0 : i32
        %dma_start3A_1252 = tpu.memref_slice %arg11[%dma_start3A_1250, %dma_start3A_1251] : memref<4x128xi32, #tpu.memory_space<vmem>> -> memref<1x128xi32, #tpu.memory_space<vmem>>
        %dma_start3A_1253 = tpu.memref_squeeze %dma_start3A_1252 : memref<1x128xi32, #tpu.memory_space<vmem>> -> memref<128xi32, #tpu.memory_space<vmem>>
        %dma_start3A_1254 = arith.constant 0 : i32
        %dma_start3A_1255 = arith.constant 0 : i32
        %dma_start3A_1256 = tpu.memref_slice %arg2[%dma_start3A_1254, %dma_start3A_1255] : memref<20000x128xf32, #tpu.memory_space<hbm>> -> memref<20000x128xf32, #tpu.memory_space<hbm>>
        tpu.enqueue_indirect_dma source(%dma_start3A_1256 : memref<20000x128xf32, #tpu.memory_space<hbm>>) target(%arg12 : memref<128x128xf32, #tpu.memory_space<vmem>>) offsets(%dma_start3A_1253 : memref<128xi32, #tpu.memory_space<vmem>>) semaphore(%arg22 : memref<!tpu.dma_semaphore, #tpu.memory_space<semaphore_mem>>)
        %mul3A_1257 = arith.constant 64 : i32
        %mul3A_1258 = arith.muli %add3A_1123, %mul3A_1257 : i32
        %add3A_1259 = arith.addi %mul3A_97, %mul3A_1258 : i32
        %eq3A_1260 = arith.constant 0 : i32
        %eq3A_1261 = arith.cmpi eq, %arg0, %eq3A_1260 : i32
        %convert_element_type3A_1262 = arith.extui %eq3A_1261 : i1 to i32
        %cond3A_1263 = arith.constant 0 : i32
        %cond3A_1264 = arith.cmpi ne, %convert_element_type3A_1262, %cond3A_1263 : i32
        scf.if %cond3A_1264 {
          %dma_start3A_1270 = arith.constant 0 : i32
          %dma_start3A_1271 = tpu.memref_slice %arg3[%add3A_1259, %dma_start3A_1270] : memref<163840x128xf32, #tpu.memory_space<hbm>> -> memref<64x128xf32, #tpu.memory_space<hbm>>
          %dma_start3A_1272 = arith.constant 0 : i32
          %dma_start3A_1273 = tpu.memref_slice %arg3[%add3A_1259, %dma_start3A_1272] : memref<163840x128xf32, #tpu.memory_space<hbm>> -> memref<64x128xf32, #tpu.memory_space<hbm>>
          tpu.enqueue_dma source(%dma_start3A_1273 : memref<64x128xf32, #tpu.memory_space<hbm>>) target(%arg14 : memref<64x128xf32, #tpu.memory_space<vmem>>) target_semaphore(%arg24 : memref<!tpu.dma_semaphore, #tpu.memory_space<semaphore_mem>>)
        } else {
        }
        %eq3A_1265 = arith.constant 1 : i32
        %eq3A_1266 = arith.cmpi eq, %arg0, %eq3A_1265 : i32
        %convert_element_type3A_1267 = arith.extui %eq3A_1266 : i1 to i32
        %cond3A_1268 = arith.constant 0 : i32
        %cond3A_1269 = arith.cmpi ne, %convert_element_type3A_1267, %cond3A_1268 : i32
        scf.if %cond3A_1269 {
          %dma_start3A_1270 = arith.constant 0 : i32
          %dma_start3A_1271 = tpu.memref_slice %arg4[%add3A_1259, %dma_start3A_1270] : memref<163840x128xf32, #tpu.memory_space<hbm>> -> memref<64x128xf32, #tpu.memory_space<hbm>>
          %dma_start3A_1272 = arith.constant 0 : i32
          %dma_start3A_1273 = tpu.memref_slice %arg4[%add3A_1259, %dma_start3A_1272] : memref<163840x128xf32, #tpu.memory_space<hbm>> -> memref<64x128xf32, #tpu.memory_space<hbm>>
          tpu.enqueue_dma source(%dma_start3A_1273 : memref<64x128xf32, #tpu.memory_space<hbm>>) target(%arg14 : memref<64x128xf32, #tpu.memory_space<vmem>>) target_semaphore(%arg24 : memref<!tpu.dma_semaphore, #tpu.memory_space<semaphore_mem>>)
        } else {
        }
      } else {
      }
      %get3A_879 = arith.constant 3 : i32
      %get3A_880 = arith.index_cast %get3A_879 : i32 to index
      %get3A_881 = arith.constant 0 : index
      %get3A_882 = tpu.vector_load %arg11[%get3A_880, %get3A_881] {strides = array<i32>} : memref<4x128xi32, #tpu.memory_space<vmem>>, vector<1x16xi32>,
      %get3A_883 = vector.shape_cast %get3A_882 : vector<1x16xi32> to vector<16xi32>
      %sub3A_884 = arith.constant 0 : i32
      %sub3A_885 = vector.broadcast %sub3A_884 : i32 to vector<16xi32>
      %sub3A_886 = arith.subi %get3A_883, %sub3A_885 : vector<16xi32>
      %ge3A_887 = arith.constant 0 : i32
      %ge3A_888 = vector.broadcast %ge3A_887 : i32 to vector<16xi32>
      %ge3A_889 = arith.cmpi sge, %sub3A_886, %ge3A_888 : vector<16xi32>
      %lt3A_890 = arith.constant 5000 : i32
      %lt3A_891 = vector.broadcast %lt3A_890 : i32 to vector<16xi32>
      %lt3A_892 = arith.cmpi slt, %sub3A_886, %lt3A_891 : vector<16xi32>
      %and3A_893 = arith.andi %ge3A_889, %lt3A_892 : vector<16xi1>
      %jit3A_894 = arith.constant 5100 : i32
      %broadcast_in_dim3A_895 = vector.broadcast %jit3A_894 : i32 to vector<16xi32>
      %select_n3A_896 = arith.select %and3A_893, %sub3A_886, %broadcast_in_dim3A_895 : vector<16xi1>, vector<16xi32>
      %swap3A_897 = arith.constant 1 : i32
      %swap3A_898 = arith.index_cast %swap3A_897 : i32 to index
      %swap3A_899 = arith.constant 0 : index
      %swap3A_900 = tpu.vector_load %arg17[%swap3A_898, %swap3A_899] {strides = array<i32>} : memref<8x128xi32, #tpu.memory_space<vmem>>, vector<1x16xi32>,
      %swap3A_901 = vector.shape_cast %swap3A_900 : vector<1x16xi32> to vector<16xi32>
      %swap3A_902 = vector.shape_cast %select_n3A_896 : vector<16xi32> to vector<1x16xi32>
      tpu.vector_store %arg17[%swap3A_898, %swap3A_899], %swap3A_902 {strides = array<i32>} : memref<8x128xi32, #tpu.memory_space<vmem>>, vector<1x16xi32>,
      %get3A_903 = arith.constant 3 : i32
      %get3A_904 = arith.index_cast %get3A_903 : i32 to index
      %get3A_905 = arith.constant 16 : index
      %get3A_906 = tpu.vector_load %arg11[%get3A_904, %get3A_905] {strides = array<i32>} : memref<4x128xi32, #tpu.memory_space<vmem>>, vector<1x16xi32>,
      %get3A_907 = vector.shape_cast %get3A_906 : vector<1x16xi32> to vector<16xi32>
      %sub3A_908 = arith.constant 0 : i32
      %sub3A_909 = vector.broadcast %sub3A_908 : i32 to vector<16xi32>
      %sub3A_910 = arith.subi %get3A_907, %sub3A_909 : vector<16xi32>
      %ge3A_911 = arith.constant 0 : i32
      %ge3A_912 = vector.broadcast %ge3A_911 : i32 to vector<16xi32>
      %ge3A_913 = arith.cmpi sge, %sub3A_910, %ge3A_912 : vector<16xi32>
      %lt3A_914 = arith.constant 5000 : i32
      %lt3A_915 = vector.broadcast %lt3A_914 : i32 to vector<16xi32>
      %lt3A_916 = arith.cmpi slt, %sub3A_910, %lt3A_915 : vector<16xi32>
      %and3A_917 = arith.andi %ge3A_913, %lt3A_916 : vector<16xi1>
      %jit3A_918 = arith.constant 5100 : i32
      %broadcast_in_dim3A_919 = vector.broadcast %jit3A_918 : i32 to vector<16xi32>
      %select_n3A_920 = arith.select %and3A_917, %sub3A_910, %broadcast_in_dim3A_919 : vector<16xi1>, vector<16xi32>
      %swap3A_921 = arith.constant 1 : i32
      %swap3A_922 = arith.index_cast %swap3A_921 : i32 to index
      %swap3A_923 = arith.constant 16 : index
      %swap3A_924 = tpu.vector_load %arg17[%swap3A_922, %swap3A_923] {strides = array<i32>} : memref<8x128xi32, #tpu.memory_space<vmem>>, vector<1x16xi32>,
      %swap3A_925 = vector.shape_cast %swap3A_924 : vector<1x16xi32> to vector<16xi32>
      %swap3A_926 = vector.shape_cast %select_n3A_920 : vector<16xi32> to vector<1x16xi32>
      tpu.vector_store %arg17[%swap3A_922, %swap3A_923], %swap3A_926 {strides = array<i32>} : memref<8x128xi32, #tpu.memory_space<vmem>>, vector<1x16xi32>,
      %get3A_927 = arith.constant 3 : i32
      %get3A_928 = arith.index_cast %get3A_927 : i32 to index
      %get3A_929 = arith.constant 32 : index
      %get3A_930 = tpu.vector_load %arg11[%get3A_928, %get3A_929] {strides = array<i32>} : memref<4x128xi32, #tpu.memory_space<vmem>>, vector<1x16xi32>,
      %get3A_931 = vector.shape_cast %get3A_930 : vector<1x16xi32> to vector<16xi32>
      %sub3A_932 = arith.constant 0 : i32
      %sub3A_933 = vector.broadcast %sub3A_932 : i32 to vector<16xi32>
      %sub3A_934 = arith.subi %get3A_931, %sub3A_933 : vector<16xi32>
      %ge3A_935 = arith.constant 0 : i32
      %ge3A_936 = vector.broadcast %ge3A_935 : i32 to vector<16xi32>
      %ge3A_937 = arith.cmpi sge, %sub3A_934, %ge3A_936 : vector<16xi32>
      %lt3A_938 = arith.constant 5000 : i32
      %lt3A_939 = vector.broadcast %lt3A_938 : i32 to vector<16xi32>
      %lt3A_940 = arith.cmpi slt, %sub3A_934, %lt3A_939 : vector<16xi32>
      %and3A_941 = arith.andi %ge3A_937, %lt3A_940 : vector<16xi1>
      %jit3A_942 = arith.constant 5100 : i32
      %broadcast_in_dim3A_943 = vector.broadcast %jit3A_942 : i32 to vector<16xi32>
      %select_n3A_944 = arith.select %and3A_941, %sub3A_934, %broadcast_in_dim3A_943 : vector<16xi1>, vector<16xi32>
      %swap3A_945 = arith.constant 1 : i32
      %swap3A_946 = arith.index_cast %swap3A_945 : i32 to index
      %swap3A_947 = arith.constant 32 : index
      %swap3A_948 = tpu.vector_load %arg17[%swap3A_946, %swap3A_947] {strides = array<i32>} : memref<8x128xi32, #tpu.memory_space<vmem>>, vector<1x16xi32>,
      %swap3A_949 = vector.shape_cast %swap3A_948 : vector<1x16xi32> to vector<16xi32>
      %swap3A_950 = vector.shape_cast %select_n3A_944 : vector<16xi32> to vector<1x16xi32>
      tpu.vector_store %arg17[%swap3A_946, %swap3A_947], %swap3A_950 {strides = array<i32>} : memref<8x128xi32, #tpu.memory_space<vmem>>, vector<1x16xi32>,
      %get3A_951 = arith.constant 3 : i32
      %get3A_952 = arith.index_cast %get3A_951 : i32 to index
      %get3A_953 = arith.constant 48 : index
      %get3A_954 = tpu.vector_load %arg11[%get3A_952, %get3A_953] {strides = array<i32>} : memref<4x128xi32, #tpu.memory_space<vmem>>, vector<1x16xi32>,
      %get3A_955 = vector.shape_cast %get3A_954 : vector<1x16xi32> to vector<16xi32>
      %sub3A_956 = arith.constant 0 : i32
      %sub3A_957 = vector.broadcast %sub3A_956 : i32 to vector<16xi32>
      %sub3A_958 = arith.subi %get3A_955, %sub3A_957 : vector<16xi32>
      %ge3A_959 = arith.constant 0 : i32
      %ge3A_960 = vector.broadcast %ge3A_959 : i32 to vector<16xi32>
      %ge3A_961 = arith.cmpi sge, %sub3A_958, %ge3A_960 : vector<16xi32>
      %lt3A_962 = arith.constant 5000 : i32
      %lt3A_963 = vector.broadcast %lt3A_962 : i32 to vector<16xi32>
      %lt3A_964 = arith.cmpi slt, %sub3A_958, %lt3A_963 : vector<16xi32>
      %and3A_965 = arith.andi %ge3A_961, %lt3A_964 : vector<16xi1>
      %jit3A_966 = arith.constant 5100 : i32
      %broadcast_in_dim3A_967 = vector.broadcast %jit3A_966 : i32 to vector<16xi32>
      %select_n3A_968 = arith.select %and3A_965, %sub3A_958, %broadcast_in_dim3A_967 : vector<16xi1>, vector<16xi32>
      %swap3A_969 = arith.constant 1 : i32
      %swap3A_970 = arith.index_cast %swap3A_969 : i32 to index
      %swap3A_971 = arith.constant 48 : index
      %swap3A_972 = tpu.vector_load %arg17[%swap3A_970, %swap3A_971] {strides = array<i32>} : memref<8x128xi32, #tpu.memory_space<vmem>>, vector<1x16xi32>,
      %swap3A_973 = vector.shape_cast %swap3A_972 : vector<1x16xi32> to vector<16xi32>
      %swap3A_974 = vector.shape_cast %select_n3A_968 : vector<16xi32> to vector<1x16xi32>
      tpu.vector_store %arg17[%swap3A_970, %swap3A_971], %swap3A_974 {strides = array<i32>} : memref<8x128xi32, #tpu.memory_space<vmem>>, vector<1x16xi32>,
      %get3A_975 = arith.constant 3 : i32
      %get3A_976 = arith.index_cast %get3A_975 : i32 to index
      %get3A_977 = arith.constant 64 : index
      %get3A_978 = tpu.vector_load %arg11[%get3A_976, %get3A_977] {strides = array<i32>} : memref<4x128xi32, #tpu.memory_space<vmem>>, vector<1x16xi32>,
      %get3A_979 = vector.shape_cast %get3A_978 : vector<1x16xi32> to vector<16xi32>
      %sub3A_980 = arith.constant 0 : i32
      %sub3A_981 = vector.broadcast %sub3A_980 : i32 to vector<16xi32>
      %sub3A_982 = arith.subi %get3A_979, %sub3A_981 : vector<16xi32>
      %ge3A_983 = arith.constant 0 : i32
      %ge3A_984 = vector.broadcast %ge3A_983 : i32 to vector<16xi32>
      %ge3A_985 = arith.cmpi sge, %sub3A_982, %ge3A_984 : vector<16xi32>
      %lt3A_986 = arith.constant 5000 : i32
      %lt3A_987 = vector.broadcast %lt3A_986 : i32 to vector<16xi32>
      %lt3A_988 = arith.cmpi slt, %sub3A_982, %lt3A_987 : vector<16xi32>
      %and3A_989 = arith.andi %ge3A_985, %lt3A_988 : vector<16xi1>
      %jit3A_990 = arith.constant 5100 : i32
      %broadcast_in_dim3A_991 = vector.broadcast %jit3A_990 : i32 to vector<16xi32>
      %select_n3A_992 = arith.select %and3A_989, %sub3A_982, %broadcast_in_dim3A_991 : vector<16xi1>, vector<16xi32>
      %swap3A_993 = arith.constant 1 : i32
      %swap3A_994 = arith.index_cast %swap3A_993 : i32 to index
      %swap3A_995 = arith.constant 64 : index
      %swap3A_996 = tpu.vector_load %arg17[%swap3A_994, %swap3A_995] {strides = array<i32>} : memref<8x128xi32, #tpu.memory_space<vmem>>, vector<1x16xi32>,
      %swap3A_997 = vector.shape_cast %swap3A_996 : vector<1x16xi32> to vector<16xi32>
      %swap3A_998 = vector.shape_cast %select_n3A_992 : vector<16xi32> to vector<1x16xi32>
      tpu.vector_store %arg17[%swap3A_994, %swap3A_995], %swap3A_998 {strides = array<i32>} : memref<8x128xi32, #tpu.memory_space<vmem>>, vector<1x16xi32>,
      %get3A_999 = arith.constant 3 : i32
      %get3A_1000 = arith.index_cast %get3A_999 : i32 to index
      %get3A_1001 = arith.constant 80 : index
      %get3A_1002 = tpu.vector_load %arg11[%get3A_1000, %get3A_1001] {strides = array<i32>} : memref<4x128xi32, #tpu.memory_space<vmem>>, vector<1x16xi32>,
      %get3A_1003 = vector.shape_cast %get3A_1002 : vector<1x16xi32> to vector<16xi32>
      %sub3A_1004 = arith.constant 0 : i32
      %sub3A_1005 = vector.broadcast %sub3A_1004 : i32 to vector<16xi32>
      %sub3A_1006 = arith.subi %get3A_1003, %sub3A_1005 : vector<16xi32>
      %ge3A_1007 = arith.constant 0 : i32
      %ge3A_1008 = vector.broadcast %ge3A_1007 : i32 to vector<16xi32>
      %ge3A_1009 = arith.cmpi sge, %sub3A_1006, %ge3A_1008 : vector<16xi32>
      %lt3A_1010 = arith.constant 5000 : i32
      %lt3A_1011 = vector.broadcast %lt3A_1010 : i32 to vector<16xi32>
      %lt3A_1012 = arith.cmpi slt, %sub3A_1006, %lt3A_1011 : vector<16xi32>
      %and3A_1013 = arith.andi %ge3A_1009, %lt3A_1012 : vector<16xi1>
      %jit3A_1014 = arith.constant 5100 : i32
      %broadcast_in_dim3A_1015 = vector.broadcast %jit3A_1014 : i32 to vector<16xi32>
      %select_n3A_1016 = arith.select %and3A_1013, %sub3A_1006, %broadcast_in_dim3A_1015 : vector<16xi1>, vector<16xi32>
      %swap3A_1017 = arith.constant 1 : i32
      %swap3A_1018 = arith.index_cast %swap3A_1017 : i32 to index
      %swap3A_1019 = arith.constant 80 : index
      %swap3A_1020 = tpu.vector_load %arg17[%swap3A_1018, %swap3A_1019] {strides = array<i32>} : memref<8x128xi32, #tpu.memory_space<vmem>>, vector<1x16xi32>,
      %swap3A_1021 = vector.shape_cast %swap3A_1020 : vector<1x16xi32> to vector<16xi32>
      %swap3A_1022 = vector.shape_cast %select_n3A_1016 : vector<16xi32> to vector<1x16xi32>
      tpu.vector_store %arg17[%swap3A_1018, %swap3A_1019], %swap3A_1022 {strides = array<i32>} : memref<8x128xi32, #tpu.memory_space<vmem>>, vector<1x16xi32>,
      %get3A_1023 = arith.constant 3 : i32
      %get3A_1024 = arith.index_cast %get3A_1023 : i32 to index
      %get3A_1025 = arith.constant 96 : index
      %get3A_1026 = tpu.vector_load %arg11[%get3A_1024, %get3A_1025] {strides = array<i32>} : memref<4x128xi32, #tpu.memory_space<vmem>>, vector<1x16xi32>,
      %get3A_1027 = vector.shape_cast %get3A_1026 : vector<1x16xi32> to vector<16xi32>
      %sub3A_1028 = arith.constant 0 : i32
      %sub3A_1029 = vector.broadcast %sub3A_1028 : i32 to vector<16xi32>
      %sub3A_1030 = arith.subi %get3A_1027, %sub3A_1029 : vector<16xi32>
      %ge3A_1031 = arith.constant 0 : i32
      %ge3A_1032 = vector.broadcast %ge3A_1031 : i32 to vector<16xi32>
      %ge3A_1033 = arith.cmpi sge, %sub3A_1030, %ge3A_1032 : vector<16xi32>
      %lt3A_1034 = arith.constant 5000 : i32
      %lt3A_1035 = vector.broadcast %lt3A_1034 : i32 to vector<16xi32>
      %lt3A_1036 = arith.cmpi slt, %sub3A_1030, %lt3A_1035 : vector<16xi32>
      %and3A_1037 = arith.andi %ge3A_1033, %lt3A_1036 : vector<16xi1>
      %jit3A_1038 = arith.constant 5100 : i32
      %broadcast_in_dim3A_1039 = vector.broadcast %jit3A_1038 : i32 to vector<16xi32>
      %select_n3A_1040 = arith.select %and3A_1037, %sub3A_1030, %broadcast_in_dim3A_1039 : vector<16xi1>, vector<16xi32>
      %swap3A_1041 = arith.constant 1 : i32
      %swap3A_1042 = arith.index_cast %swap3A_1041 : i32 to index
      %swap3A_1043 = arith.constant 96 : index
      %swap3A_1044 = tpu.vector_load %arg17[%swap3A_1042, %swap3A_1043] {strides = array<i32>} : memref<8x128xi32, #tpu.memory_space<vmem>>, vector<1x16xi32>,
      %swap3A_1045 = vector.shape_cast %swap3A_1044 : vector<1x16xi32> to vector<16xi32>
      %swap3A_1046 = vector.shape_cast %select_n3A_1040 : vector<16xi32> to vector<1x16xi32>
      tpu.vector_store %arg17[%swap3A_1042, %swap3A_1043], %swap3A_1046 {strides = array<i32>} : memref<8x128xi32, #tpu.memory_space<vmem>>, vector<1x16xi32>,
      %get3A_1047 = arith.constant 3 : i32
      %get3A_1048 = arith.index_cast %get3A_1047 : i32 to index
      %get3A_1049 = arith.constant 112 : index
      %get3A_1050 = tpu.vector_load %arg11[%get3A_1048, %get3A_1049] {strides = array<i32>} : memref<4x128xi32, #tpu.memory_space<vmem>>, vector<1x16xi32>,
      %get3A_1051 = vector.shape_cast %get3A_1050 : vector<1x16xi32> to vector<16xi32>
      %sub3A_1052 = arith.constant 0 : i32
      %sub3A_1053 = vector.broadcast %sub3A_1052 : i32 to vector<16xi32>
      %sub3A_1054 = arith.subi %get3A_1051, %sub3A_1053 : vector<16xi32>
      %ge3A_1055 = arith.constant 0 : i32
      %ge3A_1056 = vector.broadcast %ge3A_1055 : i32 to vector<16xi32>
      %ge3A_1057 = arith.cmpi sge, %sub3A_1054, %ge3A_1056 : vector<16xi32>
      %lt3A_1058 = arith.constant 5000 : i32
      %lt3A_1059 = vector.broadcast %lt3A_1058 : i32 to vector<16xi32>
      %lt3A_1060 = arith.cmpi slt, %sub3A_1054, %lt3A_1059 : vector<16xi32>
      %and3A_1061 = arith.andi %ge3A_1057, %lt3A_1060 : vector<16xi1>
      %jit3A_1062 = arith.constant 5100 : i32
      %broadcast_in_dim3A_1063 = vector.broadcast %jit3A_1062 : i32 to vector<16xi32>
      %select_n3A_1064 = arith.select %and3A_1061, %sub3A_1054, %broadcast_in_dim3A_1063 : vector<16xi1>, vector<16xi32>
      %swap3A_1065 = arith.constant 1 : i32
      %swap3A_1066 = arith.index_cast %swap3A_1065 : i32 to index
      %swap3A_1067 = arith.constant 112 : index
      %swap3A_1068 = tpu.vector_load %arg17[%swap3A_1066, %swap3A_1067] {strides = array<i32>} : memref<8x128xi32, #tpu.memory_space<vmem>>, vector<1x16xi32>,
      %swap3A_1069 = vector.shape_cast %swap3A_1068 : vector<1x16xi32> to vector<16xi32>
      %swap3A_1070 = vector.shape_cast %select_n3A_1064 : vector<16xi32> to vector<1x16xi32>
      tpu.vector_store %arg17[%swap3A_1066, %swap3A_1067], %swap3A_1070 {strides = array<i32>} : memref<8x128xi32, #tpu.memory_space<vmem>>, vector<1x16xi32>,
      %dma_wait3A_1071 = arith.constant 2 : i32
      %dma_wait3A_1072 = arith.constant 0 : i32
      %dma_wait3A_1073 = tpu.memref_slice %arg11[%dma_wait3A_1071, %dma_wait3A_1072] : memref<4x128xi32, #tpu.memory_space<vmem>> -> memref<1x128xi32, #tpu.memory_space<vmem>>
      %dma_wait3A_1074 = tpu.memref_squeeze %dma_wait3A_1073 : memref<1x128xi32, #tpu.memory_space<vmem>> -> memref<128xi32, #tpu.memory_space<vmem>>
      %dma_wait3A_1075 = arith.constant 0 : i32
      %dma_wait3A_1076 = arith.constant 0 : i32
      %dma_wait3A_1077 = tpu.memref_slice %arg2[%dma_wait3A_1075, %dma_wait3A_1076] : memref<20000x128xf32, #tpu.memory_space<hbm>> -> memref<20000x128xf32, #tpu.memory_space<hbm>>
      tpu.wait_indirect_dma semaphore(%arg23 : memref<!tpu.dma_semaphore, #tpu.memory_space<semaphore_mem>>) src(%dma_wait3A_1077 : memref<20000x128xf32, #tpu.memory_space<hbm>>) dst(%arg13 : memref<128x128xf32, #tpu.memory_space<vmem>>)
      %dma_wait3A_1078 = arith.constant 0 : i32
      %dma_wait3A_1079 = arith.constant 0 : i32
      %dma_wait3A_1080 = tpu.memref_slice %arg3[%dma_wait3A_1078, %dma_wait3A_1079] : memref<163840x128xf32, #tpu.memory_space<hbm>> -> memref<64x128xf32, #tpu.memory_space<hbm>>
      %dma_wait3A_1081 = arith.constant 0 : i32
      %dma_wait3A_1082 = arith.constant 0 : i32
      %dma_wait3A_1083 = tpu.memref_slice %arg3[%dma_wait3A_1081, %dma_wait3A_1082] : memref<163840x128xf32, #tpu.memory_space<hbm>> -> memref<64x128xf32, #tpu.memory_space<hbm>>
      tpu.wait_dma2 semaphore(%arg25 : memref<!tpu.dma_semaphore, #tpu.memory_space<semaphore_mem>>) src(%dma_wait3A_1083 : memref<64x128xf32, #tpu.memory_space<hbm>>) dst(%arg15 : memref<64x128xf32, #tpu.memory_space<vmem>>)
      %scan3A_1084 = arith.constant 0 : i32
      %scan3A_1085 = arith.constant 64 : i32
      %scan3A_1086 = arith.addi %scan3A_1084, %scan3A_1085 : i32
      %scan3A_1087 = arith.constant 1 : i32
      scf.for %scan3A_1097 = %scan3A_1084 to %scan3A_1086 step %scan3A_1087  : i32 {
        %mul3A_1098 = arith.constant 1 : i32
        %mul3A_1099 = arith.muli %scan3A_1097, %mul3A_1098 : i32
        %add3A_1100 = arith.constant 0 : i32
        %add3A_1101 = arith.addi %add3A_1100, %mul3A_1099 : i32
        %add3A_1102 = arith.constant 0 : i32
        %add3A_1103 = arith.addi %add3A_1102, %add3A_1101 : i32
        %get3A_1104 = arith.index_cast %add3A_1103 : i32 to index
        %get3A_1105 = arith.constant 0 : index
        %get3A_1106 = tpu.vector_load %arg13[%get3A_1104, %get3A_1105] {strides = array<i32>} : memref<128x128xf32, #tpu.memory_space<vmem>>, vector<1x16xf32>,
        %get3A_1107 = vector.shape_cast %get3A_1106 : vector<1x16xf32> to vector<16xf32>
        %get3A_1108 = arith.index_cast %add3A_1101 : i32 to index
        %get3A_1109 = arith.constant 0 : index
        %get3A_1110 = tpu.vector_load %arg15[%get3A_1108, %get3A_1109] {strides = array<i32>} : memref<64x128xf32, #tpu.memory_space<vmem>>, vector<1x16xf32>,
        %get3A_1111 = vector.shape_cast %get3A_1110 : vector<1x16xf32> to vector<16xf32>
        %add3A_1112 = arith.addf %get3A_1107, %get3A_1111 : vector<16xf32>
        %max3A_1113 = arith.constant 0.000000e+00 : f32
        %max3A_1114 = vector.broadcast %max3A_1113 : f32 to vector<16xf32>
        %max3A_1115 = arith.maximumf %add3A_1112, %max3A_1114 : vector<16xf32>
        %mul3A_1116 = arith.mulf %max3A_1115, %get3A_6 : vector<16xf32>
        %sub3A_1117 = arith.subf %mul3A_1116, %sub3A : vector<16xf32>
        %exp3A = math.exp %sub3A_1117 : vector<16xf32>
        %swap3A_1118 = arith.index_cast %add3A_1103 : i32 to index
        %swap3A_1119 = arith.constant 0 : index
        %swap3A_1120 = tpu.vector_load %arg16[%swap3A_1118, %swap3A_1119] {strides = array<i32>} : memref<128x128xf32, #tpu.memory_space<vmem>>, vector<1x16xf32>,
        %swap3A_1121 = vector.shape_cast %swap3A_1120 : vector<1x16xf32> to vector<16xf32>
        %swap3A_1122 = vector.shape_cast %exp3A : vector<16xf32> to vector<1x16xf32>
        tpu.vector_store %arg16[%swap3A_1118, %swap3A_1119], %swap3A_1122 {strides = array<i32>} : memref<128x128xf32, #tpu.memory_space<vmem>>, vector<1x16xf32>,
        %mul3A_1123 = arith.mulf %max3A_1115, %exp3A : vector<16xf32>
        %swap3A_1124 = arith.index_cast %add3A_1103 : i32 to index
        %swap3A_1125 = arith.constant 64 : index
        %swap3A_1126 = tpu.vector_load %arg16[%swap3A_1124, %swap3A_1125] {strides = array<i32>} : memref<128x128xf32, #tpu.memory_space<vmem>>, vector<1x16xf32>,
        %swap3A_1127 = vector.shape_cast %swap3A_1126 : vector<1x16xf32> to vector<16xf32>
        %swap3A_1128 = vector.shape_cast %mul3A_1123 : vector<16xf32> to vector<1x16xf32>
        tpu.vector_store %arg16[%swap3A_1124, %swap3A_1125], %swap3A_1128 {strides = array<i32>} : memref<128x128xf32, #tpu.memory_space<vmem>>, vector<1x16xf32>,
        %get3A_1129 = arith.index_cast %add3A_1103 : i32 to index
        %get3A_1130 = arith.constant 16 : index
        %get3A_1131 = tpu.vector_load %arg13[%get3A_1129, %get3A_1130] {strides = array<i32>} : memref<128x128xf32, #tpu.memory_space<vmem>>, vector<1x16xf32>,
        %get3A_1132 = vector.shape_cast %get3A_1131 : vector<1x16xf32> to vector<16xf32>
        %get3A_1133 = arith.index_cast %add3A_1101 : i32 to index
        %get3A_1134 = arith.constant 16 : index
        %get3A_1135 = tpu.vector_load %arg15[%get3A_1133, %get3A_1134] {strides = array<i32>} : memref<64x128xf32, #tpu.memory_space<vmem>>, vector<1x16xf32>,
        %get3A_1136 = vector.shape_cast %get3A_1135 : vector<1x16xf32> to vector<16xf32>
        %add3A_1137 = arith.addf %get3A_1132, %get3A_1136 : vector<16xf32>
        %max3A_1138 = arith.constant 0.000000e+00 : f32
        %max3A_1139 = vector.broadcast %max3A_1138 : f32 to vector<16xf32>
        %max3A_1140 = arith.maximumf %add3A_1137, %max3A_1139 : vector<16xf32>
        %mul3A_1141 = arith.mulf %max3A_1140, %get3A_6 : vector<16xf32>
        %sub3A_1142 = arith.subf %mul3A_1141, %sub3A_47 : vector<16xf32>
        %exp3A_1143 = math.exp %sub3A_1142 : vector<16xf32>
        %swap3A_1144 = arith.index_cast %add3A_1103 : i32 to index
        %swap3A_1145 = arith.constant 16 : index
        %swap3A_1146 = tpu.vector_load %arg16[%swap3A_1144, %swap3A_1145] {strides = array<i32>} : memref<128x128xf32, #tpu.memory_space<vmem>>, vector<1x16xf32>,
        %swap3A_1147 = vector.shape_cast %swap3A_1146 : vector<1x16xf32> to vector<16xf32>
        %swap3A_1148 = vector.shape_cast %exp3A_1143 : vector<16xf32> to vector<1x16xf32>
        tpu.vector_store %arg16[%swap3A_1144, %swap3A_1145], %swap3A_1148 {strides = array<i32>} : memref<128x128xf32, #tpu.memory_space<vmem>>, vector<1x16xf32>,
        %mul3A_1149 = arith.mulf %max3A_1140, %exp3A_1143 : vector<16xf32>
        %swap3A_1150 = arith.index_cast %add3A_1103 : i32 to index
        %swap3A_1151 = arith.constant 80 : index
        %swap3A_1152 = tpu.vector_load %arg16[%swap3A_1150, %swap3A_1151] {strides = array<i32>} : memref<128x128xf32, #tpu.memory_space<vmem>>, vector<1x16xf32>,
        %swap3A_1153 = vector.shape_cast %swap3A_1152 : vector<1x16xf32> to vector<16xf32>
        %swap3A_1154 = vector.shape_cast %mul3A_1149 : vector<16xf32> to vector<1x16xf32>
        tpu.vector_store %arg16[%swap3A_1150, %swap3A_1151], %swap3A_1154 {strides = array<i32>} : memref<128x128xf32, #tpu.memory_space<vmem>>, vector<1x16xf32>,
        %get3A_1155 = arith.index_cast %add3A_1103 : i32 to index
        %get3A_1156 = arith.constant 32 : index
        %get3A_1157 = tpu.vector_load %arg13[%get3A_1155, %get3A_1156] {strides = array<i32>} : memref<128x128xf32, #tpu.memory_space<vmem>>, vector<1x16xf32>,
        %get3A_1158 = vector.shape_cast %get3A_1157 : vector<1x16xf32> to vector<16xf32>
        %get3A_1159 = arith.index_cast %add3A_1101 : i32 to index
        %get3A_1160 = arith.constant 32 : index
        %get3A_1161 = tpu.vector_load %arg15[%get3A_1159, %get3A_1160] {strides = array<i32>} : memref<64x128xf32, #tpu.memory_space<vmem>>, vector<1x16xf32>,
        %get3A_1162 = vector.shape_cast %get3A_1161 : vector<1x16xf32> to vector<16xf32>
        %add3A_1163 = arith.addf %get3A_1158, %get3A_1162 : vector<16xf32>
        %max3A_1164 = arith.constant 0.000000e+00 : f32
        %max3A_1165 = vector.broadcast %max3A_1164 : f32 to vector<16xf32>
        %max3A_1166 = arith.maximumf %add3A_1163, %max3A_1165 : vector<16xf32>
        %mul3A_1167 = arith.mulf %max3A_1166, %get3A_6 : vector<16xf32>
        %sub3A_1168 = arith.subf %mul3A_1167, %sub3A_69 : vector<16xf32>
        %exp3A_1169 = math.exp %sub3A_1168 : vector<16xf32>
        %swap3A_1170 = arith.index_cast %add3A_1103 : i32 to index
        %swap3A_1171 = arith.constant 32 : index
        %swap3A_1172 = tpu.vector_load %arg16[%swap3A_1170, %swap3A_1171] {strides = array<i32>} : memref<128x128xf32, #tpu.memory_space<vmem>>, vector<1x16xf32>,
        %swap3A_1173 = vector.shape_cast %swap3A_1172 : vector<1x16xf32> to vector<16xf32>
        %swap3A_1174 = vector.shape_cast %exp3A_1169 : vector<16xf32> to vector<1x16xf32>
        tpu.vector_store %arg16[%swap3A_1170, %swap3A_1171], %swap3A_1174 {strides = array<i32>} : memref<128x128xf32, #tpu.memory_space<vmem>>, vector<1x16xf32>,
        %mul3A_1175 = arith.mulf %max3A_1166, %exp3A_1169 : vector<16xf32>
        %swap3A_1176 = arith.index_cast %add3A_1103 : i32 to index
        %swap3A_1177 = arith.constant 96 : index
        %swap3A_1178 = tpu.vector_load %arg16[%swap3A_1176, %swap3A_1177] {strides = array<i32>} : memref<128x128xf32, #tpu.memory_space<vmem>>, vector<1x16xf32>,
        %swap3A_1179 = vector.shape_cast %swap3A_1178 : vector<1x16xf32> to vector<16xf32>
        %swap3A_1180 = vector.shape_cast %mul3A_1175 : vector<16xf32> to vector<1x16xf32>
        tpu.vector_store %arg16[%swap3A_1176, %swap3A_1177], %swap3A_1180 {strides = array<i32>} : memref<128x128xf32, #tpu.memory_space<vmem>>, vector<1x16xf32>,
        %get3A_1181 = arith.index_cast %add3A_1103 : i32 to index
        %get3A_1182 = arith.constant 48 : index
        %get3A_1183 = tpu.vector_load %arg13[%get3A_1181, %get3A_1182] {strides = array<i32>} : memref<128x128xf32, #tpu.memory_space<vmem>>, vector<1x16xf32>,
        %get3A_1184 = vector.shape_cast %get3A_1183 : vector<1x16xf32> to vector<16xf32>
        %get3A_1185 = arith.index_cast %add3A_1101 : i32 to index
        %get3A_1186 = arith.constant 48 : index
        %get3A_1187 = tpu.vector_load %arg15[%get3A_1185, %get3A_1186] {strides = array<i32>} : memref<64x128xf32, #tpu.memory_space<vmem>>, vector<1x16xf32>,
        %get3A_1188 = vector.shape_cast %get3A_1187 : vector<1x16xf32> to vector<16xf32>
        %add3A_1189 = arith.addf %get3A_1184, %get3A_1188 : vector<16xf32>
        %max3A_1190 = arith.constant 0.000000e+00 : f32
        %max3A_1191 = vector.broadcast %max3A_1190 : f32 to vector<16xf32>
        %max3A_1192 = arith.maximumf %add3A_1189, %max3A_1191 : vector<16xf32>
        %mul3A_1193 = arith.mulf %max3A_1192, %get3A_6 : vector<16xf32>
        %sub3A_1194 = arith.subf %mul3A_1193, %sub3A_91 : vector<16xf32>
        %exp3A_1195 = math.exp %sub3A_1194 : vector<16xf32>
        %swap3A_1196 = arith.index_cast %add3A_1103 : i32 to index
        %swap3A_1197 = arith.constant 48 : index
        %swap3A_1198 = tpu.vector_load %arg16[%swap3A_1196, %swap3A_1197] {strides = array<i32>} : memref<128x128xf32, #tpu.memory_space<vmem>>, vector<1x16xf32>,
        %swap3A_1199 = vector.shape_cast %swap3A_1198 : vector<1x16xf32> to vector<16xf32>
        %swap3A_1200 = vector.shape_cast %exp3A_1195 : vector<16xf32> to vector<1x16xf32>
        tpu.vector_store %arg16[%swap3A_1196, %swap3A_1197], %swap3A_1200 {strides = array<i32>} : memref<128x128xf32, #tpu.memory_space<vmem>>, vector<1x16xf32>,
        %mul3A_1201 = arith.mulf %max3A_1192, %exp3A_1195 : vector<16xf32>
        %swap3A_1202 = arith.index_cast %add3A_1103 : i32 to index
        %swap3A_1203 = arith.constant 112 : index
        %swap3A_1204 = tpu.vector_load %arg16[%swap3A_1202, %swap3A_1203] {strides = array<i32>} : memref<128x128xf32, #tpu.memory_space<vmem>>, vector<1x16xf32>,
        %swap3A_1205 = vector.shape_cast %swap3A_1204 : vector<1x16xf32> to vector<16xf32>
        %swap3A_1206 = vector.shape_cast %mul3A_1201 : vector<16xf32> to vector<1x16xf32>
        tpu.vector_store %arg16[%swap3A_1202, %swap3A_1203], %swap3A_1206 {strides = array<i32>} : memref<128x128xf32, #tpu.memory_space<vmem>>, vector<1x16xf32>,
        %add3A_1207 = arith.constant 64 : i32
        %add3A_1208 = arith.addi %add3A_1207, %add3A_1101 : i32
        %get3A_1209 = arith.index_cast %add3A_1208 : i32 to index
        %get3A_1210 = arith.constant 0 : index
        %get3A_1211 = tpu.vector_load %arg13[%get3A_1209, %get3A_1210] {strides = array<i32>} : memref<128x128xf32, #tpu.memory_space<vmem>>, vector<1x16xf32>,
        %get3A_1212 = vector.shape_cast %get3A_1211 : vector<1x16xf32> to vector<16xf32>
        %get3A_1213 = arith.index_cast %add3A_1101 : i32 to index
        %get3A_1214 = arith.constant 64 : index
        %get3A_1215 = tpu.vector_load %arg15[%get3A_1213, %get3A_1214] {strides = array<i32>} : memref<64x128xf32, #tpu.memory_space<vmem>>, vector<1x16xf32>,
        %get3A_1216 = vector.shape_cast %get3A_1215 : vector<1x16xf32> to vector<16xf32>
        %add3A_1217 = arith.addf %get3A_1212, %get3A_1216 : vector<16xf32>
        %max3A_1218 = arith.constant 0.000000e+00 : f32
        %max3A_1219 = vector.broadcast %max3A_1218 : f32 to vector<16xf32>
        %max3A_1220 = arith.maximumf %add3A_1217, %max3A_1219 : vector<16xf32>
        %mul3A_1221 = arith.mulf %max3A_1220, %get3A_6 : vector<16xf32>
        %sub3A_1222 = arith.subf %mul3A_1221, %sub3A : vector<16xf32>
        %exp3A_1223 = math.exp %sub3A_1222 : vector<16xf32>
        %swap3A_1224 = arith.index_cast %add3A_1208 : i32 to index
        %swap3A_1225 = arith.constant 0 : index
        %swap3A_1226 = tpu.vector_load %arg16[%swap3A_1224, %swap3A_1225] {strides = array<i32>} : memref<128x128xf32, #tpu.memory_space<vmem>>, vector<1x16xf32>,
        %swap3A_1227 = vector.shape_cast %swap3A_1226 : vector<1x16xf32> to vector<16xf32>
        %swap3A_1228 = vector.shape_cast %exp3A_1223 : vector<16xf32> to vector<1x16xf32>
        tpu.vector_store %arg16[%swap3A_1224, %swap3A_1225], %swap3A_1228 {strides = array<i32>} : memref<128x128xf32, #tpu.memory_space<vmem>>, vector<1x16xf32>,
        %mul3A_1229 = arith.mulf %max3A_1220, %exp3A_1223 : vector<16xf32>
        %swap3A_1230 = arith.index_cast %add3A_1208 : i32 to index
        %swap3A_1231 = arith.constant 64 : index
        %swap3A_1232 = tpu.vector_load %arg16[%swap3A_1230, %swap3A_1231] {strides = array<i32>} : memref<128x128xf32, #tpu.memory_space<vmem>>, vector<1x16xf32>,
        %swap3A_1233 = vector.shape_cast %swap3A_1232 : vector<1x16xf32> to vector<16xf32>
        %swap3A_1234 = vector.shape_cast %mul3A_1229 : vector<16xf32> to vector<1x16xf32>
        tpu.vector_store %arg16[%swap3A_1230, %swap3A_1231], %swap3A_1234 {strides = array<i32>} : memref<128x128xf32, #tpu.memory_space<vmem>>, vector<1x16xf32>,
        %get3A_1235 = arith.index_cast %add3A_1208 : i32 to index
        %get3A_1236 = arith.constant 16 : index
        %get3A_1237 = tpu.vector_load %arg13[%get3A_1235, %get3A_1236] {strides = array<i32>} : memref<128x128xf32, #tpu.memory_space<vmem>>, vector<1x16xf32>,
        %get3A_1238 = vector.shape_cast %get3A_1237 : vector<1x16xf32> to vector<16xf32>
        %get3A_1239 = arith.index_cast %add3A_1101 : i32 to index
        %get3A_1240 = arith.constant 80 : index
        %get3A_1241 = tpu.vector_load %arg15[%get3A_1239, %get3A_1240] {strides = array<i32>} : memref<64x128xf32, #tpu.memory_space<vmem>>, vector<1x16xf32>,
        %get3A_1242 = vector.shape_cast %get3A_1241 : vector<1x16xf32> to vector<16xf32>
        %add3A_1243 = arith.addf %get3A_1238, %get3A_1242 : vector<16xf32>
        %max3A_1244 = arith.constant 0.000000e+00 : f32
        %max3A_1245 = vector.broadcast %max3A_1244 : f32 to vector<16xf32>
        %max3A_1246 = arith.maximumf %add3A_1243, %max3A_1245 : vector<16xf32>
        %mul3A_1247 = arith.mulf %max3A_1246, %get3A_6 : vector<16xf32>
        %sub3A_1248 = arith.subf %mul3A_1247, %sub3A_47 : vector<16xf32>
        %exp3A_1249 = math.exp %sub3A_1248 : vector<16xf32>
        %swap3A_1250 = arith.index_cast %add3A_1208 : i32 to index
        %swap3A_1251 = arith.constant 16 : index
        %swap3A_1252 = tpu.vector_load %arg16[%swap3A_1250, %swap3A_1251] {strides = array<i32>} : memref<128x128xf32, #tpu.memory_space<vmem>>, vector<1x16xf32>,
        %swap3A_1253 = vector.shape_cast %swap3A_1252 : vector<1x16xf32> to vector<16xf32>
        %swap3A_1254 = vector.shape_cast %exp3A_1249 : vector<16xf32> to vector<1x16xf32>
        tpu.vector_store %arg16[%swap3A_1250, %swap3A_1251], %swap3A_1254 {strides = array<i32>} : memref<128x128xf32, #tpu.memory_space<vmem>>, vector<1x16xf32>,
        %mul3A_1255 = arith.mulf %max3A_1246, %exp3A_1249 : vector<16xf32>
        %swap3A_1256 = arith.index_cast %add3A_1208 : i32 to index
        %swap3A_1257 = arith.constant 80 : index
        %swap3A_1258 = tpu.vector_load %arg16[%swap3A_1256, %swap3A_1257] {strides = array<i32>} : memref<128x128xf32, #tpu.memory_space<vmem>>, vector<1x16xf32>,
        %swap3A_1259 = vector.shape_cast %swap3A_1258 : vector<1x16xf32> to vector<16xf32>
        %swap3A_1260 = vector.shape_cast %mul3A_1255 : vector<16xf32> to vector<1x16xf32>
        tpu.vector_store %arg16[%swap3A_1256, %swap3A_1257], %swap3A_1260 {strides = array<i32>} : memref<128x128xf32, #tpu.memory_space<vmem>>, vector<1x16xf32>,
        %get3A_1261 = arith.index_cast %add3A_1208 : i32 to index
        %get3A_1262 = arith.constant 32 : index
        %get3A_1263 = tpu.vector_load %arg13[%get3A_1261, %get3A_1262] {strides = array<i32>} : memref<128x128xf32, #tpu.memory_space<vmem>>, vector<1x16xf32>,
        %get3A_1264 = vector.shape_cast %get3A_1263 : vector<1x16xf32> to vector<16xf32>
        %get3A_1265 = arith.index_cast %add3A_1101 : i32 to index
        %get3A_1266 = arith.constant 96 : index
        %get3A_1267 = tpu.vector_load %arg15[%get3A_1265, %get3A_1266] {strides = array<i32>} : memref<64x128xf32, #tpu.memory_space<vmem>>, vector<1x16xf32>,
        %get3A_1268 = vector.shape_cast %get3A_1267 : vector<1x16xf32> to vector<16xf32>
        %add3A_1269 = arith.addf %get3A_1264, %get3A_1268 : vector<16xf32>
        %max3A_1270 = arith.constant 0.000000e+00 : f32
        %max3A_1271 = vector.broadcast %max3A_1270 : f32 to vector<16xf32>
        %max3A_1272 = arith.maximumf %add3A_1269, %max3A_1271 : vector<16xf32>
        %mul3A_1273 = arith.mulf %max3A_1272, %get3A_6 : vector<16xf32>
        %sub3A_1274 = arith.subf %mul3A_1273, %sub3A_69 : vector<16xf32>
        %exp3A_1275 = math.exp %sub3A_1274 : vector<16xf32>
        %swap3A_1276 = arith.index_cast %add3A_1208 : i32 to index
        %swap3A_1277 = arith.constant 32 : index
        %swap3A_1278 = tpu.vector_load %arg16[%swap3A_1276, %swap3A_1277] {strides = array<i32>} : memref<128x128xf32, #tpu.memory_space<vmem>>, vector<1x16xf32>,
        %swap3A_1279 = vector.shape_cast %swap3A_1278 : vector<1x16xf32> to vector<16xf32>
        %swap3A_1280 = vector.shape_cast %exp3A_1275 : vector<16xf32> to vector<1x16xf32>
        tpu.vector_store %arg16[%swap3A_1276, %swap3A_1277], %swap3A_1280 {strides = array<i32>} : memref<128x128xf32, #tpu.memory_space<vmem>>, vector<1x16xf32>,
        %mul3A_1281 = arith.mulf %max3A_1272, %exp3A_1275 : vector<16xf32>
        %swap3A_1282 = arith.index_cast %add3A_1208 : i32 to index
        %swap3A_1283 = arith.constant 96 : index
        %swap3A_1284 = tpu.vector_load %arg16[%swap3A_1282, %swap3A_1283] {strides = array<i32>} : memref<128x128xf32, #tpu.memory_space<vmem>>, vector<1x16xf32>,
        %swap3A_1285 = vector.shape_cast %swap3A_1284 : vector<1x16xf32> to vector<16xf32>
        %swap3A_1286 = vector.shape_cast %mul3A_1281 : vector<16xf32> to vector<1x16xf32>
        tpu.vector_store %arg16[%swap3A_1282, %swap3A_1283], %swap3A_1286 {strides = array<i32>} : memref<128x128xf32, #tpu.memory_space<vmem>>, vector<1x16xf32>,
        %get3A_1287 = arith.index_cast %add3A_1208 : i32 to index
        %get3A_1288 = arith.constant 48 : index
        %get3A_1289 = tpu.vector_load %arg13[%get3A_1287, %get3A_1288] {strides = array<i32>} : memref<128x128xf32, #tpu.memory_space<vmem>>, vector<1x16xf32>,
        %get3A_1290 = vector.shape_cast %get3A_1289 : vector<1x16xf32> to vector<16xf32>
        %get3A_1291 = arith.index_cast %add3A_1101 : i32 to index
        %get3A_1292 = arith.constant 112 : index
        %get3A_1293 = tpu.vector_load %arg15[%get3A_1291, %get3A_1292] {strides = array<i32>} : memref<64x128xf32, #tpu.memory_space<vmem>>, vector<1x16xf32>,
        %get3A_1294 = vector.shape_cast %get3A_1293 : vector<1x16xf32> to vector<16xf32>
        %add3A_1295 = arith.addf %get3A_1290, %get3A_1294 : vector<16xf32>
        %max3A_1296 = arith.constant 0.000000e+00 : f32
        %max3A_1297 = vector.broadcast %max3A_1296 : f32 to vector<16xf32>
        %max3A_1298 = arith.maximumf %add3A_1295, %max3A_1297 : vector<16xf32>
        %mul3A_1299 = arith.mulf %max3A_1298, %get3A_6 : vector<16xf32>
        %sub3A_1300 = arith.subf %mul3A_1299, %sub3A_91 : vector<16xf32>
        %exp3A_1301 = math.exp %sub3A_1300 : vector<16xf32>
        %swap3A_1302 = arith.index_cast %add3A_1208 : i32 to index
        %swap3A_1303 = arith.constant 48 : index
        %swap3A_1304 = tpu.vector_load %arg16[%swap3A_1302, %swap3A_1303] {strides = array<i32>} : memref<128x128xf32, #tpu.memory_space<vmem>>, vector<1x16xf32>,
        %swap3A_1305 = vector.shape_cast %swap3A_1304 : vector<1x16xf32> to vector<16xf32>
        %swap3A_1306 = vector.shape_cast %exp3A_1301 : vector<16xf32> to vector<1x16xf32>
        tpu.vector_store %arg16[%swap3A_1302, %swap3A_1303], %swap3A_1306 {strides = array<i32>} : memref<128x128xf32, #tpu.memory_space<vmem>>, vector<1x16xf32>,
        %mul3A_1307 = arith.mulf %max3A_1298, %exp3A_1301 : vector<16xf32>
        %swap3A_1308 = arith.index_cast %add3A_1208 : i32 to index
        %swap3A_1309 = arith.constant 112 : index
        %swap3A_1310 = tpu.vector_load %arg16[%swap3A_1308, %swap3A_1309] {strides = array<i32>} : memref<128x128xf32, #tpu.memory_space<vmem>>, vector<1x16xf32>,
        %swap3A_1311 = vector.shape_cast %swap3A_1310 : vector<1x16xf32> to vector<16xf32>
        %swap3A_1312 = vector.shape_cast %mul3A_1307 : vector<16xf32> to vector<1x16xf32>
        tpu.vector_store %arg16[%swap3A_1308, %swap3A_1309], %swap3A_1312 {strides = array<i32>} : memref<128x128xf32, #tpu.memory_space<vmem>>, vector<1x16xf32>,
      }
      %scan3A_1088 = arith.constant 64 : i32
      %run_scoped3A_1089 = arith.constant 1 : i32
      "tpu.region"() ({
        %run_scoped3A_1097 = tpu.sem_alloc : memref<!tpu.dma_semaphore, #tpu.memory_space<semaphore_mem>>
        %dma_start3A_1098 = arith.constant 0 : i32
        %dma_start3A_1099 = tpu.memref_slice %arg17[%run_scoped3A_1089, %dma_start3A_1098] : memref<8x128xi32, #tpu.memory_space<vmem>> -> memref<1x128xi32, #tpu.memory_space<vmem>>
        %dma_start3A_1100 = tpu.memref_squeeze %dma_start3A_1099 : memref<1x128xi32, #tpu.memory_space<vmem>> -> memref<128xi32, #tpu.memory_space<vmem>>
        %dma_start3A_1101 = arith.constant 0 : i32
        %dma_start3A_1102 = arith.constant 0 : i32
        %dma_start3A_1103 = tpu.memref_slice %arg21[%dma_start3A_1101, %dma_start3A_1102] : memref<5120x128xf32, #tpu.memory_space<vmem_shared>> -> memref<5120x128xf32, #tpu.memory_space<vmem_shared>>
        tpu.enqueue_indirect_dma source(%arg16 : memref<128x128xf32, #tpu.memory_space<vmem>>) target(%dma_start3A_1103 : memref<5120x128xf32, #tpu.memory_space<vmem_shared>>) offsets(%dma_start3A_1100 : memref<128xi32, #tpu.memory_space<vmem>>) semaphore(%run_scoped3A_1097 : memref<!tpu.dma_semaphore, #tpu.memory_space<semaphore_mem>>) {add = true}
        %dma_wait3A_1104 = arith.constant 0 : i32
        %dma_wait3A_1105 = tpu.memref_slice %arg17[%run_scoped3A_1089, %dma_wait3A_1104] : memref<8x128xi32, #tpu.memory_space<vmem>> -> memref<1x128xi32, #tpu.memory_space<vmem>>
        %dma_wait3A_1106 = tpu.memref_squeeze %dma_wait3A_1105 : memref<1x128xi32, #tpu.memory_space<vmem>> -> memref<128xi32, #tpu.memory_space<vmem>>
        %dma_wait3A_1107 = arith.constant 0 : i32
        %dma_wait3A_1108 = arith.constant 0 : i32
        %dma_wait3A_1109 = tpu.memref_slice %arg21[%dma_wait3A_1107, %dma_wait3A_1108] : memref<5120x128xf32, #tpu.memory_space<vmem_shared>> -> memref<5120x128xf32, #tpu.memory_space<vmem_shared>>
        tpu.wait_indirect_dma semaphore(%run_scoped3A_1097 : memref<!tpu.dma_semaphore, #tpu.memory_space<semaphore_mem>>) src(%arg16 : memref<128x128xf32, #tpu.memory_space<vmem>>) dst(%dma_wait3A_1109 : memref<5120x128xf32, #tpu.memory_space<vmem_shared>>)
        tpu.yield
      }) : () -> ()
      %add3A_1090 = arith.constant 3 : i32
      %add3A_1091 = arith.addi %add3A_518, %add3A_1090 : i32
      %lt3A_1092 = arith.constant 160 : i32
      %lt3A_1093 = arith.cmpi slt, %add3A_1091, %lt3A_1092 : i32
      %convert_element_type3A_1094 = arith.extui %lt3A_1093 : i1 to i32
      %cond3A_1095 = arith.constant 0 : i32
      %cond3A_1096 = arith.cmpi ne, %convert_element_type3A_1094, %cond3A_1095 : i32
      scf.if %cond3A_1096 {
        %add3A_1097 = arith.constant 3 : i32
        %add3A_1098 = arith.addi %add3A_518, %add3A_1097 : i32
        %mul3A_1099 = arith.constant 160 : i32
        %mul3A_1100 = arith.muli %arg1, %mul3A_1099 : i32
        %add3A_1101 = arith.addi %mul3A_1100, %add3A_1098 : i32
        %mul3A_1102 = arith.constant 128 : i32
        %mul3A_1103 = arith.muli %add3A_1101, %mul3A_1102 : i32
        %dma_start3A_1104 = arith.constant 2 : i32
        %dma_start3A_1105 = arith.constant 0 : i32
        %dma_start3A_1106 = tpu.memref_slice %arg11[%dma_start3A_1104, %dma_start3A_1105] : memref<4x128xi32, #tpu.memory_space<vmem>> -> memref<1x128xi32, #tpu.memory_space<vmem>>
        %dma_start3A_1107 = tpu.memref_squeeze %dma_start3A_1106 : memref<1x128xi32, #tpu.memory_space<vmem>> -> memref<128xi32, #tpu.memory_space<vmem>>
        %dma_start3A_1108 = tpu.memref_slice %arg5[%mul3A_1103] : memref<327680xi32, #tpu.memory_space<hbm>> -> memref<128xi32, #tpu.memory_space<hbm>>
        %dma_start3A_1109 = arith.constant 0 : i32
        %dma_start3A_1110 = tpu.memref_slice %arg11[%dma_start3A_1104, %dma_start3A_1109] : memref<4x128xi32, #tpu.memory_space<vmem>> -> memref<1x128xi32, #tpu.memory_space<vmem>>
        %dma_start3A_1111 = tpu.memref_squeeze %dma_start3A_1110 : memref<1x128xi32, #tpu.memory_space<vmem>> -> memref<128xi32, #tpu.memory_space<vmem>>
        %dma_start3A_1112 = tpu.memref_slice %arg5[%mul3A_1103] : memref<327680xi32, #tpu.memory_space<hbm>> -> memref<128xi32, #tpu.memory_space<hbm>>
        tpu.enqueue_dma source(%dma_start3A_1112 : memref<128xi32, #tpu.memory_space<hbm>>) target(%dma_start3A_1111 : memref<128xi32, #tpu.memory_space<vmem>>) target_semaphore(%arg27 : memref<!tpu.dma_semaphore, #tpu.memory_space<semaphore_mem>>)
        %dma_start3A_1113 = arith.constant 3 : i32
        %dma_start3A_1114 = arith.constant 0 : i32
        %dma_start3A_1115 = tpu.memref_slice %arg11[%dma_start3A_1113, %dma_start3A_1114] : memref<4x128xi32, #tpu.memory_space<vmem>> -> memref<1x128xi32, #tpu.memory_space<vmem>>
        %dma_start3A_1116 = tpu.memref_squeeze %dma_start3A_1115 : memref<1x128xi32, #tpu.memory_space<vmem>> -> memref<128xi32, #tpu.memory_space<vmem>>
        %dma_start3A_1117 = tpu.memref_slice %arg6[%mul3A_1103] : memref<327680xi32, #tpu.memory_space<hbm>> -> memref<128xi32, #tpu.memory_space<hbm>>
        %dma_start3A_1118 = arith.constant 0 : i32
        %dma_start3A_1119 = tpu.memref_slice %arg11[%dma_start3A_1113, %dma_start3A_1118] : memref<4x128xi32, #tpu.memory_space<vmem>> -> memref<1x128xi32, #tpu.memory_space<vmem>>
        %dma_start3A_1120 = tpu.memref_squeeze %dma_start3A_1119 : memref<1x128xi32, #tpu.memory_space<vmem>> -> memref<128xi32, #tpu.memory_space<vmem>>
        %dma_start3A_1121 = tpu.memref_slice %arg6[%mul3A_1103] : memref<327680xi32, #tpu.memory_space<hbm>> -> memref<128xi32, #tpu.memory_space<hbm>>
        tpu.enqueue_dma source(%dma_start3A_1121 : memref<128xi32, #tpu.memory_space<hbm>>) target(%dma_start3A_1120 : memref<128xi32, #tpu.memory_space<vmem>>) target_semaphore(%arg27 : memref<!tpu.dma_semaphore, #tpu.memory_space<semaphore_mem>>)
      } else {
      }
    }
    %scan3A_299 = arith.constant 80 : i32
    %barrier3A_300 = arith.constant 0 : index
    tpu.barrier barrier_id(%barrier3A_300)
    %run_scoped3A = arith.constant 0 : i32
    "tpu.region"() ({
      %run_scoped3A_514 = tpu.sem_alloc : memref<!tpu.dma_semaphore, #tpu.memory_space<semaphore_mem>>
      %dma_start3A_515 = arith.constant 0 : i32
      %dma_start3A_516 = tpu.memref_slice %arg10[%arg0, %run_scoped3A, %mul3A_0, %dma_start3A_515] : memref<2x2x5120x128xf32, #tpu.memory_space<hbm>> -> memref<1x1x320x128xf32, #tpu.memory_space<hbm>>
      %dma_start3A_517 = tpu.memref_squeeze %dma_start3A_516 : memref<1x1x320x128xf32, #tpu.memory_space<hbm>> -> memref<320x128xf32, #tpu.memory_space<hbm>>
      %dma_start3A_518 = arith.constant 0 : i32
      %dma_start3A_519 = tpu.memref_slice %arg21[%mul3A_0, %dma_start3A_518] : memref<5120x128xf32, #tpu.memory_space<vmem_shared>> -> memref<320x128xf32, #tpu.memory_space<vmem_shared>>
      tpu.enqueue_dma source(%dma_start3A_519 : memref<320x128xf32, #tpu.memory_space<vmem_shared>>) target(%dma_start3A_517 : memref<320x128xf32, #tpu.memory_space<hbm>>) target_semaphore(%run_scoped3A_514 : memref<!tpu.dma_semaphore, #tpu.memory_space<semaphore_mem>>)
      %dma_wait3A_520 = arith.constant 0 : i32
      %dma_wait3A_521 = tpu.memref_slice %arg10[%arg0, %run_scoped3A, %mul3A_0, %dma_wait3A_520] : memref<2x2x5120x128xf32, #tpu.memory_space<hbm>> -> memref<1x1x320x128xf32, #tpu.memory_space<hbm>>
      %dma_wait3A_522 = tpu.memref_squeeze %dma_wait3A_521 : memref<1x1x320x128xf32, #tpu.memory_space<hbm>> -> memref<320x128xf32, #tpu.memory_space<hbm>>
      %dma_wait3A_523 = arith.constant 0 : i32
      %dma_wait3A_524 = tpu.memref_slice %arg21[%mul3A_0, %dma_wait3A_523] : memref<5120x128xf32, #tpu.memory_space<vmem_shared>> -> memref<320x128xf32, #tpu.memory_space<vmem_shared>>
      tpu.wait_dma2 semaphore(%run_scoped3A_514 : memref<!tpu.dma_semaphore, #tpu.memory_space<semaphore_mem>>) src(%dma_wait3A_524 : memref<320x128xf32, #tpu.memory_space<vmem_shared>>) dst(%dma_wait3A_522 : memref<320x128xf32, #tpu.memory_space<hbm>>)
      tpu.yield
    }) : () -> ()
    %barrier3A_301 = arith.constant 0 : index
    tpu.barrier barrier_id(%barrier3A_301)
    %scan3A_302 = arith.constant 0 : i32
    %scan3A_303 = arith.constant 128 : i32
    %scan3A_304 = arith.addi %scan3A_302, %scan3A_303 : i32
    %scan3A_305 = arith.constant 1 : i32
    scf.for %scan3A_514 = %scan3A_302 to %scan3A_304 step %scan3A_305  : i32 {
      %mul3A_515 = arith.constant 1 : i32
      %mul3A_516 = arith.muli %scan3A_514, %mul3A_515 : i32
      %add3A_517 = arith.constant 0 : i32
      %add3A_518 = arith.addi %add3A_517, %mul3A_516 : i32
      %broadcast_in_dim3A = arith.constant 0.000000e+00 : f32
      %broadcast_in_dim3A_519 = vector.broadcast %broadcast_in_dim3A : f32 to vector<16xf32>
      %swap3A_520 = arith.index_cast %add3A_518 : i32 to index
      %swap3A_521 = arith.constant 0 : index
      %swap3A_522 = tpu.vector_load %arg16[%swap3A_520, %swap3A_521] {strides = array<i32>} : memref<128x128xf32, #tpu.memory_space<vmem>>, vector<1x16xf32>,
      %swap3A_523 = vector.shape_cast %swap3A_522 : vector<1x16xf32> to vector<16xf32>
      %swap3A_524 = vector.shape_cast %broadcast_in_dim3A_519 : vector<16xf32> to vector<1x16xf32>
      tpu.vector_store %arg16[%swap3A_520, %swap3A_521], %swap3A_524 {strides = array<i32>} : memref<128x128xf32, #tpu.memory_space<vmem>>, vector<1x16xf32>,
      %broadcast_in_dim3A_525 = arith.constant 0.000000e+00 : f32
      %broadcast_in_dim3A_526 = vector.broadcast %broadcast_in_dim3A_525 : f32 to vector<16xf32>
      %swap3A_527 = arith.index_cast %add3A_518 : i32 to index
      %swap3A_528 = arith.constant 16 : index
      %swap3A_529 = tpu.vector_load %arg16[%swap3A_527, %swap3A_528] {strides = array<i32>} : memref<128x128xf32, #tpu.memory_space<vmem>>, vector<1x16xf32>,
      %swap3A_530 = vector.shape_cast %swap3A_529 : vector<1x16xf32> to vector<16xf32>
      %swap3A_531 = vector.shape_cast %broadcast_in_dim3A_526 : vector<16xf32> to vector<1x16xf32>
      tpu.vector_store %arg16[%swap3A_527, %swap3A_528], %swap3A_531 {strides = array<i32>} : memref<128x128xf32, #tpu.memory_space<vmem>>, vector<1x16xf32>,
      %broadcast_in_dim3A_532 = arith.constant 0.000000e+00 : f32
      %broadcast_in_dim3A_533 = vector.broadcast %broadcast_in_dim3A_532 : f32 to vector<16xf32>
      %swap3A_534 = arith.index_cast %add3A_518 : i32 to index
      %swap3A_535 = arith.constant 32 : index
      %swap3A_536 = tpu.vector_load %arg16[%swap3A_534, %swap3A_535] {strides = array<i32>} : memref<128x128xf32, #tpu.memory_space<vmem>>, vector<1x16xf32>,
      %swap3A_537 = vector.shape_cast %swap3A_536 : vector<1x16xf32> to vector<16xf32>
      %swap3A_538 = vector.shape_cast %broadcast_in_dim3A_533 : vector<16xf32> to vector<1x16xf32>
      tpu.vector_store %arg16[%swap3A_534, %swap3A_535], %swap3A_538 {strides = array<i32>} : memref<128x128xf32, #tpu.memory_space<vmem>>, vector<1x16xf32>,
      %broadcast_in_dim3A_539 = arith.constant 0.000000e+00 : f32
      %broadcast_in_dim3A_540 = vector.broadcast %broadcast_in_dim3A_539 : f32 to vector<16xf32>
      %swap3A_541 = arith.index_cast %add3A_518 : i32 to index
      %swap3A_542 = arith.constant 48 : index
      %swap3A_543 = tpu.vector_load %arg16[%swap3A_541, %swap3A_542] {strides = array<i32>} : memref<128x128xf32, #tpu.memory_space<vmem>>, vector<1x16xf32>,
      %swap3A_544 = vector.shape_cast %swap3A_543 : vector<1x16xf32> to vector<16xf32>
      %swap3A_545 = vector.shape_cast %broadcast_in_dim3A_540 : vector<16xf32> to vector<1x16xf32>
      tpu.vector_store %arg16[%swap3A_541, %swap3A_542], %swap3A_545 {strides = array<i32>} : memref<128x128xf32, #tpu.memory_space<vmem>>, vector<1x16xf32>,
      %broadcast_in_dim3A_546 = arith.constant 0.000000e+00 : f32
      %broadcast_in_dim3A_547 = vector.broadcast %broadcast_in_dim3A_546 : f32 to vector<16xf32>
      %swap3A_548 = arith.index_cast %add3A_518 : i32 to index
      %swap3A_549 = arith.constant 64 : index
      %swap3A_550 = tpu.vector_load %arg16[%swap3A_548, %swap3A_549] {strides = array<i32>} : memref<128x128xf32, #tpu.memory_space<vmem>>, vector<1x16xf32>,
      %swap3A_551 = vector.shape_cast %swap3A_550 : vector<1x16xf32> to vector<16xf32>
      %swap3A_552 = vector.shape_cast %broadcast_in_dim3A_547 : vector<16xf32> to vector<1x16xf32>
      tpu.vector_store %arg16[%swap3A_548, %swap3A_549], %swap3A_552 {strides = array<i32>} : memref<128x128xf32, #tpu.memory_space<vmem>>, vector<1x16xf32>,
      %broadcast_in_dim3A_553 = arith.constant 0.000000e+00 : f32
      %broadcast_in_dim3A_554 = vector.broadcast %broadcast_in_dim3A_553 : f32 to vector<16xf32>
      %swap3A_555 = arith.index_cast %add3A_518 : i32 to index
      %swap3A_556 = arith.constant 80 : index
      %swap3A_557 = tpu.vector_load %arg16[%swap3A_555, %swap3A_556] {strides = array<i32>} : memref<128x128xf32, #tpu.memory_space<vmem>>, vector<1x16xf32>,
      %swap3A_558 = vector.shape_cast %swap3A_557 : vector<1x16xf32> to vector<16xf32>
      %swap3A_559 = vector.shape_cast %broadcast_in_dim3A_554 : vector<16xf32> to vector<1x16xf32>
      tpu.vector_store %arg16[%swap3A_555, %swap3A_556], %swap3A_559 {strides = array<i32>} : memref<128x128xf32, #tpu.memory_space<vmem>>, vector<1x16xf32>,
      %broadcast_in_dim3A_560 = arith.constant 0.000000e+00 : f32
      %broadcast_in_dim3A_561 = vector.broadcast %broadcast_in_dim3A_560 : f32 to vector<16xf32>
      %swap3A_562 = arith.index_cast %add3A_518 : i32 to index
      %swap3A_563 = arith.constant 96 : index
      %swap3A_564 = tpu.vector_load %arg16[%swap3A_562, %swap3A_563] {strides = array<i32>} : memref<128x128xf32, #tpu.memory_space<vmem>>, vector<1x16xf32>,
      %swap3A_565 = vector.shape_cast %swap3A_564 : vector<1x16xf32> to vector<16xf32>
      %swap3A_566 = vector.shape_cast %broadcast_in_dim3A_561 : vector<16xf32> to vector<1x16xf32>
      tpu.vector_store %arg16[%swap3A_562, %swap3A_563], %swap3A_566 {strides = array<i32>} : memref<128x128xf32, #tpu.memory_space<vmem>>, vector<1x16xf32>,
      %broadcast_in_dim3A_567 = arith.constant 0.000000e+00 : f32
      %broadcast_in_dim3A_568 = vector.broadcast %broadcast_in_dim3A_567 : f32 to vector<16xf32>
      %swap3A_569 = arith.index_cast %add3A_518 : i32 to index
      %swap3A_570 = arith.constant 112 : index
      %swap3A_571 = tpu.vector_load %arg16[%swap3A_569, %swap3A_570] {strides = array<i32>} : memref<128x128xf32, #tpu.memory_space<vmem>>, vector<1x16xf32>,
      %swap3A_572 = vector.shape_cast %swap3A_571 : vector<1x16xf32> to vector<16xf32>
      %swap3A_573 = vector.shape_cast %broadcast_in_dim3A_568 : vector<16xf32> to vector<1x16xf32>
      tpu.vector_store %arg16[%swap3A_569, %swap3A_570], %swap3A_573 {strides = array<i32>} : memref<128x128xf32, #tpu.memory_space<vmem>>, vector<1x16xf32>,
    }
    %scan3A_306 = arith.constant 128 : i32
    %add3A_307 = arith.constant 0 : i32
    %add3A_308 = arith.addi %mul3A_0, %add3A_307 : i32
    "tpu.region"() ({
      %run_scoped3A_514 = tpu.sem_alloc : memref<!tpu.dma_semaphore, #tpu.memory_space<semaphore_mem>>
      %dma_start3A_515 = arith.constant 0 : i32
      %dma_start3A_516 = tpu.memref_slice %arg21[%add3A_308, %dma_start3A_515] : memref<5120x128xf32, #tpu.memory_space<vmem_shared>> -> memref<128x128xf32, #tpu.memory_space<vmem_shared>>
      %dma_start3A_517 = arith.constant 0 : i32
      %dma_start3A_518 = tpu.memref_slice %arg21[%add3A_308, %dma_start3A_517] : memref<5120x128xf32, #tpu.memory_space<vmem_shared>> -> memref<128x128xf32, #tpu.memory_space<vmem_shared>>
      tpu.enqueue_dma source(%arg16 : memref<128x128xf32, #tpu.memory_space<vmem>>) target(%dma_start3A_518 : memref<128x128xf32, #tpu.memory_space<vmem_shared>>) target_semaphore(%run_scoped3A_514 : memref<!tpu.dma_semaphore, #tpu.memory_space<semaphore_mem>>)
      %dma_wait3A_519 = arith.constant 0 : i32
      %dma_wait3A_520 = tpu.memref_slice %arg21[%add3A_308, %dma_wait3A_519] : memref<5120x128xf32, #tpu.memory_space<vmem_shared>> -> memref<128x128xf32, #tpu.memory_space<vmem_shared>>
      %dma_wait3A_521 = arith.constant 0 : i32
      %dma_wait3A_522 = tpu.memref_slice %arg21[%add3A_308, %dma_wait3A_521] : memref<5120x128xf32, #tpu.memory_space<vmem_shared>> -> memref<128x128xf32, #tpu.memory_space<vmem_shared>>
      tpu.wait_dma2 semaphore(%run_scoped3A_514 : memref<!tpu.dma_semaphore, #tpu.memory_space<semaphore_mem>>) src(%arg16 : memref<128x128xf32, #tpu.memory_space<vmem>>) dst(%dma_wait3A_522 : memref<128x128xf32, #tpu.memory_space<vmem_shared>>)
      tpu.yield
    }) : () -> ()
    %add3A_309 = arith.constant 128 : i32
    %add3A_310 = arith.addi %mul3A_0, %add3A_309 : i32
    "tpu.region"() ({
      %run_scoped3A_514 = tpu.sem_alloc : memref<!tpu.dma_semaphore, #tpu.memory_space<semaphore_mem>>
      %dma_start3A_515 = arith.constant 0 : i32
      %dma_start3A_516 = tpu.memref_slice %arg21[%add3A_310, %dma_start3A_515] : memref<5120x128xf32, #tpu.memory_space<vmem_shared>> -> memref<128x128xf32, #tpu.memory_space<vmem_shared>>
      %dma_start3A_517 = arith.constant 0 : i32
      %dma_start3A_518 = tpu.memref_slice %arg21[%add3A_310, %dma_start3A_517] : memref<5120x128xf32, #tpu.memory_space<vmem_shared>> -> memref<128x128xf32, #tpu.memory_space<vmem_shared>>
      tpu.enqueue_dma source(%arg16 : memref<128x128xf32, #tpu.memory_space<vmem>>) target(%dma_start3A_518 : memref<128x128xf32, #tpu.memory_space<vmem_shared>>) target_semaphore(%run_scoped3A_514 : memref<!tpu.dma_semaphore, #tpu.memory_space<semaphore_mem>>)
      %dma_wait3A_519 = arith.constant 0 : i32
      %dma_wait3A_520 = tpu.memref_slice %arg21[%add3A_310, %dma_wait3A_519] : memref<5120x128xf32, #tpu.memory_space<vmem_shared>> -> memref<128x128xf32, #tpu.memory_space<vmem_shared>>
      %dma_wait3A_521 = arith.constant 0 : i32
      %dma_wait3A_522 = tpu.memref_slice %arg21[%add3A_310, %dma_wait3A_521] : memref<5120x128xf32, #tpu.memory_space<vmem_shared>> -> memref<128x128xf32, #tpu.memory_space<vmem_shared>>
      tpu.wait_dma2 semaphore(%run_scoped3A_514 : memref<!tpu.dma_semaphore, #tpu.memory_space<semaphore_mem>>) src(%arg16 : memref<128x128xf32, #tpu.memory_space<vmem>>) dst(%dma_wait3A_522 : memref<128x128xf32, #tpu.memory_space<vmem_shared>>)
      tpu.yield
    }) : () -> ()
    %add3A_311 = arith.constant 256 : i32
    %add3A_312 = arith.addi %mul3A_0, %add3A_311 : i32
    "tpu.region"() ({
      %run_scoped3A_514 = tpu.sem_alloc : memref<!tpu.dma_semaphore, #tpu.memory_space<semaphore_mem>>
      %dma_start3A_515 = arith.constant 0 : i32
      %dma_start3A_516 = arith.constant 0 : i32
      %dma_start3A_517 = tpu.memref_slice %arg16[%dma_start3A_515, %dma_start3A_516] : memref<128x128xf32, #tpu.memory_space<vmem>> -> memref<64x128xf32, #tpu.memory_space<vmem>>
      %dma_start3A_518 = arith.constant 0 : i32
      %dma_start3A_519 = tpu.memref_slice %arg21[%add3A_312, %dma_start3A_518] : memref<5120x128xf32, #tpu.memory_space<vmem_shared>> -> memref<64x128xf32, #tpu.memory_space<vmem_shared>>
      %dma_start3A_520 = arith.constant 0 : i32
      %dma_start3A_521 = tpu.memref_slice %arg21[%add3A_312, %dma_start3A_520] : memref<5120x128xf32, #tpu.memory_space<vmem_shared>> -> memref<64x128xf32, #tpu.memory_space<vmem_shared>>
      %dma_start3A_522 = arith.constant 0 : i32
      %dma_start3A_523 = arith.constant 0 : i32
      %dma_start3A_524 = tpu.memref_slice %arg16[%dma_start3A_522, %dma_start3A_523] : memref<128x128xf32, #tpu.memory_space<vmem>> -> memref<64x128xf32, #tpu.memory_space<vmem>>
      tpu.enqueue_dma source(%dma_start3A_524 : memref<64x128xf32, #tpu.memory_space<vmem>>) target(%dma_start3A_521 : memref<64x128xf32, #tpu.memory_space<vmem_shared>>) target_semaphore(%run_scoped3A_514 : memref<!tpu.dma_semaphore, #tpu.memory_space<semaphore_mem>>)
      %dma_wait3A_525 = arith.constant 0 : i32
      %dma_wait3A_526 = arith.constant 0 : i32
      %dma_wait3A_527 = tpu.memref_slice %arg16[%dma_wait3A_525, %dma_wait3A_526] : memref<128x128xf32, #tpu.memory_space<vmem>> -> memref<64x128xf32, #tpu.memory_space<vmem>>
      %dma_wait3A_528 = arith.constant 0 : i32
      %dma_wait3A_529 = tpu.memref_slice %arg21[%add3A_312, %dma_wait3A_528] : memref<5120x128xf32, #tpu.memory_space<vmem_shared>> -> memref<64x128xf32, #tpu.memory_space<vmem_shared>>
      %dma_wait3A_530 = arith.constant 0 : i32
      %dma_wait3A_531 = tpu.memref_slice %arg21[%add3A_312, %dma_wait3A_530] : memref<5120x128xf32, #tpu.memory_space<vmem_shared>> -> memref<64x128xf32, #tpu.memory_space<vmem_shared>>
      %dma_wait3A_532 = arith.constant 0 : i32
      %dma_wait3A_533 = arith.constant 0 : i32
      %dma_wait3A_534 = tpu.memref_slice %arg16[%dma_wait3A_532, %dma_wait3A_533] : memref<128x128xf32, #tpu.memory_space<vmem>> -> memref<64x128xf32, #tpu.memory_space<vmem>>
      tpu.wait_dma2 semaphore(%run_scoped3A_514 : memref<!tpu.dma_semaphore, #tpu.memory_space<semaphore_mem>>) src(%dma_wait3A_534 : memref<64x128xf32, #tpu.memory_space<vmem>>) dst(%dma_wait3A_531 : memref<64x128xf32, #tpu.memory_space<vmem_shared>>)
      tpu.yield
    }) : () -> ()
    %barrier3A_313 = arith.constant 0 : index
    tpu.barrier barrier_id(%barrier3A_313)
    %mul3A_314 = arith.constant 160 : i32
    %mul3A_315 = arith.muli %arg1, %mul3A_314 : i32
    %add3A_316 = arith.constant 0 : i32
    %add3A_317 = arith.addi %mul3A_315, %add3A_316 : i32
    %mul3A_318 = arith.constant 128 : i32
    %mul3A_319 = arith.muli %add3A_317, %mul3A_318 : i32
    %dma_start3A_320 = arith.constant 0 : i32
    %dma_start3A_321 = arith.constant 0 : i32
    %dma_start3A_322 = tpu.memref_slice %arg11[%dma_start3A_320, %dma_start3A_321] : memref<4x128xi32, #tpu.memory_space<vmem>> -> memref<1x128xi32, #tpu.memory_space<vmem>>
    %dma_start3A_323 = tpu.memref_squeeze %dma_start3A_322 : memref<1x128xi32, #tpu.memory_space<vmem>> -> memref<128xi32, #tpu.memory_space<vmem>>
    %dma_start3A_324 = tpu.memref_slice %arg5[%mul3A_319] : memref<327680xi32, #tpu.memory_space<hbm>> -> memref<128xi32, #tpu.memory_space<hbm>>
    %dma_start3A_325 = arith.constant 0 : i32
    %dma_start3A_326 = tpu.memref_slice %arg11[%dma_start3A_320, %dma_start3A_325] : memref<4x128xi32, #tpu.memory_space<vmem>> -> memref<1x128xi32, #tpu.memory_space<vmem>>
    %dma_start3A_327 = tpu.memref_squeeze %dma_start3A_326 : memref<1x128xi32, #tpu.memory_space<vmem>> -> memref<128xi32, #tpu.memory_space<vmem>>
    %dma_start3A_328 = tpu.memref_slice %arg5[%mul3A_319] : memref<327680xi32, #tpu.memory_space<hbm>> -> memref<128xi32, #tpu.memory_space<hbm>>
    tpu.enqueue_dma source(%dma_start3A_328 : memref<128xi32, #tpu.memory_space<hbm>>) target(%dma_start3A_327 : memref<128xi32, #tpu.memory_space<vmem>>) target_semaphore(%arg26 : memref<!tpu.dma_semaphore, #tpu.memory_space<semaphore_mem>>)
    %dma_start3A_329 = arith.constant 1 : i32
    %dma_start3A_330 = arith.constant 0 : i32
    %dma_start3A_331 = tpu.memref_slice %arg11[%dma_start3A_329, %dma_start3A_330] : memref<4x128xi32, #tpu.memory_space<vmem>> -> memref<1x128xi32, #tpu.memory_space<vmem>>
    %dma_start3A_332 = tpu.memref_squeeze %dma_start3A_331 : memref<1x128xi32, #tpu.memory_space<vmem>> -> memref<128xi32, #tpu.memory_space<vmem>>
    %dma_start3A_333 = tpu.memref_slice %arg6[%mul3A_319] : memref<327680xi32, #tpu.memory_space<hbm>> -> memref<128xi32, #tpu.memory_space<hbm>>
    %dma_start3A_334 = arith.constant 0 : i32
    %dma_start3A_335 = tpu.memref_slice %arg11[%dma_start3A_329, %dma_start3A_334] : memref<4x128xi32, #tpu.memory_space<vmem>> -> memref<1x128xi32, #tpu.memory_space<vmem>>
    %dma_start3A_336 = tpu.memref_squeeze %dma_start3A_335 : memref<1x128xi32, #tpu.memory_space<vmem>> -> memref<128xi32, #tpu.memory_space<vmem>>
    %dma_start3A_337 = tpu.memref_slice %arg6[%mul3A_319] : memref<327680xi32, #tpu.memory_space<hbm>> -> memref<128xi32, #tpu.memory_space<hbm>>
    tpu.enqueue_dma source(%dma_start3A_337 : memref<128xi32, #tpu.memory_space<hbm>>) target(%dma_start3A_336 : memref<128xi32, #tpu.memory_space<vmem>>) target_semaphore(%arg26 : memref<!tpu.dma_semaphore, #tpu.memory_space<semaphore_mem>>)
    %dma_wait3A_338 = arith.constant 0 : i32
    %dma_wait3A_339 = arith.constant 0 : i32
    %dma_wait3A_340 = tpu.memref_slice %arg11[%dma_wait3A_338, %dma_wait3A_339] : memref<4x128xi32, #tpu.memory_space<vmem>> -> memref<1x128xi32, #tpu.memory_space<vmem>>
    %dma_wait3A_341 = tpu.memref_squeeze %dma_wait3A_340 : memref<1x128xi32, #tpu.memory_space<vmem>> -> memref<128xi32, #tpu.memory_space<vmem>>
    %dma_wait3A_342 = arith.constant 0 : i32
    %dma_wait3A_343 = tpu.memref_slice %arg5[%dma_wait3A_342] : memref<327680xi32, #tpu.memory_space<hbm>> -> memref<128xi32, #tpu.memory_space<hbm>>
    %dma_wait3A_344 = arith.constant 0 : i32
    %dma_wait3A_345 = tpu.memref_slice %arg11[%dma_wait3A_338, %dma_wait3A_344] : memref<4x128xi32, #tpu.memory_space<vmem>> -> memref<1x128xi32, #tpu.memory_space<vmem>>
    %dma_wait3A_346 = tpu.memref_squeeze %dma_wait3A_345 : memref<1x128xi32, #tpu.memory_space<vmem>> -> memref<128xi32, #tpu.memory_space<vmem>>
    %dma_wait3A_347 = arith.constant 0 : i32
    %dma_wait3A_348 = tpu.memref_slice %arg5[%dma_wait3A_347] : memref<327680xi32, #tpu.memory_space<hbm>> -> memref<128xi32, #tpu.memory_space<hbm>>
    tpu.wait_dma2 semaphore(%arg26 : memref<!tpu.dma_semaphore, #tpu.memory_space<semaphore_mem>>) src(%dma_wait3A_348 : memref<128xi32, #tpu.memory_space<hbm>>) dst(%dma_wait3A_346 : memref<128xi32, #tpu.memory_space<vmem>>)
    %dma_wait3A_349 = arith.constant 0 : i32
    %dma_wait3A_350 = arith.constant 0 : i32
    %dma_wait3A_351 = tpu.memref_slice %arg11[%dma_wait3A_349, %dma_wait3A_350] : memref<4x128xi32, #tpu.memory_space<vmem>> -> memref<1x128xi32, #tpu.memory_space<vmem>>
    %dma_wait3A_352 = tpu.memref_squeeze %dma_wait3A_351 : memref<1x128xi32, #tpu.memory_space<vmem>> -> memref<128xi32, #tpu.memory_space<vmem>>
    %dma_wait3A_353 = arith.constant 0 : i32
    %dma_wait3A_354 = tpu.memref_slice %arg5[%dma_wait3A_353] : memref<327680xi32, #tpu.memory_space<hbm>> -> memref<128xi32, #tpu.memory_space<hbm>>
    %dma_wait3A_355 = arith.constant 0 : i32
    %dma_wait3A_356 = tpu.memref_slice %arg11[%dma_wait3A_349, %dma_wait3A_355] : memref<4x128xi32, #tpu.memory_space<vmem>> -> memref<1x128xi32, #tpu.memory_space<vmem>>
    %dma_wait3A_357 = tpu.memref_squeeze %dma_wait3A_356 : memref<1x128xi32, #tpu.memory_space<vmem>> -> memref<128xi32, #tpu.memory_space<vmem>>
    %dma_wait3A_358 = arith.constant 0 : i32
    %dma_wait3A_359 = tpu.memref_slice %arg5[%dma_wait3A_358] : memref<327680xi32, #tpu.memory_space<hbm>> -> memref<128xi32, #tpu.memory_space<hbm>>
    tpu.wait_dma2 semaphore(%arg26 : memref<!tpu.dma_semaphore, #tpu.memory_space<semaphore_mem>>) src(%dma_wait3A_359 : memref<128xi32, #tpu.memory_space<hbm>>) dst(%dma_wait3A_357 : memref<128xi32, #tpu.memory_space<vmem>>)
    %get3A_360 = arith.constant 0 : i32
    %get3A_361 = arith.index_cast %get3A_360 : i32 to index
    %get3A_362 = arith.constant 0 : index
    %get3A_363 = tpu.vector_load %arg11[%get3A_361, %get3A_362] {strides = array<i32>} : memref<4x128xi32, #tpu.memory_space<vmem>>, vector<1x16xi32>,
    %get3A_364 = vector.shape_cast %get3A_363 : vector<1x16xi32> to vector<16xi32>
    %add3A_365 = vector.broadcast %mul3A_93 : i32 to vector<16xi32>
    %add3A_366 = arith.addi %get3A_364, %add3A_365 : vector<16xi32>
    %swap3A_367 = arith.constant 0 : i32
    %swap3A_368 = arith.index_cast %swap3A_367 : i32 to index
    %swap3A_369 = arith.constant 0 : index
    %swap3A_370 = tpu.vector_load %arg11[%swap3A_368, %swap3A_369] {strides = array<i32>} : memref<4x128xi32, #tpu.memory_space<vmem>>, vector<1x16xi32>,
    %swap3A_371 = vector.shape_cast %swap3A_370 : vector<1x16xi32> to vector<16xi32>
    %swap3A_372 = vector.shape_cast %add3A_366 : vector<16xi32> to vector<1x16xi32>
    tpu.vector_store %arg11[%swap3A_368, %swap3A_369], %swap3A_372 {strides = array<i32>} : memref<4x128xi32, #tpu.memory_space<vmem>>, vector<1x16xi32>,
    %get3A_373 = arith.constant 0 : i32
    %get3A_374 = arith.index_cast %get3A_373 : i32 to index
    %get3A_375 = arith.constant 16 : index
    %get3A_376 = tpu.vector_load %arg11[%get3A_374, %get3A_375] {strides = array<i32>} : memref<4x128xi32, #tpu.memory_space<vmem>>, vector<1x16xi32>,
    %get3A_377 = vector.shape_cast %get3A_376 : vector<1x16xi32> to vector<16xi32>
    %add3A_378 = vector.broadcast %mul3A_93 : i32 to vector<16xi32>
    %add3A_379 = arith.addi %get3A_377, %add3A_378 : vector<16xi32>
    %swap3A_380 = arith.constant 0 : i32
    %swap3A_381 = arith.index_cast %swap3A_380 : i32 to index
    %swap3A_382 = arith.constant 16 : index
    %swap3A_383 = tpu.vector_load %arg11[%swap3A_381, %swap3A_382] {strides = array<i32>} : memref<4x128xi32, #tpu.memory_space<vmem>>, vector<1x16xi32>,
    %swap3A_384 = vector.shape_cast %swap3A_383 : vector<1x16xi32> to vector<16xi32>
    %swap3A_385 = vector.shape_cast %add3A_379 : vector<16xi32> to vector<1x16xi32>
    tpu.vector_store %arg11[%swap3A_381, %swap3A_382], %swap3A_385 {strides = array<i32>} : memref<4x128xi32, #tpu.memory_space<vmem>>, vector<1x16xi32>,
    %get3A_386 = arith.constant 0 : i32
    %get3A_387 = arith.index_cast %get3A_386 : i32 to index
    %get3A_388 = arith.constant 32 : index
    %get3A_389 = tpu.vector_load %arg11[%get3A_387, %get3A_388] {strides = array<i32>} : memref<4x128xi32, #tpu.memory_space<vmem>>, vector<1x16xi32>,
    %get3A_390 = vector.shape_cast %get3A_389 : vector<1x16xi32> to vector<16xi32>
    %add3A_391 = vector.broadcast %mul3A_93 : i32 to vector<16xi32>
    %add3A_392 = arith.addi %get3A_390, %add3A_391 : vector<16xi32>
    %swap3A_393 = arith.constant 0 : i32
    %swap3A_394 = arith.index_cast %swap3A_393 : i32 to index
    %swap3A_395 = arith.constant 32 : index
    %swap3A_396 = tpu.vector_load %arg11[%swap3A_394, %swap3A_395] {strides = array<i32>} : memref<4x128xi32, #tpu.memory_space<vmem>>, vector<1x16xi32>,
    %swap3A_397 = vector.shape_cast %swap3A_396 : vector<1x16xi32> to vector<16xi32>
    %swap3A_398 = vector.shape_cast %add3A_392 : vector<16xi32> to vector<1x16xi32>
    tpu.vector_store %arg11[%swap3A_394, %swap3A_395], %swap3A_398 {strides = array<i32>} : memref<4x128xi32, #tpu.memory_space<vmem>>, vector<1x16xi32>,
    %get3A_399 = arith.constant 0 : i32
    %get3A_400 = arith.index_cast %get3A_399 : i32 to index
    %get3A_401 = arith.constant 48 : index
    %get3A_402 = tpu.vector_load %arg11[%get3A_400, %get3A_401] {strides = array<i32>} : memref<4x128xi32, #tpu.memory_space<vmem>>, vector<1x16xi32>,
    %get3A_403 = vector.shape_cast %get3A_402 : vector<1x16xi32> to vector<16xi32>
    %add3A_404 = vector.broadcast %mul3A_93 : i32 to vector<16xi32>
    %add3A_405 = arith.addi %get3A_403, %add3A_404 : vector<16xi32>
    %swap3A_406 = arith.constant 0 : i32
    %swap3A_407 = arith.index_cast %swap3A_406 : i32 to index
    %swap3A_408 = arith.constant 48 : index
    %swap3A_409 = tpu.vector_load %arg11[%swap3A_407, %swap3A_408] {strides = array<i32>} : memref<4x128xi32, #tpu.memory_space<vmem>>, vector<1x16xi32>,
    %swap3A_410 = vector.shape_cast %swap3A_409 : vector<1x16xi32> to vector<16xi32>
    %swap3A_411 = vector.shape_cast %add3A_405 : vector<16xi32> to vector<1x16xi32>
    tpu.vector_store %arg11[%swap3A_407, %swap3A_408], %swap3A_411 {strides = array<i32>} : memref<4x128xi32, #tpu.memory_space<vmem>>, vector<1x16xi32>,
    %get3A_412 = arith.constant 0 : i32
    %get3A_413 = arith.index_cast %get3A_412 : i32 to index
    %get3A_414 = arith.constant 64 : index
    %get3A_415 = tpu.vector_load %arg11[%get3A_413, %get3A_414] {strides = array<i32>} : memref<4x128xi32, #tpu.memory_space<vmem>>, vector<1x16xi32>,
    %get3A_416 = vector.shape_cast %get3A_415 : vector<1x16xi32> to vector<16xi32>
    %add3A_417 = vector.broadcast %mul3A_93 : i32 to vector<16xi32>
    %add3A_418 = arith.addi %get3A_416, %add3A_417 : vector<16xi32>
    %swap3A_419 = arith.constant 0 : i32
    %swap3A_420 = arith.index_cast %swap3A_419 : i32 to index
    %swap3A_421 = arith.constant 64 : index
    %swap3A_422 = tpu.vector_load %arg11[%swap3A_420, %swap3A_421] {strides = array<i32>} : memref<4x128xi32, #tpu.memory_space<vmem>>, vector<1x16xi32>,
    %swap3A_423 = vector.shape_cast %swap3A_422 : vector<1x16xi32> to vector<16xi32>
    %swap3A_424 = vector.shape_cast %add3A_418 : vector<16xi32> to vector<1x16xi32>
    tpu.vector_store %arg11[%swap3A_420, %swap3A_421], %swap3A_424 {strides = array<i32>} : memref<4x128xi32, #tpu.memory_space<vmem>>, vector<1x16xi32>,
    %get3A_425 = arith.constant 0 : i32
    %get3A_426 = arith.index_cast %get3A_425 : i32 to index
    %get3A_427 = arith.constant 80 : index
    %get3A_428 = tpu.vector_load %arg11[%get3A_426, %get3A_427] {strides = array<i32>} : memref<4x128xi32, #tpu.memory_space<vmem>>, vector<1x16xi32>,
    %get3A_429 = vector.shape_cast %get3A_428 : vector<1x16xi32> to vector<16xi32>
    %add3A_430 = vector.broadcast %mul3A_93 : i32 to vector<16xi32>
    %add3A_431 = arith.addi %get3A_429, %add3A_430 : vector<16xi32>
    %swap3A_432 = arith.constant 0 : i32
    %swap3A_433 = arith.index_cast %swap3A_432 : i32 to index
    %swap3A_434 = arith.constant 80 : index
    %swap3A_435 = tpu.vector_load %arg11[%swap3A_433, %swap3A_434] {strides = array<i32>} : memref<4x128xi32, #tpu.memory_space<vmem>>, vector<1x16xi32>,
    %swap3A_436 = vector.shape_cast %swap3A_435 : vector<1x16xi32> to vector<16xi32>
    %swap3A_437 = vector.shape_cast %add3A_431 : vector<16xi32> to vector<1x16xi32>
    tpu.vector_store %arg11[%swap3A_433, %swap3A_434], %swap3A_437 {strides = array<i32>} : memref<4x128xi32, #tpu.memory_space<vmem>>, vector<1x16xi32>,
    %get3A_438 = arith.constant 0 : i32
    %get3A_439 = arith.index_cast %get3A_438 : i32 to index
    %get3A_440 = arith.constant 96 : index
    %get3A_441 = tpu.vector_load %arg11[%get3A_439, %get3A_440] {strides = array<i32>} : memref<4x128xi32, #tpu.memory_space<vmem>>, vector<1x16xi32>,
    %get3A_442 = vector.shape_cast %get3A_441 : vector<1x16xi32> to vector<16xi32>
    %add3A_443 = vector.broadcast %mul3A_93 : i32 to vector<16xi32>
    %add3A_444 = arith.addi %get3A_442, %add3A_443 : vector<16xi32>
    %swap3A_445 = arith.constant 0 : i32
    %swap3A_446 = arith.index_cast %swap3A_445 : i32 to index
    %swap3A_447 = arith.constant 96 : index
    %swap3A_448 = tpu.vector_load %arg11[%swap3A_446, %swap3A_447] {strides = array<i32>} : memref<4x128xi32, #tpu.memory_space<vmem>>, vector<1x16xi32>,
    %swap3A_449 = vector.shape_cast %swap3A_448 : vector<1x16xi32> to vector<16xi32>
    %swap3A_450 = vector.shape_cast %add3A_444 : vector<16xi32> to vector<1x16xi32>
    tpu.vector_store %arg11[%swap3A_446, %swap3A_447], %swap3A_450 {strides = array<i32>} : memref<4x128xi32, #tpu.memory_space<vmem>>, vector<1x16xi32>,
    %get3A_451 = arith.constant 0 : i32
    %get3A_452 = arith.index_cast %get3A_451 : i32 to index
    %get3A_453 = arith.constant 112 : index
    %get3A_454 = tpu.vector_load %arg11[%get3A_452, %get3A_453] {strides = array<i32>} : memref<4x128xi32, #tpu.memory_space<vmem>>, vector<1x16xi32>,
    %get3A_455 = vector.shape_cast %get3A_454 : vector<1x16xi32> to vector<16xi32>
    %add3A_456 = vector.broadcast %mul3A_93 : i32 to vector<16xi32>
    %add3A_457 = arith.addi %get3A_455, %add3A_456 : vector<16xi32>
    %swap3A_458 = arith.constant 0 : i32
    %swap3A_459 = arith.index_cast %swap3A_458 : i32 to index
    %swap3A_460 = arith.constant 112 : index
    %swap3A_461 = tpu.vector_load %arg11[%swap3A_459, %swap3A_460] {strides = array<i32>} : memref<4x128xi32, #tpu.memory_space<vmem>>, vector<1x16xi32>,
    %swap3A_462 = vector.shape_cast %swap3A_461 : vector<1x16xi32> to vector<16xi32>
    %swap3A_463 = vector.shape_cast %add3A_457 : vector<16xi32> to vector<1x16xi32>
    tpu.vector_store %arg11[%swap3A_459, %swap3A_460], %swap3A_463 {strides = array<i32>} : memref<4x128xi32, #tpu.memory_space<vmem>>, vector<1x16xi32>,
    %dma_start3A_464 = arith.constant 0 : i32
    %dma_start3A_465 = arith.constant 0 : i32
    %dma_start3A_466 = tpu.memref_slice %arg11[%dma_start3A_464, %dma_start3A_465] : memref<4x128xi32, #tpu.memory_space<vmem>> -> memref<1x128xi32, #tpu.memory_space<vmem>>
    %dma_start3A_467 = tpu.memref_squeeze %dma_start3A_466 : memref<1x128xi32, #tpu.memory_space<vmem>> -> memref<128xi32, #tpu.memory_space<vmem>>
    %dma_start3A_468 = arith.constant 0 : i32
    %dma_start3A_469 = arith.constant 0 : i32
    %dma_start3A_470 = tpu.memref_slice %arg2[%dma_start3A_468, %dma_start3A_469] : memref<20000x128xf32, #tpu.memory_space<hbm>> -> memref<20000x128xf32, #tpu.memory_space<hbm>>
    tpu.enqueue_indirect_dma source(%dma_start3A_470 : memref<20000x128xf32, #tpu.memory_space<hbm>>) target(%arg12 : memref<128x128xf32, #tpu.memory_space<vmem>>) offsets(%dma_start3A_467 : memref<128xi32, #tpu.memory_space<vmem>>) semaphore(%arg22 : memref<!tpu.dma_semaphore, #tpu.memory_space<semaphore_mem>>)
    %add3A_471 = arith.constant 0 : i32
    %add3A_472 = arith.addi %mul3A_97, %add3A_471 : i32
    %eq3A_473 = arith.constant 0 : i32
    %eq3A_474 = arith.cmpi eq, %arg0, %eq3A_473 : i32
    %convert_element_type3A_475 = arith.extui %eq3A_474 : i1 to i32
    %cond3A_476 = arith.constant 0 : i32
    %cond3A_477 = arith.cmpi ne, %convert_element_type3A_475, %cond3A_476 : i32
    scf.if %cond3A_477 {
      %dma_start3A_514 = arith.constant 0 : i32
      %dma_start3A_515 = tpu.memref_slice %arg3[%add3A_472, %dma_start3A_514] : memref<163840x128xf32, #tpu.memory_space<hbm>> -> memref<64x128xf32, #tpu.memory_space<hbm>>
      %dma_start3A_516 = arith.constant 0 : i32
      %dma_start3A_517 = tpu.memref_slice %arg3[%add3A_472, %dma_start3A_516] : memref<163840x128xf32, #tpu.memory_space<hbm>> -> memref<64x128xf32, #tpu.memory_space<hbm>>
      tpu.enqueue_dma source(%dma_start3A_517 : memref<64x128xf32, #tpu.memory_space<hbm>>) target(%arg14 : memref<64x128xf32, #tpu.memory_space<vmem>>) target_semaphore(%arg24 : memref<!tpu.dma_semaphore, #tpu.memory_space<semaphore_mem>>)
    } else {
    }
    %eq3A_478 = arith.constant 1 : i32
    %eq3A_479 = arith.cmpi eq, %arg0, %eq3A_478 : i32
    %convert_element_type3A_480 = arith.extui %eq3A_479 : i1 to i32
    %cond3A_481 = arith.constant 0 : i32
    %cond3A_482 = arith.cmpi ne, %convert_element_type3A_480, %cond3A_481 : i32
    scf.if %cond3A_482 {
      %dma_start3A_514 = arith.constant 0 : i32
      %dma_start3A_515 = tpu.memref_slice %arg4[%add3A_472, %dma_start3A_514] : memref<163840x128xf32, #tpu.memory_space<hbm>> -> memref<64x128xf32, #tpu.memory_space<hbm>>
      %dma_start3A_516 = arith.constant 0 : i32
      %dma_start3A_517 = tpu.memref_slice %arg4[%add3A_472, %dma_start3A_516] : memref<163840x128xf32, #tpu.memory_space<hbm>> -> memref<64x128xf32, #tpu.memory_space<hbm>>
      tpu.enqueue_dma source(%dma_start3A_517 : memref<64x128xf32, #tpu.memory_space<hbm>>) target(%arg14 : memref<64x128xf32, #tpu.memory_space<vmem>>) target_semaphore(%arg24 : memref<!tpu.dma_semaphore, #tpu.memory_space<semaphore_mem>>)
    } else {
    }
    %mul3A_483 = arith.constant 160 : i32
    %mul3A_484 = arith.muli %arg1, %mul3A_483 : i32
    %add3A_485 = arith.constant 1 : i32
    %add3A_486 = arith.addi %mul3A_484, %add3A_485 : i32
    %mul3A_487 = arith.constant 128 : i32
    %mul3A_488 = arith.muli %add3A_486, %mul3A_487 : i32
    %dma_start3A_489 = arith.constant 2 : i32
    %dma_start3A_490 = arith.constant 0 : i32
    %dma_start3A_491 = tpu.memref_slice %arg11[%dma_start3A_489, %dma_start3A_490] : memref<4x128xi32, #tpu.memory_space<vmem>> -> memref<1x128xi32, #tpu.memory_space<vmem>>
    %dma_start3A_492 = tpu.memref_squeeze %dma_start3A_491 : memref<1x128xi32, #tpu.memory_space<vmem>> -> memref<128xi32, #tpu.memory_space<vmem>>
    %dma_start3A_493 = tpu.memref_slice %arg5[%mul3A_488] : memref<327680xi32, #tpu.memory_space<hbm>> -> memref<128xi32, #tpu.memory_space<hbm>>
    %dma_start3A_494 = arith.constant 0 : i32
    %dma_start3A_495 = tpu.memref_slice %arg11[%dma_start3A_489, %dma_start3A_494] : memref<4x128xi32, #tpu.memory_space<vmem>> -> memref<1x128xi32, #tpu.memory_space<vmem>>
    %dma_start3A_496 = tpu.memref_squeeze %dma_start3A_495 : memref<1x128xi32, #tpu.memory_space<vmem>> -> memref<128xi32, #tpu.memory_space<vmem>>
    %dma_start3A_497 = tpu.memref_slice %arg5[%mul3A_488] : memref<327680xi32, #tpu.memory_space<hbm>> -> memref<128xi32, #tpu.memory_space<hbm>>
    tpu.enqueue_dma source(%dma_start3A_497 : memref<128xi32, #tpu.memory_space<hbm>>) target(%dma_start3A_496 : memref<128xi32, #tpu.memory_space<vmem>>) target_semaphore(%arg27 : memref<!tpu.dma_semaphore, #tpu.memory_space<semaphore_mem>>)
    %dma_start3A_498 = arith.constant 3 : i32
    %dma_start3A_499 = arith.constant 0 : i32
    %dma_start3A_500 = tpu.memref_slice %arg11[%dma_start3A_498, %dma_start3A_499] : memref<4x128xi32, #tpu.memory_space<vmem>> -> memref<1x128xi32, #tpu.memory_space<vmem>>
    %dma_start3A_501 = tpu.memref_squeeze %dma_start3A_500 : memref<1x128xi32, #tpu.memory_space<vmem>> -> memref<128xi32, #tpu.memory_space<vmem>>
    %dma_start3A_502 = tpu.memref_slice %arg6[%mul3A_488] : memref<327680xi32, #tpu.memory_space<hbm>> -> memref<128xi32, #tpu.memory_space<hbm>>
    %dma_start3A_503 = arith.constant 0 : i32
    %dma_start3A_504 = tpu.memref_slice %arg11[%dma_start3A_498, %dma_start3A_503] : memref<4x128xi32, #tpu.memory_space<vmem>> -> memref<1x128xi32, #tpu.memory_space<vmem>>
    %dma_start3A_505 = tpu.memref_squeeze %dma_start3A_504 : memref<1x128xi32, #tpu.memory_space<vmem>> -> memref<128xi32, #tpu.memory_space<vmem>>
    %dma_start3A_506 = tpu.memref_slice %arg6[%mul3A_488] : memref<327680xi32, #tpu.memory_space<hbm>> -> memref<128xi32, #tpu.memory_space<hbm>>
    tpu.enqueue_dma source(%dma_start3A_506 : memref<128xi32, #tpu.memory_space<hbm>>) target(%dma_start3A_505 : memref<128xi32, #tpu.memory_space<vmem>>) target_semaphore(%arg27 : memref<!tpu.dma_semaphore, #tpu.memory_space<semaphore_mem>>)
    %scan3A_507 = arith.constant 0 : i32
    %scan3A_508 = arith.constant 80 : i32
    %scan3A_509 = arith.addi %scan3A_507, %scan3A_508 : i32
    %scan3A_510 = arith.constant 1 : i32
    scf.for %scan3A_514 = %scan3A_507 to %scan3A_509 step %scan3A_510  : i32 {
      %mul3A_515 = arith.constant 2 : i32
      %mul3A_516 = arith.muli %scan3A_514, %mul3A_515 : i32
      %add3A_517 = arith.constant 0 : i32
      %add3A_518 = arith.addi %add3A_517, %mul3A_516 : i32
      %add3A_519 = arith.constant 1 : i32
      %add3A_520 = arith.addi %add3A_518, %add3A_519 : i32
      %dma_wait3A_521 = arith.constant 0 : i32
      %dma_wait3A_522 = arith.constant 0 : i32
      %dma_wait3A_523 = tpu.memref_slice %arg11[%dma_wait3A_521, %dma_wait3A_522] : memref<4x128xi32, #tpu.memory_space<vmem>> -> memref<1x128xi32, #tpu.memory_space<vmem>>
      %dma_wait3A_524 = tpu.memref_squeeze %dma_wait3A_523 : memref<1x128xi32, #tpu.memory_space<vmem>> -> memref<128xi32, #tpu.memory_space<vmem>>
      %dma_wait3A_525 = arith.constant 0 : i32
      %dma_wait3A_526 = tpu.memref_slice %arg5[%dma_wait3A_525] : memref<327680xi32, #tpu.memory_space<hbm>> -> memref<128xi32, #tpu.memory_space<hbm>>
      %dma_wait3A_527 = arith.constant 0 : i32
      %dma_wait3A_528 = tpu.memref_slice %arg11[%dma_wait3A_521, %dma_wait3A_527] : memref<4x128xi32, #tpu.memory_space<vmem>> -> memref<1x128xi32, #tpu.memory_space<vmem>>
      %dma_wait3A_529 = tpu.memref_squeeze %dma_wait3A_528 : memref<1x128xi32, #tpu.memory_space<vmem>> -> memref<128xi32, #tpu.memory_space<vmem>>
      %dma_wait3A_530 = arith.constant 0 : i32
      %dma_wait3A_531 = tpu.memref_slice %arg5[%dma_wait3A_530] : memref<327680xi32, #tpu.memory_space<hbm>> -> memref<128xi32, #tpu.memory_space<hbm>>
      tpu.wait_dma2 semaphore(%arg27 : memref<!tpu.dma_semaphore, #tpu.memory_space<semaphore_mem>>) src(%dma_wait3A_531 : memref<128xi32, #tpu.memory_space<hbm>>) dst(%dma_wait3A_529 : memref<128xi32, #tpu.memory_space<vmem>>)
      %dma_wait3A_532 = arith.constant 0 : i32
      %dma_wait3A_533 = arith.constant 0 : i32
      %dma_wait3A_534 = tpu.memref_slice %arg11[%dma_wait3A_532, %dma_wait3A_533] : memref<4x128xi32, #tpu.memory_space<vmem>> -> memref<1x128xi32, #tpu.memory_space<vmem>>
      %dma_wait3A_535 = tpu.memref_squeeze %dma_wait3A_534 : memref<1x128xi32, #tpu.memory_space<vmem>> -> memref<128xi32, #tpu.memory_space<vmem>>
      %dma_wait3A_536 = arith.constant 0 : i32
      %dma_wait3A_537 = tpu.memref_slice %arg5[%dma_wait3A_536] : memref<327680xi32, #tpu.memory_space<hbm>> -> memref<128xi32, #tpu.memory_space<hbm>>
      %dma_wait3A_538 = arith.constant 0 : i32
      %dma_wait3A_539 = tpu.memref_slice %arg11[%dma_wait3A_532, %dma_wait3A_538] : memref<4x128xi32, #tpu.memory_space<vmem>> -> memref<1x128xi32, #tpu.memory_space<vmem>>
      %dma_wait3A_540 = tpu.memref_squeeze %dma_wait3A_539 : memref<1x128xi32, #tpu.memory_space<vmem>> -> memref<128xi32, #tpu.memory_space<vmem>>
      %dma_wait3A_541 = arith.constant 0 : i32
      %dma_wait3A_542 = tpu.memref_slice %arg5[%dma_wait3A_541] : memref<327680xi32, #tpu.memory_space<hbm>> -> memref<128xi32, #tpu.memory_space<hbm>>
      tpu.wait_dma2 semaphore(%arg27 : memref<!tpu.dma_semaphore, #tpu.memory_space<semaphore_mem>>) src(%dma_wait3A_542 : memref<128xi32, #tpu.memory_space<hbm>>) dst(%dma_wait3A_540 : memref<128xi32, #tpu.memory_space<vmem>>)
      %get3A_543 = arith.constant 2 : i32
      %get3A_544 = arith.index_cast %get3A_543 : i32 to index
      %get3A_545 = arith.constant 0 : index
      %get3A_546 = tpu.vector_load %arg11[%get3A_544, %get3A_545] {strides = array<i32>} : memref<4x128xi32, #tpu.memory_space<vmem>>, vector<1x16xi32>,
      %get3A_547 = vector.shape_cast %get3A_546 : vector<1x16xi32> to vector<16xi32>
      %add3A_548 = vector.broadcast %mul3A_93 : i32 to vector<16xi32>
      %add3A_549 = arith.addi %get3A_547, %add3A_548 : vector<16xi32>
      %swap3A_550 = arith.constant 2 : i32
      %swap3A_551 = arith.index_cast %swap3A_550 : i32 to index
      %swap3A_552 = arith.constant 0 : index
      %swap3A_553 = tpu.vector_load %arg11[%swap3A_551, %swap3A_552] {strides = array<i32>} : memref<4x128xi32, #tpu.memory_space<vmem>>, vector<1x16xi32>,
      %swap3A_554 = vector.shape_cast %swap3A_553 : vector<1x16xi32> to vector<16xi32>
      %swap3A_555 = vector.shape_cast %add3A_549 : vector<16xi32> to vector<1x16xi32>
      tpu.vector_store %arg11[%swap3A_551, %swap3A_552], %swap3A_555 {strides = array<i32>} : memref<4x128xi32, #tpu.memory_space<vmem>>, vector<1x16xi32>,
      %get3A_556 = arith.constant 2 : i32
      %get3A_557 = arith.index_cast %get3A_556 : i32 to index
      %get3A_558 = arith.constant 16 : index
      %get3A_559 = tpu.vector_load %arg11[%get3A_557, %get3A_558] {strides = array<i32>} : memref<4x128xi32, #tpu.memory_space<vmem>>, vector<1x16xi32>,
      %get3A_560 = vector.shape_cast %get3A_559 : vector<1x16xi32> to vector<16xi32>
      %add3A_561 = vector.broadcast %mul3A_93 : i32 to vector<16xi32>
      %add3A_562 = arith.addi %get3A_560, %add3A_561 : vector<16xi32>
      %swap3A_563 = arith.constant 2 : i32
      %swap3A_564 = arith.index_cast %swap3A_563 : i32 to index
      %swap3A_565 = arith.constant 16 : index
      %swap3A_566 = tpu.vector_load %arg11[%swap3A_564, %swap3A_565] {strides = array<i32>} : memref<4x128xi32, #tpu.memory_space<vmem>>, vector<1x16xi32>,
      %swap3A_567 = vector.shape_cast %swap3A_566 : vector<1x16xi32> to vector<16xi32>
      %swap3A_568 = vector.shape_cast %add3A_562 : vector<16xi32> to vector<1x16xi32>
      tpu.vector_store %arg11[%swap3A_564, %swap3A_565], %swap3A_568 {strides = array<i32>} : memref<4x128xi32, #tpu.memory_space<vmem>>, vector<1x16xi32>,
      %get3A_569 = arith.constant 2 : i32
      %get3A_570 = arith.index_cast %get3A_569 : i32 to index
      %get3A_571 = arith.constant 32 : index
      %get3A_572 = tpu.vector_load %arg11[%get3A_570, %get3A_571] {strides = array<i32>} : memref<4x128xi32, #tpu.memory_space<vmem>>, vector<1x16xi32>,
      %get3A_573 = vector.shape_cast %get3A_572 : vector<1x16xi32> to vector<16xi32>
      %add3A_574 = vector.broadcast %mul3A_93 : i32 to vector<16xi32>
      %add3A_575 = arith.addi %get3A_573, %add3A_574 : vector<16xi32>
      %swap3A_576 = arith.constant 2 : i32
      %swap3A_577 = arith.index_cast %swap3A_576 : i32 to index
      %swap3A_578 = arith.constant 32 : index
      %swap3A_579 = tpu.vector_load %arg11[%swap3A_577, %swap3A_578] {strides = array<i32>} : memref<4x128xi32, #tpu.memory_space<vmem>>, vector<1x16xi32>,
      %swap3A_580 = vector.shape_cast %swap3A_579 : vector<1x16xi32> to vector<16xi32>
      %swap3A_581 = vector.shape_cast %add3A_575 : vector<16xi32> to vector<1x16xi32>
      tpu.vector_store %arg11[%swap3A_577, %swap3A_578], %swap3A_581 {strides = array<i32>} : memref<4x128xi32, #tpu.memory_space<vmem>>, vector<1x16xi32>,
      %get3A_582 = arith.constant 2 : i32
      %get3A_583 = arith.index_cast %get3A_582 : i32 to index
      %get3A_584 = arith.constant 48 : index
      %get3A_585 = tpu.vector_load %arg11[%get3A_583, %get3A_584] {strides = array<i32>} : memref<4x128xi32, #tpu.memory_space<vmem>>, vector<1x16xi32>,
      %get3A_586 = vector.shape_cast %get3A_585 : vector<1x16xi32> to vector<16xi32>
      %add3A_587 = vector.broadcast %mul3A_93 : i32 to vector<16xi32>
      %add3A_588 = arith.addi %get3A_586, %add3A_587 : vector<16xi32>
      %swap3A_589 = arith.constant 2 : i32
      %swap3A_590 = arith.index_cast %swap3A_589 : i32 to index
      %swap3A_591 = arith.constant 48 : index
      %swap3A_592 = tpu.vector_load %arg11[%swap3A_590, %swap3A_591] {strides = array<i32>} : memref<4x128xi32, #tpu.memory_space<vmem>>, vector<1x16xi32>,
      %swap3A_593 = vector.shape_cast %swap3A_592 : vector<1x16xi32> to vector<16xi32>
      %swap3A_594 = vector.shape_cast %add3A_588 : vector<16xi32> to vector<1x16xi32>
      tpu.vector_store %arg11[%swap3A_590, %swap3A_591], %swap3A_594 {strides = array<i32>} : memref<4x128xi32, #tpu.memory_space<vmem>>, vector<1x16xi32>,
      %get3A_595 = arith.constant 2 : i32
      %get3A_596 = arith.index_cast %get3A_595 : i32 to index
      %get3A_597 = arith.constant 64 : index
      %get3A_598 = tpu.vector_load %arg11[%get3A_596, %get3A_597] {strides = array<i32>} : memref<4x128xi32, #tpu.memory_space<vmem>>, vector<1x16xi32>,
      %get3A_599 = vector.shape_cast %get3A_598 : vector<1x16xi32> to vector<16xi32>
      %add3A_600 = vector.broadcast %mul3A_93 : i32 to vector<16xi32>
      %add3A_601 = arith.addi %get3A_599, %add3A_600 : vector<16xi32>
      %swap3A_602 = arith.constant 2 : i32
      %swap3A_603 = arith.index_cast %swap3A_602 : i32 to index
      %swap3A_604 = arith.constant 64 : index
      %swap3A_605 = tpu.vector_load %arg11[%swap3A_603, %swap3A_604] {strides = array<i32>} : memref<4x128xi32, #tpu.memory_space<vmem>>, vector<1x16xi32>,
      %swap3A_606 = vector.shape_cast %swap3A_605 : vector<1x16xi32> to vector<16xi32>
      %swap3A_607 = vector.shape_cast %add3A_601 : vector<16xi32> to vector<1x16xi32>
      tpu.vector_store %arg11[%swap3A_603, %swap3A_604], %swap3A_607 {strides = array<i32>} : memref<4x128xi32, #tpu.memory_space<vmem>>, vector<1x16xi32>,
      %get3A_608 = arith.constant 2 : i32
      %get3A_609 = arith.index_cast %get3A_608 : i32 to index
      %get3A_610 = arith.constant 80 : index
      %get3A_611 = tpu.vector_load %arg11[%get3A_609, %get3A_610] {strides = array<i32>} : memref<4x128xi32, #tpu.memory_space<vmem>>, vector<1x16xi32>,
      %get3A_612 = vector.shape_cast %get3A_611 : vector<1x16xi32> to vector<16xi32>
      %add3A_613 = vector.broadcast %mul3A_93 : i32 to vector<16xi32>
      %add3A_614 = arith.addi %get3A_612, %add3A_613 : vector<16xi32>
      %swap3A_615 = arith.constant 2 : i32
      %swap3A_616 = arith.index_cast %swap3A_615 : i32 to index
      %swap3A_617 = arith.constant 80 : index
      %swap3A_618 = tpu.vector_load %arg11[%swap3A_616, %swap3A_617] {strides = array<i32>} : memref<4x128xi32, #tpu.memory_space<vmem>>, vector<1x16xi32>,
      %swap3A_619 = vector.shape_cast %swap3A_618 : vector<1x16xi32> to vector<16xi32>
      %swap3A_620 = vector.shape_cast %add3A_614 : vector<16xi32> to vector<1x16xi32>
      tpu.vector_store %arg11[%swap3A_616, %swap3A_617], %swap3A_620 {strides = array<i32>} : memref<4x128xi32, #tpu.memory_space<vmem>>, vector<1x16xi32>,
      %get3A_621 = arith.constant 2 : i32
      %get3A_622 = arith.index_cast %get3A_621 : i32 to index
      %get3A_623 = arith.constant 96 : index
      %get3A_624 = tpu.vector_load %arg11[%get3A_622, %get3A_623] {strides = array<i32>} : memref<4x128xi32, #tpu.memory_space<vmem>>, vector<1x16xi32>,
      %get3A_625 = vector.shape_cast %get3A_624 : vector<1x16xi32> to vector<16xi32>
      %add3A_626 = vector.broadcast %mul3A_93 : i32 to vector<16xi32>
      %add3A_627 = arith.addi %get3A_625, %add3A_626 : vector<16xi32>
      %swap3A_628 = arith.constant 2 : i32
      %swap3A_629 = arith.index_cast %swap3A_628 : i32 to index
      %swap3A_630 = arith.constant 96 : index
      %swap3A_631 = tpu.vector_load %arg11[%swap3A_629, %swap3A_630] {strides = array<i32>} : memref<4x128xi32, #tpu.memory_space<vmem>>, vector<1x16xi32>,
      %swap3A_632 = vector.shape_cast %swap3A_631 : vector<1x16xi32> to vector<16xi32>
      %swap3A_633 = vector.shape_cast %add3A_627 : vector<16xi32> to vector<1x16xi32>
      tpu.vector_store %arg11[%swap3A_629, %swap3A_630], %swap3A_633 {strides = array<i32>} : memref<4x128xi32, #tpu.memory_space<vmem>>, vector<1x16xi32>,
      %get3A_634 = arith.constant 2 : i32
      %get3A_635 = arith.index_cast %get3A_634 : i32 to index
      %get3A_636 = arith.constant 112 : index
      %get3A_637 = tpu.vector_load %arg11[%get3A_635, %get3A_636] {strides = array<i32>} : memref<4x128xi32, #tpu.memory_space<vmem>>, vector<1x16xi32>,
      %get3A_638 = vector.shape_cast %get3A_637 : vector<1x16xi32> to vector<16xi32>
      %add3A_639 = vector.broadcast %mul3A_93 : i32 to vector<16xi32>
      %add3A_640 = arith.addi %get3A_638, %add3A_639 : vector<16xi32>
      %swap3A_641 = arith.constant 2 : i32
      %swap3A_642 = arith.index_cast %swap3A_641 : i32 to index
      %swap3A_643 = arith.constant 112 : index
      %swap3A_644 = tpu.vector_load %arg11[%swap3A_642, %swap3A_643] {strides = array<i32>} : memref<4x128xi32, #tpu.memory_space<vmem>>, vector<1x16xi32>,
      %swap3A_645 = vector.shape_cast %swap3A_644 : vector<1x16xi32> to vector<16xi32>
      %swap3A_646 = vector.shape_cast %add3A_640 : vector<16xi32> to vector<1x16xi32>
      tpu.vector_store %arg11[%swap3A_642, %swap3A_643], %swap3A_646 {strides = array<i32>} : memref<4x128xi32, #tpu.memory_space<vmem>>, vector<1x16xi32>,
      %dma_start3A_647 = arith.constant 2 : i32
      %dma_start3A_648 = arith.constant 0 : i32
      %dma_start3A_649 = tpu.memref_slice %arg11[%dma_start3A_647, %dma_start3A_648] : memref<4x128xi32, #tpu.memory_space<vmem>> -> memref<1x128xi32, #tpu.memory_space<vmem>>
      %dma_start3A_650 = tpu.memref_squeeze %dma_start3A_649 : memref<1x128xi32, #tpu.memory_space<vmem>> -> memref<128xi32, #tpu.memory_space<vmem>>
      %dma_start3A_651 = arith.constant 0 : i32
      %dma_start3A_652 = arith.constant 0 : i32
      %dma_start3A_653 = tpu.memref_slice %arg2[%dma_start3A_651, %dma_start3A_652] : memref<20000x128xf32, #tpu.memory_space<hbm>> -> memref<20000x128xf32, #tpu.memory_space<hbm>>
      tpu.enqueue_indirect_dma source(%dma_start3A_653 : memref<20000x128xf32, #tpu.memory_space<hbm>>) target(%arg13 : memref<128x128xf32, #tpu.memory_space<vmem>>) offsets(%dma_start3A_650 : memref<128xi32, #tpu.memory_space<vmem>>) semaphore(%arg23 : memref<!tpu.dma_semaphore, #tpu.memory_space<semaphore_mem>>)
      %mul3A_654 = arith.constant 64 : i32
      %mul3A_655 = arith.muli %add3A_520, %mul3A_654 : i32
      %add3A_656 = arith.addi %mul3A_97, %mul3A_655 : i32
      %eq3A_657 = arith.constant 0 : i32
      %eq3A_658 = arith.cmpi eq, %arg0, %eq3A_657 : i32
      %convert_element_type3A_659 = arith.extui %eq3A_658 : i1 to i32
      %cond3A_660 = arith.constant 0 : i32
      %cond3A_661 = arith.cmpi ne, %convert_element_type3A_659, %cond3A_660 : i32
      scf.if %cond3A_661 {
        %dma_start3A_1097 = arith.constant 0 : i32
        %dma_start3A_1098 = tpu.memref_slice %arg3[%add3A_656, %dma_start3A_1097] : memref<163840x128xf32, #tpu.memory_space<hbm>> -> memref<64x128xf32, #tpu.memory_space<hbm>>
        %dma_start3A_1099 = arith.constant 0 : i32
        %dma_start3A_1100 = tpu.memref_slice %arg3[%add3A_656, %dma_start3A_1099] : memref<163840x128xf32, #tpu.memory_space<hbm>> -> memref<64x128xf32, #tpu.memory_space<hbm>>
        tpu.enqueue_dma source(%dma_start3A_1100 : memref<64x128xf32, #tpu.memory_space<hbm>>) target(%arg15 : memref<64x128xf32, #tpu.memory_space<vmem>>) target_semaphore(%arg25 : memref<!tpu.dma_semaphore, #tpu.memory_space<semaphore_mem>>)
      } else {
      }
      %eq3A_662 = arith.constant 1 : i32
      %eq3A_663 = arith.cmpi eq, %arg0, %eq3A_662 : i32
      %convert_element_type3A_664 = arith.extui %eq3A_663 : i1 to i32
      %cond3A_665 = arith.constant 0 : i32
      %cond3A_666 = arith.cmpi ne, %convert_element_type3A_664, %cond3A_665 : i32
      scf.if %cond3A_666 {
        %dma_start3A_1097 = arith.constant 0 : i32
        %dma_start3A_1098 = tpu.memref_slice %arg4[%add3A_656, %dma_start3A_1097] : memref<163840x128xf32, #tpu.memory_space<hbm>> -> memref<64x128xf32, #tpu.memory_space<hbm>>
        %dma_start3A_1099 = arith.constant 0 : i32
        %dma_start3A_1100 = tpu.memref_slice %arg4[%add3A_656, %dma_start3A_1099] : memref<163840x128xf32, #tpu.memory_space<hbm>> -> memref<64x128xf32, #tpu.memory_space<hbm>>
        tpu.enqueue_dma source(%dma_start3A_1100 : memref<64x128xf32, #tpu.memory_space<hbm>>) target(%arg15 : memref<64x128xf32, #tpu.memory_space<vmem>>) target_semaphore(%arg25 : memref<!tpu.dma_semaphore, #tpu.memory_space<semaphore_mem>>)
      } else {
      }
      %get3A_667 = arith.constant 1 : i32
      %get3A_668 = arith.index_cast %get3A_667 : i32 to index
      %get3A_669 = arith.constant 0 : index
      %get3A_670 = tpu.vector_load %arg11[%get3A_668, %get3A_669] {strides = array<i32>} : memref<4x128xi32, #tpu.memory_space<vmem>>, vector<1x16xi32>,
      %get3A_671 = vector.shape_cast %get3A_670 : vector<1x16xi32> to vector<16xi32>
      %sub3A_672 = arith.constant 5000 : i32
      %sub3A_673 = vector.broadcast %sub3A_672 : i32 to vector<16xi32>
      %sub3A_674 = arith.subi %get3A_671, %sub3A_673 : vector<16xi32>
      %ge3A = arith.constant 0 : i32
      %ge3A_675 = vector.broadcast %ge3A : i32 to vector<16xi32>
      %ge3A_676 = arith.cmpi sge, %sub3A_674, %ge3A_675 : vector<16xi32>
      %lt3A = arith.constant 5000 : i32
      %lt3A_677 = vector.broadcast %lt3A : i32 to vector<16xi32>
      %lt3A_678 = arith.cmpi slt, %sub3A_674, %lt3A_677 : vector<16xi32>
      %and3A = arith.andi %ge3A_676, %lt3A_678 : vector<16xi1>
      %jit3A = arith.constant 5100 : i32
      %broadcast_in_dim3A = vector.broadcast %jit3A : i32 to vector<16xi32>
      %select_n3A = arith.select %and3A, %sub3A_674, %broadcast_in_dim3A : vector<16xi1>, vector<16xi32>
      %swap3A_679 = arith.constant 0 : i32
      %swap3A_680 = arith.index_cast %swap3A_679 : i32 to index
      %swap3A_681 = arith.constant 0 : index
      %swap3A_682 = tpu.vector_load %arg17[%swap3A_680, %swap3A_681] {strides = array<i32>} : memref<8x128xi32, #tpu.memory_space<vmem>>, vector<1x16xi32>,
      %swap3A_683 = vector.shape_cast %swap3A_682 : vector<1x16xi32> to vector<16xi32>
      %swap3A_684 = vector.shape_cast %select_n3A : vector<16xi32> to vector<1x16xi32>
      tpu.vector_store %arg17[%swap3A_680, %swap3A_681], %swap3A_684 {strides = array<i32>} : memref<8x128xi32, #tpu.memory_space<vmem>>, vector<1x16xi32>,
      %get3A_685 = arith.constant 1 : i32
      %get3A_686 = arith.index_cast %get3A_685 : i32 to index
      %get3A_687 = arith.constant 16 : index
      %get3A_688 = tpu.vector_load %arg11[%get3A_686, %get3A_687] {strides = array<i32>} : memref<4x128xi32, #tpu.memory_space<vmem>>, vector<1x16xi32>,
      %get3A_689 = vector.shape_cast %get3A_688 : vector<1x16xi32> to vector<16xi32>
      %sub3A_690 = arith.constant 5000 : i32
      %sub3A_691 = vector.broadcast %sub3A_690 : i32 to vector<16xi32>
      %sub3A_692 = arith.subi %get3A_689, %sub3A_691 : vector<16xi32>
      %ge3A_693 = arith.constant 0 : i32
      %ge3A_694 = vector.broadcast %ge3A_693 : i32 to vector<16xi32>
      %ge3A_695 = arith.cmpi sge, %sub3A_692, %ge3A_694 : vector<16xi32>
      %lt3A_696 = arith.constant 5000 : i32
      %lt3A_697 = vector.broadcast %lt3A_696 : i32 to vector<16xi32>
      %lt3A_698 = arith.cmpi slt, %sub3A_692, %lt3A_697 : vector<16xi32>
      %and3A_699 = arith.andi %ge3A_695, %lt3A_698 : vector<16xi1>
      %jit3A_700 = arith.constant 5100 : i32
      %broadcast_in_dim3A_701 = vector.broadcast %jit3A_700 : i32 to vector<16xi32>
      %select_n3A_702 = arith.select %and3A_699, %sub3A_692, %broadcast_in_dim3A_701 : vector<16xi1>, vector<16xi32>
      %swap3A_703 = arith.constant 0 : i32
      %swap3A_704 = arith.index_cast %swap3A_703 : i32 to index
      %swap3A_705 = arith.constant 16 : index
      %swap3A_706 = tpu.vector_load %arg17[%swap3A_704, %swap3A_705] {strides = array<i32>} : memref<8x128xi32, #tpu.memory_space<vmem>>, vector<1x16xi32>,
      %swap3A_707 = vector.shape_cast %swap3A_706 : vector<1x16xi32> to vector<16xi32>
      %swap3A_708 = vector.shape_cast %select_n3A_702 : vector<16xi32> to vector<1x16xi32>
      tpu.vector_store %arg17[%swap3A_704, %swap3A_705], %swap3A_708 {strides = array<i32>} : memref<8x128xi32, #tpu.memory_space<vmem>>, vector<1x16xi32>,
      %get3A_709 = arith.constant 1 : i32
      %get3A_710 = arith.index_cast %get3A_709 : i32 to index
      %get3A_711 = arith.constant 32 : index
      %get3A_712 = tpu.vector_load %arg11[%get3A_710, %get3A_711] {strides = array<i32>} : memref<4x128xi32, #tpu.memory_space<vmem>>, vector<1x16xi32>,
      %get3A_713 = vector.shape_cast %get3A_712 : vector<1x16xi32> to vector<16xi32>
      %sub3A_714 = arith.constant 5000 : i32
      %sub3A_715 = vector.broadcast %sub3A_714 : i32 to vector<16xi32>
      %sub3A_716 = arith.subi %get3A_713, %sub3A_715 : vector<16xi32>
      %ge3A_717 = arith.constant 0 : i32
      %ge3A_718 = vector.broadcast %ge3A_717 : i32 to vector<16xi32>
      %ge3A_719 = arith.cmpi sge, %sub3A_716, %ge3A_718 : vector<16xi32>
      %lt3A_720 = arith.constant 5000 : i32
      %lt3A_721 = vector.broadcast %lt3A_720 : i32 to vector<16xi32>
      %lt3A_722 = arith.cmpi slt, %sub3A_716, %lt3A_721 : vector<16xi32>
      %and3A_723 = arith.andi %ge3A_719, %lt3A_722 : vector<16xi1>
      %jit3A_724 = arith.constant 5100 : i32
      %broadcast_in_dim3A_725 = vector.broadcast %jit3A_724 : i32 to vector<16xi32>
      %select_n3A_726 = arith.select %and3A_723, %sub3A_716, %broadcast_in_dim3A_725 : vector<16xi1>, vector<16xi32>
      %swap3A_727 = arith.constant 0 : i32
      %swap3A_728 = arith.index_cast %swap3A_727 : i32 to index
      %swap3A_729 = arith.constant 32 : index
      %swap3A_730 = tpu.vector_load %arg17[%swap3A_728, %swap3A_729] {strides = array<i32>} : memref<8x128xi32, #tpu.memory_space<vmem>>, vector<1x16xi32>,
      %swap3A_731 = vector.shape_cast %swap3A_730 : vector<1x16xi32> to vector<16xi32>
      %swap3A_732 = vector.shape_cast %select_n3A_726 : vector<16xi32> to vector<1x16xi32>
      tpu.vector_store %arg17[%swap3A_728, %swap3A_729], %swap3A_732 {strides = array<i32>} : memref<8x128xi32, #tpu.memory_space<vmem>>, vector<1x16xi32>,
      %get3A_733 = arith.constant 1 : i32
      %get3A_734 = arith.index_cast %get3A_733 : i32 to index
      %get3A_735 = arith.constant 48 : index
      %get3A_736 = tpu.vector_load %arg11[%get3A_734, %get3A_735] {strides = array<i32>} : memref<4x128xi32, #tpu.memory_space<vmem>>, vector<1x16xi32>,
      %get3A_737 = vector.shape_cast %get3A_736 : vector<1x16xi32> to vector<16xi32>
      %sub3A_738 = arith.constant 5000 : i32
      %sub3A_739 = vector.broadcast %sub3A_738 : i32 to vector<16xi32>
      %sub3A_740 = arith.subi %get3A_737, %sub3A_739 : vector<16xi32>
      %ge3A_741 = arith.constant 0 : i32
      %ge3A_742 = vector.broadcast %ge3A_741 : i32 to vector<16xi32>
      %ge3A_743 = arith.cmpi sge, %sub3A_740, %ge3A_742 : vector<16xi32>
      %lt3A_744 = arith.constant 5000 : i32
      %lt3A_745 = vector.broadcast %lt3A_744 : i32 to vector<16xi32>
      %lt3A_746 = arith.cmpi slt, %sub3A_740, %lt3A_745 : vector<16xi32>
      %and3A_747 = arith.andi %ge3A_743, %lt3A_746 : vector<16xi1>
      %jit3A_748 = arith.constant 5100 : i32
      %broadcast_in_dim3A_749 = vector.broadcast %jit3A_748 : i32 to vector<16xi32>
      %select_n3A_750 = arith.select %and3A_747, %sub3A_740, %broadcast_in_dim3A_749 : vector<16xi1>, vector<16xi32>
      %swap3A_751 = arith.constant 0 : i32
      %swap3A_752 = arith.index_cast %swap3A_751 : i32 to index
      %swap3A_753 = arith.constant 48 : index
      %swap3A_754 = tpu.vector_load %arg17[%swap3A_752, %swap3A_753] {strides = array<i32>} : memref<8x128xi32, #tpu.memory_space<vmem>>, vector<1x16xi32>,
      %swap3A_755 = vector.shape_cast %swap3A_754 : vector<1x16xi32> to vector<16xi32>
      %swap3A_756 = vector.shape_cast %select_n3A_750 : vector<16xi32> to vector<1x16xi32>
      tpu.vector_store %arg17[%swap3A_752, %swap3A_753], %swap3A_756 {strides = array<i32>} : memref<8x128xi32, #tpu.memory_space<vmem>>, vector<1x16xi32>,
      %get3A_757 = arith.constant 1 : i32
      %get3A_758 = arith.index_cast %get3A_757 : i32 to index
      %get3A_759 = arith.constant 64 : index
      %get3A_760 = tpu.vector_load %arg11[%get3A_758, %get3A_759] {strides = array<i32>} : memref<4x128xi32, #tpu.memory_space<vmem>>, vector<1x16xi32>,
      %get3A_761 = vector.shape_cast %get3A_760 : vector<1x16xi32> to vector<16xi32>
      %sub3A_762 = arith.constant 5000 : i32
      %sub3A_763 = vector.broadcast %sub3A_762 : i32 to vector<16xi32>
      %sub3A_764 = arith.subi %get3A_761, %sub3A_763 : vector<16xi32>
      %ge3A_765 = arith.constant 0 : i32
      %ge3A_766 = vector.broadcast %ge3A_765 : i32 to vector<16xi32>
      %ge3A_767 = arith.cmpi sge, %sub3A_764, %ge3A_766 : vector<16xi32>
      %lt3A_768 = arith.constant 5000 : i32
      %lt3A_769 = vector.broadcast %lt3A_768 : i32 to vector<16xi32>
      %lt3A_770 = arith.cmpi slt, %sub3A_764, %lt3A_769 : vector<16xi32>
      %and3A_771 = arith.andi %ge3A_767, %lt3A_770 : vector<16xi1>
      %jit3A_772 = arith.constant 5100 : i32
      %broadcast_in_dim3A_773 = vector.broadcast %jit3A_772 : i32 to vector<16xi32>
      %select_n3A_774 = arith.select %and3A_771, %sub3A_764, %broadcast_in_dim3A_773 : vector<16xi1>, vector<16xi32>
      %swap3A_775 = arith.constant 0 : i32
      %swap3A_776 = arith.index_cast %swap3A_775 : i32 to index
      %swap3A_777 = arith.constant 64 : index
      %swap3A_778 = tpu.vector_load %arg17[%swap3A_776, %swap3A_777] {strides = array<i32>} : memref<8x128xi32, #tpu.memory_space<vmem>>, vector<1x16xi32>,
      %swap3A_779 = vector.shape_cast %swap3A_778 : vector<1x16xi32> to vector<16xi32>
      %swap3A_780 = vector.shape_cast %select_n3A_774 : vector<16xi32> to vector<1x16xi32>
      tpu.vector_store %arg17[%swap3A_776, %swap3A_777], %swap3A_780 {strides = array<i32>} : memref<8x128xi32, #tpu.memory_space<vmem>>, vector<1x16xi32>,
      %get3A_781 = arith.constant 1 : i32
      %get3A_782 = arith.index_cast %get3A_781 : i32 to index
      %get3A_783 = arith.constant 80 : index
      %get3A_784 = tpu.vector_load %arg11[%get3A_782, %get3A_783] {strides = array<i32>} : memref<4x128xi32, #tpu.memory_space<vmem>>, vector<1x16xi32>,
      %get3A_785 = vector.shape_cast %get3A_784 : vector<1x16xi32> to vector<16xi32>
      %sub3A_786 = arith.constant 5000 : i32
      %sub3A_787 = vector.broadcast %sub3A_786 : i32 to vector<16xi32>
      %sub3A_788 = arith.subi %get3A_785, %sub3A_787 : vector<16xi32>
      %ge3A_789 = arith.constant 0 : i32
      %ge3A_790 = vector.broadcast %ge3A_789 : i32 to vector<16xi32>
      %ge3A_791 = arith.cmpi sge, %sub3A_788, %ge3A_790 : vector<16xi32>
      %lt3A_792 = arith.constant 5000 : i32
      %lt3A_793 = vector.broadcast %lt3A_792 : i32 to vector<16xi32>
      %lt3A_794 = arith.cmpi slt, %sub3A_788, %lt3A_793 : vector<16xi32>
      %and3A_795 = arith.andi %ge3A_791, %lt3A_794 : vector<16xi1>
      %jit3A_796 = arith.constant 5100 : i32
      %broadcast_in_dim3A_797 = vector.broadcast %jit3A_796 : i32 to vector<16xi32>
      %select_n3A_798 = arith.select %and3A_795, %sub3A_788, %broadcast_in_dim3A_797 : vector<16xi1>, vector<16xi32>
      %swap3A_799 = arith.constant 0 : i32
      %swap3A_800 = arith.index_cast %swap3A_799 : i32 to index
      %swap3A_801 = arith.constant 80 : index
      %swap3A_802 = tpu.vector_load %arg17[%swap3A_800, %swap3A_801] {strides = array<i32>} : memref<8x128xi32, #tpu.memory_space<vmem>>, vector<1x16xi32>,
      %swap3A_803 = vector.shape_cast %swap3A_802 : vector<1x16xi32> to vector<16xi32>
      %swap3A_804 = vector.shape_cast %select_n3A_798 : vector<16xi32> to vector<1x16xi32>
      tpu.vector_store %arg17[%swap3A_800, %swap3A_801], %swap3A_804 {strides = array<i32>} : memref<8x128xi32, #tpu.memory_space<vmem>>, vector<1x16xi32>,
      %get3A_805 = arith.constant 1 : i32
      %get3A_806 = arith.index_cast %get3A_805 : i32 to index
      %get3A_807 = arith.constant 96 : index
      %get3A_808 = tpu.vector_load %arg11[%get3A_806, %get3A_807] {strides = array<i32>} : memref<4x128xi32, #tpu.memory_space<vmem>>, vector<1x16xi32>,
      %get3A_809 = vector.shape_cast %get3A_808 : vector<1x16xi32> to vector<16xi32>
      %sub3A_810 = arith.constant 5000 : i32
      %sub3A_811 = vector.broadcast %sub3A_810 : i32 to vector<16xi32>
      %sub3A_812 = arith.subi %get3A_809, %sub3A_811 : vector<16xi32>
      %ge3A_813 = arith.constant 0 : i32
      %ge3A_814 = vector.broadcast %ge3A_813 : i32 to vector<16xi32>
      %ge3A_815 = arith.cmpi sge, %sub3A_812, %ge3A_814 : vector<16xi32>
      %lt3A_816 = arith.constant 5000 : i32
      %lt3A_817 = vector.broadcast %lt3A_816 : i32 to vector<16xi32>
      %lt3A_818 = arith.cmpi slt, %sub3A_812, %lt3A_817 : vector<16xi32>
      %and3A_819 = arith.andi %ge3A_815, %lt3A_818 : vector<16xi1>
      %jit3A_820 = arith.constant 5100 : i32
      %broadcast_in_dim3A_821 = vector.broadcast %jit3A_820 : i32 to vector<16xi32>
      %select_n3A_822 = arith.select %and3A_819, %sub3A_812, %broadcast_in_dim3A_821 : vector<16xi1>, vector<16xi32>
      %swap3A_823 = arith.constant 0 : i32
      %swap3A_824 = arith.index_cast %swap3A_823 : i32 to index
      %swap3A_825 = arith.constant 96 : index
      %swap3A_826 = tpu.vector_load %arg17[%swap3A_824, %swap3A_825] {strides = array<i32>} : memref<8x128xi32, #tpu.memory_space<vmem>>, vector<1x16xi32>,
      %swap3A_827 = vector.shape_cast %swap3A_826 : vector<1x16xi32> to vector<16xi32>
      %swap3A_828 = vector.shape_cast %select_n3A_822 : vector<16xi32> to vector<1x16xi32>
      tpu.vector_store %arg17[%swap3A_824, %swap3A_825], %swap3A_828 {strides = array<i32>} : memref<8x128xi32, #tpu.memory_space<vmem>>, vector<1x16xi32>,
      %get3A_829 = arith.constant 1 : i32
      %get3A_830 = arith.index_cast %get3A_829 : i32 to index
      %get3A_831 = arith.constant 112 : index
      %get3A_832 = tpu.vector_load %arg11[%get3A_830, %get3A_831] {strides = array<i32>} : memref<4x128xi32, #tpu.memory_space<vmem>>, vector<1x16xi32>,
      %get3A_833 = vector.shape_cast %get3A_832 : vector<1x16xi32> to vector<16xi32>
      %sub3A_834 = arith.constant 5000 : i32
      %sub3A_835 = vector.broadcast %sub3A_834 : i32 to vector<16xi32>
      %sub3A_836 = arith.subi %get3A_833, %sub3A_835 : vector<16xi32>
      %ge3A_837 = arith.constant 0 : i32
      %ge3A_838 = vector.broadcast %ge3A_837 : i32 to vector<16xi32>
      %ge3A_839 = arith.cmpi sge, %sub3A_836, %ge3A_838 : vector<16xi32>
      %lt3A_840 = arith.constant 5000 : i32
      %lt3A_841 = vector.broadcast %lt3A_840 : i32 to vector<16xi32>
      %lt3A_842 = arith.cmpi slt, %sub3A_836, %lt3A_841 : vector<16xi32>
      %and3A_843 = arith.andi %ge3A_839, %lt3A_842 : vector<16xi1>
      %jit3A_844 = arith.constant 5100 : i32
      %broadcast_in_dim3A_845 = vector.broadcast %jit3A_844 : i32 to vector<16xi32>
      %select_n3A_846 = arith.select %and3A_843, %sub3A_836, %broadcast_in_dim3A_845 : vector<16xi1>, vector<16xi32>
      %swap3A_847 = arith.constant 0 : i32
      %swap3A_848 = arith.index_cast %swap3A_847 : i32 to index
      %swap3A_849 = arith.constant 112 : index
      %swap3A_850 = tpu.vector_load %arg17[%swap3A_848, %swap3A_849] {strides = array<i32>} : memref<8x128xi32, #tpu.memory_space<vmem>>, vector<1x16xi32>,
      %swap3A_851 = vector.shape_cast %swap3A_850 : vector<1x16xi32> to vector<16xi32>
      %swap3A_852 = vector.shape_cast %select_n3A_846 : vector<16xi32> to vector<1x16xi32>
      tpu.vector_store %arg17[%swap3A_848, %swap3A_849], %swap3A_852 {strides = array<i32>} : memref<8x128xi32, #tpu.memory_space<vmem>>, vector<1x16xi32>,
      %dma_wait3A_853 = arith.constant 0 : i32
      %dma_wait3A_854 = arith.constant 0 : i32
      %dma_wait3A_855 = tpu.memref_slice %arg11[%dma_wait3A_853, %dma_wait3A_854] : memref<4x128xi32, #tpu.memory_space<vmem>> -> memref<1x128xi32, #tpu.memory_space<vmem>>
      %dma_wait3A_856 = tpu.memref_squeeze %dma_wait3A_855 : memref<1x128xi32, #tpu.memory_space<vmem>> -> memref<128xi32, #tpu.memory_space<vmem>>
      %dma_wait3A_857 = arith.constant 0 : i32
      %dma_wait3A_858 = arith.constant 0 : i32
      %dma_wait3A_859 = tpu.memref_slice %arg2[%dma_wait3A_857, %dma_wait3A_858] : memref<20000x128xf32, #tpu.memory_space<hbm>> -> memref<20000x128xf32, #tpu.memory_space<hbm>>
      tpu.wait_indirect_dma semaphore(%arg22 : memref<!tpu.dma_semaphore, #tpu.memory_space<semaphore_mem>>) src(%dma_wait3A_859 : memref<20000x128xf32, #tpu.memory_space<hbm>>) dst(%arg12 : memref<128x128xf32, #tpu.memory_space<vmem>>)
      %dma_wait3A_860 = arith.constant 0 : i32
      %dma_wait3A_861 = arith.constant 0 : i32
      %dma_wait3A_862 = tpu.memref_slice %arg3[%dma_wait3A_860, %dma_wait3A_861] : memref<163840x128xf32, #tpu.memory_space<hbm>> -> memref<64x128xf32, #tpu.memory_space<hbm>>
      %dma_wait3A_863 = arith.constant 0 : i32
      %dma_wait3A_864 = arith.constant 0 : i32
      %dma_wait3A_865 = tpu.memref_slice %arg3[%dma_wait3A_863, %dma_wait3A_864] : memref<163840x128xf32, #tpu.memory_space<hbm>> -> memref<64x128xf32, #tpu.memory_space<hbm>>
      tpu.wait_dma2 semaphore(%arg24 : memref<!tpu.dma_semaphore, #tpu.memory_space<semaphore_mem>>) src(%dma_wait3A_865 : memref<64x128xf32, #tpu.memory_space<hbm>>) dst(%arg14 : memref<64x128xf32, #tpu.memory_space<vmem>>)
      %scan3A_866 = arith.constant 0 : i32
      %scan3A_867 = arith.constant 64 : i32
      %scan3A_868 = arith.addi %scan3A_866, %scan3A_867 : i32
      %scan3A_869 = arith.constant 1 : i32
      scf.for %scan3A_1097 = %scan3A_866 to %scan3A_868 step %scan3A_869  : i32 {
        %mul3A_1098 = arith.constant 1 : i32
        %mul3A_1099 = arith.muli %scan3A_1097, %mul3A_1098 : i32
        %add3A_1100 = arith.constant 0 : i32
        %add3A_1101 = arith.addi %add3A_1100, %mul3A_1099 : i32
        %add3A_1102 = arith.constant 0 : i32
        %add3A_1103 = arith.addi %add3A_1102, %add3A_1101 : i32
        %get3A_1104 = arith.index_cast %add3A_1103 : i32 to index
        %get3A_1105 = arith.constant 0 : index
        %get3A_1106 = tpu.vector_load %arg12[%get3A_1104, %get3A_1105] {strides = array<i32>} : memref<128x128xf32, #tpu.memory_space<vmem>>, vector<1x16xf32>,
        %get3A_1107 = vector.shape_cast %get3A_1106 : vector<1x16xf32> to vector<16xf32>
        %get3A_1108 = arith.index_cast %add3A_1101 : i32 to index
        %get3A_1109 = arith.constant 0 : index
        %get3A_1110 = tpu.vector_load %arg14[%get3A_1108, %get3A_1109] {strides = array<i32>} : memref<64x128xf32, #tpu.memory_space<vmem>>, vector<1x16xf32>,
        %get3A_1111 = vector.shape_cast %get3A_1110 : vector<1x16xf32> to vector<16xf32>
        %add3A_1112 = arith.addf %get3A_1107, %get3A_1111 : vector<16xf32>
        %max3A_1113 = arith.constant 0.000000e+00 : f32
        %max3A_1114 = vector.broadcast %max3A_1113 : f32 to vector<16xf32>
        %max3A_1115 = arith.maximumf %add3A_1112, %max3A_1114 : vector<16xf32>
        %mul3A_1116 = arith.mulf %max3A_1115, %get3A_6 : vector<16xf32>
        %sub3A_1117 = arith.subf %mul3A_1116, %sub3A : vector<16xf32>
        %exp3A = math.exp %sub3A_1117 : vector<16xf32>
        %swap3A_1118 = arith.index_cast %add3A_1103 : i32 to index
        %swap3A_1119 = arith.constant 0 : index
        %swap3A_1120 = tpu.vector_load %arg16[%swap3A_1118, %swap3A_1119] {strides = array<i32>} : memref<128x128xf32, #tpu.memory_space<vmem>>, vector<1x16xf32>,
        %swap3A_1121 = vector.shape_cast %swap3A_1120 : vector<1x16xf32> to vector<16xf32>
        %swap3A_1122 = vector.shape_cast %exp3A : vector<16xf32> to vector<1x16xf32>
        tpu.vector_store %arg16[%swap3A_1118, %swap3A_1119], %swap3A_1122 {strides = array<i32>} : memref<128x128xf32, #tpu.memory_space<vmem>>, vector<1x16xf32>,
        %mul3A_1123 = arith.mulf %max3A_1115, %exp3A : vector<16xf32>
        %swap3A_1124 = arith.index_cast %add3A_1103 : i32 to index
        %swap3A_1125 = arith.constant 64 : index
        %swap3A_1126 = tpu.vector_load %arg16[%swap3A_1124, %swap3A_1125] {strides = array<i32>} : memref<128x128xf32, #tpu.memory_space<vmem>>, vector<1x16xf32>,
        %swap3A_1127 = vector.shape_cast %swap3A_1126 : vector<1x16xf32> to vector<16xf32>
        %swap3A_1128 = vector.shape_cast %mul3A_1123 : vector<16xf32> to vector<1x16xf32>
        tpu.vector_store %arg16[%swap3A_1124, %swap3A_1125], %swap3A_1128 {strides = array<i32>} : memref<128x128xf32, #tpu.memory_space<vmem>>, vector<1x16xf32>,
        %get3A_1129 = arith.index_cast %add3A_1103 : i32 to index
        %get3A_1130 = arith.constant 16 : index
        %get3A_1131 = tpu.vector_load %arg12[%get3A_1129, %get3A_1130] {strides = array<i32>} : memref<128x128xf32, #tpu.memory_space<vmem>>, vector<1x16xf32>,
        %get3A_1132 = vector.shape_cast %get3A_1131 : vector<1x16xf32> to vector<16xf32>
        %get3A_1133 = arith.index_cast %add3A_1101 : i32 to index
        %get3A_1134 = arith.constant 16 : index
        %get3A_1135 = tpu.vector_load %arg14[%get3A_1133, %get3A_1134] {strides = array<i32>} : memref<64x128xf32, #tpu.memory_space<vmem>>, vector<1x16xf32>,
        %get3A_1136 = vector.shape_cast %get3A_1135 : vector<1x16xf32> to vector<16xf32>
        %add3A_1137 = arith.addf %get3A_1132, %get3A_1136 : vector<16xf32>
        %max3A_1138 = arith.constant 0.000000e+00 : f32
        %max3A_1139 = vector.broadcast %max3A_1138 : f32 to vector<16xf32>
        %max3A_1140 = arith.maximumf %add3A_1137, %max3A_1139 : vector<16xf32>
        %mul3A_1141 = arith.mulf %max3A_1140, %get3A_6 : vector<16xf32>
        %sub3A_1142 = arith.subf %mul3A_1141, %sub3A_47 : vector<16xf32>
        %exp3A_1143 = math.exp %sub3A_1142 : vector<16xf32>
        %swap3A_1144 = arith.index_cast %add3A_1103 : i32 to index
        %swap3A_1145 = arith.constant 16 : index
        %swap3A_1146 = tpu.vector_load %arg16[%swap3A_1144, %swap3A_1145] {strides = array<i32>} : memref<128x128xf32, #tpu.memory_space<vmem>>, vector<1x16xf32>,
        %swap3A_1147 = vector.shape_cast %swap3A_1146 : vector<1x16xf32> to vector<16xf32>
        %swap3A_1148 = vector.shape_cast %exp3A_1143 : vector<16xf32> to vector<1x16xf32>
        tpu.vector_store %arg16[%swap3A_1144, %swap3A_1145], %swap3A_1148 {strides = array<i32>} : memref<128x128xf32, #tpu.memory_space<vmem>>, vector<1x16xf32>,
        %mul3A_1149 = arith.mulf %max3A_1140, %exp3A_1143 : vector<16xf32>
        %swap3A_1150 = arith.index_cast %add3A_1103 : i32 to index
        %swap3A_1151 = arith.constant 80 : index
        %swap3A_1152 = tpu.vector_load %arg16[%swap3A_1150, %swap3A_1151] {strides = array<i32>} : memref<128x128xf32, #tpu.memory_space<vmem>>, vector<1x16xf32>,
        %swap3A_1153 = vector.shape_cast %swap3A_1152 : vector<1x16xf32> to vector<16xf32>
        %swap3A_1154 = vector.shape_cast %mul3A_1149 : vector<16xf32> to vector<1x16xf32>
        tpu.vector_store %arg16[%swap3A_1150, %swap3A_1151], %swap3A_1154 {strides = array<i32>} : memref<128x128xf32, #tpu.memory_space<vmem>>, vector<1x16xf32>,
        %get3A_1155 = arith.index_cast %add3A_1103 : i32 to index
        %get3A_1156 = arith.constant 32 : index
        %get3A_1157 = tpu.vector_load %arg12[%get3A_1155, %get3A_1156] {strides = array<i32>} : memref<128x128xf32, #tpu.memory_space<vmem>>, vector<1x16xf32>,
        %get3A_1158 = vector.shape_cast %get3A_1157 : vector<1x16xf32> to vector<16xf32>
        %get3A_1159 = arith.index_cast %add3A_1101 : i32 to index
        %get3A_1160 = arith.constant 32 : index
        %get3A_1161 = tpu.vector_load %arg14[%get3A_1159, %get3A_1160] {strides = array<i32>} : memref<64x128xf32, #tpu.memory_space<vmem>>, vector<1x16xf32>,
        %get3A_1162 = vector.shape_cast %get3A_1161 : vector<1x16xf32> to vector<16xf32>
        %add3A_1163 = arith.addf %get3A_1158, %get3A_1162 : vector<16xf32>
        %max3A_1164 = arith.constant 0.000000e+00 : f32
        %max3A_1165 = vector.broadcast %max3A_1164 : f32 to vector<16xf32>
        %max3A_1166 = arith.maximumf %add3A_1163, %max3A_1165 : vector<16xf32>
        %mul3A_1167 = arith.mulf %max3A_1166, %get3A_6 : vector<16xf32>
        %sub3A_1168 = arith.subf %mul3A_1167, %sub3A_69 : vector<16xf32>
        %exp3A_1169 = math.exp %sub3A_1168 : vector<16xf32>
        %swap3A_1170 = arith.index_cast %add3A_1103 : i32 to index
        %swap3A_1171 = arith.constant 32 : index
        %swap3A_1172 = tpu.vector_load %arg16[%swap3A_1170, %swap3A_1171] {strides = array<i32>} : memref<128x128xf32, #tpu.memory_space<vmem>>, vector<1x16xf32>,
        %swap3A_1173 = vector.shape_cast %swap3A_1172 : vector<1x16xf32> to vector<16xf32>
        %swap3A_1174 = vector.shape_cast %exp3A_1169 : vector<16xf32> to vector<1x16xf32>
        tpu.vector_store %arg16[%swap3A_1170, %swap3A_1171], %swap3A_1174 {strides = array<i32>} : memref<128x128xf32, #tpu.memory_space<vmem>>, vector<1x16xf32>,
        %mul3A_1175 = arith.mulf %max3A_1166, %exp3A_1169 : vector<16xf32>
        %swap3A_1176 = arith.index_cast %add3A_1103 : i32 to index
        %swap3A_1177 = arith.constant 96 : index
        %swap3A_1178 = tpu.vector_load %arg16[%swap3A_1176, %swap3A_1177] {strides = array<i32>} : memref<128x128xf32, #tpu.memory_space<vmem>>, vector<1x16xf32>,
        %swap3A_1179 = vector.shape_cast %swap3A_1178 : vector<1x16xf32> to vector<16xf32>
        %swap3A_1180 = vector.shape_cast %mul3A_1175 : vector<16xf32> to vector<1x16xf32>
        tpu.vector_store %arg16[%swap3A_1176, %swap3A_1177], %swap3A_1180 {strides = array<i32>} : memref<128x128xf32, #tpu.memory_space<vmem>>, vector<1x16xf32>,
        %get3A_1181 = arith.index_cast %add3A_1103 : i32 to index
        %get3A_1182 = arith.constant 48 : index
        %get3A_1183 = tpu.vector_load %arg12[%get3A_1181, %get3A_1182] {strides = array<i32>} : memref<128x128xf32, #tpu.memory_space<vmem>>, vector<1x16xf32>,
        %get3A_1184 = vector.shape_cast %get3A_1183 : vector<1x16xf32> to vector<16xf32>
        %get3A_1185 = arith.index_cast %add3A_1101 : i32 to index
        %get3A_1186 = arith.constant 48 : index
        %get3A_1187 = tpu.vector_load %arg14[%get3A_1185, %get3A_1186] {strides = array<i32>} : memref<64x128xf32, #tpu.memory_space<vmem>>, vector<1x16xf32>,
        %get3A_1188 = vector.shape_cast %get3A_1187 : vector<1x16xf32> to vector<16xf32>
        %add3A_1189 = arith.addf %get3A_1184, %get3A_1188 : vector<16xf32>
        %max3A_1190 = arith.constant 0.000000e+00 : f32
        %max3A_1191 = vector.broadcast %max3A_1190 : f32 to vector<16xf32>
        %max3A_1192 = arith.maximumf %add3A_1189, %max3A_1191 : vector<16xf32>
        %mul3A_1193 = arith.mulf %max3A_1192, %get3A_6 : vector<16xf32>
        %sub3A_1194 = arith.subf %mul3A_1193, %sub3A_91 : vector<16xf32>
        %exp3A_1195 = math.exp %sub3A_1194 : vector<16xf32>
        %swap3A_1196 = arith.index_cast %add3A_1103 : i32 to index
        %swap3A_1197 = arith.constant 48 : index
        %swap3A_1198 = tpu.vector_load %arg16[%swap3A_1196, %swap3A_1197] {strides = array<i32>} : memref<128x128xf32, #tpu.memory_space<vmem>>, vector<1x16xf32>,
        %swap3A_1199 = vector.shape_cast %swap3A_1198 : vector<1x16xf32> to vector<16xf32>
        %swap3A_1200 = vector.shape_cast %exp3A_1195 : vector<16xf32> to vector<1x16xf32>
        tpu.vector_store %arg16[%swap3A_1196, %swap3A_1197], %swap3A_1200 {strides = array<i32>} : memref<128x128xf32, #tpu.memory_space<vmem>>, vector<1x16xf32>,
        %mul3A_1201 = arith.mulf %max3A_1192, %exp3A_1195 : vector<16xf32>
        %swap3A_1202 = arith.index_cast %add3A_1103 : i32 to index
        %swap3A_1203 = arith.constant 112 : index
        %swap3A_1204 = tpu.vector_load %arg16[%swap3A_1202, %swap3A_1203] {strides = array<i32>} : memref<128x128xf32, #tpu.memory_space<vmem>>, vector<1x16xf32>,
        %swap3A_1205 = vector.shape_cast %swap3A_1204 : vector<1x16xf32> to vector<16xf32>
        %swap3A_1206 = vector.shape_cast %mul3A_1201 : vector<16xf32> to vector<1x16xf32>
        tpu.vector_store %arg16[%swap3A_1202, %swap3A_1203], %swap3A_1206 {strides = array<i32>} : memref<128x128xf32, #tpu.memory_space<vmem>>, vector<1x16xf32>,
        %add3A_1207 = arith.constant 64 : i32
        %add3A_1208 = arith.addi %add3A_1207, %add3A_1101 : i32
        %get3A_1209 = arith.index_cast %add3A_1208 : i32 to index
        %get3A_1210 = arith.constant 0 : index
        %get3A_1211 = tpu.vector_load %arg12[%get3A_1209, %get3A_1210] {strides = array<i32>} : memref<128x128xf32, #tpu.memory_space<vmem>>, vector<1x16xf32>,
        %get3A_1212 = vector.shape_cast %get3A_1211 : vector<1x16xf32> to vector<16xf32>
        %get3A_1213 = arith.index_cast %add3A_1101 : i32 to index
        %get3A_1214 = arith.constant 64 : index
        %get3A_1215 = tpu.vector_load %arg14[%get3A_1213, %get3A_1214] {strides = array<i32>} : memref<64x128xf32, #tpu.memory_space<vmem>>, vector<1x16xf32>,
        %get3A_1216 = vector.shape_cast %get3A_1215 : vector<1x16xf32> to vector<16xf32>
        %add3A_1217 = arith.addf %get3A_1212, %get3A_1216 : vector<16xf32>
        %max3A_1218 = arith.constant 0.000000e+00 : f32
        %max3A_1219 = vector.broadcast %max3A_1218 : f32 to vector<16xf32>
        %max3A_1220 = arith.maximumf %add3A_1217, %max3A_1219 : vector<16xf32>
        %mul3A_1221 = arith.mulf %max3A_1220, %get3A_6 : vector<16xf32>
        %sub3A_1222 = arith.subf %mul3A_1221, %sub3A : vector<16xf32>
        %exp3A_1223 = math.exp %sub3A_1222 : vector<16xf32>
        %swap3A_1224 = arith.index_cast %add3A_1208 : i32 to index
        %swap3A_1225 = arith.constant 0 : index
        %swap3A_1226 = tpu.vector_load %arg16[%swap3A_1224, %swap3A_1225] {strides = array<i32>} : memref<128x128xf32, #tpu.memory_space<vmem>>, vector<1x16xf32>,
        %swap3A_1227 = vector.shape_cast %swap3A_1226 : vector<1x16xf32> to vector<16xf32>
        %swap3A_1228 = vector.shape_cast %exp3A_1223 : vector<16xf32> to vector<1x16xf32>
        tpu.vector_store %arg16[%swap3A_1224, %swap3A_1225], %swap3A_1228 {strides = array<i32>} : memref<128x128xf32, #tpu.memory_space<vmem>>, vector<1x16xf32>,
        %mul3A_1229 = arith.mulf %max3A_1220, %exp3A_1223 : vector<16xf32>
        %swap3A_1230 = arith.index_cast %add3A_1208 : i32 to index
        %swap3A_1231 = arith.constant 64 : index
        %swap3A_1232 = tpu.vector_load %arg16[%swap3A_1230, %swap3A_1231] {strides = array<i32>} : memref<128x128xf32, #tpu.memory_space<vmem>>, vector<1x16xf32>,
        %swap3A_1233 = vector.shape_cast %swap3A_1232 : vector<1x16xf32> to vector<16xf32>
        %swap3A_1234 = vector.shape_cast %mul3A_1229 : vector<16xf32> to vector<1x16xf32>
        tpu.vector_store %arg16[%swap3A_1230, %swap3A_1231], %swap3A_1234 {strides = array<i32>} : memref<128x128xf32, #tpu.memory_space<vmem>>, vector<1x16xf32>,
        %get3A_1235 = arith.index_cast %add3A_1208 : i32 to index
        %get3A_1236 = arith.constant 16 : index
        %get3A_1237 = tpu.vector_load %arg12[%get3A_1235, %get3A_1236] {strides = array<i32>} : memref<128x128xf32, #tpu.memory_space<vmem>>, vector<1x16xf32>,
        %get3A_1238 = vector.shape_cast %get3A_1237 : vector<1x16xf32> to vector<16xf32>
        %get3A_1239 = arith.index_cast %add3A_1101 : i32 to index
        %get3A_1240 = arith.constant 80 : index
        %get3A_1241 = tpu.vector_load %arg14[%get3A_1239, %get3A_1240] {strides = array<i32>} : memref<64x128xf32, #tpu.memory_space<vmem>>, vector<1x16xf32>,
        %get3A_1242 = vector.shape_cast %get3A_1241 : vector<1x16xf32> to vector<16xf32>
        %add3A_1243 = arith.addf %get3A_1238, %get3A_1242 : vector<16xf32>
        %max3A_1244 = arith.constant 0.000000e+00 : f32
        %max3A_1245 = vector.broadcast %max3A_1244 : f32 to vector<16xf32>
        %max3A_1246 = arith.maximumf %add3A_1243, %max3A_1245 : vector<16xf32>
        %mul3A_1247 = arith.mulf %max3A_1246, %get3A_6 : vector<16xf32>
        %sub3A_1248 = arith.subf %mul3A_1247, %sub3A_47 : vector<16xf32>
        %exp3A_1249 = math.exp %sub3A_1248 : vector<16xf32>
        %swap3A_1250 = arith.index_cast %add3A_1208 : i32 to index
        %swap3A_1251 = arith.constant 16 : index
        %swap3A_1252 = tpu.vector_load %arg16[%swap3A_1250, %swap3A_1251] {strides = array<i32>} : memref<128x128xf32, #tpu.memory_space<vmem>>, vector<1x16xf32>,
        %swap3A_1253 = vector.shape_cast %swap3A_1252 : vector<1x16xf32> to vector<16xf32>
        %swap3A_1254 = vector.shape_cast %exp3A_1249 : vector<16xf32> to vector<1x16xf32>
        tpu.vector_store %arg16[%swap3A_1250, %swap3A_1251], %swap3A_1254 {strides = array<i32>} : memref<128x128xf32, #tpu.memory_space<vmem>>, vector<1x16xf32>,
        %mul3A_1255 = arith.mulf %max3A_1246, %exp3A_1249 : vector<16xf32>
        %swap3A_1256 = arith.index_cast %add3A_1208 : i32 to index
        %swap3A_1257 = arith.constant 80 : index
        %swap3A_1258 = tpu.vector_load %arg16[%swap3A_1256, %swap3A_1257] {strides = array<i32>} : memref<128x128xf32, #tpu.memory_space<vmem>>, vector<1x16xf32>,
        %swap3A_1259 = vector.shape_cast %swap3A_1258 : vector<1x16xf32> to vector<16xf32>
        %swap3A_1260 = vector.shape_cast %mul3A_1255 : vector<16xf32> to vector<1x16xf32>
        tpu.vector_store %arg16[%swap3A_1256, %swap3A_1257], %swap3A_1260 {strides = array<i32>} : memref<128x128xf32, #tpu.memory_space<vmem>>, vector<1x16xf32>,
        %get3A_1261 = arith.index_cast %add3A_1208 : i32 to index
        %get3A_1262 = arith.constant 32 : index
        %get3A_1263 = tpu.vector_load %arg12[%get3A_1261, %get3A_1262] {strides = array<i32>} : memref<128x128xf32, #tpu.memory_space<vmem>>, vector<1x16xf32>,
        %get3A_1264 = vector.shape_cast %get3A_1263 : vector<1x16xf32> to vector<16xf32>
        %get3A_1265 = arith.index_cast %add3A_1101 : i32 to index
        %get3A_1266 = arith.constant 96 : index
        %get3A_1267 = tpu.vector_load %arg14[%get3A_1265, %get3A_1266] {strides = array<i32>} : memref<64x128xf32, #tpu.memory_space<vmem>>, vector<1x16xf32>,
        %get3A_1268 = vector.shape_cast %get3A_1267 : vector<1x16xf32> to vector<16xf32>
        %add3A_1269 = arith.addf %get3A_1264, %get3A_1268 : vector<16xf32>
        %max3A_1270 = arith.constant 0.000000e+00 : f32
        %max3A_1271 = vector.broadcast %max3A_1270 : f32 to vector<16xf32>
        %max3A_1272 = arith.maximumf %add3A_1269, %max3A_1271 : vector<16xf32>
        %mul3A_1273 = arith.mulf %max3A_1272, %get3A_6 : vector<16xf32>
        %sub3A_1274 = arith.subf %mul3A_1273, %sub3A_69 : vector<16xf32>
        %exp3A_1275 = math.exp %sub3A_1274 : vector<16xf32>
        %swap3A_1276 = arith.index_cast %add3A_1208 : i32 to index
        %swap3A_1277 = arith.constant 32 : index
        %swap3A_1278 = tpu.vector_load %arg16[%swap3A_1276, %swap3A_1277] {strides = array<i32>} : memref<128x128xf32, #tpu.memory_space<vmem>>, vector<1x16xf32>,
        %swap3A_1279 = vector.shape_cast %swap3A_1278 : vector<1x16xf32> to vector<16xf32>
        %swap3A_1280 = vector.shape_cast %exp3A_1275 : vector<16xf32> to vector<1x16xf32>
        tpu.vector_store %arg16[%swap3A_1276, %swap3A_1277], %swap3A_1280 {strides = array<i32>} : memref<128x128xf32, #tpu.memory_space<vmem>>, vector<1x16xf32>,
        %mul3A_1281 = arith.mulf %max3A_1272, %exp3A_1275 : vector<16xf32>
        %swap3A_1282 = arith.index_cast %add3A_1208 : i32 to index
        %swap3A_1283 = arith.constant 96 : index
        %swap3A_1284 = tpu.vector_load %arg16[%swap3A_1282, %swap3A_1283] {strides = array<i32>} : memref<128x128xf32, #tpu.memory_space<vmem>>, vector<1x16xf32>,
        %swap3A_1285 = vector.shape_cast %swap3A_1284 : vector<1x16xf32> to vector<16xf32>
        %swap3A_1286 = vector.shape_cast %mul3A_1281 : vector<16xf32> to vector<1x16xf32>
        tpu.vector_store %arg16[%swap3A_1282, %swap3A_1283], %swap3A_1286 {strides = array<i32>} : memref<128x128xf32, #tpu.memory_space<vmem>>, vector<1x16xf32>,
        %get3A_1287 = arith.index_cast %add3A_1208 : i32 to index
        %get3A_1288 = arith.constant 48 : index
        %get3A_1289 = tpu.vector_load %arg12[%get3A_1287, %get3A_1288] {strides = array<i32>} : memref<128x128xf32, #tpu.memory_space<vmem>>, vector<1x16xf32>,
        %get3A_1290 = vector.shape_cast %get3A_1289 : vector<1x16xf32> to vector<16xf32>
        %get3A_1291 = arith.index_cast %add3A_1101 : i32 to index
        %get3A_1292 = arith.constant 112 : index
        %get3A_1293 = tpu.vector_load %arg14[%get3A_1291, %get3A_1292] {strides = array<i32>} : memref<64x128xf32, #tpu.memory_space<vmem>>, vector<1x16xf32>,
        %get3A_1294 = vector.shape_cast %get3A_1293 : vector<1x16xf32> to vector<16xf32>
        %add3A_1295 = arith.addf %get3A_1290, %get3A_1294 : vector<16xf32>
        %max3A_1296 = arith.constant 0.000000e+00 : f32
        %max3A_1297 = vector.broadcast %max3A_1296 : f32 to vector<16xf32>
        %max3A_1298 = arith.maximumf %add3A_1295, %max3A_1297 : vector<16xf32>
        %mul3A_1299 = arith.mulf %max3A_1298, %get3A_6 : vector<16xf32>
        %sub3A_1300 = arith.subf %mul3A_1299, %sub3A_91 : vector<16xf32>
        %exp3A_1301 = math.exp %sub3A_1300 : vector<16xf32>
        %swap3A_1302 = arith.index_cast %add3A_1208 : i32 to index
        %swap3A_1303 = arith.constant 48 : index
        %swap3A_1304 = tpu.vector_load %arg16[%swap3A_1302, %swap3A_1303] {strides = array<i32>} : memref<128x128xf32, #tpu.memory_space<vmem>>, vector<1x16xf32>,
        %swap3A_1305 = vector.shape_cast %swap3A_1304 : vector<1x16xf32> to vector<16xf32>
        %swap3A_1306 = vector.shape_cast %exp3A_1301 : vector<16xf32> to vector<1x16xf32>
        tpu.vector_store %arg16[%swap3A_1302, %swap3A_1303], %swap3A_1306 {strides = array<i32>} : memref<128x128xf32, #tpu.memory_space<vmem>>, vector<1x16xf32>,
        %mul3A_1307 = arith.mulf %max3A_1298, %exp3A_1301 : vector<16xf32>
        %swap3A_1308 = arith.index_cast %add3A_1208 : i32 to index
        %swap3A_1309 = arith.constant 112 : index
        %swap3A_1310 = tpu.vector_load %arg16[%swap3A_1308, %swap3A_1309] {strides = array<i32>} : memref<128x128xf32, #tpu.memory_space<vmem>>, vector<1x16xf32>,
        %swap3A_1311 = vector.shape_cast %swap3A_1310 : vector<1x16xf32> to vector<16xf32>
        %swap3A_1312 = vector.shape_cast %mul3A_1307 : vector<16xf32> to vector<1x16xf32>
        tpu.vector_store %arg16[%swap3A_1308, %swap3A_1309], %swap3A_1312 {strides = array<i32>} : memref<128x128xf32, #tpu.memory_space<vmem>>, vector<1x16xf32>,
      }
      %scan3A_870 = arith.constant 64 : i32
      %run_scoped3A_871 = arith.constant 0 : i32
      "tpu.region"() ({
        %run_scoped3A_1097 = tpu.sem_alloc : memref<!tpu.dma_semaphore, #tpu.memory_space<semaphore_mem>>
        %dma_start3A_1098 = arith.constant 0 : i32
        %dma_start3A_1099 = tpu.memref_slice %arg17[%run_scoped3A_871, %dma_start3A_1098] : memref<8x128xi32, #tpu.memory_space<vmem>> -> memref<1x128xi32, #tpu.memory_space<vmem>>
        %dma_start3A_1100 = tpu.memref_squeeze %dma_start3A_1099 : memref<1x128xi32, #tpu.memory_space<vmem>> -> memref<128xi32, #tpu.memory_space<vmem>>
        %dma_start3A_1101 = arith.constant 0 : i32
        %dma_start3A_1102 = arith.constant 0 : i32
        %dma_start3A_1103 = tpu.memref_slice %arg21[%dma_start3A_1101, %dma_start3A_1102] : memref<5120x128xf32, #tpu.memory_space<vmem_shared>> -> memref<5120x128xf32, #tpu.memory_space<vmem_shared>>
        tpu.enqueue_indirect_dma source(%arg16 : memref<128x128xf32, #tpu.memory_space<vmem>>) target(%dma_start3A_1103 : memref<5120x128xf32, #tpu.memory_space<vmem_shared>>) offsets(%dma_start3A_1100 : memref<128xi32, #tpu.memory_space<vmem>>) semaphore(%run_scoped3A_1097 : memref<!tpu.dma_semaphore, #tpu.memory_space<semaphore_mem>>) {add = true}
        %dma_wait3A_1104 = arith.constant 0 : i32
        %dma_wait3A_1105 = tpu.memref_slice %arg17[%run_scoped3A_871, %dma_wait3A_1104] : memref<8x128xi32, #tpu.memory_space<vmem>> -> memref<1x128xi32, #tpu.memory_space<vmem>>
        %dma_wait3A_1106 = tpu.memref_squeeze %dma_wait3A_1105 : memref<1x128xi32, #tpu.memory_space<vmem>> -> memref<128xi32, #tpu.memory_space<vmem>>
        %dma_wait3A_1107 = arith.constant 0 : i32
        %dma_wait3A_1108 = arith.constant 0 : i32
        %dma_wait3A_1109 = tpu.memref_slice %arg21[%dma_wait3A_1107, %dma_wait3A_1108] : memref<5120x128xf32, #tpu.memory_space<vmem_shared>> -> memref<5120x128xf32, #tpu.memory_space<vmem_shared>>
        tpu.wait_indirect_dma semaphore(%run_scoped3A_1097 : memref<!tpu.dma_semaphore, #tpu.memory_space<semaphore_mem>>) src(%arg16 : memref<128x128xf32, #tpu.memory_space<vmem>>) dst(%dma_wait3A_1109 : memref<5120x128xf32, #tpu.memory_space<vmem_shared>>)
        tpu.yield
      }) : () -> ()
      %add3A_872 = arith.constant 2 : i32
      %add3A_873 = arith.addi %add3A_518, %add3A_872 : i32
      %lt3A_874 = arith.constant 160 : i32
      %lt3A_875 = arith.cmpi slt, %add3A_873, %lt3A_874 : i32
      %convert_element_type3A_876 = arith.extui %lt3A_875 : i1 to i32
      %cond3A_877 = arith.constant 0 : i32
      %cond3A_878 = arith.cmpi ne, %convert_element_type3A_876, %cond3A_877 : i32
      scf.if %cond3A_878 {
        %add3A_1097 = arith.constant 2 : i32
        %add3A_1098 = arith.addi %add3A_518, %add3A_1097 : i32
        %mul3A_1099 = arith.constant 160 : i32
        %mul3A_1100 = arith.muli %arg1, %mul3A_1099 : i32
        %add3A_1101 = arith.addi %mul3A_1100, %add3A_1098 : i32
        %mul3A_1102 = arith.constant 128 : i32
        %mul3A_1103 = arith.muli %add3A_1101, %mul3A_1102 : i32
        %dma_start3A_1104 = arith.constant 0 : i32
        %dma_start3A_1105 = arith.constant 0 : i32
        %dma_start3A_1106 = tpu.memref_slice %arg11[%dma_start3A_1104, %dma_start3A_1105] : memref<4x128xi32, #tpu.memory_space<vmem>> -> memref<1x128xi32, #tpu.memory_space<vmem>>
        %dma_start3A_1107 = tpu.memref_squeeze %dma_start3A_1106 : memref<1x128xi32, #tpu.memory_space<vmem>> -> memref<128xi32, #tpu.memory_space<vmem>>
        %dma_start3A_1108 = tpu.memref_slice %arg5[%mul3A_1103] : memref<327680xi32, #tpu.memory_space<hbm>> -> memref<128xi32, #tpu.memory_space<hbm>>
        %dma_start3A_1109 = arith.constant 0 : i32
        %dma_start3A_1110 = tpu.memref_slice %arg11[%dma_start3A_1104, %dma_start3A_1109] : memref<4x128xi32, #tpu.memory_space<vmem>> -> memref<1x128xi32, #tpu.memory_space<vmem>>
        %dma_start3A_1111 = tpu.memref_squeeze %dma_start3A_1110 : memref<1x128xi32, #tpu.memory_space<vmem>> -> memref<128xi32, #tpu.memory_space<vmem>>
        %dma_start3A_1112 = tpu.memref_slice %arg5[%mul3A_1103] : memref<327680xi32, #tpu.memory_space<hbm>> -> memref<128xi32, #tpu.memory_space<hbm>>
        tpu.enqueue_dma source(%dma_start3A_1112 : memref<128xi32, #tpu.memory_space<hbm>>) target(%dma_start3A_1111 : memref<128xi32, #tpu.memory_space<vmem>>) target_semaphore(%arg26 : memref<!tpu.dma_semaphore, #tpu.memory_space<semaphore_mem>>)
        %dma_start3A_1113 = arith.constant 1 : i32
        %dma_start3A_1114 = arith.constant 0 : i32
        %dma_start3A_1115 = tpu.memref_slice %arg11[%dma_start3A_1113, %dma_start3A_1114] : memref<4x128xi32, #tpu.memory_space<vmem>> -> memref<1x128xi32, #tpu.memory_space<vmem>>
        %dma_start3A_1116 = tpu.memref_squeeze %dma_start3A_1115 : memref<1x128xi32, #tpu.memory_space<vmem>> -> memref<128xi32, #tpu.memory_space<vmem>>
        %dma_start3A_1117 = tpu.memref_slice %arg6[%mul3A_1103] : memref<327680xi32, #tpu.memory_space<hbm>> -> memref<128xi32, #tpu.memory_space<hbm>>
        %dma_start3A_1118 = arith.constant 0 : i32
        %dma_start3A_1119 = tpu.memref_slice %arg11[%dma_start3A_1113, %dma_start3A_1118] : memref<4x128xi32, #tpu.memory_space<vmem>> -> memref<1x128xi32, #tpu.memory_space<vmem>>
        %dma_start3A_1120 = tpu.memref_squeeze %dma_start3A_1119 : memref<1x128xi32, #tpu.memory_space<vmem>> -> memref<128xi32, #tpu.memory_space<vmem>>
        %dma_start3A_1121 = tpu.memref_slice %arg6[%mul3A_1103] : memref<327680xi32, #tpu.memory_space<hbm>> -> memref<128xi32, #tpu.memory_space<hbm>>
        tpu.enqueue_dma source(%dma_start3A_1121 : memref<128xi32, #tpu.memory_space<hbm>>) target(%dma_start3A_1120 : memref<128xi32, #tpu.memory_space<vmem>>) target_semaphore(%arg26 : memref<!tpu.dma_semaphore, #tpu.memory_space<semaphore_mem>>)
        %add3A_1122 = arith.constant 2 : i32
        %add3A_1123 = arith.addi %add3A_518, %add3A_1122 : i32
        %dma_wait3A_1124 = arith.constant 0 : i32
        %dma_wait3A_1125 = arith.constant 0 : i32
        %dma_wait3A_1126 = tpu.memref_slice %arg11[%dma_wait3A_1124, %dma_wait3A_1125] : memref<4x128xi32, #tpu.memory_space<vmem>> -> memref<1x128xi32, #tpu.memory_space<vmem>>
        %dma_wait3A_1127 = tpu.memref_squeeze %dma_wait3A_1126 : memref<1x128xi32, #tpu.memory_space<vmem>> -> memref<128xi32, #tpu.memory_space<vmem>>
        %dma_wait3A_1128 = arith.constant 0 : i32
        %dma_wait3A_1129 = tpu.memref_slice %arg5[%dma_wait3A_1128] : memref<327680xi32, #tpu.memory_space<hbm>> -> memref<128xi32, #tpu.memory_space<hbm>>
        %dma_wait3A_1130 = arith.constant 0 : i32
        %dma_wait3A_1131 = tpu.memref_slice %arg11[%dma_wait3A_1124, %dma_wait3A_1130] : memref<4x128xi32, #tpu.memory_space<vmem>> -> memref<1x128xi32, #tpu.memory_space<vmem>>
        %dma_wait3A_1132 = tpu.memref_squeeze %dma_wait3A_1131 : memref<1x128xi32, #tpu.memory_space<vmem>> -> memref<128xi32, #tpu.memory_space<vmem>>
        %dma_wait3A_1133 = arith.constant 0 : i32
        %dma_wait3A_1134 = tpu.memref_slice %arg5[%dma_wait3A_1133] : memref<327680xi32, #tpu.memory_space<hbm>> -> memref<128xi32, #tpu.memory_space<hbm>>
        tpu.wait_dma2 semaphore(%arg26 : memref<!tpu.dma_semaphore, #tpu.memory_space<semaphore_mem>>) src(%dma_wait3A_1134 : memref<128xi32, #tpu.memory_space<hbm>>) dst(%dma_wait3A_1132 : memref<128xi32, #tpu.memory_space<vmem>>)
        %dma_wait3A_1135 = arith.constant 0 : i32
        %dma_wait3A_1136 = arith.constant 0 : i32
        %dma_wait3A_1137 = tpu.memref_slice %arg11[%dma_wait3A_1135, %dma_wait3A_1136] : memref<4x128xi32, #tpu.memory_space<vmem>> -> memref<1x128xi32, #tpu.memory_space<vmem>>
        %dma_wait3A_1138 = tpu.memref_squeeze %dma_wait3A_1137 : memref<1x128xi32, #tpu.memory_space<vmem>> -> memref<128xi32, #tpu.memory_space<vmem>>
        %dma_wait3A_1139 = arith.constant 0 : i32
        %dma_wait3A_1140 = tpu.memref_slice %arg5[%dma_wait3A_1139] : memref<327680xi32, #tpu.memory_space<hbm>> -> memref<128xi32, #tpu.memory_space<hbm>>
        %dma_wait3A_1141 = arith.constant 0 : i32
        %dma_wait3A_1142 = tpu.memref_slice %arg11[%dma_wait3A_1135, %dma_wait3A_1141] : memref<4x128xi32, #tpu.memory_space<vmem>> -> memref<1x128xi32, #tpu.memory_space<vmem>>
        %dma_wait3A_1143 = tpu.memref_squeeze %dma_wait3A_1142 : memref<1x128xi32, #tpu.memory_space<vmem>> -> memref<128xi32, #tpu.memory_space<vmem>>
        %dma_wait3A_1144 = arith.constant 0 : i32
        %dma_wait3A_1145 = tpu.memref_slice %arg5[%dma_wait3A_1144] : memref<327680xi32, #tpu.memory_space<hbm>> -> memref<128xi32, #tpu.memory_space<hbm>>
        tpu.wait_dma2 semaphore(%arg26 : memref<!tpu.dma_semaphore, #tpu.memory_space<semaphore_mem>>) src(%dma_wait3A_1145 : memref<128xi32, #tpu.memory_space<hbm>>) dst(%dma_wait3A_1143 : memref<128xi32, #tpu.memory_space<vmem>>)
        %get3A_1146 = arith.constant 0 : i32
        %get3A_1147 = arith.index_cast %get3A_1146 : i32 to index
        %get3A_1148 = arith.constant 0 : index
        %get3A_1149 = tpu.vector_load %arg11[%get3A_1147, %get3A_1148] {strides = array<i32>} : memref<4x128xi32, #tpu.memory_space<vmem>>, vector<1x16xi32>,
        %get3A_1150 = vector.shape_cast %get3A_1149 : vector<1x16xi32> to vector<16xi32>
        %add3A_1151 = vector.broadcast %mul3A_93 : i32 to vector<16xi32>
        %add3A_1152 = arith.addi %get3A_1150, %add3A_1151 : vector<16xi32>
        %swap3A_1153 = arith.constant 0 : i32
        %swap3A_1154 = arith.index_cast %swap3A_1153 : i32 to index
        %swap3A_1155 = arith.constant 0 : index
        %swap3A_1156 = tpu.vector_load %arg11[%swap3A_1154, %swap3A_1155] {strides = array<i32>} : memref<4x128xi32, #tpu.memory_space<vmem>>, vector<1x16xi32>,
        %swap3A_1157 = vector.shape_cast %swap3A_1156 : vector<1x16xi32> to vector<16xi32>
        %swap3A_1158 = vector.shape_cast %add3A_1152 : vector<16xi32> to vector<1x16xi32>
        tpu.vector_store %arg11[%swap3A_1154, %swap3A_1155], %swap3A_1158 {strides = array<i32>} : memref<4x128xi32, #tpu.memory_space<vmem>>, vector<1x16xi32>,
        %get3A_1159 = arith.constant 0 : i32
        %get3A_1160 = arith.index_cast %get3A_1159 : i32 to index
        %get3A_1161 = arith.constant 16 : index
        %get3A_1162 = tpu.vector_load %arg11[%get3A_1160, %get3A_1161] {strides = array<i32>} : memref<4x128xi32, #tpu.memory_space<vmem>>, vector<1x16xi32>,
        %get3A_1163 = vector.shape_cast %get3A_1162 : vector<1x16xi32> to vector<16xi32>
        %add3A_1164 = vector.broadcast %mul3A_93 : i32 to vector<16xi32>
        %add3A_1165 = arith.addi %get3A_1163, %add3A_1164 : vector<16xi32>
        %swap3A_1166 = arith.constant 0 : i32
        %swap3A_1167 = arith.index_cast %swap3A_1166 : i32 to index
        %swap3A_1168 = arith.constant 16 : index
        %swap3A_1169 = tpu.vector_load %arg11[%swap3A_1167, %swap3A_1168] {strides = array<i32>} : memref<4x128xi32, #tpu.memory_space<vmem>>, vector<1x16xi32>,
        %swap3A_1170 = vector.shape_cast %swap3A_1169 : vector<1x16xi32> to vector<16xi32>
        %swap3A_1171 = vector.shape_cast %add3A_1165 : vector<16xi32> to vector<1x16xi32>
        tpu.vector_store %arg11[%swap3A_1167, %swap3A_1168], %swap3A_1171 {strides = array<i32>} : memref<4x128xi32, #tpu.memory_space<vmem>>, vector<1x16xi32>,
        %get3A_1172 = arith.constant 0 : i32
        %get3A_1173 = arith.index_cast %get3A_1172 : i32 to index
        %get3A_1174 = arith.constant 32 : index
        %get3A_1175 = tpu.vector_load %arg11[%get3A_1173, %get3A_1174] {strides = array<i32>} : memref<4x128xi32, #tpu.memory_space<vmem>>, vector<1x16xi32>,
        %get3A_1176 = vector.shape_cast %get3A_1175 : vector<1x16xi32> to vector<16xi32>
        %add3A_1177 = vector.broadcast %mul3A_93 : i32 to vector<16xi32>
        %add3A_1178 = arith.addi %get3A_1176, %add3A_1177 : vector<16xi32>
        %swap3A_1179 = arith.constant 0 : i32
        %swap3A_1180 = arith.index_cast %swap3A_1179 : i32 to index
        %swap3A_1181 = arith.constant 32 : index
        %swap3A_1182 = tpu.vector_load %arg11[%swap3A_1180, %swap3A_1181] {strides = array<i32>} : memref<4x128xi32, #tpu.memory_space<vmem>>, vector<1x16xi32>,
        %swap3A_1183 = vector.shape_cast %swap3A_1182 : vector<1x16xi32> to vector<16xi32>
        %swap3A_1184 = vector.shape_cast %add3A_1178 : vector<16xi32> to vector<1x16xi32>
        tpu.vector_store %arg11[%swap3A_1180, %swap3A_1181], %swap3A_1184 {strides = array<i32>} : memref<4x128xi32, #tpu.memory_space<vmem>>, vector<1x16xi32>,
        %get3A_1185 = arith.constant 0 : i32
        %get3A_1186 = arith.index_cast %get3A_1185 : i32 to index
        %get3A_1187 = arith.constant 48 : index
        %get3A_1188 = tpu.vector_load %arg11[%get3A_1186, %get3A_1187] {strides = array<i32>} : memref<4x128xi32, #tpu.memory_space<vmem>>, vector<1x16xi32>,
        %get3A_1189 = vector.shape_cast %get3A_1188 : vector<1x16xi32> to vector<16xi32>
        %add3A_1190 = vector.broadcast %mul3A_93 : i32 to vector<16xi32>
        %add3A_1191 = arith.addi %get3A_1189, %add3A_1190 : vector<16xi32>
        %swap3A_1192 = arith.constant 0 : i32
        %swap3A_1193 = arith.index_cast %swap3A_1192 : i32 to index
        %swap3A_1194 = arith.constant 48 : index
        %swap3A_1195 = tpu.vector_load %arg11[%swap3A_1193, %swap3A_1194] {strides = array<i32>} : memref<4x128xi32, #tpu.memory_space<vmem>>, vector<1x16xi32>,
        %swap3A_1196 = vector.shape_cast %swap3A_1195 : vector<1x16xi32> to vector<16xi32>
        %swap3A_1197 = vector.shape_cast %add3A_1191 : vector<16xi32> to vector<1x16xi32>
        tpu.vector_store %arg11[%swap3A_1193, %swap3A_1194], %swap3A_1197 {strides = array<i32>} : memref<4x128xi32, #tpu.memory_space<vmem>>, vector<1x16xi32>,
        %get3A_1198 = arith.constant 0 : i32
        %get3A_1199 = arith.index_cast %get3A_1198 : i32 to index
        %get3A_1200 = arith.constant 64 : index
        %get3A_1201 = tpu.vector_load %arg11[%get3A_1199, %get3A_1200] {strides = array<i32>} : memref<4x128xi32, #tpu.memory_space<vmem>>, vector<1x16xi32>,
        %get3A_1202 = vector.shape_cast %get3A_1201 : vector<1x16xi32> to vector<16xi32>
        %add3A_1203 = vector.broadcast %mul3A_93 : i32 to vector<16xi32>
        %add3A_1204 = arith.addi %get3A_1202, %add3A_1203 : vector<16xi32>
        %swap3A_1205 = arith.constant 0 : i32
        %swap3A_1206 = arith.index_cast %swap3A_1205 : i32 to index
        %swap3A_1207 = arith.constant 64 : index
        %swap3A_1208 = tpu.vector_load %arg11[%swap3A_1206, %swap3A_1207] {strides = array<i32>} : memref<4x128xi32, #tpu.memory_space<vmem>>, vector<1x16xi32>,
        %swap3A_1209 = vector.shape_cast %swap3A_1208 : vector<1x16xi32> to vector<16xi32>
        %swap3A_1210 = vector.shape_cast %add3A_1204 : vector<16xi32> to vector<1x16xi32>
        tpu.vector_store %arg11[%swap3A_1206, %swap3A_1207], %swap3A_1210 {strides = array<i32>} : memref<4x128xi32, #tpu.memory_space<vmem>>, vector<1x16xi32>,
        %get3A_1211 = arith.constant 0 : i32
        %get3A_1212 = arith.index_cast %get3A_1211 : i32 to index
        %get3A_1213 = arith.constant 80 : index
        %get3A_1214 = tpu.vector_load %arg11[%get3A_1212, %get3A_1213] {strides = array<i32>} : memref<4x128xi32, #tpu.memory_space<vmem>>, vector<1x16xi32>,
        %get3A_1215 = vector.shape_cast %get3A_1214 : vector<1x16xi32> to vector<16xi32>
        %add3A_1216 = vector.broadcast %mul3A_93 : i32 to vector<16xi32>
        %add3A_1217 = arith.addi %get3A_1215, %add3A_1216 : vector<16xi32>
        %swap3A_1218 = arith.constant 0 : i32
        %swap3A_1219 = arith.index_cast %swap3A_1218 : i32 to index
        %swap3A_1220 = arith.constant 80 : index
        %swap3A_1221 = tpu.vector_load %arg11[%swap3A_1219, %swap3A_1220] {strides = array<i32>} : memref<4x128xi32, #tpu.memory_space<vmem>>, vector<1x16xi32>,
        %swap3A_1222 = vector.shape_cast %swap3A_1221 : vector<1x16xi32> to vector<16xi32>
        %swap3A_1223 = vector.shape_cast %add3A_1217 : vector<16xi32> to vector<1x16xi32>
        tpu.vector_store %arg11[%swap3A_1219, %swap3A_1220], %swap3A_1223 {strides = array<i32>} : memref<4x128xi32, #tpu.memory_space<vmem>>, vector<1x16xi32>,
        %get3A_1224 = arith.constant 0 : i32
        %get3A_1225 = arith.index_cast %get3A_1224 : i32 to index
        %get3A_1226 = arith.constant 96 : index
        %get3A_1227 = tpu.vector_load %arg11[%get3A_1225, %get3A_1226] {strides = array<i32>} : memref<4x128xi32, #tpu.memory_space<vmem>>, vector<1x16xi32>,
        %get3A_1228 = vector.shape_cast %get3A_1227 : vector<1x16xi32> to vector<16xi32>
        %add3A_1229 = vector.broadcast %mul3A_93 : i32 to vector<16xi32>
        %add3A_1230 = arith.addi %get3A_1228, %add3A_1229 : vector<16xi32>
        %swap3A_1231 = arith.constant 0 : i32
        %swap3A_1232 = arith.index_cast %swap3A_1231 : i32 to index
        %swap3A_1233 = arith.constant 96 : index
        %swap3A_1234 = tpu.vector_load %arg11[%swap3A_1232, %swap3A_1233] {strides = array<i32>} : memref<4x128xi32, #tpu.memory_space<vmem>>, vector<1x16xi32>,
        %swap3A_1235 = vector.shape_cast %swap3A_1234 : vector<1x16xi32> to vector<16xi32>
        %swap3A_1236 = vector.shape_cast %add3A_1230 : vector<16xi32> to vector<1x16xi32>
        tpu.vector_store %arg11[%swap3A_1232, %swap3A_1233], %swap3A_1236 {strides = array<i32>} : memref<4x128xi32, #tpu.memory_space<vmem>>, vector<1x16xi32>,
        %get3A_1237 = arith.constant 0 : i32
        %get3A_1238 = arith.index_cast %get3A_1237 : i32 to index
        %get3A_1239 = arith.constant 112 : index
        %get3A_1240 = tpu.vector_load %arg11[%get3A_1238, %get3A_1239] {strides = array<i32>} : memref<4x128xi32, #tpu.memory_space<vmem>>, vector<1x16xi32>,
        %get3A_1241 = vector.shape_cast %get3A_1240 : vector<1x16xi32> to vector<16xi32>
        %add3A_1242 = vector.broadcast %mul3A_93 : i32 to vector<16xi32>
        %add3A_1243 = arith.addi %get3A_1241, %add3A_1242 : vector<16xi32>
        %swap3A_1244 = arith.constant 0 : i32
        %swap3A_1245 = arith.index_cast %swap3A_1244 : i32 to index
        %swap3A_1246 = arith.constant 112 : index
        %swap3A_1247 = tpu.vector_load %arg11[%swap3A_1245, %swap3A_1246] {strides = array<i32>} : memref<4x128xi32, #tpu.memory_space<vmem>>, vector<1x16xi32>,
        %swap3A_1248 = vector.shape_cast %swap3A_1247 : vector<1x16xi32> to vector<16xi32>
        %swap3A_1249 = vector.shape_cast %add3A_1243 : vector<16xi32> to vector<1x16xi32>
        tpu.vector_store %arg11[%swap3A_1245, %swap3A_1246], %swap3A_1249 {strides = array<i32>} : memref<4x128xi32, #tpu.memory_space<vmem>>, vector<1x16xi32>,
        %dma_start3A_1250 = arith.constant 0 : i32
        %dma_start3A_1251 = arith.constant 0 : i32
        %dma_start3A_1252 = tpu.memref_slice %arg11[%dma_start3A_1250, %dma_start3A_1251] : memref<4x128xi32, #tpu.memory_space<vmem>> -> memref<1x128xi32, #tpu.memory_space<vmem>>
        %dma_start3A_1253 = tpu.memref_squeeze %dma_start3A_1252 : memref<1x128xi32, #tpu.memory_space<vmem>> -> memref<128xi32, #tpu.memory_space<vmem>>
        %dma_start3A_1254 = arith.constant 0 : i32
        %dma_start3A_1255 = arith.constant 0 : i32
        %dma_start3A_1256 = tpu.memref_slice %arg2[%dma_start3A_1254, %dma_start3A_1255] : memref<20000x128xf32, #tpu.memory_space<hbm>> -> memref<20000x128xf32, #tpu.memory_space<hbm>>
        tpu.enqueue_indirect_dma source(%dma_start3A_1256 : memref<20000x128xf32, #tpu.memory_space<hbm>>) target(%arg12 : memref<128x128xf32, #tpu.memory_space<vmem>>) offsets(%dma_start3A_1253 : memref<128xi32, #tpu.memory_space<vmem>>) semaphore(%arg22 : memref<!tpu.dma_semaphore, #tpu.memory_space<semaphore_mem>>)
        %mul3A_1257 = arith.constant 64 : i32
        %mul3A_1258 = arith.muli %add3A_1123, %mul3A_1257 : i32
        %add3A_1259 = arith.addi %mul3A_97, %mul3A_1258 : i32
        %eq3A_1260 = arith.constant 0 : i32
        %eq3A_1261 = arith.cmpi eq, %arg0, %eq3A_1260 : i32
        %convert_element_type3A_1262 = arith.extui %eq3A_1261 : i1 to i32
        %cond3A_1263 = arith.constant 0 : i32
        %cond3A_1264 = arith.cmpi ne, %convert_element_type3A_1262, %cond3A_1263 : i32
        scf.if %cond3A_1264 {
          %dma_start3A_1270 = arith.constant 0 : i32
          %dma_start3A_1271 = tpu.memref_slice %arg3[%add3A_1259, %dma_start3A_1270] : memref<163840x128xf32, #tpu.memory_space<hbm>> -> memref<64x128xf32, #tpu.memory_space<hbm>>
          %dma_start3A_1272 = arith.constant 0 : i32
          %dma_start3A_1273 = tpu.memref_slice %arg3[%add3A_1259, %dma_start3A_1272] : memref<163840x128xf32, #tpu.memory_space<hbm>> -> memref<64x128xf32, #tpu.memory_space<hbm>>
          tpu.enqueue_dma source(%dma_start3A_1273 : memref<64x128xf32, #tpu.memory_space<hbm>>) target(%arg14 : memref<64x128xf32, #tpu.memory_space<vmem>>) target_semaphore(%arg24 : memref<!tpu.dma_semaphore, #tpu.memory_space<semaphore_mem>>)
        } else {
        }
        %eq3A_1265 = arith.constant 1 : i32
        %eq3A_1266 = arith.cmpi eq, %arg0, %eq3A_1265 : i32
        %convert_element_type3A_1267 = arith.extui %eq3A_1266 : i1 to i32
        %cond3A_1268 = arith.constant 0 : i32
        %cond3A_1269 = arith.cmpi ne, %convert_element_type3A_1267, %cond3A_1268 : i32
        scf.if %cond3A_1269 {
          %dma_start3A_1270 = arith.constant 0 : i32
          %dma_start3A_1271 = tpu.memref_slice %arg4[%add3A_1259, %dma_start3A_1270] : memref<163840x128xf32, #tpu.memory_space<hbm>> -> memref<64x128xf32, #tpu.memory_space<hbm>>
          %dma_start3A_1272 = arith.constant 0 : i32
          %dma_start3A_1273 = tpu.memref_slice %arg4[%add3A_1259, %dma_start3A_1272] : memref<163840x128xf32, #tpu.memory_space<hbm>> -> memref<64x128xf32, #tpu.memory_space<hbm>>
          tpu.enqueue_dma source(%dma_start3A_1273 : memref<64x128xf32, #tpu.memory_space<hbm>>) target(%arg14 : memref<64x128xf32, #tpu.memory_space<vmem>>) target_semaphore(%arg24 : memref<!tpu.dma_semaphore, #tpu.memory_space<semaphore_mem>>)
        } else {
        }
      } else {
      }
      %get3A_879 = arith.constant 3 : i32
      %get3A_880 = arith.index_cast %get3A_879 : i32 to index
      %get3A_881 = arith.constant 0 : index
      %get3A_882 = tpu.vector_load %arg11[%get3A_880, %get3A_881] {strides = array<i32>} : memref<4x128xi32, #tpu.memory_space<vmem>>, vector<1x16xi32>,
      %get3A_883 = vector.shape_cast %get3A_882 : vector<1x16xi32> to vector<16xi32>
      %sub3A_884 = arith.constant 5000 : i32
      %sub3A_885 = vector.broadcast %sub3A_884 : i32 to vector<16xi32>
      %sub3A_886 = arith.subi %get3A_883, %sub3A_885 : vector<16xi32>
      %ge3A_887 = arith.constant 0 : i32
      %ge3A_888 = vector.broadcast %ge3A_887 : i32 to vector<16xi32>
      %ge3A_889 = arith.cmpi sge, %sub3A_886, %ge3A_888 : vector<16xi32>
      %lt3A_890 = arith.constant 5000 : i32
      %lt3A_891 = vector.broadcast %lt3A_890 : i32 to vector<16xi32>
      %lt3A_892 = arith.cmpi slt, %sub3A_886, %lt3A_891 : vector<16xi32>
      %and3A_893 = arith.andi %ge3A_889, %lt3A_892 : vector<16xi1>
      %jit3A_894 = arith.constant 5100 : i32
      %broadcast_in_dim3A_895 = vector.broadcast %jit3A_894 : i32 to vector<16xi32>
      %select_n3A_896 = arith.select %and3A_893, %sub3A_886, %broadcast_in_dim3A_895 : vector<16xi1>, vector<16xi32>
      %swap3A_897 = arith.constant 1 : i32
      %swap3A_898 = arith.index_cast %swap3A_897 : i32 to index
      %swap3A_899 = arith.constant 0 : index
      %swap3A_900 = tpu.vector_load %arg17[%swap3A_898, %swap3A_899] {strides = array<i32>} : memref<8x128xi32, #tpu.memory_space<vmem>>, vector<1x16xi32>,
      %swap3A_901 = vector.shape_cast %swap3A_900 : vector<1x16xi32> to vector<16xi32>
      %swap3A_902 = vector.shape_cast %select_n3A_896 : vector<16xi32> to vector<1x16xi32>
      tpu.vector_store %arg17[%swap3A_898, %swap3A_899], %swap3A_902 {strides = array<i32>} : memref<8x128xi32, #tpu.memory_space<vmem>>, vector<1x16xi32>,
      %get3A_903 = arith.constant 3 : i32
      %get3A_904 = arith.index_cast %get3A_903 : i32 to index
      %get3A_905 = arith.constant 16 : index
      %get3A_906 = tpu.vector_load %arg11[%get3A_904, %get3A_905] {strides = array<i32>} : memref<4x128xi32, #tpu.memory_space<vmem>>, vector<1x16xi32>,
      %get3A_907 = vector.shape_cast %get3A_906 : vector<1x16xi32> to vector<16xi32>
      %sub3A_908 = arith.constant 5000 : i32
      %sub3A_909 = vector.broadcast %sub3A_908 : i32 to vector<16xi32>
      %sub3A_910 = arith.subi %get3A_907, %sub3A_909 : vector<16xi32>
      %ge3A_911 = arith.constant 0 : i32
      %ge3A_912 = vector.broadcast %ge3A_911 : i32 to vector<16xi32>
      %ge3A_913 = arith.cmpi sge, %sub3A_910, %ge3A_912 : vector<16xi32>
      %lt3A_914 = arith.constant 5000 : i32
      %lt3A_915 = vector.broadcast %lt3A_914 : i32 to vector<16xi32>
      %lt3A_916 = arith.cmpi slt, %sub3A_910, %lt3A_915 : vector<16xi32>
      %and3A_917 = arith.andi %ge3A_913, %lt3A_916 : vector<16xi1>
      %jit3A_918 = arith.constant 5100 : i32
      %broadcast_in_dim3A_919 = vector.broadcast %jit3A_918 : i32 to vector<16xi32>
      %select_n3A_920 = arith.select %and3A_917, %sub3A_910, %broadcast_in_dim3A_919 : vector<16xi1>, vector<16xi32>
      %swap3A_921 = arith.constant 1 : i32
      %swap3A_922 = arith.index_cast %swap3A_921 : i32 to index
      %swap3A_923 = arith.constant 16 : index
      %swap3A_924 = tpu.vector_load %arg17[%swap3A_922, %swap3A_923] {strides = array<i32>} : memref<8x128xi32, #tpu.memory_space<vmem>>, vector<1x16xi32>,
      %swap3A_925 = vector.shape_cast %swap3A_924 : vector<1x16xi32> to vector<16xi32>
      %swap3A_926 = vector.shape_cast %select_n3A_920 : vector<16xi32> to vector<1x16xi32>
      tpu.vector_store %arg17[%swap3A_922, %swap3A_923], %swap3A_926 {strides = array<i32>} : memref<8x128xi32, #tpu.memory_space<vmem>>, vector<1x16xi32>,
      %get3A_927 = arith.constant 3 : i32
      %get3A_928 = arith.index_cast %get3A_927 : i32 to index
      %get3A_929 = arith.constant 32 : index
      %get3A_930 = tpu.vector_load %arg11[%get3A_928, %get3A_929] {strides = array<i32>} : memref<4x128xi32, #tpu.memory_space<vmem>>, vector<1x16xi32>,
      %get3A_931 = vector.shape_cast %get3A_930 : vector<1x16xi32> to vector<16xi32>
      %sub3A_932 = arith.constant 5000 : i32
      %sub3A_933 = vector.broadcast %sub3A_932 : i32 to vector<16xi32>
      %sub3A_934 = arith.subi %get3A_931, %sub3A_933 : vector<16xi32>
      %ge3A_935 = arith.constant 0 : i32
      %ge3A_936 = vector.broadcast %ge3A_935 : i32 to vector<16xi32>
      %ge3A_937 = arith.cmpi sge, %sub3A_934, %ge3A_936 : vector<16xi32>
      %lt3A_938 = arith.constant 5000 : i32
      %lt3A_939 = vector.broadcast %lt3A_938 : i32 to vector<16xi32>
      %lt3A_940 = arith.cmpi slt, %sub3A_934, %lt3A_939 : vector<16xi32>
      %and3A_941 = arith.andi %ge3A_937, %lt3A_940 : vector<16xi1>
      %jit3A_942 = arith.constant 5100 : i32
      %broadcast_in_dim3A_943 = vector.broadcast %jit3A_942 : i32 to vector<16xi32>
      %select_n3A_944 = arith.select %and3A_941, %sub3A_934, %broadcast_in_dim3A_943 : vector<16xi1>, vector<16xi32>
      %swap3A_945 = arith.constant 1 : i32
      %swap3A_946 = arith.index_cast %swap3A_945 : i32 to index
      %swap3A_947 = arith.constant 32 : index
      %swap3A_948 = tpu.vector_load %arg17[%swap3A_946, %swap3A_947] {strides = array<i32>} : memref<8x128xi32, #tpu.memory_space<vmem>>, vector<1x16xi32>,
      %swap3A_949 = vector.shape_cast %swap3A_948 : vector<1x16xi32> to vector<16xi32>
      %swap3A_950 = vector.shape_cast %select_n3A_944 : vector<16xi32> to vector<1x16xi32>
      tpu.vector_store %arg17[%swap3A_946, %swap3A_947], %swap3A_950 {strides = array<i32>} : memref<8x128xi32, #tpu.memory_space<vmem>>, vector<1x16xi32>,
      %get3A_951 = arith.constant 3 : i32
      %get3A_952 = arith.index_cast %get3A_951 : i32 to index
      %get3A_953 = arith.constant 48 : index
      %get3A_954 = tpu.vector_load %arg11[%get3A_952, %get3A_953] {strides = array<i32>} : memref<4x128xi32, #tpu.memory_space<vmem>>, vector<1x16xi32>,
      %get3A_955 = vector.shape_cast %get3A_954 : vector<1x16xi32> to vector<16xi32>
      %sub3A_956 = arith.constant 5000 : i32
      %sub3A_957 = vector.broadcast %sub3A_956 : i32 to vector<16xi32>
      %sub3A_958 = arith.subi %get3A_955, %sub3A_957 : vector<16xi32>
      %ge3A_959 = arith.constant 0 : i32
      %ge3A_960 = vector.broadcast %ge3A_959 : i32 to vector<16xi32>
      %ge3A_961 = arith.cmpi sge, %sub3A_958, %ge3A_960 : vector<16xi32>
      %lt3A_962 = arith.constant 5000 : i32
      %lt3A_963 = vector.broadcast %lt3A_962 : i32 to vector<16xi32>
      %lt3A_964 = arith.cmpi slt, %sub3A_958, %lt3A_963 : vector<16xi32>
      %and3A_965 = arith.andi %ge3A_961, %lt3A_964 : vector<16xi1>
      %jit3A_966 = arith.constant 5100 : i32
      %broadcast_in_dim3A_967 = vector.broadcast %jit3A_966 : i32 to vector<16xi32>
      %select_n3A_968 = arith.select %and3A_965, %sub3A_958, %broadcast_in_dim3A_967 : vector<16xi1>, vector<16xi32>
      %swap3A_969 = arith.constant 1 : i32
      %swap3A_970 = arith.index_cast %swap3A_969 : i32 to index
      %swap3A_971 = arith.constant 48 : index
      %swap3A_972 = tpu.vector_load %arg17[%swap3A_970, %swap3A_971] {strides = array<i32>} : memref<8x128xi32, #tpu.memory_space<vmem>>, vector<1x16xi32>,
      %swap3A_973 = vector.shape_cast %swap3A_972 : vector<1x16xi32> to vector<16xi32>
      %swap3A_974 = vector.shape_cast %select_n3A_968 : vector<16xi32> to vector<1x16xi32>
      tpu.vector_store %arg17[%swap3A_970, %swap3A_971], %swap3A_974 {strides = array<i32>} : memref<8x128xi32, #tpu.memory_space<vmem>>, vector<1x16xi32>,
      %get3A_975 = arith.constant 3 : i32
      %get3A_976 = arith.index_cast %get3A_975 : i32 to index
      %get3A_977 = arith.constant 64 : index
      %get3A_978 = tpu.vector_load %arg11[%get3A_976, %get3A_977] {strides = array<i32>} : memref<4x128xi32, #tpu.memory_space<vmem>>, vector<1x16xi32>,
      %get3A_979 = vector.shape_cast %get3A_978 : vector<1x16xi32> to vector<16xi32>
      %sub3A_980 = arith.constant 5000 : i32
      %sub3A_981 = vector.broadcast %sub3A_980 : i32 to vector<16xi32>
      %sub3A_982 = arith.subi %get3A_979, %sub3A_981 : vector<16xi32>
      %ge3A_983 = arith.constant 0 : i32
      %ge3A_984 = vector.broadcast %ge3A_983 : i32 to vector<16xi32>
      %ge3A_985 = arith.cmpi sge, %sub3A_982, %ge3A_984 : vector<16xi32>
      %lt3A_986 = arith.constant 5000 : i32
      %lt3A_987 = vector.broadcast %lt3A_986 : i32 to vector<16xi32>
      %lt3A_988 = arith.cmpi slt, %sub3A_982, %lt3A_987 : vector<16xi32>
      %and3A_989 = arith.andi %ge3A_985, %lt3A_988 : vector<16xi1>
      %jit3A_990 = arith.constant 5100 : i32
      %broadcast_in_dim3A_991 = vector.broadcast %jit3A_990 : i32 to vector<16xi32>
      %select_n3A_992 = arith.select %and3A_989, %sub3A_982, %broadcast_in_dim3A_991 : vector<16xi1>, vector<16xi32>
      %swap3A_993 = arith.constant 1 : i32
      %swap3A_994 = arith.index_cast %swap3A_993 : i32 to index
      %swap3A_995 = arith.constant 64 : index
      %swap3A_996 = tpu.vector_load %arg17[%swap3A_994, %swap3A_995] {strides = array<i32>} : memref<8x128xi32, #tpu.memory_space<vmem>>, vector<1x16xi32>,
      %swap3A_997 = vector.shape_cast %swap3A_996 : vector<1x16xi32> to vector<16xi32>
      %swap3A_998 = vector.shape_cast %select_n3A_992 : vector<16xi32> to vector<1x16xi32>
      tpu.vector_store %arg17[%swap3A_994, %swap3A_995], %swap3A_998 {strides = array<i32>} : memref<8x128xi32, #tpu.memory_space<vmem>>, vector<1x16xi32>,
      %get3A_999 = arith.constant 3 : i32
      %get3A_1000 = arith.index_cast %get3A_999 : i32 to index
      %get3A_1001 = arith.constant 80 : index
      %get3A_1002 = tpu.vector_load %arg11[%get3A_1000, %get3A_1001] {strides = array<i32>} : memref<4x128xi32, #tpu.memory_space<vmem>>, vector<1x16xi32>,
      %get3A_1003 = vector.shape_cast %get3A_1002 : vector<1x16xi32> to vector<16xi32>
      %sub3A_1004 = arith.constant 5000 : i32
      %sub3A_1005 = vector.broadcast %sub3A_1004 : i32 to vector<16xi32>
      %sub3A_1006 = arith.subi %get3A_1003, %sub3A_1005 : vector<16xi32>
      %ge3A_1007 = arith.constant 0 : i32
      %ge3A_1008 = vector.broadcast %ge3A_1007 : i32 to vector<16xi32>
      %ge3A_1009 = arith.cmpi sge, %sub3A_1006, %ge3A_1008 : vector<16xi32>
      %lt3A_1010 = arith.constant 5000 : i32
      %lt3A_1011 = vector.broadcast %lt3A_1010 : i32 to vector<16xi32>
      %lt3A_1012 = arith.cmpi slt, %sub3A_1006, %lt3A_1011 : vector<16xi32>
      %and3A_1013 = arith.andi %ge3A_1009, %lt3A_1012 : vector<16xi1>
      %jit3A_1014 = arith.constant 5100 : i32
      %broadcast_in_dim3A_1015 = vector.broadcast %jit3A_1014 : i32 to vector<16xi32>
      %select_n3A_1016 = arith.select %and3A_1013, %sub3A_1006, %broadcast_in_dim3A_1015 : vector<16xi1>, vector<16xi32>
      %swap3A_1017 = arith.constant 1 : i32
      %swap3A_1018 = arith.index_cast %swap3A_1017 : i32 to index
      %swap3A_1019 = arith.constant 80 : index
      %swap3A_1020 = tpu.vector_load %arg17[%swap3A_1018, %swap3A_1019] {strides = array<i32>} : memref<8x128xi32, #tpu.memory_space<vmem>>, vector<1x16xi32>,
      %swap3A_1021 = vector.shape_cast %swap3A_1020 : vector<1x16xi32> to vector<16xi32>
      %swap3A_1022 = vector.shape_cast %select_n3A_1016 : vector<16xi32> to vector<1x16xi32>
      tpu.vector_store %arg17[%swap3A_1018, %swap3A_1019], %swap3A_1022 {strides = array<i32>} : memref<8x128xi32, #tpu.memory_space<vmem>>, vector<1x16xi32>,
      %get3A_1023 = arith.constant 3 : i32
      %get3A_1024 = arith.index_cast %get3A_1023 : i32 to index
      %get3A_1025 = arith.constant 96 : index
      %get3A_1026 = tpu.vector_load %arg11[%get3A_1024, %get3A_1025] {strides = array<i32>} : memref<4x128xi32, #tpu.memory_space<vmem>>, vector<1x16xi32>,
      %get3A_1027 = vector.shape_cast %get3A_1026 : vector<1x16xi32> to vector<16xi32>
      %sub3A_1028 = arith.constant 5000 : i32
      %sub3A_1029 = vector.broadcast %sub3A_1028 : i32 to vector<16xi32>
      %sub3A_1030 = arith.subi %get3A_1027, %sub3A_1029 : vector<16xi32>
      %ge3A_1031 = arith.constant 0 : i32
      %ge3A_1032 = vector.broadcast %ge3A_1031 : i32 to vector<16xi32>
      %ge3A_1033 = arith.cmpi sge, %sub3A_1030, %ge3A_1032 : vector<16xi32>
      %lt3A_1034 = arith.constant 5000 : i32
      %lt3A_1035 = vector.broadcast %lt3A_1034 : i32 to vector<16xi32>
      %lt3A_1036 = arith.cmpi slt, %sub3A_1030, %lt3A_1035 : vector<16xi32>
      %and3A_1037 = arith.andi %ge3A_1033, %lt3A_1036 : vector<16xi1>
      %jit3A_1038 = arith.constant 5100 : i32
      %broadcast_in_dim3A_1039 = vector.broadcast %jit3A_1038 : i32 to vector<16xi32>
      %select_n3A_1040 = arith.select %and3A_1037, %sub3A_1030, %broadcast_in_dim3A_1039 : vector<16xi1>, vector<16xi32>
      %swap3A_1041 = arith.constant 1 : i32
      %swap3A_1042 = arith.index_cast %swap3A_1041 : i32 to index
      %swap3A_1043 = arith.constant 96 : index
      %swap3A_1044 = tpu.vector_load %arg17[%swap3A_1042, %swap3A_1043] {strides = array<i32>} : memref<8x128xi32, #tpu.memory_space<vmem>>, vector<1x16xi32>,
      %swap3A_1045 = vector.shape_cast %swap3A_1044 : vector<1x16xi32> to vector<16xi32>
      %swap3A_1046 = vector.shape_cast %select_n3A_1040 : vector<16xi32> to vector<1x16xi32>
      tpu.vector_store %arg17[%swap3A_1042, %swap3A_1043], %swap3A_1046 {strides = array<i32>} : memref<8x128xi32, #tpu.memory_space<vmem>>, vector<1x16xi32>,
      %get3A_1047 = arith.constant 3 : i32
      %get3A_1048 = arith.index_cast %get3A_1047 : i32 to index
      %get3A_1049 = arith.constant 112 : index
      %get3A_1050 = tpu.vector_load %arg11[%get3A_1048, %get3A_1049] {strides = array<i32>} : memref<4x128xi32, #tpu.memory_space<vmem>>, vector<1x16xi32>,
      %get3A_1051 = vector.shape_cast %get3A_1050 : vector<1x16xi32> to vector<16xi32>
      %sub3A_1052 = arith.constant 5000 : i32
      %sub3A_1053 = vector.broadcast %sub3A_1052 : i32 to vector<16xi32>
      %sub3A_1054 = arith.subi %get3A_1051, %sub3A_1053 : vector<16xi32>
      %ge3A_1055 = arith.constant 0 : i32
      %ge3A_1056 = vector.broadcast %ge3A_1055 : i32 to vector<16xi32>
      %ge3A_1057 = arith.cmpi sge, %sub3A_1054, %ge3A_1056 : vector<16xi32>
      %lt3A_1058 = arith.constant 5000 : i32
      %lt3A_1059 = vector.broadcast %lt3A_1058 : i32 to vector<16xi32>
      %lt3A_1060 = arith.cmpi slt, %sub3A_1054, %lt3A_1059 : vector<16xi32>
      %and3A_1061 = arith.andi %ge3A_1057, %lt3A_1060 : vector<16xi1>
      %jit3A_1062 = arith.constant 5100 : i32
      %broadcast_in_dim3A_1063 = vector.broadcast %jit3A_1062 : i32 to vector<16xi32>
      %select_n3A_1064 = arith.select %and3A_1061, %sub3A_1054, %broadcast_in_dim3A_1063 : vector<16xi1>, vector<16xi32>
      %swap3A_1065 = arith.constant 1 : i32
      %swap3A_1066 = arith.index_cast %swap3A_1065 : i32 to index
      %swap3A_1067 = arith.constant 112 : index
      %swap3A_1068 = tpu.vector_load %arg17[%swap3A_1066, %swap3A_1067] {strides = array<i32>} : memref<8x128xi32, #tpu.memory_space<vmem>>, vector<1x16xi32>,
      %swap3A_1069 = vector.shape_cast %swap3A_1068 : vector<1x16xi32> to vector<16xi32>
      %swap3A_1070 = vector.shape_cast %select_n3A_1064 : vector<16xi32> to vector<1x16xi32>
      tpu.vector_store %arg17[%swap3A_1066, %swap3A_1067], %swap3A_1070 {strides = array<i32>} : memref<8x128xi32, #tpu.memory_space<vmem>>, vector<1x16xi32>,
      %dma_wait3A_1071 = arith.constant 2 : i32
      %dma_wait3A_1072 = arith.constant 0 : i32
      %dma_wait3A_1073 = tpu.memref_slice %arg11[%dma_wait3A_1071, %dma_wait3A_1072] : memref<4x128xi32, #tpu.memory_space<vmem>> -> memref<1x128xi32, #tpu.memory_space<vmem>>
      %dma_wait3A_1074 = tpu.memref_squeeze %dma_wait3A_1073 : memref<1x128xi32, #tpu.memory_space<vmem>> -> memref<128xi32, #tpu.memory_space<vmem>>
      %dma_wait3A_1075 = arith.constant 0 : i32
      %dma_wait3A_1076 = arith.constant 0 : i32
      %dma_wait3A_1077 = tpu.memref_slice %arg2[%dma_wait3A_1075, %dma_wait3A_1076] : memref<20000x128xf32, #tpu.memory_space<hbm>> -> memref<20000x128xf32, #tpu.memory_space<hbm>>
      tpu.wait_indirect_dma semaphore(%arg23 : memref<!tpu.dma_semaphore, #tpu.memory_space<semaphore_mem>>) src(%dma_wait3A_1077 : memref<20000x128xf32, #tpu.memory_space<hbm>>) dst(%arg13 : memref<128x128xf32, #tpu.memory_space<vmem>>)
      %dma_wait3A_1078 = arith.constant 0 : i32
      %dma_wait3A_1079 = arith.constant 0 : i32
      %dma_wait3A_1080 = tpu.memref_slice %arg3[%dma_wait3A_1078, %dma_wait3A_1079] : memref<163840x128xf32, #tpu.memory_space<hbm>> -> memref<64x128xf32, #tpu.memory_space<hbm>>
      %dma_wait3A_1081 = arith.constant 0 : i32
      %dma_wait3A_1082 = arith.constant 0 : i32
      %dma_wait3A_1083 = tpu.memref_slice %arg3[%dma_wait3A_1081, %dma_wait3A_1082] : memref<163840x128xf32, #tpu.memory_space<hbm>> -> memref<64x128xf32, #tpu.memory_space<hbm>>
      tpu.wait_dma2 semaphore(%arg25 : memref<!tpu.dma_semaphore, #tpu.memory_space<semaphore_mem>>) src(%dma_wait3A_1083 : memref<64x128xf32, #tpu.memory_space<hbm>>) dst(%arg15 : memref<64x128xf32, #tpu.memory_space<vmem>>)
      %scan3A_1084 = arith.constant 0 : i32
      %scan3A_1085 = arith.constant 64 : i32
      %scan3A_1086 = arith.addi %scan3A_1084, %scan3A_1085 : i32
      %scan3A_1087 = arith.constant 1 : i32
      scf.for %scan3A_1097 = %scan3A_1084 to %scan3A_1086 step %scan3A_1087  : i32 {
        %mul3A_1098 = arith.constant 1 : i32
        %mul3A_1099 = arith.muli %scan3A_1097, %mul3A_1098 : i32
        %add3A_1100 = arith.constant 0 : i32
        %add3A_1101 = arith.addi %add3A_1100, %mul3A_1099 : i32
        %add3A_1102 = arith.constant 0 : i32
        %add3A_1103 = arith.addi %add3A_1102, %add3A_1101 : i32
        %get3A_1104 = arith.index_cast %add3A_1103 : i32 to index
        %get3A_1105 = arith.constant 0 : index
        %get3A_1106 = tpu.vector_load %arg13[%get3A_1104, %get3A_1105] {strides = array<i32>} : memref<128x128xf32, #tpu.memory_space<vmem>>, vector<1x16xf32>,
        %get3A_1107 = vector.shape_cast %get3A_1106 : vector<1x16xf32> to vector<16xf32>
        %get3A_1108 = arith.index_cast %add3A_1101 : i32 to index
        %get3A_1109 = arith.constant 0 : index
        %get3A_1110 = tpu.vector_load %arg15[%get3A_1108, %get3A_1109] {strides = array<i32>} : memref<64x128xf32, #tpu.memory_space<vmem>>, vector<1x16xf32>,
        %get3A_1111 = vector.shape_cast %get3A_1110 : vector<1x16xf32> to vector<16xf32>
        %add3A_1112 = arith.addf %get3A_1107, %get3A_1111 : vector<16xf32>
        %max3A_1113 = arith.constant 0.000000e+00 : f32
        %max3A_1114 = vector.broadcast %max3A_1113 : f32 to vector<16xf32>
        %max3A_1115 = arith.maximumf %add3A_1112, %max3A_1114 : vector<16xf32>
        %mul3A_1116 = arith.mulf %max3A_1115, %get3A_6 : vector<16xf32>
        %sub3A_1117 = arith.subf %mul3A_1116, %sub3A : vector<16xf32>
        %exp3A = math.exp %sub3A_1117 : vector<16xf32>
        %swap3A_1118 = arith.index_cast %add3A_1103 : i32 to index
        %swap3A_1119 = arith.constant 0 : index
        %swap3A_1120 = tpu.vector_load %arg16[%swap3A_1118, %swap3A_1119] {strides = array<i32>} : memref<128x128xf32, #tpu.memory_space<vmem>>, vector<1x16xf32>,
        %swap3A_1121 = vector.shape_cast %swap3A_1120 : vector<1x16xf32> to vector<16xf32>
        %swap3A_1122 = vector.shape_cast %exp3A : vector<16xf32> to vector<1x16xf32>
        tpu.vector_store %arg16[%swap3A_1118, %swap3A_1119], %swap3A_1122 {strides = array<i32>} : memref<128x128xf32, #tpu.memory_space<vmem>>, vector<1x16xf32>,
        %mul3A_1123 = arith.mulf %max3A_1115, %exp3A : vector<16xf32>
        %swap3A_1124 = arith.index_cast %add3A_1103 : i32 to index
        %swap3A_1125 = arith.constant 64 : index
        %swap3A_1126 = tpu.vector_load %arg16[%swap3A_1124, %swap3A_1125] {strides = array<i32>} : memref<128x128xf32, #tpu.memory_space<vmem>>, vector<1x16xf32>,
        %swap3A_1127 = vector.shape_cast %swap3A_1126 : vector<1x16xf32> to vector<16xf32>
        %swap3A_1128 = vector.shape_cast %mul3A_1123 : vector<16xf32> to vector<1x16xf32>
        tpu.vector_store %arg16[%swap3A_1124, %swap3A_1125], %swap3A_1128 {strides = array<i32>} : memref<128x128xf32, #tpu.memory_space<vmem>>, vector<1x16xf32>,
        %get3A_1129 = arith.index_cast %add3A_1103 : i32 to index
        %get3A_1130 = arith.constant 16 : index
        %get3A_1131 = tpu.vector_load %arg13[%get3A_1129, %get3A_1130] {strides = array<i32>} : memref<128x128xf32, #tpu.memory_space<vmem>>, vector<1x16xf32>,
        %get3A_1132 = vector.shape_cast %get3A_1131 : vector<1x16xf32> to vector<16xf32>
        %get3A_1133 = arith.index_cast %add3A_1101 : i32 to index
        %get3A_1134 = arith.constant 16 : index
        %get3A_1135 = tpu.vector_load %arg15[%get3A_1133, %get3A_1134] {strides = array<i32>} : memref<64x128xf32, #tpu.memory_space<vmem>>, vector<1x16xf32>,
        %get3A_1136 = vector.shape_cast %get3A_1135 : vector<1x16xf32> to vector<16xf32>
        %add3A_1137 = arith.addf %get3A_1132, %get3A_1136 : vector<16xf32>
        %max3A_1138 = arith.constant 0.000000e+00 : f32
        %max3A_1139 = vector.broadcast %max3A_1138 : f32 to vector<16xf32>
        %max3A_1140 = arith.maximumf %add3A_1137, %max3A_1139 : vector<16xf32>
        %mul3A_1141 = arith.mulf %max3A_1140, %get3A_6 : vector<16xf32>
        %sub3A_1142 = arith.subf %mul3A_1141, %sub3A_47 : vector<16xf32>
        %exp3A_1143 = math.exp %sub3A_1142 : vector<16xf32>
        %swap3A_1144 = arith.index_cast %add3A_1103 : i32 to index
        %swap3A_1145 = arith.constant 16 : index
        %swap3A_1146 = tpu.vector_load %arg16[%swap3A_1144, %swap3A_1145] {strides = array<i32>} : memref<128x128xf32, #tpu.memory_space<vmem>>, vector<1x16xf32>,
        %swap3A_1147 = vector.shape_cast %swap3A_1146 : vector<1x16xf32> to vector<16xf32>
        %swap3A_1148 = vector.shape_cast %exp3A_1143 : vector<16xf32> to vector<1x16xf32>
        tpu.vector_store %arg16[%swap3A_1144, %swap3A_1145], %swap3A_1148 {strides = array<i32>} : memref<128x128xf32, #tpu.memory_space<vmem>>, vector<1x16xf32>,
        %mul3A_1149 = arith.mulf %max3A_1140, %exp3A_1143 : vector<16xf32>
        %swap3A_1150 = arith.index_cast %add3A_1103 : i32 to index
        %swap3A_1151 = arith.constant 80 : index
        %swap3A_1152 = tpu.vector_load %arg16[%swap3A_1150, %swap3A_1151] {strides = array<i32>} : memref<128x128xf32, #tpu.memory_space<vmem>>, vector<1x16xf32>,
        %swap3A_1153 = vector.shape_cast %swap3A_1152 : vector<1x16xf32> to vector<16xf32>
        %swap3A_1154 = vector.shape_cast %mul3A_1149 : vector<16xf32> to vector<1x16xf32>
        tpu.vector_store %arg16[%swap3A_1150, %swap3A_1151], %swap3A_1154 {strides = array<i32>} : memref<128x128xf32, #tpu.memory_space<vmem>>, vector<1x16xf32>,
        %get3A_1155 = arith.index_cast %add3A_1103 : i32 to index
        %get3A_1156 = arith.constant 32 : index
        %get3A_1157 = tpu.vector_load %arg13[%get3A_1155, %get3A_1156] {strides = array<i32>} : memref<128x128xf32, #tpu.memory_space<vmem>>, vector<1x16xf32>,
        %get3A_1158 = vector.shape_cast %get3A_1157 : vector<1x16xf32> to vector<16xf32>
        %get3A_1159 = arith.index_cast %add3A_1101 : i32 to index
        %get3A_1160 = arith.constant 32 : index
        %get3A_1161 = tpu.vector_load %arg15[%get3A_1159, %get3A_1160] {strides = array<i32>} : memref<64x128xf32, #tpu.memory_space<vmem>>, vector<1x16xf32>,
        %get3A_1162 = vector.shape_cast %get3A_1161 : vector<1x16xf32> to vector<16xf32>
        %add3A_1163 = arith.addf %get3A_1158, %get3A_1162 : vector<16xf32>
        %max3A_1164 = arith.constant 0.000000e+00 : f32
        %max3A_1165 = vector.broadcast %max3A_1164 : f32 to vector<16xf32>
        %max3A_1166 = arith.maximumf %add3A_1163, %max3A_1165 : vector<16xf32>
        %mul3A_1167 = arith.mulf %max3A_1166, %get3A_6 : vector<16xf32>
        %sub3A_1168 = arith.subf %mul3A_1167, %sub3A_69 : vector<16xf32>
        %exp3A_1169 = math.exp %sub3A_1168 : vector<16xf32>
        %swap3A_1170 = arith.index_cast %add3A_1103 : i32 to index
        %swap3A_1171 = arith.constant 32 : index
        %swap3A_1172 = tpu.vector_load %arg16[%swap3A_1170, %swap3A_1171] {strides = array<i32>} : memref<128x128xf32, #tpu.memory_space<vmem>>, vector<1x16xf32>,
        %swap3A_1173 = vector.shape_cast %swap3A_1172 : vector<1x16xf32> to vector<16xf32>
        %swap3A_1174 = vector.shape_cast %exp3A_1169 : vector<16xf32> to vector<1x16xf32>
        tpu.vector_store %arg16[%swap3A_1170, %swap3A_1171], %swap3A_1174 {strides = array<i32>} : memref<128x128xf32, #tpu.memory_space<vmem>>, vector<1x16xf32>,
        %mul3A_1175 = arith.mulf %max3A_1166, %exp3A_1169 : vector<16xf32>
        %swap3A_1176 = arith.index_cast %add3A_1103 : i32 to index
        %swap3A_1177 = arith.constant 96 : index
        %swap3A_1178 = tpu.vector_load %arg16[%swap3A_1176, %swap3A_1177] {strides = array<i32>} : memref<128x128xf32, #tpu.memory_space<vmem>>, vector<1x16xf32>,
        %swap3A_1179 = vector.shape_cast %swap3A_1178 : vector<1x16xf32> to vector<16xf32>
        %swap3A_1180 = vector.shape_cast %mul3A_1175 : vector<16xf32> to vector<1x16xf32>
        tpu.vector_store %arg16[%swap3A_1176, %swap3A_1177], %swap3A_1180 {strides = array<i32>} : memref<128x128xf32, #tpu.memory_space<vmem>>, vector<1x16xf32>,
        %get3A_1181 = arith.index_cast %add3A_1103 : i32 to index
        %get3A_1182 = arith.constant 48 : index
        %get3A_1183 = tpu.vector_load %arg13[%get3A_1181, %get3A_1182] {strides = array<i32>} : memref<128x128xf32, #tpu.memory_space<vmem>>, vector<1x16xf32>,
        %get3A_1184 = vector.shape_cast %get3A_1183 : vector<1x16xf32> to vector<16xf32>
        %get3A_1185 = arith.index_cast %add3A_1101 : i32 to index
        %get3A_1186 = arith.constant 48 : index
        %get3A_1187 = tpu.vector_load %arg15[%get3A_1185, %get3A_1186] {strides = array<i32>} : memref<64x128xf32, #tpu.memory_space<vmem>>, vector<1x16xf32>,
        %get3A_1188 = vector.shape_cast %get3A_1187 : vector<1x16xf32> to vector<16xf32>
        %add3A_1189 = arith.addf %get3A_1184, %get3A_1188 : vector<16xf32>
        %max3A_1190 = arith.constant 0.000000e+00 : f32
        %max3A_1191 = vector.broadcast %max3A_1190 : f32 to vector<16xf32>
        %max3A_1192 = arith.maximumf %add3A_1189, %max3A_1191 : vector<16xf32>
        %mul3A_1193 = arith.mulf %max3A_1192, %get3A_6 : vector<16xf32>
        %sub3A_1194 = arith.subf %mul3A_1193, %sub3A_91 : vector<16xf32>
        %exp3A_1195 = math.exp %sub3A_1194 : vector<16xf32>
        %swap3A_1196 = arith.index_cast %add3A_1103 : i32 to index
        %swap3A_1197 = arith.constant 48 : index
        %swap3A_1198 = tpu.vector_load %arg16[%swap3A_1196, %swap3A_1197] {strides = array<i32>} : memref<128x128xf32, #tpu.memory_space<vmem>>, vector<1x16xf32>,
        %swap3A_1199 = vector.shape_cast %swap3A_1198 : vector<1x16xf32> to vector<16xf32>
        %swap3A_1200 = vector.shape_cast %exp3A_1195 : vector<16xf32> to vector<1x16xf32>
        tpu.vector_store %arg16[%swap3A_1196, %swap3A_1197], %swap3A_1200 {strides = array<i32>} : memref<128x128xf32, #tpu.memory_space<vmem>>, vector<1x16xf32>,
        %mul3A_1201 = arith.mulf %max3A_1192, %exp3A_1195 : vector<16xf32>
        %swap3A_1202 = arith.index_cast %add3A_1103 : i32 to index
        %swap3A_1203 = arith.constant 112 : index
        %swap3A_1204 = tpu.vector_load %arg16[%swap3A_1202, %swap3A_1203] {strides = array<i32>} : memref<128x128xf32, #tpu.memory_space<vmem>>, vector<1x16xf32>,
        %swap3A_1205 = vector.shape_cast %swap3A_1204 : vector<1x16xf32> to vector<16xf32>
        %swap3A_1206 = vector.shape_cast %mul3A_1201 : vector<16xf32> to vector<1x16xf32>
        tpu.vector_store %arg16[%swap3A_1202, %swap3A_1203], %swap3A_1206 {strides = array<i32>} : memref<128x128xf32, #tpu.memory_space<vmem>>, vector<1x16xf32>,
        %add3A_1207 = arith.constant 64 : i32
        %add3A_1208 = arith.addi %add3A_1207, %add3A_1101 : i32
        %get3A_1209 = arith.index_cast %add3A_1208 : i32 to index
        %get3A_1210 = arith.constant 0 : index
        %get3A_1211 = tpu.vector_load %arg13[%get3A_1209, %get3A_1210] {strides = array<i32>} : memref<128x128xf32, #tpu.memory_space<vmem>>, vector<1x16xf32>,
        %get3A_1212 = vector.shape_cast %get3A_1211 : vector<1x16xf32> to vector<16xf32>
        %get3A_1213 = arith.index_cast %add3A_1101 : i32 to index
        %get3A_1214 = arith.constant 64 : index
        %get3A_1215 = tpu.vector_load %arg15[%get3A_1213, %get3A_1214] {strides = array<i32>} : memref<64x128xf32, #tpu.memory_space<vmem>>, vector<1x16xf32>,
        %get3A_1216 = vector.shape_cast %get3A_1215 : vector<1x16xf32> to vector<16xf32>
        %add3A_1217 = arith.addf %get3A_1212, %get3A_1216 : vector<16xf32>
        %max3A_1218 = arith.constant 0.000000e+00 : f32
        %max3A_1219 = vector.broadcast %max3A_1218 : f32 to vector<16xf32>
        %max3A_1220 = arith.maximumf %add3A_1217, %max3A_1219 : vector<16xf32>
        %mul3A_1221 = arith.mulf %max3A_1220, %get3A_6 : vector<16xf32>
        %sub3A_1222 = arith.subf %mul3A_1221, %sub3A : vector<16xf32>
        %exp3A_1223 = math.exp %sub3A_1222 : vector<16xf32>
        %swap3A_1224 = arith.index_cast %add3A_1208 : i32 to index
        %swap3A_1225 = arith.constant 0 : index
        %swap3A_1226 = tpu.vector_load %arg16[%swap3A_1224, %swap3A_1225] {strides = array<i32>} : memref<128x128xf32, #tpu.memory_space<vmem>>, vector<1x16xf32>,
        %swap3A_1227 = vector.shape_cast %swap3A_1226 : vector<1x16xf32> to vector<16xf32>
        %swap3A_1228 = vector.shape_cast %exp3A_1223 : vector<16xf32> to vector<1x16xf32>
        tpu.vector_store %arg16[%swap3A_1224, %swap3A_1225], %swap3A_1228 {strides = array<i32>} : memref<128x128xf32, #tpu.memory_space<vmem>>, vector<1x16xf32>,
        %mul3A_1229 = arith.mulf %max3A_1220, %exp3A_1223 : vector<16xf32>
        %swap3A_1230 = arith.index_cast %add3A_1208 : i32 to index
        %swap3A_1231 = arith.constant 64 : index
        %swap3A_1232 = tpu.vector_load %arg16[%swap3A_1230, %swap3A_1231] {strides = array<i32>} : memref<128x128xf32, #tpu.memory_space<vmem>>, vector<1x16xf32>,
        %swap3A_1233 = vector.shape_cast %swap3A_1232 : vector<1x16xf32> to vector<16xf32>
        %swap3A_1234 = vector.shape_cast %mul3A_1229 : vector<16xf32> to vector<1x16xf32>
        tpu.vector_store %arg16[%swap3A_1230, %swap3A_1231], %swap3A_1234 {strides = array<i32>} : memref<128x128xf32, #tpu.memory_space<vmem>>, vector<1x16xf32>,
        %get3A_1235 = arith.index_cast %add3A_1208 : i32 to index
        %get3A_1236 = arith.constant 16 : index
        %get3A_1237 = tpu.vector_load %arg13[%get3A_1235, %get3A_1236] {strides = array<i32>} : memref<128x128xf32, #tpu.memory_space<vmem>>, vector<1x16xf32>,
        %get3A_1238 = vector.shape_cast %get3A_1237 : vector<1x16xf32> to vector<16xf32>
        %get3A_1239 = arith.index_cast %add3A_1101 : i32 to index
        %get3A_1240 = arith.constant 80 : index
        %get3A_1241 = tpu.vector_load %arg15[%get3A_1239, %get3A_1240] {strides = array<i32>} : memref<64x128xf32, #tpu.memory_space<vmem>>, vector<1x16xf32>,
        %get3A_1242 = vector.shape_cast %get3A_1241 : vector<1x16xf32> to vector<16xf32>
        %add3A_1243 = arith.addf %get3A_1238, %get3A_1242 : vector<16xf32>
        %max3A_1244 = arith.constant 0.000000e+00 : f32
        %max3A_1245 = vector.broadcast %max3A_1244 : f32 to vector<16xf32>
        %max3A_1246 = arith.maximumf %add3A_1243, %max3A_1245 : vector<16xf32>
        %mul3A_1247 = arith.mulf %max3A_1246, %get3A_6 : vector<16xf32>
        %sub3A_1248 = arith.subf %mul3A_1247, %sub3A_47 : vector<16xf32>
        %exp3A_1249 = math.exp %sub3A_1248 : vector<16xf32>
        %swap3A_1250 = arith.index_cast %add3A_1208 : i32 to index
        %swap3A_1251 = arith.constant 16 : index
        %swap3A_1252 = tpu.vector_load %arg16[%swap3A_1250, %swap3A_1251] {strides = array<i32>} : memref<128x128xf32, #tpu.memory_space<vmem>>, vector<1x16xf32>,
        %swap3A_1253 = vector.shape_cast %swap3A_1252 : vector<1x16xf32> to vector<16xf32>
        %swap3A_1254 = vector.shape_cast %exp3A_1249 : vector<16xf32> to vector<1x16xf32>
        tpu.vector_store %arg16[%swap3A_1250, %swap3A_1251], %swap3A_1254 {strides = array<i32>} : memref<128x128xf32, #tpu.memory_space<vmem>>, vector<1x16xf32>,
        %mul3A_1255 = arith.mulf %max3A_1246, %exp3A_1249 : vector<16xf32>
        %swap3A_1256 = arith.index_cast %add3A_1208 : i32 to index
        %swap3A_1257 = arith.constant 80 : index
        %swap3A_1258 = tpu.vector_load %arg16[%swap3A_1256, %swap3A_1257] {strides = array<i32>} : memref<128x128xf32, #tpu.memory_space<vmem>>, vector<1x16xf32>,
        %swap3A_1259 = vector.shape_cast %swap3A_1258 : vector<1x16xf32> to vector<16xf32>
        %swap3A_1260 = vector.shape_cast %mul3A_1255 : vector<16xf32> to vector<1x16xf32>
        tpu.vector_store %arg16[%swap3A_1256, %swap3A_1257], %swap3A_1260 {strides = array<i32>} : memref<128x128xf32, #tpu.memory_space<vmem>>, vector<1x16xf32>,
        %get3A_1261 = arith.index_cast %add3A_1208 : i32 to index
        %get3A_1262 = arith.constant 32 : index
        %get3A_1263 = tpu.vector_load %arg13[%get3A_1261, %get3A_1262] {strides = array<i32>} : memref<128x128xf32, #tpu.memory_space<vmem>>, vector<1x16xf32>,
        %get3A_1264 = vector.shape_cast %get3A_1263 : vector<1x16xf32> to vector<16xf32>
        %get3A_1265 = arith.index_cast %add3A_1101 : i32 to index
        %get3A_1266 = arith.constant 96 : index
        %get3A_1267 = tpu.vector_load %arg15[%get3A_1265, %get3A_1266] {strides = array<i32>} : memref<64x128xf32, #tpu.memory_space<vmem>>, vector<1x16xf32>,
        %get3A_1268 = vector.shape_cast %get3A_1267 : vector<1x16xf32> to vector<16xf32>
        %add3A_1269 = arith.addf %get3A_1264, %get3A_1268 : vector<16xf32>
        %max3A_1270 = arith.constant 0.000000e+00 : f32
        %max3A_1271 = vector.broadcast %max3A_1270 : f32 to vector<16xf32>
        %max3A_1272 = arith.maximumf %add3A_1269, %max3A_1271 : vector<16xf32>
        %mul3A_1273 = arith.mulf %max3A_1272, %get3A_6 : vector<16xf32>
        %sub3A_1274 = arith.subf %mul3A_1273, %sub3A_69 : vector<16xf32>
        %exp3A_1275 = math.exp %sub3A_1274 : vector<16xf32>
        %swap3A_1276 = arith.index_cast %add3A_1208 : i32 to index
        %swap3A_1277 = arith.constant 32 : index
        %swap3A_1278 = tpu.vector_load %arg16[%swap3A_1276, %swap3A_1277] {strides = array<i32>} : memref<128x128xf32, #tpu.memory_space<vmem>>, vector<1x16xf32>,
        %swap3A_1279 = vector.shape_cast %swap3A_1278 : vector<1x16xf32> to vector<16xf32>
        %swap3A_1280 = vector.shape_cast %exp3A_1275 : vector<16xf32> to vector<1x16xf32>
        tpu.vector_store %arg16[%swap3A_1276, %swap3A_1277], %swap3A_1280 {strides = array<i32>} : memref<128x128xf32, #tpu.memory_space<vmem>>, vector<1x16xf32>,
        %mul3A_1281 = arith.mulf %max3A_1272, %exp3A_1275 : vector<16xf32>
        %swap3A_1282 = arith.index_cast %add3A_1208 : i32 to index
        %swap3A_1283 = arith.constant 96 : index
        %swap3A_1284 = tpu.vector_load %arg16[%swap3A_1282, %swap3A_1283] {strides = array<i32>} : memref<128x128xf32, #tpu.memory_space<vmem>>, vector<1x16xf32>,
        %swap3A_1285 = vector.shape_cast %swap3A_1284 : vector<1x16xf32> to vector<16xf32>
        %swap3A_1286 = vector.shape_cast %mul3A_1281 : vector<16xf32> to vector<1x16xf32>
        tpu.vector_store %arg16[%swap3A_1282, %swap3A_1283], %swap3A_1286 {strides = array<i32>} : memref<128x128xf32, #tpu.memory_space<vmem>>, vector<1x16xf32>,
        %get3A_1287 = arith.index_cast %add3A_1208 : i32 to index
        %get3A_1288 = arith.constant 48 : index
        %get3A_1289 = tpu.vector_load %arg13[%get3A_1287, %get3A_1288] {strides = array<i32>} : memref<128x128xf32, #tpu.memory_space<vmem>>, vector<1x16xf32>,
        %get3A_1290 = vector.shape_cast %get3A_1289 : vector<1x16xf32> to vector<16xf32>
        %get3A_1291 = arith.index_cast %add3A_1101 : i32 to index
        %get3A_1292 = arith.constant 112 : index
        %get3A_1293 = tpu.vector_load %arg15[%get3A_1291, %get3A_1292] {strides = array<i32>} : memref<64x128xf32, #tpu.memory_space<vmem>>, vector<1x16xf32>,
        %get3A_1294 = vector.shape_cast %get3A_1293 : vector<1x16xf32> to vector<16xf32>
        %add3A_1295 = arith.addf %get3A_1290, %get3A_1294 : vector<16xf32>
        %max3A_1296 = arith.constant 0.000000e+00 : f32
        %max3A_1297 = vector.broadcast %max3A_1296 : f32 to vector<16xf32>
        %max3A_1298 = arith.maximumf %add3A_1295, %max3A_1297 : vector<16xf32>
        %mul3A_1299 = arith.mulf %max3A_1298, %get3A_6 : vector<16xf32>
        %sub3A_1300 = arith.subf %mul3A_1299, %sub3A_91 : vector<16xf32>
        %exp3A_1301 = math.exp %sub3A_1300 : vector<16xf32>
        %swap3A_1302 = arith.index_cast %add3A_1208 : i32 to index
        %swap3A_1303 = arith.constant 48 : index
        %swap3A_1304 = tpu.vector_load %arg16[%swap3A_1302, %swap3A_1303] {strides = array<i32>} : memref<128x128xf32, #tpu.memory_space<vmem>>, vector<1x16xf32>,
        %swap3A_1305 = vector.shape_cast %swap3A_1304 : vector<1x16xf32> to vector<16xf32>
        %swap3A_1306 = vector.shape_cast %exp3A_1301 : vector<16xf32> to vector<1x16xf32>
        tpu.vector_store %arg16[%swap3A_1302, %swap3A_1303], %swap3A_1306 {strides = array<i32>} : memref<128x128xf32, #tpu.memory_space<vmem>>, vector<1x16xf32>,
        %mul3A_1307 = arith.mulf %max3A_1298, %exp3A_1301 : vector<16xf32>
        %swap3A_1308 = arith.index_cast %add3A_1208 : i32 to index
        %swap3A_1309 = arith.constant 112 : index
        %swap3A_1310 = tpu.vector_load %arg16[%swap3A_1308, %swap3A_1309] {strides = array<i32>} : memref<128x128xf32, #tpu.memory_space<vmem>>, vector<1x16xf32>,
        %swap3A_1311 = vector.shape_cast %swap3A_1310 : vector<1x16xf32> to vector<16xf32>
        %swap3A_1312 = vector.shape_cast %mul3A_1307 : vector<16xf32> to vector<1x16xf32>
        tpu.vector_store %arg16[%swap3A_1308, %swap3A_1309], %swap3A_1312 {strides = array<i32>} : memref<128x128xf32, #tpu.memory_space<vmem>>, vector<1x16xf32>,
      }
      %scan3A_1088 = arith.constant 64 : i32
      %run_scoped3A_1089 = arith.constant 1 : i32
      "tpu.region"() ({
        %run_scoped3A_1097 = tpu.sem_alloc : memref<!tpu.dma_semaphore, #tpu.memory_space<semaphore_mem>>
        %dma_start3A_1098 = arith.constant 0 : i32
        %dma_start3A_1099 = tpu.memref_slice %arg17[%run_scoped3A_1089, %dma_start3A_1098] : memref<8x128xi32, #tpu.memory_space<vmem>> -> memref<1x128xi32, #tpu.memory_space<vmem>>
        %dma_start3A_1100 = tpu.memref_squeeze %dma_start3A_1099 : memref<1x128xi32, #tpu.memory_space<vmem>> -> memref<128xi32, #tpu.memory_space<vmem>>
        %dma_start3A_1101 = arith.constant 0 : i32
        %dma_start3A_1102 = arith.constant 0 : i32
        %dma_start3A_1103 = tpu.memref_slice %arg21[%dma_start3A_1101, %dma_start3A_1102] : memref<5120x128xf32, #tpu.memory_space<vmem_shared>> -> memref<5120x128xf32, #tpu.memory_space<vmem_shared>>
        tpu.enqueue_indirect_dma source(%arg16 : memref<128x128xf32, #tpu.memory_space<vmem>>) target(%dma_start3A_1103 : memref<5120x128xf32, #tpu.memory_space<vmem_shared>>) offsets(%dma_start3A_1100 : memref<128xi32, #tpu.memory_space<vmem>>) semaphore(%run_scoped3A_1097 : memref<!tpu.dma_semaphore, #tpu.memory_space<semaphore_mem>>) {add = true}
        %dma_wait3A_1104 = arith.constant 0 : i32
        %dma_wait3A_1105 = tpu.memref_slice %arg17[%run_scoped3A_1089, %dma_wait3A_1104] : memref<8x128xi32, #tpu.memory_space<vmem>> -> memref<1x128xi32, #tpu.memory_space<vmem>>
        %dma_wait3A_1106 = tpu.memref_squeeze %dma_wait3A_1105 : memref<1x128xi32, #tpu.memory_space<vmem>> -> memref<128xi32, #tpu.memory_space<vmem>>
        %dma_wait3A_1107 = arith.constant 0 : i32
        %dma_wait3A_1108 = arith.constant 0 : i32
        %dma_wait3A_1109 = tpu.memref_slice %arg21[%dma_wait3A_1107, %dma_wait3A_1108] : memref<5120x128xf32, #tpu.memory_space<vmem_shared>> -> memref<5120x128xf32, #tpu.memory_space<vmem_shared>>
        tpu.wait_indirect_dma semaphore(%run_scoped3A_1097 : memref<!tpu.dma_semaphore, #tpu.memory_space<semaphore_mem>>) src(%arg16 : memref<128x128xf32, #tpu.memory_space<vmem>>) dst(%dma_wait3A_1109 : memref<5120x128xf32, #tpu.memory_space<vmem_shared>>)
        tpu.yield
      }) : () -> ()
      %add3A_1090 = arith.constant 3 : i32
      %add3A_1091 = arith.addi %add3A_518, %add3A_1090 : i32
      %lt3A_1092 = arith.constant 160 : i32
      %lt3A_1093 = arith.cmpi slt, %add3A_1091, %lt3A_1092 : i32
      %convert_element_type3A_1094 = arith.extui %lt3A_1093 : i1 to i32
      %cond3A_1095 = arith.constant 0 : i32
      %cond3A_1096 = arith.cmpi ne, %convert_element_type3A_1094, %cond3A_1095 : i32
      scf.if %cond3A_1096 {
        %add3A_1097 = arith.constant 3 : i32
        %add3A_1098 = arith.addi %add3A_518, %add3A_1097 : i32
        %mul3A_1099 = arith.constant 160 : i32
        %mul3A_1100 = arith.muli %arg1, %mul3A_1099 : i32
        %add3A_1101 = arith.addi %mul3A_1100, %add3A_1098 : i32
        %mul3A_1102 = arith.constant 128 : i32
        %mul3A_1103 = arith.muli %add3A_1101, %mul3A_1102 : i32
        %dma_start3A_1104 = arith.constant 2 : i32
        %dma_start3A_1105 = arith.constant 0 : i32
        %dma_start3A_1106 = tpu.memref_slice %arg11[%dma_start3A_1104, %dma_start3A_1105] : memref<4x128xi32, #tpu.memory_space<vmem>> -> memref<1x128xi32, #tpu.memory_space<vmem>>
        %dma_start3A_1107 = tpu.memref_squeeze %dma_start3A_1106 : memref<1x128xi32, #tpu.memory_space<vmem>> -> memref<128xi32, #tpu.memory_space<vmem>>
        %dma_start3A_1108 = tpu.memref_slice %arg5[%mul3A_1103] : memref<327680xi32, #tpu.memory_space<hbm>> -> memref<128xi32, #tpu.memory_space<hbm>>
        %dma_start3A_1109 = arith.constant 0 : i32
        %dma_start3A_1110 = tpu.memref_slice %arg11[%dma_start3A_1104, %dma_start3A_1109] : memref<4x128xi32, #tpu.memory_space<vmem>> -> memref<1x128xi32, #tpu.memory_space<vmem>>
        %dma_start3A_1111 = tpu.memref_squeeze %dma_start3A_1110 : memref<1x128xi32, #tpu.memory_space<vmem>> -> memref<128xi32, #tpu.memory_space<vmem>>
        %dma_start3A_1112 = tpu.memref_slice %arg5[%mul3A_1103] : memref<327680xi32, #tpu.memory_space<hbm>> -> memref<128xi32, #tpu.memory_space<hbm>>
        tpu.enqueue_dma source(%dma_start3A_1112 : memref<128xi32, #tpu.memory_space<hbm>>) target(%dma_start3A_1111 : memref<128xi32, #tpu.memory_space<vmem>>) target_semaphore(%arg27 : memref<!tpu.dma_semaphore, #tpu.memory_space<semaphore_mem>>)
        %dma_start3A_1113 = arith.constant 3 : i32
        %dma_start3A_1114 = arith.constant 0 : i32
        %dma_start3A_1115 = tpu.memref_slice %arg11[%dma_start3A_1113, %dma_start3A_1114] : memref<4x128xi32, #tpu.memory_space<vmem>> -> memref<1x128xi32, #tpu.memory_space<vmem>>
        %dma_start3A_1116 = tpu.memref_squeeze %dma_start3A_1115 : memref<1x128xi32, #tpu.memory_space<vmem>> -> memref<128xi32, #tpu.memory_space<vmem>>
        %dma_start3A_1117 = tpu.memref_slice %arg6[%mul3A_1103] : memref<327680xi32, #tpu.memory_space<hbm>> -> memref<128xi32, #tpu.memory_space<hbm>>
        %dma_start3A_1118 = arith.constant 0 : i32
        %dma_start3A_1119 = tpu.memref_slice %arg11[%dma_start3A_1113, %dma_start3A_1118] : memref<4x128xi32, #tpu.memory_space<vmem>> -> memref<1x128xi32, #tpu.memory_space<vmem>>
        %dma_start3A_1120 = tpu.memref_squeeze %dma_start3A_1119 : memref<1x128xi32, #tpu.memory_space<vmem>> -> memref<128xi32, #tpu.memory_space<vmem>>
        %dma_start3A_1121 = tpu.memref_slice %arg6[%mul3A_1103] : memref<327680xi32, #tpu.memory_space<hbm>> -> memref<128xi32, #tpu.memory_space<hbm>>
        tpu.enqueue_dma source(%dma_start3A_1121 : memref<128xi32, #tpu.memory_space<hbm>>) target(%dma_start3A_1120 : memref<128xi32, #tpu.memory_space<vmem>>) target_semaphore(%arg27 : memref<!tpu.dma_semaphore, #tpu.memory_space<semaphore_mem>>)
      } else {
      }
    }
    %scan3A_511 = arith.constant 80 : i32
    %barrier3A_512 = arith.constant 0 : index
    tpu.barrier barrier_id(%barrier3A_512)
    %run_scoped3A_513 = arith.constant 1 : i32
    "tpu.region"() ({
      %run_scoped3A_514 = tpu.sem_alloc : memref<!tpu.dma_semaphore, #tpu.memory_space<semaphore_mem>>
      %dma_start3A_515 = arith.constant 0 : i32
      %dma_start3A_516 = tpu.memref_slice %arg10[%arg0, %run_scoped3A_513, %mul3A_0, %dma_start3A_515] : memref<2x2x5120x128xf32, #tpu.memory_space<hbm>> -> memref<1x1x320x128xf32, #tpu.memory_space<hbm>>
      %dma_start3A_517 = tpu.memref_squeeze %dma_start3A_516 : memref<1x1x320x128xf32, #tpu.memory_space<hbm>> -> memref<320x128xf32, #tpu.memory_space<hbm>>
      %dma_start3A_518 = arith.constant 0 : i32
      %dma_start3A_519 = tpu.memref_slice %arg21[%mul3A_0, %dma_start3A_518] : memref<5120x128xf32, #tpu.memory_space<vmem_shared>> -> memref<320x128xf32, #tpu.memory_space<vmem_shared>>
      tpu.enqueue_dma source(%dma_start3A_519 : memref<320x128xf32, #tpu.memory_space<vmem_shared>>) target(%dma_start3A_517 : memref<320x128xf32, #tpu.memory_space<hbm>>) target_semaphore(%run_scoped3A_514 : memref<!tpu.dma_semaphore, #tpu.memory_space<semaphore_mem>>)
      %dma_wait3A_520 = arith.constant 0 : i32
      %dma_wait3A_521 = tpu.memref_slice %arg10[%arg0, %run_scoped3A_513, %mul3A_0, %dma_wait3A_520] : memref<2x2x5120x128xf32, #tpu.memory_space<hbm>> -> memref<1x1x320x128xf32, #tpu.memory_space<hbm>>
      %dma_wait3A_522 = tpu.memref_squeeze %dma_wait3A_521 : memref<1x1x320x128xf32, #tpu.memory_space<hbm>> -> memref<320x128xf32, #tpu.memory_space<hbm>>
      %dma_wait3A_523 = arith.constant 0 : i32
      %dma_wait3A_524 = tpu.memref_slice %arg21[%mul3A_0, %dma_wait3A_523] : memref<5120x128xf32, #tpu.memory_space<vmem_shared>> -> memref<320x128xf32, #tpu.memory_space<vmem_shared>>
      tpu.wait_dma2 semaphore(%run_scoped3A_514 : memref<!tpu.dma_semaphore, #tpu.memory_space<semaphore_mem>>) src(%dma_wait3A_524 : memref<320x128xf32, #tpu.memory_space<vmem_shared>>) dst(%dma_wait3A_522 : memref<320x128xf32, #tpu.memory_space<hbm>>)
      tpu.yield
    }) : () -> ()
    return
  }
}

module attributes {stable_mosaic.version = 14 : i64} {
  func.func @body(%arg0: i32, %arg1: memref<2048x16xf32, #tpu.memory_space<vmem>>, %arg2: memref<2048x16xf32, #tpu.memory_space<vmem>>, %arg3: memref<16x128xf32, #tpu.memory_space<vmem>>, %arg4: memref<1x128xf32, #tpu.memory_space<vmem>>, %arg5: memref<2048x128xf32, #tpu.memory_space<vmem>>, %arg6: memref<1x128xf32, #tpu.memory_space<vmem>>) attributes {dimension_semantics = [#tpu.dimension_semantics<arbitrary>], iteration_bounds = array<i64: 80>, scalar_prefetch = 0 : i64, scratch_operands = 0 : i64, tpu.core_type = #tpu.core_type<tc>, window_params = [{transform_indices = @transform_0, window_bounds = array<i64: 2048, 16>}, {transform_indices = @transform_1, window_bounds = array<i64: 2048, 16>}, {pipeline_mode = #tpu.pipeline_mode<synchronous>, transform_indices = @transform_2, window_bounds = array<i64: 16, 128>}, {pipeline_mode = #tpu.pipeline_mode<synchronous>, transform_indices = @transform_3, window_bounds = array<i64: 1, 128>}, {transform_indices = @transform_4, window_bounds = array<i64: 2048, 128>}, {pipeline_mode = #tpu.pipeline_mode<synchronous>, transform_indices = @transform_5, window_bounds = array<i64: 1, 128>}]} {
    %get3A = arith.constant 0 : index
    %get3A_0 = arith.constant 0 : index
    %get3A_1 = vector.load %arg3[%get3A, %get3A_0] : memref<16x128xf32, #tpu.memory_space<vmem>>, vector<16x128xf32>
    %get3A_2 = arith.constant 0 : index
    %get3A_3 = arith.constant 0 : index
    %get3A_4 = vector.load %arg4[%get3A_2, %get3A_3] : memref<1x128xf32, #tpu.memory_space<vmem>>, vector<1x128xf32>
    %get3A_5 = arith.constant 0 : index
    %get3A_6 = arith.constant 0 : index
    %get3A_7 = vector.load %arg1[%get3A_5, %get3A_6] : memref<2048x16xf32, #tpu.memory_space<vmem>>, vector<2048x16xf32>
    %dot_general3A = arith.constant dense<0.000000e+00> : vector<2048x128xf32>
    %dot_general3A_8 = tpu.matmul %get3A_7, %get3A_1, %dot_general3A {dimension_numbers = #tpu.dot_dimension_numbers<[1], [0], [0], [1], [0, 0, 1, 1], [], []>, transpose_lhs_hint = false} : vector<2048x16xf32>, vector<16x128xf32>, vector<2048x128xf32> -> vector<2048x128xf32>
    %add3A = vector.broadcast %get3A_4 : vector<1x128xf32> to vector<2048x128xf32>
    %add3A_9 = arith.addf %dot_general3A_8, %add3A : vector<2048x128xf32>
    %get3A_10 = arith.constant 0 : index
    %get3A_11 = arith.constant 0 : index
    %get3A_12 = vector.load %arg2[%get3A_10, %get3A_11] : memref<2048x16xf32, #tpu.memory_space<vmem>>, vector<2048x16xf32>
    %dot_general3A_13 = arith.constant dense<0.000000e+00> : vector<2048x128xf32>
    %dot_general3A_14 = tpu.matmul %get3A_12, %get3A_1, %dot_general3A_13 {dimension_numbers = #tpu.dot_dimension_numbers<[1], [0], [0], [1], [0, 0, 1, 1], [], []>, transpose_lhs_hint = false} : vector<2048x16xf32>, vector<16x128xf32>, vector<2048x128xf32> -> vector<2048x128xf32>
    %add3A_15 = vector.broadcast %get3A_4 : vector<1x128xf32> to vector<2048x128xf32>
    %add3A_16 = arith.addf %dot_general3A_14, %add3A_15 : vector<2048x128xf32>
    %slice3A = vector.extract_strided_slice %add3A_9 {offsets = [0, 0], sizes = [2048, 64], strides = [1, 1]} : vector<2048x128xf32> to vector<2048x64xf32>
    %slice3A_17 = vector.extract_strided_slice %add3A_16 {offsets = [0, 0], sizes = [2048, 64], strides = [1, 1]} : vector<2048x128xf32> to vector<2048x64xf32>
    %concatenate3A = tpu.concatenate %slice3A, %slice3A_17 in 1 : vector<2048x64xf32>, vector<2048x64xf32> -> vector<2048x128xf32>
    %swap3A = arith.constant 0 : index
    %swap3A_18 = arith.constant 0 : index
    %swap3A_19 = vector.load %arg5[%swap3A, %swap3A_18] : memref<2048x128xf32, #tpu.memory_space<vmem>>, vector<2048x128xf32>
    tpu.vector_store %arg5[%swap3A, %swap3A_18], %concatenate3A {strides = array<i32>} : memref<2048x128xf32, #tpu.memory_space<vmem>>, vector<2048x128xf32>,
    %reduce_max3A = arith.constant dense<0xFF800000> : vector<128xf32>
    %reduce_max3A_20 = vector.multi_reduction <maximumf>, %add3A_9, %reduce_max3A [0] : vector<2048x128xf32> to vector<128xf32>
    %broadcast_in_dim3A = vector.shape_cast %reduce_max3A_20 : vector<128xf32> to vector<1x128xf32>
    %reduce_max3A_21 = arith.constant dense<0xFF800000> : vector<128xf32>
    %reduce_max3A_22 = vector.multi_reduction <maximumf>, %add3A_16, %reduce_max3A_21 [0] : vector<2048x128xf32> to vector<128xf32>
    %broadcast_in_dim3A_23 = vector.shape_cast %reduce_max3A_22 : vector<128xf32> to vector<1x128xf32>
    %max3A = arith.maximumf %broadcast_in_dim3A, %broadcast_in_dim3A_23 : vector<1x128xf32>
    %eq3A = arith.constant 0 : i32
    %eq3A_24 = arith.cmpi eq, %arg0, %eq3A : i32
    %convert_element_type3A = arith.extui %eq3A_24 : i1 to i32
    %cond3A = arith.constant 0 : i32
    %cond3A_25 = arith.cmpi ne, %convert_element_type3A, %cond3A : i32
    scf.if %cond3A_25 {
      %swap3A_30 = arith.constant 0 : index
      %swap3A_31 = arith.constant 0 : index
      %swap3A_32 = vector.load %arg6[%swap3A_30, %swap3A_31] : memref<1x128xf32, #tpu.memory_space<vmem>>, vector<1x128xf32>
      tpu.vector_store %arg6[%swap3A_30, %swap3A_31], %max3A {strides = array<i32>} : memref<1x128xf32, #tpu.memory_space<vmem>>, vector<1x128xf32>,
    } else {
    }
    %ne3A = arith.constant 0 : i32
    %ne3A_26 = arith.cmpi ne, %arg0, %ne3A : i32
    %convert_element_type3A_27 = arith.extui %ne3A_26 : i1 to i32
    %cond3A_28 = arith.constant 0 : i32
    %cond3A_29 = arith.cmpi ne, %convert_element_type3A_27, %cond3A_28 : i32
    scf.if %cond3A_29 {
      %get3A_30 = arith.constant 0 : index
      %get3A_31 = arith.constant 0 : index
      %get3A_32 = vector.load %arg6[%get3A_30, %get3A_31] : memref<1x128xf32, #tpu.memory_space<vmem>>, vector<1x128xf32>
      %max3A_33 = arith.maximumf %get3A_32, %max3A : vector<1x128xf32>
      %swap3A_34 = arith.constant 0 : index
      %swap3A_35 = arith.constant 0 : index
      %swap3A_36 = vector.load %arg6[%swap3A_34, %swap3A_35] : memref<1x128xf32, #tpu.memory_space<vmem>>, vector<1x128xf32>
      tpu.vector_store %arg6[%swap3A_34, %swap3A_35], %max3A_33 {strides = array<i32>} : memref<1x128xf32, #tpu.memory_space<vmem>>, vector<1x128xf32>,
    } else {
    }
    return
  }
  func.func @transform_0(%arg0: i32) -> (i32, i32) {
    %c0_i32 = arith.constant 0 : i32
    %c0_i32_0 = arith.constant 0 : i32
    return %arg0, %c0_i32 : i32, i32
  }
  func.func @transform_1(%arg0: i32) -> (i32, i32) {
    %add3A = arith.constant 80 : i32
    %add3A_0 = arith.addi %arg0, %add3A : i32
    %c0_i32 = arith.constant 0 : i32
    %c0_i32_1 = arith.constant 0 : i32
    return %add3A_0, %c0_i32 : i32, i32
  }
  func.func @transform_2(%arg0: i32) -> (i32, i32) {
    %c0_i32 = arith.constant 0 : i32
    %c0_i32_0 = arith.constant 0 : i32
    %c0_i32_1 = arith.constant 0 : i32
    return %c0_i32, %c0_i32_0 : i32, i32
  }
  func.func @transform_3(%arg0: i32) -> (i32, i32) {
    %c0_i32 = arith.constant 0 : i32
    %c0_i32_0 = arith.constant 0 : i32
    %c0_i32_1 = arith.constant 0 : i32
    return %c0_i32, %c0_i32_0 : i32, i32
  }
  func.func @transform_4(%arg0: i32) -> (i32, i32) {
    %c0_i32 = arith.constant 0 : i32
    %c0_i32_0 = arith.constant 0 : i32
    return %arg0, %c0_i32 : i32, i32
  }
  func.func @transform_5(%arg0: i32) -> (i32, i32) {
    %c0_i32 = arith.constant 0 : i32
    %c0_i32_0 = arith.constant 0 : i32
    %c0_i32_1 = arith.constant 0 : i32
    return %c0_i32, %c0_i32_0 : i32, i32
  }
}

module attributes {stable_mosaic.version = 14 : i64} {
  func.func @body(%arg0: i32, %arg1: memref<2048x16xf32, #tpu.memory_space<vmem>>, %arg2: memref<2048x16xf32, #tpu.memory_space<vmem>>, %arg3: memref<16x128xf32, #tpu.memory_space<vmem>>, %arg4: memref<1x128xf32, #tpu.memory_space<vmem>>, %arg5: memref<2048x128xf32, #tpu.memory_space<vmem>>, %arg6: memref<1x128xf32, #tpu.memory_space<vmem>>) attributes {dimension_semantics = [#tpu.dimension_semantics<arbitrary>], iteration_bounds = array<i64: 80>, scalar_prefetch = 0 : i64, scratch_operands = 0 : i64, tpu.core_type = #tpu.core_type<tc>, window_params = [{transform_indices = @transform_0, window_bounds = array<i64: 2048, 16>}, {transform_indices = @transform_1, window_bounds = array<i64: 2048, 16>}, {pipeline_mode = #tpu.pipeline_mode<synchronous>, transform_indices = @transform_2, window_bounds = array<i64: 16, 128>}, {pipeline_mode = #tpu.pipeline_mode<synchronous>, transform_indices = @transform_3, window_bounds = array<i64: 1, 128>}, {transform_indices = @transform_4, window_bounds = array<i64: 2048, 128>}, {pipeline_mode = #tpu.pipeline_mode<synchronous>, transform_indices = @transform_5, window_bounds = array<i64: 1, 128>}]} {
    %get3A = arith.constant 0 : index
    %get3A_0 = arith.constant 0 : index
    %get3A_1 = vector.load %arg3[%get3A, %get3A_0] : memref<16x128xf32, #tpu.memory_space<vmem>>, vector<16x128xf32>
    %get3A_2 = arith.constant 0 : index
    %get3A_3 = arith.constant 0 : index
    %get3A_4 = vector.load %arg4[%get3A_2, %get3A_3] : memref<1x128xf32, #tpu.memory_space<vmem>>, vector<1x128xf32>
    %get3A_5 = arith.constant 0 : index
    %get3A_6 = arith.constant 0 : index
    %get3A_7 = vector.load %arg1[%get3A_5, %get3A_6] : memref<2048x16xf32, #tpu.memory_space<vmem>>, vector<2048x16xf32>
    %dot_general3A = arith.constant dense<0.000000e+00> : vector<2048x128xf32>
    %dot_general3A_8 = tpu.matmul %get3A_7, %get3A_1, %dot_general3A {dimension_numbers = #tpu.dot_dimension_numbers<[1], [0], [0], [1], [0, 0, 1, 1], [], []>, transpose_lhs_hint = false} : vector<2048x16xf32>, vector<16x128xf32>, vector<2048x128xf32> -> vector<2048x128xf32>
    %add3A = vector.broadcast %get3A_4 : vector<1x128xf32> to vector<2048x128xf32>
    %add3A_9 = arith.addf %dot_general3A_8, %add3A : vector<2048x128xf32>
    %get3A_10 = arith.constant 0 : index
    %get3A_11 = arith.constant 0 : index
    %get3A_12 = vector.load %arg2[%get3A_10, %get3A_11] : memref<2048x16xf32, #tpu.memory_space<vmem>>, vector<2048x16xf32>
    %dot_general3A_13 = arith.constant dense<0.000000e+00> : vector<2048x128xf32>
    %dot_general3A_14 = tpu.matmul %get3A_12, %get3A_1, %dot_general3A_13 {dimension_numbers = #tpu.dot_dimension_numbers<[1], [0], [0], [1], [0, 0, 1, 1], [], []>, transpose_lhs_hint = false} : vector<2048x16xf32>, vector<16x128xf32>, vector<2048x128xf32> -> vector<2048x128xf32>
    %add3A_15 = vector.broadcast %get3A_4 : vector<1x128xf32> to vector<2048x128xf32>
    %add3A_16 = arith.addf %dot_general3A_14, %add3A_15 : vector<2048x128xf32>
    %slice3A = vector.extract_strided_slice %add3A_9 {offsets = [0, 64], sizes = [2048, 64], strides = [1, 1]} : vector<2048x128xf32> to vector<2048x64xf32>
    %slice3A_17 = vector.extract_strided_slice %add3A_16 {offsets = [0, 64], sizes = [2048, 64], strides = [1, 1]} : vector<2048x128xf32> to vector<2048x64xf32>
    %concatenate3A = tpu.concatenate %slice3A, %slice3A_17 in 1 : vector<2048x64xf32>, vector<2048x64xf32> -> vector<2048x128xf32>
    %swap3A = arith.constant 0 : index
    %swap3A_18 = arith.constant 0 : index
    %swap3A_19 = vector.load %arg5[%swap3A, %swap3A_18] : memref<2048x128xf32, #tpu.memory_space<vmem>>, vector<2048x128xf32>
    tpu.vector_store %arg5[%swap3A, %swap3A_18], %concatenate3A {strides = array<i32>} : memref<2048x128xf32, #tpu.memory_space<vmem>>, vector<2048x128xf32>,
    %reduce_max3A = arith.constant dense<0xFF800000> : vector<128xf32>
    %reduce_max3A_20 = vector.multi_reduction <maximumf>, %add3A_9, %reduce_max3A [0] : vector<2048x128xf32> to vector<128xf32>
    %broadcast_in_dim3A = vector.shape_cast %reduce_max3A_20 : vector<128xf32> to vector<1x128xf32>
    %reduce_max3A_21 = arith.constant dense<0xFF800000> : vector<128xf32>
    %reduce_max3A_22 = vector.multi_reduction <maximumf>, %add3A_16, %reduce_max3A_21 [0] : vector<2048x128xf32> to vector<128xf32>
    %broadcast_in_dim3A_23 = vector.shape_cast %reduce_max3A_22 : vector<128xf32> to vector<1x128xf32>
    %max3A = arith.maximumf %broadcast_in_dim3A, %broadcast_in_dim3A_23 : vector<1x128xf32>
    %eq3A = arith.constant 0 : i32
    %eq3A_24 = arith.cmpi eq, %arg0, %eq3A : i32
    %convert_element_type3A = arith.extui %eq3A_24 : i1 to i32
    %cond3A = arith.constant 0 : i32
    %cond3A_25 = arith.cmpi ne, %convert_element_type3A, %cond3A : i32
    scf.if %cond3A_25 {
      %swap3A_30 = arith.constant 0 : index
      %swap3A_31 = arith.constant 0 : index
      %swap3A_32 = vector.load %arg6[%swap3A_30, %swap3A_31] : memref<1x128xf32, #tpu.memory_space<vmem>>, vector<1x128xf32>
      tpu.vector_store %arg6[%swap3A_30, %swap3A_31], %max3A {strides = array<i32>} : memref<1x128xf32, #tpu.memory_space<vmem>>, vector<1x128xf32>,
    } else {
    }
    %ne3A = arith.constant 0 : i32
    %ne3A_26 = arith.cmpi ne, %arg0, %ne3A : i32
    %convert_element_type3A_27 = arith.extui %ne3A_26 : i1 to i32
    %cond3A_28 = arith.constant 0 : i32
    %cond3A_29 = arith.cmpi ne, %convert_element_type3A_27, %cond3A_28 : i32
    scf.if %cond3A_29 {
      %get3A_30 = arith.constant 0 : index
      %get3A_31 = arith.constant 0 : index
      %get3A_32 = vector.load %arg6[%get3A_30, %get3A_31] : memref<1x128xf32, #tpu.memory_space<vmem>>, vector<1x128xf32>
      %max3A_33 = arith.maximumf %get3A_32, %max3A : vector<1x128xf32>
      %swap3A_34 = arith.constant 0 : index
      %swap3A_35 = arith.constant 0 : index
      %swap3A_36 = vector.load %arg6[%swap3A_34, %swap3A_35] : memref<1x128xf32, #tpu.memory_space<vmem>>, vector<1x128xf32>
      tpu.vector_store %arg6[%swap3A_34, %swap3A_35], %max3A_33 {strides = array<i32>} : memref<1x128xf32, #tpu.memory_space<vmem>>, vector<1x128xf32>,
    } else {
    }
    return
  }
  func.func @transform_0(%arg0: i32) -> (i32, i32) {
    %c0_i32 = arith.constant 0 : i32
    %c0_i32_0 = arith.constant 0 : i32
    return %arg0, %c0_i32 : i32, i32
  }
  func.func @transform_1(%arg0: i32) -> (i32, i32) {
    %add3A = arith.constant 80 : i32
    %add3A_0 = arith.addi %arg0, %add3A : i32
    %c0_i32 = arith.constant 0 : i32
    %c0_i32_1 = arith.constant 0 : i32
    return %add3A_0, %c0_i32 : i32, i32
  }
  func.func @transform_2(%arg0: i32) -> (i32, i32) {
    %c0_i32 = arith.constant 0 : i32
    %c0_i32_0 = arith.constant 0 : i32
    %c0_i32_1 = arith.constant 0 : i32
    return %c0_i32, %c0_i32_0 : i32, i32
  }
  func.func @transform_3(%arg0: i32) -> (i32, i32) {
    %c0_i32 = arith.constant 0 : i32
    %c0_i32_0 = arith.constant 0 : i32
    %c0_i32_1 = arith.constant 0 : i32
    return %c0_i32, %c0_i32_0 : i32, i32
  }
  func.func @transform_4(%arg0: i32) -> (i32, i32) {
    %c0_i32 = arith.constant 0 : i32
    %c0_i32_0 = arith.constant 0 : i32
    return %arg0, %c0_i32 : i32, i32
  }
  func.func @transform_5(%arg0: i32) -> (i32, i32) {
    %c0_i32 = arith.constant 0 : i32
    %c0_i32_0 = arith.constant 0 : i32
    %c0_i32_1 = arith.constant 0 : i32
    return %c0_i32, %c0_i32_0 : i32, i32
  }
}

module attributes {stable_mosaic.version = 14 : i64} {
  func.func @body(%arg0: i32, %arg1: memref<200x128xf32, #tpu.memory_space<vmem>>, %arg2: memref<128x128xf32, #tpu.memory_space<vmem>>, %arg3: memref<1x128xf32, #tpu.memory_space<vmem>>, %arg4: memref<2x200x128xf32, #tpu.memory_space<vmem>>, %arg5: memref<1x128xf32, #tpu.memory_space<vmem>>) attributes {dimension_semantics = [#tpu.dimension_semantics<arbitrary>], iteration_bounds = array<i64: 50>, scalar_prefetch = 0 : i64, scratch_operands = 0 : i64, tpu.core_type = #tpu.core_type<tc>, window_params = [{transform_indices = @transform_0, window_bounds = array<i64: 200, 128>}, {pipeline_mode = #tpu.pipeline_mode<synchronous>, transform_indices = @transform_1, window_bounds = array<i64: 128, 128>}, {pipeline_mode = #tpu.pipeline_mode<synchronous>, transform_indices = @transform_2, window_bounds = array<i64: 1, 128>}, {transform_indices = @transform_3, window_bounds = array<i64: 2, 200, 128>}, {pipeline_mode = #tpu.pipeline_mode<synchronous>, transform_indices = @transform_4, window_bounds = array<i64: 1, 128>}]} {
    %get3A = arith.constant 0 : index
    %get3A_0 = arith.constant 0 : index
    %get3A_1 = vector.load %arg1[%get3A, %get3A_0] : memref<200x128xf32, #tpu.memory_space<vmem>>, vector<200x128xf32>
    %get3A_2 = arith.constant 0 : index
    %get3A_3 = arith.constant 0 : index
    %get3A_4 = vector.load %arg2[%get3A_2, %get3A_3] : memref<128x128xf32, #tpu.memory_space<vmem>>, vector<128x128xf32>
    %dot_general3A = arith.constant dense<0.000000e+00> : vector<200x128xf32>
    %dot_general3A_5 = tpu.matmul %get3A_1, %get3A_4, %dot_general3A {dimension_numbers = #tpu.dot_dimension_numbers<[1], [0], [0], [1], [0, 0, 1, 1], [], []>, transpose_lhs_hint = false} : vector<200x128xf32>, vector<128x128xf32>, vector<200x128xf32> -> vector<200x128xf32>
    %get3A_6 = arith.constant 0 : index
    %get3A_7 = arith.constant 0 : index
    %get3A_8 = vector.load %arg3[%get3A_6, %get3A_7] : memref<1x128xf32, #tpu.memory_space<vmem>>, vector<1x128xf32>
    %add3A = vector.broadcast %get3A_8 : vector<1x128xf32> to vector<200x128xf32>
    %add3A_9 = arith.addf %dot_general3A_5, %add3A : vector<200x128xf32>
    %swap3A = arith.constant 0 : index
    %swap3A_10 = arith.constant 0 : index
    %swap3A_11 = arith.constant 0 : index
    %swap3A_12 = vector.load %arg4[%swap3A, %swap3A_10, %swap3A_11] : memref<2x200x128xf32, #tpu.memory_space<vmem>>, vector<1x200x128xf32>
    %swap3A_13 = vector.shape_cast %swap3A_12 : vector<1x200x128xf32> to vector<200x128xf32>
    %swap3A_14 = vector.shape_cast %add3A_9 : vector<200x128xf32> to vector<1x200x128xf32>
    tpu.vector_store %arg4[%swap3A, %swap3A_10, %swap3A_11], %swap3A_14 {strides = array<i32>} : memref<2x200x128xf32, #tpu.memory_space<vmem>>, vector<1x200x128xf32>,
    %slice3A = vector.extract_strided_slice %add3A_9 {offsets = [0, 64], sizes = [200, 64], strides = [1, 1]} : vector<200x128xf32> to vector<200x64xf32>
    %slice3A_15 = vector.extract_strided_slice %add3A_9 {offsets = [0, 0], sizes = [200, 64], strides = [1, 1]} : vector<200x128xf32> to vector<200x64xf32>
    %concatenate3A = tpu.concatenate %slice3A, %slice3A_15 in 1 : vector<200x64xf32>, vector<200x64xf32> -> vector<200x128xf32>
    %swap3A_16 = arith.constant 1 : index
    %swap3A_17 = arith.constant 0 : index
    %swap3A_18 = arith.constant 0 : index
    %swap3A_19 = vector.load %arg4[%swap3A_16, %swap3A_17, %swap3A_18] : memref<2x200x128xf32, #tpu.memory_space<vmem>>, vector<1x200x128xf32>
    %swap3A_20 = vector.shape_cast %swap3A_19 : vector<1x200x128xf32> to vector<200x128xf32>
    %swap3A_21 = vector.shape_cast %concatenate3A : vector<200x128xf32> to vector<1x200x128xf32>
    tpu.vector_store %arg4[%swap3A_16, %swap3A_17, %swap3A_18], %swap3A_21 {strides = array<i32>} : memref<2x200x128xf32, #tpu.memory_space<vmem>>, vector<1x200x128xf32>,
    %reduce_max3A = arith.constant dense<0xFF800000> : vector<128xf32>
    %reduce_max3A_22 = vector.multi_reduction <maximumf>, %add3A_9, %reduce_max3A [0] : vector<200x128xf32> to vector<128xf32>
    %broadcast_in_dim3A = vector.shape_cast %reduce_max3A_22 : vector<128xf32> to vector<1x128xf32>
    %eq3A = arith.constant 0 : i32
    %eq3A_23 = arith.cmpi eq, %arg0, %eq3A : i32
    %convert_element_type3A = arith.extui %eq3A_23 : i1 to i32
    %cond3A = arith.constant 0 : i32
    %cond3A_24 = arith.cmpi ne, %convert_element_type3A, %cond3A : i32
    scf.if %cond3A_24 {
      %swap3A_29 = arith.constant 0 : index
      %swap3A_30 = arith.constant 0 : index
      %swap3A_31 = vector.load %arg5[%swap3A_29, %swap3A_30] : memref<1x128xf32, #tpu.memory_space<vmem>>, vector<1x128xf32>
      tpu.vector_store %arg5[%swap3A_29, %swap3A_30], %broadcast_in_dim3A {strides = array<i32>} : memref<1x128xf32, #tpu.memory_space<vmem>>, vector<1x128xf32>,
    } else {
    }
    %ne3A = arith.constant 0 : i32
    %ne3A_25 = arith.cmpi ne, %arg0, %ne3A : i32
    %convert_element_type3A_26 = arith.extui %ne3A_25 : i1 to i32
    %cond3A_27 = arith.constant 0 : i32
    %cond3A_28 = arith.cmpi ne, %convert_element_type3A_26, %cond3A_27 : i32
    scf.if %cond3A_28 {
      %get3A_29 = arith.constant 0 : index
      %get3A_30 = arith.constant 0 : index
      %get3A_31 = vector.load %arg5[%get3A_29, %get3A_30] : memref<1x128xf32, #tpu.memory_space<vmem>>, vector<1x128xf32>
      %max3A = arith.maximumf %get3A_31, %broadcast_in_dim3A : vector<1x128xf32>
      %swap3A_32 = arith.constant 0 : index
      %swap3A_33 = arith.constant 0 : index
      %swap3A_34 = vector.load %arg5[%swap3A_32, %swap3A_33] : memref<1x128xf32, #tpu.memory_space<vmem>>, vector<1x128xf32>
      tpu.vector_store %arg5[%swap3A_32, %swap3A_33], %max3A {strides = array<i32>} : memref<1x128xf32, #tpu.memory_space<vmem>>, vector<1x128xf32>,
    } else {
    }
    return
  }
  func.func @transform_0(%arg0: i32) -> (i32, i32) {
    %c0_i32 = arith.constant 0 : i32
    %c0_i32_0 = arith.constant 0 : i32
    return %arg0, %c0_i32 : i32, i32
  }
  func.func @transform_1(%arg0: i32) -> (i32, i32) {
    %c0_i32 = arith.constant 0 : i32
    %c0_i32_0 = arith.constant 0 : i32
    %c0_i32_1 = arith.constant 0 : i32
    return %c0_i32, %c0_i32_0 : i32, i32
  }
  func.func @transform_2(%arg0: i32) -> (i32, i32) {
    %c0_i32 = arith.constant 0 : i32
    %c0_i32_0 = arith.constant 0 : i32
    %c0_i32_1 = arith.constant 0 : i32
    return %c0_i32, %c0_i32_0 : i32, i32
  }
  func.func @transform_3(%arg0: i32) -> (i32, i32, i32) {
    %c0_i32 = arith.constant 0 : i32
    %c0_i32_0 = arith.constant 0 : i32
    %c0_i32_1 = arith.constant 0 : i32
    return %c0_i32, %arg0, %c0_i32_0 : i32, i32, i32
  }
  func.func @transform_4(%arg0: i32) -> (i32, i32) {
    %c0_i32 = arith.constant 0 : i32
    %c0_i32_0 = arith.constant 0 : i32
    %c0_i32_1 = arith.constant 0 : i32
    return %c0_i32, %c0_i32_0 : i32, i32
  }
}

module attributes {stable_mosaic.version = 14 : i64} {
  func.func @body(%arg0: i32, %arg1: memref<1x1x200x128xf32, #tpu.memory_space<vmem>>, %arg2: memref<1x1x200x128xf32, #tpu.memory_space<vmem>>, %arg3: memref<1x200x128xf32, #tpu.memory_space<vmem>>, %arg4: memref<200x128xf32, #tpu.memory_space<vmem>>, %arg5: memref<128x256xf32, #tpu.memory_space<vmem>>, %arg6: memref<1x256xf32, #tpu.memory_space<vmem>>, %arg7: memref<1x256xf32, #tpu.memory_space<vmem>>, %arg8: memref<1x256xf32, #tpu.memory_space<vmem>>, %arg9: memref<256x128xf32, #tpu.memory_space<vmem>>, %arg10: memref<1x128xf32, #tpu.memory_space<vmem>>, %arg11: memref<1x128xf32, #tpu.memory_space<vmem>>, %arg12: memref<1x128xf32, #tpu.memory_space<vmem>>, %arg13: memref<200x128xf32, #tpu.memory_space<vmem>>, %arg14: memref<2x200x128xf32, #tpu.memory_space<vmem>>, %arg15: memref<1x128xf32, #tpu.memory_space<vmem>>) attributes {dimension_semantics = [#tpu.dimension_semantics<arbitrary>], iteration_bounds = array<i64: 50>, scalar_prefetch = 0 : i64, scratch_operands = 0 : i64, tpu.core_type = #tpu.core_type<tc>, window_params = [{transform_indices = @transform_0, window_bounds = array<i64: 1, 1, 200, 128>}, {transform_indices = @transform_1, window_bounds = array<i64: 1, 1, 200, 128>}, {transform_indices = @transform_2, window_bounds = array<i64: 1, 200, 128>}, {transform_indices = @transform_3, window_bounds = array<i64: 200, 128>}, {pipeline_mode = #tpu.pipeline_mode<synchronous>, transform_indices = @transform_4, window_bounds = array<i64: 128, 256>}, {pipeline_mode = #tpu.pipeline_mode<synchronous>, transform_indices = @transform_5, window_bounds = array<i64: 1, 256>}, {pipeline_mode = #tpu.pipeline_mode<synchronous>, transform_indices = @transform_6, window_bounds = array<i64: 1, 256>}, {pipeline_mode = #tpu.pipeline_mode<synchronous>, transform_indices = @transform_7, window_bounds = array<i64: 1, 256>}, {pipeline_mode = #tpu.pipeline_mode<synchronous>, transform_indices = @transform_8, window_bounds = array<i64: 256, 128>}, {pipeline_mode = #tpu.pipeline_mode<synchronous>, transform_indices = @transform_9, window_bounds = array<i64: 1, 128>}, {pipeline_mode = #tpu.pipeline_mode<synchronous>, transform_indices = @transform_10, window_bounds = array<i64: 1, 128>}, {pipeline_mode = #tpu.pipeline_mode<synchronous>, transform_indices = @transform_11, window_bounds = array<i64: 1, 128>}, {transform_indices = @transform_12, window_bounds = array<i64: 200, 128>}, {transform_indices = @transform_13, window_bounds = array<i64: 2, 200, 128>}, {pipeline_mode = #tpu.pipeline_mode<synchronous>, transform_indices = @transform_14, window_bounds = array<i64: 1, 128>}]} {
    %get3A = arith.constant 0 : index
    %get3A_0 = arith.constant 0 : index
    %get3A_1 = arith.constant 0 : index
    %get3A_2 = arith.constant 0 : index
    %get3A_3 = vector.load %arg1[%get3A, %get3A_0, %get3A_1, %get3A_2] : memref<1x1x200x128xf32, #tpu.memory_space<vmem>>, vector<1x1x200x128xf32>
    %get3A_4 = vector.shape_cast %get3A_3 : vector<1x1x200x128xf32> to vector<200x128xf32>
    %get3A_5 = arith.constant 0 : index
    %get3A_6 = arith.constant 0 : index
    %get3A_7 = arith.constant 0 : index
    %get3A_8 = arith.constant 0 : index
    %get3A_9 = vector.load %arg2[%get3A_5, %get3A_6, %get3A_7, %get3A_8] : memref<1x1x200x128xf32, #tpu.memory_space<vmem>>, vector<1x1x200x128xf32>
    %get3A_10 = vector.shape_cast %get3A_9 : vector<1x1x200x128xf32> to vector<200x128xf32>
    %slice3A = vector.extract_strided_slice %get3A_4 {offsets = [0, 0], sizes = [200, 64], strides = [1, 1]} : vector<200x128xf32> to vector<200x64xf32>
    %slice3A_11 = vector.extract_strided_slice %get3A_10 {offsets = [0, 0], sizes = [200, 64], strides = [1, 1]} : vector<200x128xf32> to vector<200x64xf32>
    %concatenate3A = tpu.concatenate %slice3A, %slice3A_11 in 1 : vector<200x64xf32>, vector<200x64xf32> -> vector<200x128xf32>
    %slice3A_12 = vector.extract_strided_slice %get3A_4 {offsets = [0, 64], sizes = [200, 64], strides = [1, 1]} : vector<200x128xf32> to vector<200x64xf32>
    %slice3A_13 = vector.extract_strided_slice %get3A_10 {offsets = [0, 64], sizes = [200, 64], strides = [1, 1]} : vector<200x128xf32> to vector<200x64xf32>
    %concatenate3A_14 = tpu.concatenate %slice3A_12, %slice3A_13 in 1 : vector<200x64xf32>, vector<200x64xf32> -> vector<200x128xf32>
    %mul3A = arith.constant 1.000000e-07 : f32
    %mul3A_15 = vector.broadcast %mul3A : f32 to vector<200x128xf32>
    %mul3A_16 = arith.mulf %mul3A_15, %concatenate3A : vector<200x128xf32>
    %add3A = arith.addf %concatenate3A_14, %mul3A_16 : vector<200x128xf32>
    %add3A_17 = arith.constant 1.000000e-16 : f32
    %add3A_18 = vector.broadcast %add3A_17 : f32 to vector<200x128xf32>
    %add3A_19 = arith.addf %concatenate3A, %add3A_18 : vector<200x128xf32>
    %div3A = arith.divf %add3A, %add3A_19 : vector<200x128xf32>
    %get3A_20 = arith.constant 0 : index
    %get3A_21 = arith.constant 0 : index
    %get3A_22 = arith.constant 0 : index
    %get3A_23 = vector.load %arg3[%get3A_20, %get3A_21, %get3A_22] : memref<1x200x128xf32, #tpu.memory_space<vmem>>, vector<1x200x128xf32>
    %get3A_24 = vector.shape_cast %get3A_23 : vector<1x200x128xf32> to vector<200x128xf32>
    %add3A_25 = arith.addf %div3A, %get3A_24 : vector<200x128xf32>
    %get3A_26 = arith.constant 0 : index
    %get3A_27 = arith.constant 0 : index
    %get3A_28 = vector.load %arg5[%get3A_26, %get3A_27] : memref<128x256xf32, #tpu.memory_space<vmem>>, vector<128x256xf32>
    %dot_general3A = arith.constant dense<0.000000e+00> : vector<200x256xf32>
    %dot_general3A_29 = tpu.matmul %add3A_25, %get3A_28, %dot_general3A {dimension_numbers = #tpu.dot_dimension_numbers<[1], [0], [0], [1], [0, 0, 1, 1], [], []>, transpose_lhs_hint = false} : vector<200x128xf32>, vector<128x256xf32>, vector<200x256xf32> -> vector<200x256xf32>
    %get3A_30 = arith.constant 0 : index
    %get3A_31 = arith.constant 0 : index
    %get3A_32 = vector.load %arg6[%get3A_30, %get3A_31] : memref<1x256xf32, #tpu.memory_space<vmem>>, vector<1x256xf32>
    %add3A_33 = vector.broadcast %get3A_32 : vector<1x256xf32> to vector<200x256xf32>
    %add3A_34 = arith.addf %dot_general3A_29, %add3A_33 : vector<200x256xf32>
    %get3A_35 = arith.constant 0 : index
    %get3A_36 = arith.constant 0 : index
    %get3A_37 = vector.load %arg7[%get3A_35, %get3A_36] : memref<1x256xf32, #tpu.memory_space<vmem>>, vector<1x256xf32>
    %get3A_38 = arith.constant 0 : index
    %get3A_39 = arith.constant 0 : index
    %get3A_40 = vector.load %arg8[%get3A_38, %get3A_39] : memref<1x256xf32, #tpu.memory_space<vmem>>, vector<1x256xf32>
    %reduce_sum3A = arith.constant dense<0.000000e+00> : vector<200xf32>
    %reduce_sum3A_41 = vector.multi_reduction <add>, %add3A_34, %reduce_sum3A [1] : vector<200x256xf32> to vector<200xf32>
    %broadcast_in_dim3A = vector.shape_cast %reduce_sum3A_41 : vector<200xf32> to vector<200x1xf32>
    %div3A_42 = arith.constant 2.560000e+02 : f32
    %div3A_43 = vector.broadcast %div3A_42 : f32 to vector<200x1xf32>
    %div3A_44 = arith.divf %broadcast_in_dim3A, %div3A_43 : vector<200x1xf32>
    %sub3A = vector.broadcast %div3A_44 : vector<200x1xf32> to vector<200x256xf32>
    %sub3A_45 = arith.subf %add3A_34, %sub3A : vector<200x256xf32>
    %integer_pow3A = arith.mulf %sub3A_45, %sub3A_45 : vector<200x256xf32>
    %reduce_sum3A_46 = arith.constant dense<0.000000e+00> : vector<200xf32>
    %reduce_sum3A_47 = vector.multi_reduction <add>, %integer_pow3A, %reduce_sum3A_46 [1] : vector<200x256xf32> to vector<200xf32>
    %broadcast_in_dim3A_48 = vector.shape_cast %reduce_sum3A_47 : vector<200xf32> to vector<200x1xf32>
    %div3A_49 = arith.constant 2.560000e+02 : f32
    %div3A_50 = vector.broadcast %div3A_49 : f32 to vector<200x1xf32>
    %div3A_51 = arith.divf %broadcast_in_dim3A_48, %div3A_50 : vector<200x1xf32>
    %sub3A_52 = vector.broadcast %div3A_44 : vector<200x1xf32> to vector<200x256xf32>
    %sub3A_53 = arith.subf %add3A_34, %sub3A_52 : vector<200x256xf32>
    %add3A_54 = arith.constant 9.99999974E-6 : f32
    %add3A_55 = vector.broadcast %add3A_54 : f32 to vector<200x1xf32>
    %add3A_56 = arith.addf %div3A_51, %add3A_55 : vector<200x1xf32>
    %sqrt3A = math.sqrt %add3A_56 : vector<200x1xf32>
    %div3A_57 = vector.broadcast %sqrt3A : vector<200x1xf32> to vector<200x256xf32>
    %div3A_58 = arith.divf %sub3A_53, %div3A_57 : vector<200x256xf32>
    %mul3A_59 = vector.broadcast %get3A_37 : vector<1x256xf32> to vector<200x256xf32>
    %mul3A_60 = arith.mulf %div3A_58, %mul3A_59 : vector<200x256xf32>
    %add3A_61 = vector.broadcast %get3A_40 : vector<1x256xf32> to vector<200x256xf32>
    %add3A_62 = arith.addf %mul3A_60, %add3A_61 : vector<200x256xf32>
    %max3A = arith.constant 0.000000e+00 : f32
    %max3A_63 = vector.broadcast %max3A : f32 to vector<200x256xf32>
    %max3A_64 = arith.maximumf %add3A_62, %max3A_63 : vector<200x256xf32>
    %get3A_65 = arith.constant 0 : index
    %get3A_66 = arith.constant 0 : index
    %get3A_67 = vector.load %arg9[%get3A_65, %get3A_66] : memref<256x128xf32, #tpu.memory_space<vmem>>, vector<256x128xf32>
    %dot_general3A_68 = arith.constant dense<0.000000e+00> : vector<200x128xf32>
    %dot_general3A_69 = tpu.matmul %max3A_64, %get3A_67, %dot_general3A_68 {dimension_numbers = #tpu.dot_dimension_numbers<[1], [0], [0], [1], [0, 0, 1, 1], [], []>, transpose_lhs_hint = false} : vector<200x256xf32>, vector<256x128xf32>, vector<200x128xf32> -> vector<200x128xf32>
    %get3A_70 = arith.constant 0 : index
    %get3A_71 = arith.constant 0 : index
    %get3A_72 = vector.load %arg4[%get3A_70, %get3A_71] : memref<200x128xf32, #tpu.memory_space<vmem>>, vector<200x128xf32>
    %add3A_73 = arith.addf %get3A_72, %dot_general3A_69 : vector<200x128xf32>
    %get3A_74 = arith.constant 0 : index
    %get3A_75 = arith.constant 0 : index
    %get3A_76 = vector.load %arg10[%get3A_74, %get3A_75] : memref<1x128xf32, #tpu.memory_space<vmem>>, vector<1x128xf32>
    %add3A_77 = vector.broadcast %get3A_76 : vector<1x128xf32> to vector<200x128xf32>
    %add3A_78 = arith.addf %add3A_73, %add3A_77 : vector<200x128xf32>
    %get3A_79 = arith.constant 0 : index
    %get3A_80 = arith.constant 0 : index
    %get3A_81 = vector.load %arg11[%get3A_79, %get3A_80] : memref<1x128xf32, #tpu.memory_space<vmem>>, vector<1x128xf32>
    %get3A_82 = arith.constant 0 : index
    %get3A_83 = arith.constant 0 : index
    %get3A_84 = vector.load %arg12[%get3A_82, %get3A_83] : memref<1x128xf32, #tpu.memory_space<vmem>>, vector<1x128xf32>
    %reduce_sum3A_85 = arith.constant dense<0.000000e+00> : vector<200xf32>
    %reduce_sum3A_86 = vector.multi_reduction <add>, %add3A_78, %reduce_sum3A_85 [1] : vector<200x128xf32> to vector<200xf32>
    %broadcast_in_dim3A_87 = vector.shape_cast %reduce_sum3A_86 : vector<200xf32> to vector<200x1xf32>
    %div3A_88 = arith.constant 1.280000e+02 : f32
    %div3A_89 = vector.broadcast %div3A_88 : f32 to vector<200x1xf32>
    %div3A_90 = arith.divf %broadcast_in_dim3A_87, %div3A_89 : vector<200x1xf32>
    %sub3A_91 = vector.broadcast %div3A_90 : vector<200x1xf32> to vector<200x128xf32>
    %sub3A_92 = arith.subf %add3A_78, %sub3A_91 : vector<200x128xf32>
    %integer_pow3A_93 = arith.mulf %sub3A_92, %sub3A_92 : vector<200x128xf32>
    %reduce_sum3A_94 = arith.constant dense<0.000000e+00> : vector<200xf32>
    %reduce_sum3A_95 = vector.multi_reduction <add>, %integer_pow3A_93, %reduce_sum3A_94 [1] : vector<200x128xf32> to vector<200xf32>
    %broadcast_in_dim3A_96 = vector.shape_cast %reduce_sum3A_95 : vector<200xf32> to vector<200x1xf32>
    %div3A_97 = arith.constant 1.280000e+02 : f32
    %div3A_98 = vector.broadcast %div3A_97 : f32 to vector<200x1xf32>
    %div3A_99 = arith.divf %broadcast_in_dim3A_96, %div3A_98 : vector<200x1xf32>
    %sub3A_100 = vector.broadcast %div3A_90 : vector<200x1xf32> to vector<200x128xf32>
    %sub3A_101 = arith.subf %add3A_78, %sub3A_100 : vector<200x128xf32>
    %add3A_102 = arith.constant 9.99999974E-6 : f32
    %add3A_103 = vector.broadcast %add3A_102 : f32 to vector<200x1xf32>
    %add3A_104 = arith.addf %div3A_99, %add3A_103 : vector<200x1xf32>
    %sqrt3A_105 = math.sqrt %add3A_104 : vector<200x1xf32>
    %div3A_106 = vector.broadcast %sqrt3A_105 : vector<200x1xf32> to vector<200x128xf32>
    %div3A_107 = arith.divf %sub3A_101, %div3A_106 : vector<200x128xf32>
    %mul3A_108 = vector.broadcast %get3A_81 : vector<1x128xf32> to vector<200x128xf32>
    %mul3A_109 = arith.mulf %div3A_107, %mul3A_108 : vector<200x128xf32>
    %add3A_110 = vector.broadcast %get3A_84 : vector<1x128xf32> to vector<200x128xf32>
    %add3A_111 = arith.addf %mul3A_109, %add3A_110 : vector<200x128xf32>
    %max3A_112 = arith.constant 0.000000e+00 : f32
    %max3A_113 = vector.broadcast %max3A_112 : f32 to vector<200x128xf32>
    %max3A_114 = arith.maximumf %add3A_111, %max3A_113 : vector<200x128xf32>
    %swap3A = arith.constant 0 : index
    %swap3A_115 = arith.constant 0 : index
    %swap3A_116 = vector.load %arg13[%swap3A, %swap3A_115] : memref<200x128xf32, #tpu.memory_space<vmem>>, vector<200x128xf32>
    tpu.vector_store %arg13[%swap3A, %swap3A_115], %add3A_78 {strides = array<i32>} : memref<200x128xf32, #tpu.memory_space<vmem>>, vector<200x128xf32>,
    %swap3A_117 = arith.constant 0 : index
    %swap3A_118 = arith.constant 0 : index
    %swap3A_119 = arith.constant 0 : index
    %swap3A_120 = vector.load %arg14[%swap3A_117, %swap3A_118, %swap3A_119] : memref<2x200x128xf32, #tpu.memory_space<vmem>>, vector<1x200x128xf32>
    %swap3A_121 = vector.shape_cast %swap3A_120 : vector<1x200x128xf32> to vector<200x128xf32>
    %swap3A_122 = vector.shape_cast %max3A_114 : vector<200x128xf32> to vector<1x200x128xf32>
    tpu.vector_store %arg14[%swap3A_117, %swap3A_118, %swap3A_119], %swap3A_122 {strides = array<i32>} : memref<2x200x128xf32, #tpu.memory_space<vmem>>, vector<1x200x128xf32>,
    %slice3A_123 = vector.extract_strided_slice %max3A_114 {offsets = [0, 64], sizes = [200, 64], strides = [1, 1]} : vector<200x128xf32> to vector<200x64xf32>
    %slice3A_124 = vector.extract_strided_slice %max3A_114 {offsets = [0, 0], sizes = [200, 64], strides = [1, 1]} : vector<200x128xf32> to vector<200x64xf32>
    %concatenate3A_125 = tpu.concatenate %slice3A_123, %slice3A_124 in 1 : vector<200x64xf32>, vector<200x64xf32> -> vector<200x128xf32>
    %swap3A_126 = arith.constant 1 : index
    %swap3A_127 = arith.constant 0 : index
    %swap3A_128 = arith.constant 0 : index
    %swap3A_129 = vector.load %arg14[%swap3A_126, %swap3A_127, %swap3A_128] : memref<2x200x128xf32, #tpu.memory_space<vmem>>, vector<1x200x128xf32>
    %swap3A_130 = vector.shape_cast %swap3A_129 : vector<1x200x128xf32> to vector<200x128xf32>
    %swap3A_131 = vector.shape_cast %concatenate3A_125 : vector<200x128xf32> to vector<1x200x128xf32>
    tpu.vector_store %arg14[%swap3A_126, %swap3A_127, %swap3A_128], %swap3A_131 {strides = array<i32>} : memref<2x200x128xf32, #tpu.memory_space<vmem>>, vector<1x200x128xf32>,
    %reduce_max3A = arith.constant dense<0xFF800000> : vector<128xf32>
    %reduce_max3A_132 = vector.multi_reduction <maximumf>, %max3A_114, %reduce_max3A [0] : vector<200x128xf32> to vector<128xf32>
    %broadcast_in_dim3A_133 = vector.shape_cast %reduce_max3A_132 : vector<128xf32> to vector<1x128xf32>
    %eq3A = arith.constant 0 : i32
    %eq3A_134 = arith.cmpi eq, %arg0, %eq3A : i32
    %convert_element_type3A = arith.extui %eq3A_134 : i1 to i32
    %cond3A = arith.constant 0 : i32
    %cond3A_135 = arith.cmpi ne, %convert_element_type3A, %cond3A : i32
    scf.if %cond3A_135 {
      %swap3A_140 = arith.constant 0 : index
      %swap3A_141 = arith.constant 0 : index
      %swap3A_142 = vector.load %arg15[%swap3A_140, %swap3A_141] : memref<1x128xf32, #tpu.memory_space<vmem>>, vector<1x128xf32>
      tpu.vector_store %arg15[%swap3A_140, %swap3A_141], %broadcast_in_dim3A_133 {strides = array<i32>} : memref<1x128xf32, #tpu.memory_space<vmem>>, vector<1x128xf32>,
    } else {
    }
    %ne3A = arith.constant 0 : i32
    %ne3A_136 = arith.cmpi ne, %arg0, %ne3A : i32
    %convert_element_type3A_137 = arith.extui %ne3A_136 : i1 to i32
    %cond3A_138 = arith.constant 0 : i32
    %cond3A_139 = arith.cmpi ne, %convert_element_type3A_137, %cond3A_138 : i32
    scf.if %cond3A_139 {
      %get3A_140 = arith.constant 0 : index
      %get3A_141 = arith.constant 0 : index
      %get3A_142 = vector.load %arg15[%get3A_140, %get3A_141] : memref<1x128xf32, #tpu.memory_space<vmem>>, vector<1x128xf32>
      %max3A_143 = arith.maximumf %get3A_142, %broadcast_in_dim3A_133 : vector<1x128xf32>
      %swap3A_144 = arith.constant 0 : index
      %swap3A_145 = arith.constant 0 : index
      %swap3A_146 = vector.load %arg15[%swap3A_144, %swap3A_145] : memref<1x128xf32, #tpu.memory_space<vmem>>, vector<1x128xf32>
      tpu.vector_store %arg15[%swap3A_144, %swap3A_145], %max3A_143 {strides = array<i32>} : memref<1x128xf32, #tpu.memory_space<vmem>>, vector<1x128xf32>,
    } else {
    }
    return
  }
  func.func @transform_0(%arg0: i32) -> (i32, i32, i32, i32) {
    %jit3A = arith.constant 25 : i32
    %div3A = arith.divsi %arg0, %jit3A : i32
    %sign3A = arith.constant 0 : i32
    %sign3A_0 = arith.cmpi sgt, %arg0, %sign3A : i32
    %sign3A_1 = arith.extui %sign3A_0 : i1 to i32
    %sign3A_2 = arith.constant 0 : i32
    %sign3A_3 = arith.cmpi slt, %arg0, %sign3A_2 : i32
    %sign3A_4 = arith.extui %sign3A_3 : i1 to i32
    %sign3A_5 = arith.subi %sign3A_1, %sign3A_4 : i32
    %sign3A_6 = arith.constant 0 : i32
    %sign3A_7 = arith.cmpi sgt, %jit3A, %sign3A_6 : i32
    %sign3A_8 = arith.extui %sign3A_7 : i1 to i32
    %sign3A_9 = arith.constant 0 : i32
    %sign3A_10 = arith.cmpi slt, %jit3A, %sign3A_9 : i32
    %sign3A_11 = arith.extui %sign3A_10 : i1 to i32
    %sign3A_12 = arith.subi %sign3A_8, %sign3A_11 : i32
    %ne3A = arith.cmpi ne, %sign3A_5, %sign3A_12 : i32
    %rem3A = arith.remsi %arg0, %jit3A : i32
    %ne3A_13 = arith.constant 0 : i32
    %ne3A_14 = arith.cmpi ne, %rem3A, %ne3A_13 : i32
    %and3A = arith.andi %ne3A, %ne3A_14 : i1
    %sub3A = arith.constant 1 : i32
    %sub3A_15 = arith.subi %div3A, %sub3A : i32
    %select_n3A = arith.select %and3A, %sub3A_15, %div3A : i32
    %jit3A_16 = arith.constant 25 : i32
    %eq3A = arith.constant 0 : i32
    %eq3A_17 = arith.cmpi eq, %jit3A_16, %eq3A : i32
    %jit3A_18 = arith.constant 1 : i32
    %select_n3A_19 = arith.select %eq3A_17, %jit3A_18, %jit3A_16 : i32
    %rem3A_20 = arith.remsi %arg0, %select_n3A_19 : i32
    %ne3A_21 = arith.constant 0 : i32
    %ne3A_22 = arith.cmpi ne, %rem3A_20, %ne3A_21 : i32
    %lt3A = arith.constant 0 : i32
    %lt3A_23 = arith.cmpi slt, %rem3A_20, %lt3A : i32
    %lt3A_24 = arith.constant 0 : i32
    %lt3A_25 = arith.cmpi slt, %select_n3A_19, %lt3A_24 : i32
    %ne3A_26 = arith.xori %lt3A_23, %lt3A_25 : i1
    %and3A_27 = arith.andi %ne3A_26, %ne3A_22 : i1
    %add3A = arith.addi %rem3A_20, %select_n3A_19 : i32
    %select_n3A_28 = arith.select %and3A_27, %add3A, %rem3A_20 : i32
    %c0_i32 = arith.constant 0 : i32
    %c0_i32_29 = arith.constant 0 : i32
    %c0_i32_30 = arith.constant 0 : i32
    return %c0_i32, %select_n3A, %select_n3A_28, %c0_i32_29 : i32, i32, i32, i32
  }
  func.func @transform_1(%arg0: i32) -> (i32, i32, i32, i32) {
    %jit3A = arith.constant 25 : i32
    %div3A = arith.divsi %arg0, %jit3A : i32
    %sign3A = arith.constant 0 : i32
    %sign3A_0 = arith.cmpi sgt, %arg0, %sign3A : i32
    %sign3A_1 = arith.extui %sign3A_0 : i1 to i32
    %sign3A_2 = arith.constant 0 : i32
    %sign3A_3 = arith.cmpi slt, %arg0, %sign3A_2 : i32
    %sign3A_4 = arith.extui %sign3A_3 : i1 to i32
    %sign3A_5 = arith.subi %sign3A_1, %sign3A_4 : i32
    %sign3A_6 = arith.constant 0 : i32
    %sign3A_7 = arith.cmpi sgt, %jit3A, %sign3A_6 : i32
    %sign3A_8 = arith.extui %sign3A_7 : i1 to i32
    %sign3A_9 = arith.constant 0 : i32
    %sign3A_10 = arith.cmpi slt, %jit3A, %sign3A_9 : i32
    %sign3A_11 = arith.extui %sign3A_10 : i1 to i32
    %sign3A_12 = arith.subi %sign3A_8, %sign3A_11 : i32
    %ne3A = arith.cmpi ne, %sign3A_5, %sign3A_12 : i32
    %rem3A = arith.remsi %arg0, %jit3A : i32
    %ne3A_13 = arith.constant 0 : i32
    %ne3A_14 = arith.cmpi ne, %rem3A, %ne3A_13 : i32
    %and3A = arith.andi %ne3A, %ne3A_14 : i1
    %sub3A = arith.constant 1 : i32
    %sub3A_15 = arith.subi %div3A, %sub3A : i32
    %select_n3A = arith.select %and3A, %sub3A_15, %div3A : i32
    %jit3A_16 = arith.constant 25 : i32
    %eq3A = arith.constant 0 : i32
    %eq3A_17 = arith.cmpi eq, %jit3A_16, %eq3A : i32
    %jit3A_18 = arith.constant 1 : i32
    %select_n3A_19 = arith.select %eq3A_17, %jit3A_18, %jit3A_16 : i32
    %rem3A_20 = arith.remsi %arg0, %select_n3A_19 : i32
    %ne3A_21 = arith.constant 0 : i32
    %ne3A_22 = arith.cmpi ne, %rem3A_20, %ne3A_21 : i32
    %lt3A = arith.constant 0 : i32
    %lt3A_23 = arith.cmpi slt, %rem3A_20, %lt3A : i32
    %lt3A_24 = arith.constant 0 : i32
    %lt3A_25 = arith.cmpi slt, %select_n3A_19, %lt3A_24 : i32
    %ne3A_26 = arith.xori %lt3A_23, %lt3A_25 : i1
    %and3A_27 = arith.andi %ne3A_26, %ne3A_22 : i1
    %add3A = arith.addi %rem3A_20, %select_n3A_19 : i32
    %select_n3A_28 = arith.select %and3A_27, %add3A, %rem3A_20 : i32
    %c1_i32 = arith.constant 1 : i32
    %c0_i32 = arith.constant 0 : i32
    %c0_i32_29 = arith.constant 0 : i32
    return %c1_i32, %select_n3A, %select_n3A_28, %c0_i32 : i32, i32, i32, i32
  }
  func.func @transform_2(%arg0: i32) -> (i32, i32, i32) {
    %c0_i32 = arith.constant 0 : i32
    %c0_i32_0 = arith.constant 0 : i32
    %c0_i32_1 = arith.constant 0 : i32
    return %c0_i32, %arg0, %c0_i32_0 : i32, i32, i32
  }
  func.func @transform_3(%arg0: i32) -> (i32, i32) {
    %c0_i32 = arith.constant 0 : i32
    %c0_i32_0 = arith.constant 0 : i32
    return %arg0, %c0_i32 : i32, i32
  }
  func.func @transform_4(%arg0: i32) -> (i32, i32) {
    %c0_i32 = arith.constant 0 : i32
    %c0_i32_0 = arith.constant 0 : i32
    %c0_i32_1 = arith.constant 0 : i32
    return %c0_i32, %c0_i32_0 : i32, i32
  }
  func.func @transform_5(%arg0: i32) -> (i32, i32) {
    %c0_i32 = arith.constant 0 : i32
    %c0_i32_0 = arith.constant 0 : i32
    %c0_i32_1 = arith.constant 0 : i32
    return %c0_i32, %c0_i32_0 : i32, i32
  }
  func.func @transform_6(%arg0: i32) -> (i32, i32) {
    %c0_i32 = arith.constant 0 : i32
    %c0_i32_0 = arith.constant 0 : i32
    %c0_i32_1 = arith.constant 0 : i32
    return %c0_i32, %c0_i32_0 : i32, i32
  }
  func.func @transform_7(%arg0: i32) -> (i32, i32) {
    %c0_i32 = arith.constant 0 : i32
    %c0_i32_0 = arith.constant 0 : i32
    %c0_i32_1 = arith.constant 0 : i32
    return %c0_i32, %c0_i32_0 : i32, i32
  }
  func.func @transform_8(%arg0: i32) -> (i32, i32) {
    %c0_i32 = arith.constant 0 : i32
    %c0_i32_0 = arith.constant 0 : i32
    %c0_i32_1 = arith.constant 0 : i32
    return %c0_i32, %c0_i32_0 : i32, i32
  }
  func.func @transform_9(%arg0: i32) -> (i32, i32) {
    %c0_i32 = arith.constant 0 : i32
    %c0_i32_0 = arith.constant 0 : i32
    %c0_i32_1 = arith.constant 0 : i32
    return %c0_i32, %c0_i32_0 : i32, i32
  }
  func.func @transform_10(%arg0: i32) -> (i32, i32) {
    %c0_i32 = arith.constant 0 : i32
    %c0_i32_0 = arith.constant 0 : i32
    %c0_i32_1 = arith.constant 0 : i32
    return %c0_i32, %c0_i32_0 : i32, i32
  }
  func.func @transform_11(%arg0: i32) -> (i32, i32) {
    %c0_i32 = arith.constant 0 : i32
    %c0_i32_0 = arith.constant 0 : i32
    %c0_i32_1 = arith.constant 0 : i32
    return %c0_i32, %c0_i32_0 : i32, i32
  }
  func.func @transform_12(%arg0: i32) -> (i32, i32) {
    %c0_i32 = arith.constant 0 : i32
    %c0_i32_0 = arith.constant 0 : i32
    return %arg0, %c0_i32 : i32, i32
  }
  func.func @transform_13(%arg0: i32) -> (i32, i32, i32) {
    %c0_i32 = arith.constant 0 : i32
    %c0_i32_0 = arith.constant 0 : i32
    %c0_i32_1 = arith.constant 0 : i32
    return %c0_i32, %arg0, %c0_i32_0 : i32, i32, i32
  }
  func.func @transform_14(%arg0: i32) -> (i32, i32) {
    %c0_i32 = arith.constant 0 : i32
    %c0_i32_0 = arith.constant 0 : i32
    %c0_i32_1 = arith.constant 0 : i32
    return %c0_i32, %c0_i32_0 : i32, i32
  }
}

module attributes {stable_mosaic.version = 14 : i64} {
  func.func @body(%arg0: i32, %arg1: memref<1x200x128xf32, #tpu.memory_space<vmem>>, %arg2: memref<128x112xf32, #tpu.memory_space<vmem>>, %arg3: memref<1x112xf32, #tpu.memory_space<vmem>>, %arg4: memref<200x112xf32, #tpu.memory_space<vmem>>) attributes {dimension_semantics = [#tpu.dimension_semantics<arbitrary>], iteration_bounds = array<i64: 50>, scalar_prefetch = 0 : i64, scratch_operands = 0 : i64, tpu.core_type = #tpu.core_type<tc>, window_params = [{transform_indices = @transform_0, window_bounds = array<i64: 1, 200, 128>}, {pipeline_mode = #tpu.pipeline_mode<synchronous>, transform_indices = @transform_1, window_bounds = array<i64: 128, 112>}, {pipeline_mode = #tpu.pipeline_mode<synchronous>, transform_indices = @transform_2, window_bounds = array<i64: 1, 112>}, {transform_indices = @transform_3, window_bounds = array<i64: 200, 112>}]} {
    %get3A = arith.constant 0 : index
    %get3A_0 = arith.constant 0 : index
    %get3A_1 = arith.constant 0 : index
    %get3A_2 = vector.load %arg1[%get3A, %get3A_0, %get3A_1] : memref<1x200x128xf32, #tpu.memory_space<vmem>>, vector<1x200x128xf32>
    %get3A_3 = vector.shape_cast %get3A_2 : vector<1x200x128xf32> to vector<200x128xf32>
    %get3A_4 = arith.constant 0 : index
    %get3A_5 = arith.constant 0 : index
    %get3A_6 = vector.load %arg2[%get3A_4, %get3A_5] : memref<128x112xf32, #tpu.memory_space<vmem>>, vector<128x112xf32>
    %dot_general3A = arith.constant dense<0.000000e+00> : vector<200x112xf32>
    %dot_general3A_7 = tpu.matmul %get3A_3, %get3A_6, %dot_general3A {dimension_numbers = #tpu.dot_dimension_numbers<[1], [0], [0], [1], [0, 0, 1, 1], [], []>, transpose_lhs_hint = false} : vector<200x128xf32>, vector<128x112xf32>, vector<200x112xf32> -> vector<200x112xf32>
    %get3A_8 = arith.constant 0 : index
    %get3A_9 = arith.constant 0 : index
    %get3A_10 = vector.load %arg3[%get3A_8, %get3A_9] : memref<1x112xf32, #tpu.memory_space<vmem>>, vector<1x112xf32>
    %add3A = vector.broadcast %get3A_10 : vector<1x112xf32> to vector<200x112xf32>
    %add3A_11 = arith.addf %dot_general3A_7, %add3A : vector<200x112xf32>
    %swap3A = arith.constant 0 : index
    %swap3A_12 = arith.constant 0 : index
    %swap3A_13 = vector.load %arg4[%swap3A, %swap3A_12] : memref<200x112xf32, #tpu.memory_space<vmem>>, vector<200x112xf32>
    tpu.vector_store %arg4[%swap3A, %swap3A_12], %add3A_11 {strides = array<i32>} : memref<200x112xf32, #tpu.memory_space<vmem>>, vector<200x112xf32>,
    return
  }
  func.func @transform_0(%arg0: i32) -> (i32, i32, i32) {
    %c0_i32 = arith.constant 0 : i32
    %c0_i32_0 = arith.constant 0 : i32
    %c0_i32_1 = arith.constant 0 : i32
    return %c0_i32, %arg0, %c0_i32_0 : i32, i32, i32
  }
  func.func @transform_1(%arg0: i32) -> (i32, i32) {
    %c0_i32 = arith.constant 0 : i32
    %c0_i32_0 = arith.constant 0 : i32
    %c0_i32_1 = arith.constant 0 : i32
    return %c0_i32, %c0_i32_0 : i32, i32
  }
  func.func @transform_2(%arg0: i32) -> (i32, i32) {
    %c0_i32 = arith.constant 0 : i32
    %c0_i32_0 = arith.constant 0 : i32
    %c0_i32_1 = arith.constant 0 : i32
    return %c0_i32, %c0_i32_0 : i32, i32
  }
  func.func @transform_3(%arg0: i32) -> (i32, i32) {
    %c0_i32 = arith.constant 0 : i32
    %c0_i32_0 = arith.constant 0 : i32
    return %arg0, %c0_i32 : i32, i32
  }
}

</mosaic_0001>

<sc_bundles>
// kernel: closed_call.15.cloned.1.call-start
scs
__scs_entry_jumppad:
0x0: {  	(pc) =	sbr.rel $0x88, $3  }
0x1: {  	(tag) =	ssettag $0x0;
	lr =	simm.s32 $0x1  }
0x2: {  	[smem:$0x3F7D] =	sst lr;
	_ =	strace $0xD0000000  }
0x3: {  	_ = 	snop  }
0x4: {  	_ = 	snop  }
0x5: {  	_ = 	snop  }
0x6: {  	_ = 	snop  }
0x7: {  	_ = 	snop  }
__scs_overlays_trampoline_lowered:
0x8: {  	[smem:$0x3F8C] =	sst s0  }
0x9: {  	[smem:$0x3F8D] =	sst s1  }
0xa: {  	[smem:$0x3F8E] =	sst s2  }
0xb: {  	[smem:$0x3F8F] =	sst s3  }
0xc: {  	[smem:$0x3F90] =	sst s4  }
0xd: {  	[smem:$0x3F91] =	sst s5  }
0xe: {  	[smem:$0x3F92] =	sst s6  }
0xf: {  	[smem:$0x3F93] =	sst s7  }
0x10: {  	[smem:$0x3F94] =	sst s8  }
0x11: {  	[smem:$0x3F95] =	sst s9;
	s0 =	simm.s32 @!p0 $0x0  }
0x12: {  	s1 =	sld [smem:$0x3F7B];
	s0 =	simm.s32 @p0 $0x1  }
0x13: {  	[smem:$0x3F96] =	sst s0;
	s0 =	simm.s32 @!p1 $0x0  }
0x14: {  	s2 =	sld [smem:$0x3F7A];
	s0 =	simm.s32 @p1 $0x1  }
0x15: {  	[smem:$0x3F97] =	sst s0;
	s0 =	simm.s32 @!p2 $0x0  }
0x16: {  	s3 =	sld [smem:$0x3FDB];
	s0 =	simm.s32 @p2 $0x1  }
0x17: {  	s4 =	simm.s32 $0x1BF5;
	[smem:$0x3F99] =	sst s0  }
0x18: {  	s0 =	sld [smem:$0x3F7C];
	_ =	swait.ge [sflag:s4], $0x0  }
0x19: {  	s7 =	sld [smem:$0x3F7D]  }
0x1a: {  	s8 =	sadd.s32 $0xFFFFE003, lr  }
0x1b: {  	s9 =	sadd.s32 $0xFFFFFEF7, lr;
	s5 =	simm.s32 $0xFFFFFFFF;
	p2 =	slt.u32 s8, $0xFFFFF086  }
0x1c: {  	p1 =	slt.u32 s9, $0xF7A;
	s5 =	simm.s32 @!p2 $0x0  }
0x1d: {  	s5 =	simm.s32 @p1 $0x1;
	p0 =	seq.s32 s7, s2  }
0x1e: {  	s7 =	smul.u32 @!p0 $0xF7A, s2;
	p2 =	seq.s32 @!p0 s5, $0x0  }
0x1f: {  	s9 =	smul.u32 $0xF7A, s1;
	s8 =	simm.s32 @!p0 $0x1BF5;
	p2 =	por !p2, p0  }
0x20: {  	[sflag:s8] =	ssyncset.s32 @!p0 $0xFFFFF086;
	s6 =	sadd.s32 @!p0 s3, s7;
	s7 =	simm.s32 @!p0 $0x108  }
0x21: {  	s3 =	sadd.s32 s3, s9;
	s6 =	sadd.s32 @!p0 $0x88, s6;
	s7 =	simm.s32 @p2 $0x1082  }
0x22: {  	[simem:s7], [sflag:s8] =	dma.local @!p0 [hbm:s6], $0xF7A  }
0x23: {  	s9 =	sor.u32 $0xD0000000, s2;
	s6 =	simm.s32 $0x108;
	_ =	swait.ge @!p0 [sflag:s8], $0x0  }
0x24: {  	s3 =	sadd.s32 $0x88, s3;
	s6 =	simm.s32 @!p1 $0x1082;
	[sflag:s4] =	ssyncset.s32 $0xFFFFF086  }
0x25: {  	[simem:s6], [sflag:s4] =	dma.local [hbm:s3], $0xF7A  }
0x26: {  	[smem:$0x3F7D] =	sst s1;
	(tag) =	ssettag s2;
	_ =	strace s9  }
0x27: {  	s1 =	sld [smem:$0x3F8D]  }
0x28: {  	s2 =	sld [smem:$0x3F8E]  }
0x29: {  	s4 =	sld [smem:$0x3F90]  }
0x2a: {  	p0 =	seq.s32 s5, $0x0;
	s5 =	sld [smem:$0x3F91]  }
0x2b: {  	s6 =	sld [smem:$0x3F92]  }
0x2c: {  	s7 =	sld [smem:$0x3F93]  }
0x2d: {  	s3 =	simm.s32 $0x108;
	s8 =	sld [smem:$0x3F94]  }
0x2e: {  	s3 =	simm.s32 @!p0 $0x1082;
	s9 =	sld [smem:$0x3F95]  }
0x2f: {  	lr =	sadd.s32 s0, s3;
	s0 =	sld [smem:$0x3F8C]  }
0x30: {  	s3 =	sld [smem:$0x3F8F]  }
0x31: {  	[smem:$0x3F98] =	sst s10  }
0x32: {  	s10 =	sld [smem:$0x3F96];
	_ =	sdelay $0x3  }
0x33: {  	p0 =	seq.s32 s10, $0x1;
	s10 =	sld [smem:$0x3F98];
	_ =	sdelay $0x3  }
0x34: {  	[smem:$0x3F98] =	sst s10  }
0x35: {  	s10 =	sld [smem:$0x3F97];
	_ =	sdelay $0x3  }
0x36: {  	p1 =	seq.s32 s10, $0x1;
	s10 =	sld [smem:$0x3F98];
	_ =	sdelay $0x3  }
0x37: {  	[smem:$0x3F98] =	sst s10  }
0x38: {  	s10 =	sld [smem:$0x3F99]  }
0x39: {  	_ = 	snop;
	(pc) =	sbr.ind lr, $3  }
0x3a: {  	_ = 	snop  }
0x3b: {  	_ = 	snop  }
0x3c: {  	p2 =	seq.s32 s10, $0x1;
	s10 =	sld [smem:$0x3F98]  }
0x3d: {  	_ =	shalt  }
0x3e: {  	_ =	shalt  }
0x3f: {  	_ =	shalt  }
0x40: {  	_ =	shalt  }
0x41: {  	_ =	shalt  }
0x42: {  	_ =	shalt  }
0x43: {  	_ =	shalt  }
0x44: {  	_ =	shalt  }
0x45: {  	_ =	shalt  }
0x46: {  	_ =	shalt  }
0x47: {  	_ =	shalt  }
0x48: {  	_ =	shalt  }
0x49: {  	_ =	shalt  }
0x4a: {  	_ =	shalt  }
0x4b: {  	_ =	shalt  }
0x4c: {  	_ =	shalt  }
0x4d: {  	_ =	shalt  }
0x4e: {  	_ =	shalt  }
0x4f: {  	_ =	shalt  }
0x50: {  	_ =	shalt  }
0x51: {  	_ =	shalt  }
0x52: {  	_ =	shalt  }
0x53: {  	_ =	shalt  }
0x54: {  	_ =	shalt  }
0x55: {  	_ =	shalt  }
0x56: {  	_ =	shalt  }
0x57: {  	_ =	shalt  }
0x58: {  	_ =	shalt  }
0x59: {  	_ =	shalt  }
0x5a: {  	_ =	shalt  }
0x5b: {  	_ =	shalt  }
0x5c: {  	_ =	shalt  }
0x5d: {  	_ =	shalt  }
0x5e: {  	_ =	shalt  }
0x5f: {  	_ =	shalt  }
0x60: {  	_ =	shalt  }
0x61: {  	_ =	shalt  }
0x62: {  	_ =	shalt  }
0x63: {  	_ =	shalt  }
0x64: {  	_ =	shalt  }
0x65: {  	_ =	shalt  }
0x66: {  	_ =	shalt  }
0x67: {  	_ =	shalt  }
0x68: {  	_ =	shalt  }
0x69: {  	_ =	shalt  }
0x6a: {  	_ =	shalt  }
0x6b: {  	_ =	shalt  }
0x6c: {  	_ =	shalt  }
0x6d: {  	_ =	shalt  }
0x6e: {  	_ =	shalt  }
0x6f: {  	_ =	shalt  }
0x70: {  	_ =	shalt  }
0x71: {  	_ =	shalt  }
0x72: {  	_ =	shalt  }
0x73: {  	_ =	shalt  }
0x74: {  	_ =	shalt  }
0x75: {  	_ =	shalt  }
0x76: {  	_ =	shalt  }
0x77: {  	_ =	shalt  }
0x78: {  	_ =	shalt  }
0x79: {  	_ =	shalt  }
0x7a: {  	_ =	shalt  }
0x7b: {  	_ =	shalt  }
0x7c: {  	_ =	shalt  }
0x7d: {  	_ =	shalt  }
0x7e: {  	_ =	shalt  }
0x7f: {  	_ =	shalt  }
0x80: {  	_ =	shalt  }
0x81: {  	_ =	shalt  }
0x82: {  	_ =	shalt  }
0x83: {  	_ =	shalt  }
0x84: {  	_ =	shalt  }
0x85: {  	_ =	shalt  }
0x86: {  	_ =	shalt  }
0x87: {  	_ =	shalt  }
.Lfunc_end0:
.L_simem_size_0:
called_computation_lowered:
.L_overlay_start_0:
0x88: {  	s2 =	sld [smem:$0x3FD9]  }
0x89: {  	s3 =	sld [smem:$0x3FFE];
	_ =	sdelay $0x1  }
0x8a: {  	s1 =	srdreg.scid  }
0x8b: {  	s0 =	sand.u32 $0x1, s1  }
0x8c: {  	s17 =	sshll.u32 s0, $0xA;
	s2 =	sadd.s32 s3, s2  }
0x8d: {  	s2 =	sadd.s32 s2, s17  }
0x8e: {  	[smem:$0x3FA4] =	sst s2  }
0x8f: {  	_ = 	snop  }
0x90: {  	s2 =	sld [smem:$0x3FD0];
	(tm) =	ssettm $0x1  }
0x91: {  	s18 =	sld [smem:$0x3FFB];
	_ =	sdelay $0x3  }
0x92: {  	_ =	strace s18  }
0x93: {  	s3 =	sld [smem:$0x3FFC];
	_ =	sdelay $0x3  }
0x94: {  	_ =	strace s3  }
0x95: {  	s3 =	sld [smem:$0x3FFD];
	_ =	sdelay $0x3  }
0x96: {  	_ =	strace s3  }
0x97: {  	_ =	strace $0x8FFFFFFF  }
0x98: {  	s19 =	sld [smem:$0x3FDB];
	_ =	sdelay $0x1  }
0x99: {  	s4 =	simm.s32 $_scs_section_size  }
0x9a: {  	s5 =	simm.s32 $_size__tile_overlayer_lowered;
	s6 =	simm.s32 $_tile_overlayer_lowered  }
0x9b: {  	s22 =	simm.s32 $0x1BFF;
	s21 =	sshll.u32 s6, $0x1;
	s3 =	sadd.s32 s4, s19  }
0x9c: {  	s7 =	simm.s32 $0x0;
	s20 =	sshll.u32 s5, $0x1;
	s5 =	sadd.s32 s21, s3  }
0x9d: {  	[timem:s7], [sflag:s22] =	dma.local [hbm:s5], s20  }
0x9e: {  	_ =	swait.ge [sflag:s22], s20  }
0x9f: {  	s4 =	ssub.s32 $0x0, s20;
	[sflag:s22] =	ssyncset.done $0x0  }
0xa0: {  	[sflag:s22] =	ssyncadd.s32 s4;
	_ =	sdelay $0x1  }
0xa1: {  	s23 =	simm.s32 $0x1B8B  }
0xa2: {  	_ =	swait.ge [sflag:s23], $0x1  }
0xa3: {  	[sflag:s23] =	ssyncset.done $0x0  }
0xa4: {  	s25 =	simm.s32 $0x1B8E;
	s24 =	sld [smem:$0x3FFE];
	[sflag:s23] =	ssyncadd.s32 $0xFFFFFFFF  }
0xa5: {  	s26 =	simm.s32 $execute0_lowered;
	[smem:$0x3FD2] =	sst s25  }
0xa6: {  	s5 =	sshll.u32 s26, $0x1;
	_ =	strace $0x80000046;
	[dreg:$0x1] =	wrdreg $0xFFFFFFFF  }
0xa7: {  	s28 =	simm.s32 $_size_execute0_lowered;
	s3 =	sadd.s32 s3, s5;
	[dreg:$0x0] =	wrdreg $0x0  }
0xa8: {  	s5 =	sshll.u32 s28, $0x1;
	[dreg:$0x2] =	wrdreg s3  }
0xa9: {  	[dreg:$0x3] =	wrdreg s5  }
0xaa: {  	[dreg:$0x4] =	wrdreg $0xC0  }
0xab: {  	_ =	task [dreg:s7], $0x5FFFF  }
0xac: {  	[dreg:$0x1] =	wrdreg $0xFFFFFFFF  }
0xad: {  	[dreg:$0x0] =	wrdreg $0x60  }
0xae: {  	[dreg:$0x2] =	wrdreg s24  }
0xaf: {  	[dreg:$0x3] =	wrdreg s2  }
0xb0: {  	[dreg:$0x4] =	wrdreg $0x107800  }
0xb1: {  	[dreg:$0x5] =	wrdreg $0x9  }
0xb2: {  	_ =	task.clear_ibuf [dreg:s7], $0x6FFFF;
	_ =	strace $0x90000046  }
0xb3: {  	s29 =	simm.s32 $0x9;
	_ =	strace $0x80000048  }
0xb4: {  	_ =	swait.ge [sflag:s29], $0x1  }
0xb5: {  	[sflag:s29] =	ssyncadd.s32 $0xFFFFFFFF  }
0xb6: {  	_ =	strace $0x90000048  }
0xb7: {  	_ =	sfence  }
0xb8: {  	s30 =	sld [smem:$0x0];
	_ =	sdelay $0x2  }
0xb9: {  	s31 =	sshll.u32 s1, $0xD;
	s1 =	sshrl.u32 s1, $0x2  }
0xba: {  	s3 =	sand.u32 $0x4000, s31;
	s1 =	sadd.s32 s1, s30  }
0xbb: {  	s0 =	sor.u32 s3, s0;
	s1 =	sshll.u32 s1, $0x11  }
0xbc: {  	s0 =	sor.u32 s1, s0  }
0xbd: {  	s0 =	sadd.s32 $0x8F2B, s0  }
0xbe: {  	[sflag:s0] =	ssyncadd.remote.s32 $0x1  }
0xbf: {  	_ =	sfence.sel $0xFFFF  }
0xc0: {  	[dreg:$0x0] =	wrdreg $0xFFFFFFFF;
	(pc) =	sbr.abs _section_cstart, $3  }
0xc1: {  	[dreg:$0x1] =	wrdreg $0xFFFFFFFF  }
0xc2: {  	_ =	task.clear_ibuf [dreg:s7], $0x2FFFF;
	_ =	strace $0x9FFFFFFF  }
0xc3: {  	(tm) =	ssettm $0x7FFFFFFF  }
tec
execute0_lowered:
.L_overlay_start_1:
0x0: {  	(tag) =	ssettag $0x1  }
0x1: {  	s0 =	rddreg [dreg:$0x0]  }
0x2: {  	s1 =	rddreg [dreg:$0x1]  }
0x3: {  	s2 =	rddreg [dreg:$0x2];
	s14 =	stileid.u32  }
0x4: {  	s4 =	simm.s32 $0x0;
	s3 =	srdreg.scid;
	s8 =	smul.u32 $0xA000, s14  }
0x5: {  	s29 =	simm.s32 $0xC200;
	s30 =	simm.s32 $0x80;
	s11 =	smul.u32 $0x28000, s14  }
0x6: {  	s28 =	simm.s32 $0x180;
	[smem:$0x7FF] =	sst s4;
	s19 =	smul.u32 $0xA00, s14  }
0x7: {  	s3 =	sand.u32 $0x1, s3;
	s5 =	sadd.s32 $0x2BFA00, s0;
	s15 =	smul.u32 $0xA0, s14  }
0x8: {  	s6 =	sadd.s32 $0x7000, s0;
	s12 =	sadd.s32 $0x298200, s0;
	s7 =	smul.u32 $0x140000, s3  }
0x9: {  	_ =	strace $0x80000047;
	s9 =	sshll.u32 s3, $0x3;
	s16 =	ssub.s32 $0x2, s3  }
0xa: {  	[dreg:$0x4] =	wrdreg s12;
	s13 =	smul.u32 $0x2710, s3;
	p0 =	seq.s32 s3, $0x0  }
0xb: {  	s3 =	simm.s32 $0x11000;
	s9 =	sadd.s32 s9, s0;
	s10 =	sshrl.u32 s16, $0x1  }
0xc: {  	s18 =	sshrl.u32 s11, $0x2;
	s21 =	sadd.s32 s1, s19;
	s22 =	sadd.s32 s6, s19  }
0xd: {  	s23 =	sor.u32 $0x10, s19;
	s3 =	simm.s32 @!p0 $0x9F3000;
	s19 =	simm.s32 $0x2  }
0xe: {  	s7 =	sadd.s32 s8, s7;
	s8 =	ssub.s32 s16, s10;
	[dreg:$0xa] =	wrdreg s21  }
0xf: {  	s17 =	sadd.s32 $0x291200, s9;
	s9 =	sadd.s32 $0x291000, s9;
	[dreg:$0xb] =	wrdreg s22  }
0x10: {  	s20 =	sadd.s32 s18, s2;
	s24 =	sadd.s32 s1, s23;
	[dreg:$0x5] =	wrdreg s17  }
0x11: {  	s18 =	sor.u32 $0x3, s15;
	s21 =	simm.s32 $0x4;
	[dreg:$0x6] =	wrdreg s9  }
0x12: {  	s22 =	simm.s32 $0x10280;
	s7 =	sshrl.u32 s7, $0x3;
	[dreg:$0x7] =	wrdreg s20  }
0x13: {  	s10 =	sadd.s32 $0x4000, s20;
	s9 =	sadd.s32 $0x8000, s20;
	[dreg:$0xc] =	wrdreg s24  }
0x14: {  	s31 =	smax.u32 s8, $0x1;
	s24 =	simm.s32 $0xA200;
	[dreg:$0x8] =	wrdreg s10  }
0x15: {  	s8 =	simm.s32 $0x3;
	s7 =	sadd.s32 s7, s0;
	[dreg:$0x9] =	wrdreg s9  }
0x16: {  	s9 =	sadd.s32 s6, s23;
	s0 =	sadd.s32 s3, s0;
	[dreg:$0x10] =	wrdreg s31  }
.Ltmp0:
0x17: {  	s3 =	simm.s32 $0x6;
	[dreg:$0xd] =	wrdreg s9;
	(pc) =	sbr.rel .LBB2_1-.Ltmp0, $4  }
0x18: {  	s25 =	sadd.s32 $0x30DC00, s7;
	s20 =	sadd.s32 s0, s11;
	s26 =	sadd.s32 $0x321C00, s7  }
0x19: {  	s0 =	simm.s32 $0x4200;
	s7 =	simm.s32 $0x1;
	[dreg:$0xe] =	wrdreg s25  }
0x1a: {  	s9 =	simm.s32 $0x10200;
	s11 =	simm.s32 $0x0;
	[dreg:$0xf] =	wrdreg s26  }
0x1b: {  	v1 =	vimm.f32 $0.0e+00;
	v0 =	vmov s13;
	s23 =	sadd.s32 $0x400, s20;
	s25 =	simm.s32 $0x7;
	s26 =	simm.s32 $0x100  }
.LBB2_19:
0x1c: {  	[bflag:$0x0] =	sbarrier.arrive $0xFFFF  }
0x1d: {  	s10 =	rddreg [dreg:$0xf]  }
0x1e: {  	s11 =	rddreg [dreg:$0x12]  }
0x1f: {  	s12 =	rddreg [dreg:$0x13]  }
0x20: {  	[hbm:s10], [sflag:s11] =	dma.local [spmem:s12], $0x1400  }
0x21: {  	_ =	swait.ge [sflag:s25], $0x1400  }
0x22: {  	s17 =	rddreg [dreg:$0x11]  }
0x23: {  	s31 =	rddreg [dreg:$0x10];
	s11 =	sadd.s32 $0x1, s17  }
0x24: {  	p0 =	sne.s32 s11, s31  }
.Ltmp1:
0x25: {  	_ = 	snop;
	(pc) =	sbr.rel @!p0 .LBB2_20-.Ltmp1, $3  }
0x26: {  	_ =	sdelay $0x1  }
0x27: {  	[sflag:s25] =	ssyncset.done $0x0  }
0x28: {  	[sflag:s25] =	ssyncadd.s32 $0xFFFFEC00  }
.LBB2_1:
0x29: {  	[dreg:$0x11] =	wrdreg s11  }
0x2a: {  	s10 =	rddreg [dreg:$0x5];
	s13 =	simm.s32 $0x10600  }
0x2b: {  	[tilespmem:s13], [sflag:$0x7] =	stream.linear.gather [hbm4b:s10+s4], $0x40, $0x38;
	[tilespmem:$0x1A780] =	vst v63  }
0x2c: {  	_ =	swait.ge [sflag:s25], $0x40  }
0x2d: {  	[sflag:s25] =	ssyncset.done $0x0  }
0x2e: {  	s16 =	simm.s32 $0x10680;
	s14 =	rddreg [dreg:$0x6];
	[sflag:s25] =	ssyncadd.s32 $0xFFFFFFC0  }
0x2f: {  	[tilespmem:s16], [sflag:$0x7] =	stream.linear.gather [hbm4b:s14+s4], $0x40, $0x38;
	[tilespmem:$0x1A780] =	vst v63  }
0x30: {  	_ =	swait.ge [sflag:s25], $0x40  }
0x31: {  	[sflag:s25] =	ssyncset.done $0x0  }
0x32: {  	s31 =	simm.s32 $0x10700;
	s17 =	rddreg [dreg:$0x4];
	[sflag:s25] =	ssyncadd.s32 $0xFFFFFFC0  }
0x33: {  	[tilespmem:s31], [sflag:$0x7] =	stream.linear.gather [hbm4b:s17+s4], $0x80, $0x38;
	[tilespmem:$0x1A780] =	vst v63  }
0x34: {  	_ =	swait.ge [sflag:s25], $0x80  }
0x35: {  	[sflag:s25] =	ssyncset.done $0x0  }
0x36: {  	[sflag:s25] =	ssyncadd.s32 $0xFFFFFF80  }
0x37: {  	v2 =	vld [tilespmem:$0x10700]  }
0x38: {  	v9 =	vld [tilespmem:$0x10600]  }
0x39: {  	v10 =	vld [tilespmem:$0x10680]  }
0x3a: {  	v3 =	vld [tilespmem:$0x10610]  }
0x3b: {  	v5 =	vld [tilespmem:$0x10690]  }
0x3c: {  	v4 =	vld [tilespmem:$0x10620]  }
0x3d: {  	v6 =	vld [tilespmem:$0x106A0]  }
0x3e: {  	v7 =	vld [tilespmem:$0x10630]  }
0x3f: {  	s12 =	simm.s32 $0x200;
	s10 =	simm.s32 $0x0;
	v8 =	vld [tilespmem:$0x106B0]  }
.LBB2_2:
0x40: {  	p0 =	sne.s32 s12, $0xFE00;
	[tilespmem:s10+$0xC270] =	vst v1  }
0x41: {  	[tilespmem:s10+$0xC200] =	vst v1  }
0x42: {  	[tilespmem:s10+$0xC210] =	vst v1  }
.Ltmp2:
0x43: {  	[tilespmem:s10+$0xC220] =	vst v1;
	(pc) =	sbr.rel @p0 .LBB2_2-.Ltmp2, $4  }
0x44: {  	[tilespmem:s10+$0xC230] =	vst v1  }
0x45: {  	[tilespmem:s10+$0xC240] =	vst v1  }
0x46: {  	[tilespmem:s10+$0xC250] =	vst v1  }
0x47: {  	[tilespmem:s10+$0xC260] =	vst v1;
	s10 =	sshra.s32 s12, $0x2;
	s12 =	sadd.s32 $0x200, s12  }
0x48: {  	[tilespmem:s10+$0xC270] =	vst v1  }
0x49: {  	[tilespmem:s10+$0xC200] =	vst v1  }
0x4a: {  	[tilespmem:s10+$0xC210] =	vst v1  }
0x4b: {  	[tilespmem:s10+$0xC220] =	vst v1  }
0x4c: {  	[tilespmem:s10+$0xC230] =	vst v1  }
0x4d: {  	[tilespmem:s10+$0xC240] =	vst v1  }
0x4e: {  	[tilespmem:s10+$0xC250] =	vst v1  }
0x4f: {  	[tilespmem:s10+$0xC260] =	vst v1;
	s14 =	rddreg [dreg:$0x7]  }
0x50: {  	[spmem:s14] =	stream.linear.scatter [tilespmem:s29], [sflag:$0x7], $0x4000, $0x38;
	[tilespmem:$0x1A780] =	vst v63  }
0x51: {  	_ =	swait.ge [sflag:s25], $0x4000  }
0x52: {  	[sflag:s25] =	ssyncset.done $0x0  }
0x53: {  	s16 =	rddreg [dreg:$0x8];
	[sflag:s25] =	ssyncadd.s32 $0xFFFFC000  }
0x54: {  	[spmem:s16] =	stream.linear.scatter [tilespmem:s29], [sflag:$0x7], $0x4000, $0x38;
	[tilespmem:$0x1A780] =	vst v63  }
0x55: {  	_ =	swait.ge [sflag:s25], $0x4000  }
0x56: {  	[sflag:s25] =	ssyncset.done $0x0  }
0x57: {  	s17 =	rddreg [dreg:$0x9];
	[sflag:s25] =	ssyncadd.s32 $0xFFFFC000  }
0x58: {  	[spmem:s17] =	stream.linear.scatter [tilespmem:s29], [sflag:$0x7], $0x2000, $0x38;
	[tilespmem:$0x1A780] =	vst v63  }
0x59: {  	_ =	swait.ge [sflag:s25], $0x2000  }
0x5a: {  	[sflag:s25] =	ssyncset.done $0x0  }
0x5b: {  	[sflag:s25] =	ssyncadd.s32 $0xFFFFE000  }
0x5c: {  	[bflag:$0x0] =	sbarrier.arrive $0xFFFF  }
0x5d: {  	s12 =	simm.s32 $0x0;
	s31 =	rddreg [dreg:$0xa]  }
0x5e: {  	[tilespmem:s12], [sflag:$0x5] =	stream.linear.gather [hbm4b:s31+s12], $0x80, $0x38;
	[tilespmem:$0x1A780] =	vst v63  }
0x5f: {  	s13 =	simm.s32 $0x5;
	s11 =	rddreg [dreg:$0xb]  }
0x60: {  	[tilespmem:s30], [sflag:$0x5] =	stream.linear.gather [hbm4b:s11+s12], $0x80, $0x38;
	[tilespmem:$0x1A780] =	vst v63  }
0x61: {  	_ =	swait.ge [sflag:s13], $0x80  }
0x62: {  	[sflag:s13] =	ssyncset.done $0x0  }
0x63: {  	[sflag:s13] =	ssyncadd.s32 $0xFFFFFF80  }
0x64: {  	_ =	swait.ge [sflag:s13], $0x80  }
0x65: {  	[sflag:s13] =	ssyncset.done $0x0  }
0x66: {  	[sflag:s13] =	ssyncadd.s32 $0xFFFFFF80  }
0x67: {  	v11 =	vld [tilespmem:$0x0]  }
0x68: {  	v12 =	vld [tilespmem:$0x10]  }
0x69: {  	v13 =	vld [tilespmem:$0x20]  }
0x6a: {  	v14 =	vld [tilespmem:$0x30]  }
0x6b: {  	v15 =	vld [tilespmem:$0x40]  }
0x6c: {  	v16 =	vld [tilespmem:$0x50];
	v11 =	vadd.s32 v0, v11  }
0x6d: {  	v56 =	vld [tilespmem:$0x60];
	v55 =	vadd.s32 v0, v12;
	[tilespmem:$0x0] =	vst v11  }
0x6e: {  	v58 =	vld [tilespmem:$0x70];
	v57 =	vadd.s32 v0, v13;
	[tilespmem:$0x10] =	vst v55  }
0x6f: {  	v59 =	vadd.s32 v0, v14;
	[tilespmem:$0x20] =	vst v57  }
0x70: {  	v60 =	vadd.s32 v0, v15;
	[tilespmem:$0x30] =	vst v59  }
0x71: {  	v9 =	vadd.f32 v10, v9;
	v61 =	vadd.s32 v0, v16;
	[tilespmem:$0x40] =	vst v60  }
0x72: {  	v3 =	vadd.f32 v5, v3;
	v5 =	vadd.f32 v8, v7;
	v62 =	vadd.s32 v0, v56;
	[tilespmem:$0x50] =	vst v61  }
0x73: {  	v4 =	vadd.f32 v6, v4;
	v9 =	vmax.f32 v9, $0.0e+00;
	v63 =	vadd.s32 v0, v58;
	[tilespmem:$0x60] =	vst v62  }
0x74: {  	s14 =	simm.s32 $0x200;
	v3 =	vmax.f32 v3, $0.0e+00;
	v5 =	vmax.f32 v5, $0.0e+00;
	v9 =	vadd.f32 $1.000000010e-07, v9;
	[tilespmem:$0x70] =	vst v63  }
0x75: {  	v4 =	vmax.f32 v4, $0.0e+00;
	v3 =	vadd.f32 $1.000000010e-07, v3;
	v5 =	vadd.f32 $1.000000010e-07, v5;
	[tilespmem:s14], [sflag:$0x1] =	stream.indirect.gather [hbm4b:s5+s30], $0x80, s12, s30, $0xb8;
	[tilespmem:$0x1A780] =	vst v63  }
0x76: {  	v7 =	vmul.f32 $1.000000010e-07, v2;
	v4 =	vadd.f32 $1.000000010e-07, v4;
	v6 =	vmul.f32 v9, v2;
	s16 =	simm.s32 $0x8200  }
0x77: {  	v8 =	vmul.f32 v3, v2;
	v5 =	vmul.f32 v5, v2;
	[tilespmem:s16], [sflag:$0x3] =	stream.linear.gather [hbm4b:s20+s12], $0x2000, $0x38;
	[tilespmem:$0x1A780] =	vst v63  }
0x78: {  	v3 =	vmax.f32 v6, v7;
	v6 =	vmul.f32 v4, v2;
	s17 =	rddreg [dreg:$0xc]  }
0x79: {  	v4 =	vmax.f32 v8, v7;
	v8 =	vmax.f32 v5, v7;
	[tilespmem:s26], [sflag:$0x6] =	stream.linear.gather [hbm4b:s17+s12], $0x80, $0x38;
	[tilespmem:$0x1A780] =	vst v63  }
0x7a: {  	v3 =	vsub.f32 v3, v7;
	v4 =	vsub.f32 v4, v7;
	v6 =	vmax.f32 v6, v7;
	s31 =	rddreg [dreg:$0xd];
	s13 =	simm.s32 $0x0  }
0x7b: {  	v5 =	vsub.f32 v6, v7;
	v6 =	vsub.f32 v8, v7;
	[tilespmem:s28], [sflag:$0x6] =	stream.linear.gather [hbm4b:s31+s12], $0x80, $0x38;
	[tilespmem:$0x1A780] =	vst v63  }
.LBB2_4:
0x7c: {  	_ =	swait.ge [sflag:s3], $0x80  }
0x7d: {  	[sflag:s3] =	ssyncset.done $0x0  }
0x7e: {  	[sflag:s3] =	ssyncadd.s32 $0xFFFFFF80  }
0x7f: {  	_ =	swait.ge [sflag:s3], $0x80  }
0x80: {  	[sflag:s3] =	ssyncset.done $0x0  }
0x81: {  	[sflag:s3] =	ssyncadd.s32 $0xFFFFFF80  }
0x82: {  	v7 =	vld [tilespmem:$0x100]  }
0x83: {  	v8 =	vld [tilespmem:$0x110]  }
0x84: {  	v9 =	vld [tilespmem:$0x120]  }
0x85: {  	v10 =	vld [tilespmem:$0x130]  }
0x86: {  	v11 =	vld [tilespmem:$0x140]  }
0x87: {  	v12 =	vld [tilespmem:$0x150];
	v7 =	vadd.s32 v0, v7  }
0x88: {  	[tilespmem:$0x100] =	vst v7;
	v7 =	vadd.s32 v0, v8;
	v8 =	vld [tilespmem:$0x160]  }
0x89: {  	[tilespmem:$0x110] =	vst v7;
	v7 =	vadd.s32 v0, v9;
	v9 =	vld [tilespmem:$0x170]  }
0x8a: {  	[tilespmem:$0x120] =	vst v7;
	v7 =	vadd.s32 v0, v10  }
0x8b: {  	[tilespmem:$0x130] =	vst v7;
	v7 =	vadd.s32 v0, v11  }
0x8c: {  	[tilespmem:$0x140] =	vst v7;
	v7 =	vadd.s32 v0, v12  }
0x8d: {  	[tilespmem:$0x150] =	vst v7;
	v7 =	vadd.s32 v0, v8  }
0x8e: {  	[tilespmem:$0x160] =	vst v7;
	v7 =	vadd.s32 v0, v9  }
0x8f: {  	s10 =	sshll.u32 s13, $0xB;
	[tilespmem:$0x170] =	vst v7  }
0x90: {  	[tilespmem:s0], [sflag:$0x2] =	stream.indirect.gather [hbm4b:s5+s30], $0x80, s26, s30, $0xb8;
	[tilespmem:$0x1A780] =	vst v63  }
0x91: {  	s10 =	sadd.s32 s23, s10  }
0x92: {  	[tilespmem:s24], [sflag:$0x4] =	stream.linear.gather [hbm4b:s10+s12], $0x2000, $0x38;
	[tilespmem:$0x1A780] =	vst v63  }
0x93: {  	v7 =	vld [tilespmem:$0x80]  }
0x94: {  	v8 =	vld [tilespmem:$0x90]  }
0x95: {  	v9 =	vld [tilespmem:$0xA0]  }
0x96: {  	v10 =	vld [tilespmem:$0xB0]  }
0x97: {  	v11 =	vld [tilespmem:$0xC0]  }
0x98: {  	v12 =	vld [tilespmem:$0xD0];
	vm0 =	vlt.u32 v7, $0x1388  }
0x99: {  	v13 =	vld [tilespmem:$0xE0];
	vm9 =	vlt.u32 v8, $0x1388;
	v7 =	vnsel vm0, $0x13EC, v7  }
0x9a: {  	vm10 =	vlt.u32 v9, $0x1388;
	[tilespmem:$0x10200] =	vst v7;
	v7 =	vnsel vm9, $0x13EC, v8;
	v8 =	vld [tilespmem:$0xF0]  }
0x9b: {  	vm11 =	vlt.u32 v10, $0x1388;
	[tilespmem:$0x10210] =	vst v7;
	v7 =	vnsel vm10, $0x13EC, v9  }
0x9c: {  	vm12 =	vlt.u32 v11, $0x1388;
	[tilespmem:$0x10220] =	vst v7;
	v7 =	vnsel vm11, $0x13EC, v10  }
0x9d: {  	vm13 =	vlt.u32 v12, $0x1388;
	[tilespmem:$0x10230] =	vst v7;
	v7 =	vnsel vm12, $0x13EC, v11  }
0x9e: {  	vm14 =	vlt.u32 v13, $0x1388;
	[tilespmem:$0x10240] =	vst v7;
	v7 =	vnsel vm13, $0x13EC, v12  }
0x9f: {  	[tilespmem:$0x10250] =	vst v7;
	v7 =	vnsel vm14, $0x13EC, v13;
	vm15 =	vlt.u32 v8, $0x1388  }
0xa0: {  	[tilespmem:$0x10260] =	vst v7;
	v7 =	vnsel vm15, $0x13EC, v8  }
0xa1: {  	[tilespmem:$0x10270] =	vst v7  }
0xa2: {  	_ =	swait.ge [sflag:s7], $0x4000  }
0xa3: {  	[sflag:s7] =	ssyncset.done $0x0  }
0xa4: {  	[sflag:s7] =	ssyncadd.s32 $0xFFFFC000  }
0xa5: {  	_ =	swait.ge [sflag:s8], $0x2000  }
0xa6: {  	[sflag:s8] =	ssyncset.done $0x0  }
0xa7: {  	s17 =	simm.s32 $0x0;
	[sflag:s8] =	ssyncadd.s32 $0xFFFFE000  }
0xa8: {  	v7 =	vld [tilespmem:s17+$0x8270]  }
0xa9: {  	v8 =	vld [tilespmem:s17+$0x8200]  }
0xaa: {  	v9 =	vld [tilespmem:s17+$0x8210]  }
0xab: {  	v10 =	vld [tilespmem:s17+$0x8220]  }
0xac: {  	v11 =	vld [tilespmem:s17+$0x8240]  }
0xad: {  	v12 =	vld [tilespmem:s17+$0x8230]  }
0xae: {  	v13 =	vld [tilespmem:s17+$0x2230]  }
0xaf: {  	v14 =	vld [tilespmem:s17+$0x8250]  }
0xb0: {  	v15 =	vld [tilespmem:s17+$0x200]  }
0xb1: {  	v16 =	vld [tilespmem:s17+$0x2210]  }
0xb2: {  	v17 =	vld [tilespmem:s17+$0x220]  }
0xb3: {  	v18 =	vld [tilespmem:s17+$0x230]  }
0xb4: {  	v21 =	vld [tilespmem:s17+$0x8260]  }
0xb5: {  	v22 =	vld [tilespmem:s17+$0x2220]  }
0xb6: {  	v19 =	vld [tilespmem:s17+$0x2200]  }
0xb7: {  	s16 =	simm.s32 $0x80;
	v20 =	vld [tilespmem:s17+$0x210];
	v8 =	vadd.f32 v8, v15  }
0xb8: {  	v23 =	vld [tilespmem:s16+$0x8270]  }
0xb9: {  	v24 =	vld [tilespmem:s16+$0x8210];
	v25 =	vmax.f32 v8, $0.0e+00  }
0xba: {  	v26 =	vld [tilespmem:s16+$0x8220];
	v21 =	vadd.f32 v21, v22;
	v8 =	vmul.f32 v25, v2  }
0xbb: {  	v27 =	vld [tilespmem:s16+$0x8240]  }
0xbc: {  	v28 =	vld [tilespmem:s16+$0x2230];
	v29 =	vmax.f32 v21, $0.0e+00;
	v8 =	vsub.f32 v8, v3  }
0xbd: {  	v30 =	vld [tilespmem:s16+$0x200];
	v14 =	vadd.f32 v14, v16;
	v16 =	vmul.f32 v29, v2  }
0xbe: {  	v32 =	vld [tilespmem:s16+$0x230];
	v7 =	vadd.f32 v7, v13;
	v8 =	vmul.f32 $1.442695020e+00, v8  }
0xbf: {  	v15 =	vld [tilespmem:s16+$0x8200];
	v9 =	vadd.f32 v9, v20;
	v31 =	vmax.f32 v14, $0.0e+00;
	v14 =	vsub.f32 v16, v5  }
0xc0: {  	v22 =	vld [tilespmem:s16+$0x8230];
	v33 =	vmax.f32 v7, $0.0e+00;
	(erf) = vpow2.f32 v8;
	v8 =	vmul.f32 v31, v2  }
0xc1: {  	v13 =	vld [tilespmem:s16+$0x2210];
	v37 =	vmax.f32 v9, $0.0e+00;
	v34 =	vmul.f32 v33, v2;
	v7 =	vmul.f32 $1.442695020e+00, v14  }
0xc2: {  	v11 =	vadd.f32 v11, v19;
	v21 =	vld [tilespmem:s16+$0x8250];
	v9 =	vmul.f32 v37, v2;
	v8 =	vsub.f32 v8, v4  }
0xc3: {  	v35 =	vld [tilespmem:s16+$0x210];
	(erf) = vpow2.f32 v7;
	v7 =	vadd.f32 v12, v18;
	v12 =	vsub.f32 v34, v6  }
0xc4: {  	s10 =	simm.s32 $0x100;
	v36 =	vld [tilespmem:s16+$0x8260];
	v38 =	vmax.f32 v11, $0.0e+00;
	v11 =	vadd.f32 v23, v28;
	v8 =	vmul.f32 $1.442695020e+00, v8  }
0xc5: {  	v55 =	vld [tilespmem:s10+$0x8200];
	v9 =	vsub.f32 v9, v4;
	v20 =	vmax.f32 v7, $0.0e+00;
	v7 =	vmul.f32 $1.442695020e+00, v12  }
0xc6: {  	v40 =	vld [tilespmem:s10+$0x8220];
	v15 =	vadd.f32 v15, v30;
	(erf) = vpow2.f32 v8;
	v8 =	vmul.f32 v20, v2  }
0xc7: {  	v16 =	vld [tilespmem:s16+$0x220];
	v22 =	vadd.f32 v22, v32;
	v13 =	vadd.f32 v21, v13;
	(erf) = vpow2.f32 v7  }
0xc8: {  	v14 =	vld [tilespmem:s16+$0x2200];
	v7 =	vadd.f32 v10, v17;
	v10 =	vmul.f32 v38, v2;
	v8 =	vsub.f32 v8, v6  }
0xc9: {  	v19 =	vld [tilespmem:s10+$0x8270];
	v9 =	vmul.f32 $1.442695020e+00, v9;
	v21 =	vadd.f32 v24, v35;
	v13 =	vmax.f32 v13, $0.0e+00  }
0xca: {  	v18 =	vld [tilespmem:s16+$0x2220];
	v39 =	vpop (erf);
	v28 =	vmax.f32 v7, $0.0e+00;
	v7 =	vsub.f32 v10, v3;
	v10 =	vmul.f32 $1.442695020e+00, v8  }
0xcb: {  	v43 =	vmul.f32 v13, v2;
	v12 =	vld [tilespmem:s10+$0x8210];
	[tilespmem:s17+$0xC200] =	vst v39;
	v8 =	vmax.f32 v11, $0.0e+00;
	v24 =	vmul.f32 v39, v25  }
0xcc: {  	v11 =	vadd.f32 v26, v16;
	v41 =	vld [tilespmem:s10+$0x8240];
	(erf) = vpow2.f32 v10;
	v10 =	vmul.f32 $1.442695020e+00, v7  }
0xcd: {  	v14 =	vadd.f32 v27, v14;
	v17 =	vpop (erf);
	v42 =	vld [tilespmem:s10+$0x8230];
	(erf) = vpow2.f32 v9;
	v9 =	vmul.f32 v28, v2  }
0xce: {  	v23 =	vld [tilespmem:s10+$0x2230];
	v16 =	vmul.f32 v8, v2;
	[tilespmem:s17+$0xE220] =	vst v17;
	v7 =	vmax.f32 v11, $0.0e+00;
	v11 =	vmax.f32 v15, $0.0e+00  }
0xcf: {  	v30 =	vld [tilespmem:s10+$0x8250];
	v15 =	vadd.f32 v36, v18;
	v26 =	vpop (erf);
	(erf) = vpow2.f32 v10;
	v9 =	vsub.f32 v9, v5  }
0xd0: {  	v60 =	vmul.f32 v17, v29;
	v56 =	vld [tilespmem:s10+$0x200];
	v10 =	vmax.f32 v21, $0.0e+00;
	v21 =	vmul.f32 v11, v2;
	[tilespmem:s17+$0xE210] =	vst v26;
	v18 =	vpop (erf)  }
0xd1: {  	v16 =	vsub.f32 v16, v6;
	v15 =	vmax.f32 v15, $0.0e+00;
	v57 =	vld [tilespmem:s10+$0x2210];
	[tilespmem:s17+$0xE230] =	vst v18;
	v27 =	vmul.f32 $1.442695020e+00, v9  }
0xd2: {  	v25 =	vmul.f32 v10, v2;
	v31 =	vmul.f32 v26, v31;
	v58 =	vld [tilespmem:s10+$0x220];
	[tilespmem:s17+$0xC240] =	vst v24;
	v24 =	vsub.f32 v21, v3  }
0xd3: {  	v9 =	vmax.f32 v14, $0.0e+00;
	v14 =	vmul.f32 v15, v2;
	(erf) = vpow2.f32 v27  }
0xd4: {  	v33 =	vmul.f32 v18, v33;
	v21 =	vsub.f32 v25, v4;
	v24 =	vmul.f32 $1.442695020e+00, v24  }
0xd5: {  	v26 =	vmul.f32 $1.442695020e+00, v16;
	v25 =	vsub.f32 v43, v4;
	v14 =	vsub.f32 v14, v5  }
0xd6: {  	v19 =	vadd.f32 v19, v23;
	v59 =	vld [tilespmem:s10+$0x230];
	v27 =	vmul.f32 v9, v2;
	[tilespmem:s17+$0xE270] =	vst v33;
	v18 =	vpop (erf);
	(erf) = vpow2.f32 v24  }
0xd7: {  	v44 =	vld [tilespmem:s10+$0x2200];
	v46 =	vmul.f32 $1.442695020e+00, v25;
	v61 =	vmul.f32 $1.442695020e+00, v14;
	v14 =	vmax.f32 v22, $0.0e+00;
	v17 =	vpop (erf)  }
0xd8: {  	v22 =	vsub.f32 v27, v3;
	v23 =	vmul.f32 v14, v2;
	v24 =	vadd.f32 v55, v56;
	[tilespmem:s17+$0xC210] =	vst v17;
	v45 =	vpop (erf)  }
0xd9: {  	v25 =	vmul.f32 v18, v20;
	v37 =	vmul.f32 v17, v37;
	v17 =	vmax.f32 v19, $0.0e+00;
	v29 =	vld [tilespmem:s10+$0x210];
	[tilespmem:s17+$0xE200] =	vst v45  }
0xda: {  	v62 =	vadd.f32 v40, v58;
	(erf) = vpow2.f32 v61;
	v16 =	vsub.f32 v23, v6;
	v27 =	vld [tilespmem:s10+$0x8260];
	[tilespmem:s17+$0xE250] =	vst v31  }
0xdb: {  	v23 =	vadd.f32 v30, v57;
	v20 =	vmul.f32 v17, v2;
	v19 =	vadd.f32 v42, v59;
	v30 =	vld [tilespmem:s10+$0x2220];
	[tilespmem:s17+$0xE260] =	vst v60  }
0xdc: {  	(erf) = vpow2.f32 v46;
	v33 =	vadd.f32 v41, v44;
	v31 =	vmul.f32 v45, v38;
	[tilespmem:s17+$0xC250] =	vst v37;
	v63 =	vpop (erf)  }
0xdd: {  	s14 =	sshll.u32 s13, $0x1;
	s31 =	simm.s32 $0x600;
	v32 =	vmul.f32 $1.442695020e+00, v16;
	v16 =	vmax.f32 v62, $0.0e+00;
	[tilespmem:s17+$0xC220] =	vst v63;
	v28 =	vmul.f32 v63, v28  }
.LBB2_5:
0xde: {  	s11 =	sshra.s32 s31, $0x2;
	p0 =	sne.s32 s31, $0x7E00;
	s31 =	sadd.s32 $0x200, s31;
	v29 =	vadd.f32 v12, v29;
	v21 =	vmul.f32 $1.442695020e+00, v21;
	(erf) = vpow2.f32 v26;
	[tilespmem:s17+$0xE240] =	vst v31;
	v26 =	vmovc v8;
	v8 =	vmovc v17  }
0xdf: {  	v31 =	vmul.f32 v7, v2;
	v17 =	vld [tilespmem:s11+$0x8270];
	v33 =	vmax.f32 v33, $0.0e+00;
	v34 =	vpop (erf);
	(erf) = vpow2.f32 v32;
	[tilespmem:s17+$0xC270] =	vst v25  }
0xe0: {  	v24 =	vmax.f32 v24, $0.0e+00;
	v22 =	vmul.f32 $1.442695020e+00, v22;
	v35 =	vmovc v7;
	v7 =	vmovc v16;
	v25 =	vld [tilespmem:s11+$0x8200];
	v27 =	vadd.f32 v27, v30;
	[tilespmem:s17+$0xC230] =	vst v18  }
0xe1: {  	v16 =	vmax.f32 v29, $0.0e+00;
	v18 =	vsub.f32 v31, v5;
	v12 =	vld [tilespmem:s11+$0x8210];
	(erf) = vpow2.f32 v21;
	[tilespmem:s17+$0xC260] =	vst v28;
	s17 =	smov.u32 s16;
	s16 =	smov.u32 s10;
	s10 =	smov.u32 s11  }
0xe2: {  	v21 =	vmul.f32 v24, v2;
	v28 =	vld [tilespmem:s10+$0x8220];
	v36 =	vmax.f32 v27, $0.0e+00;
	[tilespmem:s17+$0xC200] =	vst v34;
	(erf) = vpow2.f32 v22  }
0xe3: {  	v38 =	vmax.f32 v23, $0.0e+00;
	v22 =	vmul.f32 v16, v2;
	v18 =	vmul.f32 $1.442695020e+00, v18;
	v37 =	vld [tilespmem:s10+$0x8240]  }
0xe4: {  	v27 =	vmul.f32 v33, v2;
	v23 =	vsub.f32 v21, v3;
	v40 =	vmul.f32 v36, v2;
	v32 =	vld [tilespmem:s10+$0x8230];
	v30 =	vpop (erf)  }
0xe5: {  	v41 =	vmul.f32 v38, v2;
	v21 =	vsub.f32 v22, v4;
	v31 =	vld [tilespmem:s10+$0x2230];
	[tilespmem:s17+$0xE220] =	vst v30;
	(erf) = vpow2.f32 v18  }
0xe6: {  	v23 =	vmul.f32 $1.442695020e+00, v23;
	v43 =	vsub.f32 v40, v5;
	v15 =	vmul.f32 v30, v15;
	v39 =	vld [tilespmem:s10+$0x8250];
	v29 =	vpop (erf)  }
0xe7: {  	v46 =	vsub.f32 v20, v6;
	v45 =	vmul.f32 v34, v11;
	v40 =	vsub.f32 v41, v4;
	v30 =	vld [tilespmem:s10+$0x200];
	[tilespmem:s17+$0xE210] =	vst v29;
	v22 =	vpop (erf)  }
0xe8: {  	v41 =	vmax.f32 v19, $0.0e+00;
	v19 =	vmul.f32 $1.442695020e+00, v43;
	v34 =	vld [tilespmem:s10+$0x2210];
	[tilespmem:s17+$0xE230] =	vst v22;
	v42 =	vmul.f32 v22, v26;
	v18 =	vpop (erf)  }
0xe9: {  	v11 =	vmovc v24;
	v44 =	vmul.f32 v41, v2;
	v22 =	vsub.f32 v27, v3;
	v43 =	vld [tilespmem:s10+$0x220];
	(erf) = vpow2.f32 v23;
	[tilespmem:s17+$0xC240] =	vst v45  }
0xea: {  	v40 =	vmul.f32 $1.442695020e+00, v40;
	v26 =	vmul.f32 $1.442695020e+00, v46;
	v45 =	vld [tilespmem:s10+$0x230];
	v17 =	vadd.f32 v17, v31;
	[tilespmem:s17+$0xE270] =	vst v42;
	v20 =	vpop (erf)  }
0xeb: {  	v13 =	vmul.f32 v29, v13;
	v42 =	vld [tilespmem:s10+$0x2200];
	[tilespmem:s17+$0xC210] =	vst v20;
	v46 =	vmul.f32 v20, v10;
	v20 =	vpop (erf);
	v10 =	vmov v16  }
.Ltmp3:
0xec: {  	v16 =	vsub.f32 v44, v6;
	v24 =	vadd.f32 v25, v30;
	v29 =	vld [tilespmem:s10+$0x210];
	v25 =	vmul.f32 v18, v14;
	[tilespmem:s17+$0xE200] =	vst v20;
	(pc) =	sbr.rel @p0 .LBB2_5-.Ltmp3, $4  }
0xed: {  	v17 =	vmax.f32 v17, $0.0e+00;
	v31 =	vmul.f32 v20, v9;
	v9 =	vmovc v33;
	v23 =	vadd.f32 v39, v34;
	v27 =	vld [tilespmem:s10+$0x8260];
	[tilespmem:s17+$0xE250] =	vst v13  }
0xee: {  	v20 =	vmul.f32 v17, v2;
	v34 =	vadd.f32 v28, v43;
	v30 =	vld [tilespmem:s10+$0x2220];
	(erf) = vpow2.f32 v19;
	[tilespmem:s17+$0xE260] =	vst v15;
	v14 =	vpop (erf)  }
0xef: {  	v15 =	vmovc v36;
	v19 =	vadd.f32 v32, v45;
	v32 =	vmul.f32 $1.442695020e+00, v16;
	[tilespmem:s17+$0xC220] =	vst v14;
	v28 =	vmul.f32 v14, v35  }
0xf0: {  	v13 =	vmovc v38;
	v14 =	vmovc v41;
	v16 =	vmax.f32 v34, $0.0e+00;
	v33 =	vadd.f32 v37, v42;
	(erf) = vpow2.f32 v40;
	[tilespmem:s17+$0xC250] =	vst v46  }
0xf1: {  	v21 =	vmul.f32 $1.442695020e+00, v21  }
0xf2: {  	v12 =	vadd.f32 v12, v29;
	(erf) = vpow2.f32 v26;
	v29 =	vmul.f32 v7, v2  }
0xf3: {  	v22 =	vmul.f32 $1.442695020e+00, v22;
	(erf) = vpow2.f32 v32;
	v27 =	vadd.f32 v27, v30  }
0xf4: {  	v24 =	vmax.f32 v24, $0.0e+00;
	v29 =	vsub.f32 v29, v5;
	(erf) = vpow2.f32 v21  }
0xf5: {  	[tilespmem:s17+$0xC270] =	vst v25;
	v20 =	vsub.f32 v20, v6;
	(erf) = vpow2.f32 v22;
	v25 =	vmax.f32 v27, $0.0e+00  }
0xf6: {  	[tilespmem:s17+$0xE240] =	vst v31;
	v22 =	vmax.f32 v23, $0.0e+00;
	v23 =	vmul.f32 $1.442695020e+00, v29;
	v29 =	vmul.f32 v25, v2  }
0xf7: {  	[tilespmem:s17+$0xC230] =	vst v18;
	v26 =	vmax.f32 v33, $0.0e+00;
	v21 =	vmul.f32 v24, v2  }
0xf8: {  	[tilespmem:s17+$0xC260] =	vst v28;
	v12 =	vmax.f32 v12, $0.0e+00;
	v28 =	vmul.f32 v26, v2;
	v20 =	vmul.f32 $1.442695020e+00, v20;
	v27 =	vpop (erf)  }
0xf9: {  	v18 =	vmul.f32 v12, v2;
	[tilespmem:s16+$0xC200] =	vst v27;
	v30 =	vpop (erf);
	v11 =	vmul.f32 v27, v11  }
0xfa: {  	v21 =	vsub.f32 v21, v3;
	(erf) = vpow2.f32 v23;
	v23 =	vsub.f32 v29, v5;
	[tilespmem:s16+$0xE220] =	vst v30;
	v29 =	vpop (erf)  }
0xfb: {  	v31 =	vmul.f32 v22, v2;
	v15 =	vmul.f32 v30, v15;
	[tilespmem:s16+$0xC240] =	vst v11;
	v27 =	vpop (erf)  }
0xfc: {  	v19 =	vmax.f32 v19, $0.0e+00;
	v21 =	vmul.f32 $1.442695020e+00, v21;
	[tilespmem:s16+$0xE210] =	vst v29;
	v8 =	vmul.f32 v27, v8  }
0xfd: {  	v18 =	vsub.f32 v18, v4;
	v30 =	vsub.f32 v31, v4;
	v31 =	vmul.f32 v19, v2;
	[tilespmem:s16+$0xE260] =	vst v15  }
0xfe: {  	(erf) = vpow2.f32 v21;
	v23 =	vmul.f32 $1.442695020e+00, v23;
	[tilespmem:s16+$0xE230] =	vst v27;
	v27 =	vpop (erf)  }
0xff: {  	v11 =	vmul.f32 $1.442695020e+00, v30;
	v15 =	vmul.f32 $1.442695020e+00, v18;
	[tilespmem:s16+$0xC230] =	vst v27  }
0x100: {  	v18 =	vmul.f32 v16, v2;
	(erf) = vpow2.f32 v23;
	[tilespmem:s16+$0xE270] =	vst v8;
	v8 =	vpop (erf)  }
0x101: {  	v21 =	vsub.f32 v31, v6;
	[tilespmem:s16+$0xC210] =	vst v8;
	v8 =	vmul.f32 v8, v10;
	v10 =	vmul.f32 v29, v13;
	v13 =	vpop (erf)  }
0x102: {  	(erf) = vpow2.f32 v11;
	[tilespmem:s16+$0xE200] =	vst v13;
	v9 =	vmul.f32 v13, v9  }
0x103: {  	v14 =	vmul.f32 v27, v14;
	v11 =	vpop (erf);
	v13 =	vmul.f32 $1.442695020e+00, v21;
	[tilespmem:s16+$0xE250] =	vst v10;
	v10 =	vsub.f32 v28, v3  }
0x104: {  	(erf) = vpow2.f32 v20;
	v7 =	vmul.f32 v11, v7;
	[tilespmem:s16+$0xE240] =	vst v9;
	v9 =	vsub.f32 v18, v5  }
0x105: {  	[tilespmem:s16+$0xC250] =	vst v8;
	(erf) = vpow2.f32 v13;
	v8 =	vmul.f32 $1.442695020e+00, v10  }
0x106: {  	[tilespmem:s16+$0xC270] =	vst v14;
	(erf) = vpow2.f32 v15  }
0x107: {  	[tilespmem:s16+$0xC220] =	vst v11;
	(erf) = vpow2.f32 v8;
	v8 =	vmul.f32 $1.442695020e+00, v9  }
0x108: {  	[tilespmem:s16+$0xC260] =	vst v7;
	v9 =	vpop (erf)  }
0x109: {  	[tilespmem:s10+$0xC200] =	vst v9;
	v7 =	vpop (erf);
	v9 =	vmul.f32 v9, v24  }
0x10a: {  	[tilespmem:s10+$0xE220] =	vst v7  }
0x10b: {  	(erf) = vpow2.f32 v8;
	v7 =	vmul.f32 v7, v25;
	v8 =	vpop (erf);
	[tilespmem:s10+$0xC240] =	vst v9  }
0x10c: {  	[tilespmem:s10+$0xE210] =	vst v8  }
0x10d: {  	v10 =	vpop (erf);
	v8 =	vmul.f32 v8, v22;
	[tilespmem:s10+$0xE260] =	vst v7  }
0x10e: {  	[tilespmem:s10+$0xE230] =	vst v10  }
0x10f: {  	v10 =	vmul.f32 v10, v17;
	v11 =	vpop (erf);
	[tilespmem:s10+$0xE250] =	vst v8  }
0x110: {  	v9 =	vpop (erf);
	[tilespmem:s10+$0xC230] =	vst v11  }
0x111: {  	[tilespmem:s10+$0xE270] =	vst v10;
	v8 =	vmul.f32 v9, v12  }
0x112: {  	[tilespmem:s10+$0xC210] =	vst v9  }
0x113: {  	v10 =	vpop (erf);
	[tilespmem:s10+$0xC250] =	vst v8  }
0x114: {  	[tilespmem:s10+$0xE200] =	vst v10;
	v7 =	vpop (erf);
	v9 =	vmul.f32 v10, v26  }
0x115: {  	v10 =	vmul.f32 v11, v19;
	[tilespmem:s10+$0xC220] =	vst v7  }
0x116: {  	v7 =	vmul.f32 v7, v16;
	[tilespmem:s10+$0xE240] =	vst v9  }
0x117: {  	p0 =	seq.s32 s13, $0x4F;
	[tilespmem:s10+$0xC270] =	vst v10  }
0x118: {  	[tilespmem:s10+$0xC260] =	vst v7;
	s10 =	sadd.s32 @!p0 $0x2, s14  }
0x119: {  	[spmem:s2] =	stream.indirect.scatter.add.f32 [tilespmem:s29], [sflag:$0x7], $0x80, s9, s30, $0xb8;
	[tilespmem:$0x1A780] =	vst v63  }
0x11a: {  	s11 =	sadd.s32 @!p0 s15, s10;
	_ =	swait.ge [sflag:s25], $0x4000  }
0x11b: {  	s11 =	sshll.u32 @!p0 s11, $0x4;
	[sflag:s25] =	ssyncset.done $0x0  }
0x11c: {  	s17 =	simm.s32 @!p0 $0x0;
	s16 =	sadd.s32 @!p0 s1, s11;
	[sflag:s25] =	ssyncadd.s32 $0xFFFFC000  }
0x11d: {  	[tilespmem:s17], [sflag:$0x5] =	stream.linear.gather @!p0 [hbm4b:s16+s17], $0x80, $0x38;
	[tilespmem:$0x1A780] =	vst v63  }
0x11e: {  	s11 =	sadd.s32 @!p0 s6, s11;
	s16 =	simm.s32 @!p0 $0x80  }
0x11f: {  	[tilespmem:s16], [sflag:$0x5] =	stream.linear.gather @!p0 [hbm4b:s11+s17], $0x80, $0x38;
	[tilespmem:$0x1A780] =	vst v63  }
0x120: {  	s11 =	simm.s32 @!p0 $0x5  }
0x121: {  	_ =	swait.ge @!p0 [sflag:s11], $0x80  }
0x122: {  	[sflag:s11] =	ssyncset.done @!p0 $0x0  }
0x123: {  	[sflag:s11] =	ssyncadd.s32 @!p0 $0xFFFFFF80  }
0x124: {  	_ =	swait.ge @!p0 [sflag:s11], $0x80  }
0x125: {  	[sflag:s11] =	ssyncset.done @!p0 $0x0  }
0x126: {  	[sflag:s11] =	ssyncadd.s32 @!p0 $0xFFFFFF80  }
0x127: {  	v7 =	vld @!p0 [tilespmem:$0x0]  }
0x128: {  	v8 =	vld @!p0 [tilespmem:$0x10]  }
0x129: {  	v9 =	vld @!p0 [tilespmem:$0x20]  }
0x12a: {  	v10 =	vld @!p0 [tilespmem:$0x30]  }
0x12b: {  	v11 =	vld @!p0 [tilespmem:$0x40]  }
0x12c: {  	v12 =	vld @!p0 [tilespmem:$0x50];
	v7 =	vadd.s32 @!p0 v0, v7  }
0x12d: {  	[tilespmem:$0x0] =	vst @!p0 v7;
	v7 =	vadd.s32 @!p0 v0, v8;
	v8 =	vld @!p0 [tilespmem:$0x60]  }
0x12e: {  	[tilespmem:$0x10] =	vst @!p0 v7;
	v7 =	vadd.s32 @!p0 v0, v9;
	v9 =	vld @!p0 [tilespmem:$0x70]  }
0x12f: {  	[tilespmem:$0x20] =	vst @!p0 v7;
	v7 =	vadd.s32 @!p0 v0, v10  }
0x130: {  	[tilespmem:$0x30] =	vst @!p0 v7;
	v7 =	vadd.s32 @!p0 v0, v11  }
0x131: {  	[tilespmem:$0x40] =	vst @!p0 v7;
	v7 =	vadd.s32 @!p0 v0, v12  }
0x132: {  	[tilespmem:$0x50] =	vst @!p0 v7;
	v7 =	vadd.s32 @!p0 v0, v8  }
0x133: {  	[tilespmem:$0x60] =	vst @!p0 v7;
	v7 =	vadd.s32 @!p0 v0, v9  }
0x134: {  	s10 =	sshll.u32 @!p0 s10, $0xA;
	s11 =	simm.s32 @!p0 $0x200;
	[tilespmem:$0x70] =	vst @!p0 v7  }
0x135: {  	[tilespmem:s11], [sflag:$0x1] =	stream.indirect.gather @!p0 [hbm4b:s5+s16], $0x80, s17, s16, $0xb8;
	[tilespmem:$0x1A780] =	vst v63  }
0x136: {  	s10 =	sadd.s32 @!p0 s20, s10;
	s11 =	simm.s32 @!p0 $0x8200  }
0x137: {  	[tilespmem:s11], [sflag:$0x3] =	stream.linear.gather @!p0 [hbm4b:s10+s17], $0x2000, $0x38;
	[tilespmem:$0x1A780] =	vst v63  }
0x138: {  	v7 =	vld [tilespmem:$0x180]  }
0x139: {  	v8 =	vld [tilespmem:$0x190]  }
0x13a: {  	v9 =	vld [tilespmem:$0x1A0]  }
0x13b: {  	v10 =	vld [tilespmem:$0x1B0]  }
0x13c: {  	v11 =	vld [tilespmem:$0x1C0]  }
0x13d: {  	v12 =	vld [tilespmem:$0x1D0];
	vm0 =	vlt.u32 v7, $0x1388  }
0x13e: {  	v13 =	vld [tilespmem:$0x1E0];
	vm9 =	vlt.u32 v8, $0x1388;
	v7 =	vnsel vm0, $0x13EC, v7  }
0x13f: {  	vm10 =	vlt.u32 v9, $0x1388;
	[tilespmem:$0x10280] =	vst v7;
	v7 =	vnsel vm9, $0x13EC, v8;
	v8 =	vld [tilespmem:$0x1F0]  }
0x140: {  	vm11 =	vlt.u32 v10, $0x1388;
	[tilespmem:$0x10290] =	vst v7;
	v7 =	vnsel vm10, $0x13EC, v9  }
0x141: {  	vm12 =	vlt.u32 v11, $0x1388;
	[tilespmem:$0x102A0] =	vst v7;
	v7 =	vnsel vm11, $0x13EC, v10  }
0x142: {  	vm13 =	vlt.u32 v12, $0x1388;
	[tilespmem:$0x102B0] =	vst v7;
	v7 =	vnsel vm12, $0x13EC, v11  }
0x143: {  	vm14 =	vlt.u32 v13, $0x1388;
	[tilespmem:$0x102C0] =	vst v7;
	v7 =	vnsel vm13, $0x13EC, v12  }
0x144: {  	[tilespmem:$0x102D0] =	vst v7;
	v7 =	vnsel vm14, $0x13EC, v13;
	vm15 =	vlt.u32 v8, $0x1388  }
0x145: {  	[tilespmem:$0x102E0] =	vst v7;
	v7 =	vnsel vm15, $0x13EC, v8  }
0x146: {  	[tilespmem:$0x102F0] =	vst v7  }
0x147: {  	_ =	swait.ge [sflag:s19], $0x4000  }
0x148: {  	[sflag:s19] =	ssyncset.done $0x0  }
0x149: {  	[sflag:s19] =	ssyncadd.s32 $0xFFFFC000  }
0x14a: {  	_ =	swait.ge [sflag:s21], $0x2000  }
0x14b: {  	[sflag:s21] =	ssyncset.done $0x0  }
0x14c: {  	s17 =	simm.s32 $0x0;
	[sflag:s21] =	ssyncadd.s32 $0xFFFFE000  }
0x14d: {  	v7 =	vld [tilespmem:s17+$0xA270]  }
0x14e: {  	v8 =	vld [tilespmem:s17+$0xA200]  }
0x14f: {  	v9 =	vld [tilespmem:s17+$0xA210]  }
0x150: {  	v10 =	vld [tilespmem:s17+$0xA220]  }
0x151: {  	v11 =	vld [tilespmem:s17+$0xA240]  }
0x152: {  	v12 =	vld [tilespmem:s17+$0xA230]  }
0x153: {  	v13 =	vld [tilespmem:s17+$0x6230]  }
0x154: {  	v14 =	vld [tilespmem:s17+$0xA250]  }
0x155: {  	v15 =	vld [tilespmem:s17+$0x4200]  }
0x156: {  	v16 =	vld [tilespmem:s17+$0x6210]  }
0x157: {  	v17 =	vld [tilespmem:s17+$0x4220]  }
0x158: {  	v18 =	vld [tilespmem:s17+$0x4230]  }
0x159: {  	v21 =	vld [tilespmem:s17+$0xA260]  }
0x15a: {  	v22 =	vld [tilespmem:s17+$0x6220]  }
0x15b: {  	v19 =	vld [tilespmem:s17+$0x6200]  }
0x15c: {  	s10 =	simm.s32 $0x80;
	v20 =	vld [tilespmem:s17+$0x4210];
	v8 =	vadd.f32 v8, v15  }
0x15d: {  	v23 =	vld [tilespmem:s10+$0xA270]  }
0x15e: {  	v24 =	vld [tilespmem:s10+$0xA210];
	v25 =	vmax.f32 v8, $0.0e+00  }
0x15f: {  	v26 =	vld [tilespmem:s10+$0xA220];
	v21 =	vadd.f32 v21, v22;
	v8 =	vmul.f32 v25, v2  }
0x160: {  	v27 =	vld [tilespmem:s10+$0xA240]  }
0x161: {  	v28 =	vld [tilespmem:s10+$0x6230];
	v29 =	vmax.f32 v21, $0.0e+00;
	v8 =	vsub.f32 v8, v3  }
0x162: {  	v30 =	vld [tilespmem:s10+$0x4200];
	v14 =	vadd.f32 v14, v16;
	v16 =	vmul.f32 v29, v2  }
0x163: {  	v53 =	vld [tilespmem:s10+$0x4230];
	v7 =	vadd.f32 v7, v13;
	v8 =	vmul.f32 $1.442695020e+00, v8  }
0x164: {  	v15 =	vld [tilespmem:s10+$0xA200];
	v9 =	vadd.f32 v9, v20;
	v31 =	vmax.f32 v14, $0.0e+00;
	v14 =	vsub.f32 v16, v5  }
0x165: {  	v22 =	vld [tilespmem:s10+$0xA230];
	v54 =	vmax.f32 v7, $0.0e+00;
	(erf) = vpow2.f32 v8;
	v8 =	vmul.f32 v31, v2  }
0x166: {  	v13 =	vld [tilespmem:s10+$0x6210];
	v37 =	vmax.f32 v9, $0.0e+00;
	v34 =	vmul.f32 v54, v2;
	v7 =	vmul.f32 $1.442695020e+00, v14  }
0x167: {  	v11 =	vadd.f32 v11, v19;
	v21 =	vld [tilespmem:s10+$0xA250];
	v9 =	vmul.f32 v37, v2;
	v8 =	vsub.f32 v8, v4  }
0x168: {  	v35 =	vld [tilespmem:s10+$0x4210];
	(erf) = vpow2.f32 v7;
	v7 =	vadd.f32 v12, v18;
	v12 =	vsub.f32 v34, v6  }
0x169: {  	s16 =	simm.s32 $0x100;
	v36 =	vld [tilespmem:s10+$0xA260];
	v38 =	vmax.f32 v11, $0.0e+00;
	v11 =	vadd.f32 v23, v28;
	v8 =	vmul.f32 $1.442695020e+00, v8  }
0x16a: {  	v55 =	vld [tilespmem:s16+$0xA200];
	v9 =	vsub.f32 v9, v4;
	v20 =	vmax.f32 v7, $0.0e+00;
	v7 =	vmul.f32 $1.442695020e+00, v12  }
0x16b: {  	v40 =	vld [tilespmem:s16+$0xA220];
	v15 =	vadd.f32 v15, v30;
	(erf) = vpow2.f32 v8;
	v8 =	vmul.f32 v20, v2  }
0x16c: {  	v16 =	vld [tilespmem:s10+$0x4220];
	v22 =	vadd.f32 v22, v53;
	v13 =	vadd.f32 v21, v13;
	(erf) = vpow2.f32 v7  }
0x16d: {  	v14 =	vld [tilespmem:s10+$0x6200];
	v7 =	vadd.f32 v10, v17;
	v10 =	vmul.f32 v38, v2;
	v8 =	vsub.f32 v8, v6  }
0x16e: {  	v19 =	vld [tilespmem:s16+$0xA270];
	v9 =	vmul.f32 $1.442695020e+00, v9;
	v21 =	vadd.f32 v24, v35;
	v13 =	vmax.f32 v13, $0.0e+00  }
0x16f: {  	v18 =	vld [tilespmem:s10+$0x6220];
	v39 =	vpop (erf);
	v28 =	vmax.f32 v7, $0.0e+00;
	v7 =	vsub.f32 v10, v3;
	v10 =	vmul.f32 $1.442695020e+00, v8  }
0x170: {  	v43 =	vmul.f32 v13, v2;
	v12 =	vld [tilespmem:s16+$0xA210];
	[tilespmem:s17+$0xC200] =	vst v39;
	v8 =	vmax.f32 v11, $0.0e+00;
	v24 =	vmul.f32 v39, v25  }
0x171: {  	v11 =	vadd.f32 v26, v16;
	v41 =	vld [tilespmem:s16+$0xA240];
	(erf) = vpow2.f32 v10;
	v10 =	vmul.f32 $1.442695020e+00, v7  }
0x172: {  	v14 =	vadd.f32 v27, v14;
	v17 =	vpop (erf);
	v42 =	vld [tilespmem:s16+$0xA230];
	(erf) = vpow2.f32 v9;
	v9 =	vmul.f32 v28, v2  }
0x173: {  	v23 =	vld [tilespmem:s16+$0x6230];
	v16 =	vmul.f32 v8, v2;
	[tilespmem:s17+$0xE220] =	vst v17;
	v7 =	vmax.f32 v11, $0.0e+00;
	v11 =	vmax.f32 v15, $0.0e+00  }
0x174: {  	v30 =	vld [tilespmem:s16+$0xA250];
	v15 =	vadd.f32 v36, v18;
	v26 =	vpop (erf);
	(erf) = vpow2.f32 v10;
	v9 =	vsub.f32 v9, v5  }
0x175: {  	v60 =	vmul.f32 v17, v29;
	v56 =	vld [tilespmem:s16+$0x4200];
	v10 =	vmax.f32 v21, $0.0e+00;
	v21 =	vmul.f32 v11, v2;
	[tilespmem:s17+$0xE210] =	vst v26;
	v18 =	vpop (erf)  }
0x176: {  	v16 =	vsub.f32 v16, v6;
	v15 =	vmax.f32 v15, $0.0e+00;
	v57 =	vld [tilespmem:s16+$0x6210];
	[tilespmem:s17+$0xE230] =	vst v18;
	v27 =	vmul.f32 $1.442695020e+00, v9  }
0x177: {  	v25 =	vmul.f32 v10, v2;
	v31 =	vmul.f32 v26, v31;
	v58 =	vld [tilespmem:s16+$0x4220];
	[tilespmem:s17+$0xC240] =	vst v24;
	v24 =	vsub.f32 v21, v3  }
0x178: {  	v9 =	vmax.f32 v14, $0.0e+00;
	v14 =	vmul.f32 v15, v2;
	(erf) = vpow2.f32 v27  }
0x179: {  	v33 =	vmul.f32 v18, v54;
	v21 =	vsub.f32 v25, v4;
	v24 =	vmul.f32 $1.442695020e+00, v24  }
0x17a: {  	v26 =	vmul.f32 $1.442695020e+00, v16;
	v25 =	vsub.f32 v43, v4;
	v14 =	vsub.f32 v14, v5  }
0x17b: {  	v19 =	vadd.f32 v19, v23;
	v59 =	vld [tilespmem:s16+$0x4230];
	v27 =	vmul.f32 v9, v2;
	[tilespmem:s17+$0xE270] =	vst v33;
	v18 =	vpop (erf);
	(erf) = vpow2.f32 v24  }
0x17c: {  	v44 =	vld [tilespmem:s16+$0x6200];
	v46 =	vmul.f32 $1.442695020e+00, v25;
	v61 =	vmul.f32 $1.442695020e+00, v14;
	v14 =	vmax.f32 v22, $0.0e+00;
	v17 =	vpop (erf)  }
0x17d: {  	v22 =	vsub.f32 v27, v3;
	v23 =	vmul.f32 v14, v2;
	v24 =	vadd.f32 v55, v56;
	[tilespmem:s17+$0xC210] =	vst v17;
	v45 =	vpop (erf)  }
0x17e: {  	v25 =	vmul.f32 v18, v20;
	v37 =	vmul.f32 v17, v37;
	v17 =	vmax.f32 v19, $0.0e+00;
	v29 =	vld [tilespmem:s16+$0x4210];
	[tilespmem:s17+$0xE200] =	vst v45  }
0x17f: {  	v62 =	vadd.f32 v40, v58;
	(erf) = vpow2.f32 v61;
	v16 =	vsub.f32 v23, v6;
	v27 =	vld [tilespmem:s16+$0xA260];
	[tilespmem:s17+$0xE250] =	vst v31  }
0x180: {  	v23 =	vadd.f32 v30, v57;
	v20 =	vmul.f32 v17, v2;
	v19 =	vadd.f32 v42, v59;
	v30 =	vld [tilespmem:s16+$0x6220];
	[tilespmem:s17+$0xE260] =	vst v60  }
0x181: {  	(erf) = vpow2.f32 v46;
	v33 =	vadd.f32 v41, v44;
	v31 =	vmul.f32 v45, v38;
	[tilespmem:s17+$0xC250] =	vst v37;
	v63 =	vpop (erf)  }
0x182: {  	s31 =	simm.s32 $0x600;
	v32 =	vmul.f32 $1.442695020e+00, v16;
	v16 =	vmax.f32 v62, $0.0e+00;
	[tilespmem:s17+$0xC220] =	vst v63;
	v28 =	vmul.f32 v63, v28  }
.LBB2_7:
0x183: {  	s11 =	sshra.s32 s31, $0x2;
	p1 =	sne.s32 s31, $0x7E00;
	s31 =	sadd.s32 $0x200, s31;
	v29 =	vadd.f32 v12, v29;
	v21 =	vmul.f32 $1.442695020e+00, v21;
	(erf) = vpow2.f32 v26;
	[tilespmem:s17+$0xE240] =	vst v31;
	v26 =	vmovc v8;
	v8 =	vmovc v17  }
0x184: {  	v31 =	vmul.f32 v7, v2;
	v17 =	vld [tilespmem:s11+$0xA270];
	v33 =	vmax.f32 v33, $0.0e+00;
	v34 =	vpop (erf);
	(erf) = vpow2.f32 v32;
	[tilespmem:s17+$0xC270] =	vst v25  }
0x185: {  	v24 =	vmax.f32 v24, $0.0e+00;
	v22 =	vmul.f32 $1.442695020e+00, v22;
	v35 =	vmovc v7;
	v7 =	vmovc v16;
	v25 =	vld [tilespmem:s11+$0xA200];
	v27 =	vadd.f32 v27, v30;
	[tilespmem:s17+$0xC230] =	vst v18  }
0x186: {  	v16 =	vmax.f32 v29, $0.0e+00;
	v18 =	vsub.f32 v31, v5;
	v12 =	vld [tilespmem:s11+$0xA210];
	(erf) = vpow2.f32 v21;
	[tilespmem:s17+$0xC260] =	vst v28;
	s17 =	smov.u32 s10;
	s10 =	smov.u32 s16;
	s16 =	smov.u32 s11  }
0x187: {  	v21 =	vmul.f32 v24, v2;
	v28 =	vld [tilespmem:s16+$0xA220];
	v36 =	vmax.f32 v27, $0.0e+00;
	[tilespmem:s17+$0xC200] =	vst v34;
	(erf) = vpow2.f32 v22  }
0x188: {  	v38 =	vmax.f32 v23, $0.0e+00;
	v22 =	vmul.f32 v16, v2;
	v18 =	vmul.f32 $1.442695020e+00, v18;
	v37 =	vld [tilespmem:s16+$0xA240]  }
0x189: {  	v27 =	vmul.f32 v33, v2;
	v23 =	vsub.f32 v21, v3;
	v40 =	vmul.f32 v36, v2;
	v32 =	vld [tilespmem:s16+$0xA230];
	v30 =	vpop (erf)  }
0x18a: {  	v41 =	vmul.f32 v38, v2;
	v21 =	vsub.f32 v22, v4;
	v31 =	vld [tilespmem:s16+$0x6230];
	[tilespmem:s17+$0xE220] =	vst v30;
	(erf) = vpow2.f32 v18  }
0x18b: {  	v23 =	vmul.f32 $1.442695020e+00, v23;
	v43 =	vsub.f32 v40, v5;
	v15 =	vmul.f32 v30, v15;
	v39 =	vld [tilespmem:s16+$0xA250];
	v29 =	vpop (erf)  }
0x18c: {  	v46 =	vsub.f32 v20, v6;
	v45 =	vmul.f32 v34, v11;
	v40 =	vsub.f32 v41, v4;
	v30 =	vld [tilespmem:s16+$0x4200];
	[tilespmem:s17+$0xE210] =	vst v29;
	v22 =	vpop (erf)  }
0x18d: {  	v41 =	vmax.f32 v19, $0.0e+00;
	v19 =	vmul.f32 $1.442695020e+00, v43;
	v34 =	vld [tilespmem:s16+$0x6210];
	[tilespmem:s17+$0xE230] =	vst v22;
	v42 =	vmul.f32 v22, v26;
	v18 =	vpop (erf)  }
0x18e: {  	v11 =	vmovc v24;
	v44 =	vmul.f32 v41, v2;
	v22 =	vsub.f32 v27, v3;
	v43 =	vld [tilespmem:s16+$0x4220];
	(erf) = vpow2.f32 v23;
	[tilespmem:s17+$0xC240] =	vst v45  }
0x18f: {  	v40 =	vmul.f32 $1.442695020e+00, v40;
	v26 =	vmul.f32 $1.442695020e+00, v46;
	v45 =	vld [tilespmem:s16+$0x4230];
	v17 =	vadd.f32 v17, v31;
	[tilespmem:s17+$0xE270] =	vst v42;
	v20 =	vpop (erf)  }
0x190: {  	v13 =	vmul.f32 v29, v13;
	v42 =	vld [tilespmem:s16+$0x6200];
	[tilespmem:s17+$0xC210] =	vst v20;
	v46 =	vmul.f32 v20, v10;
	v20 =	vpop (erf);
	v10 =	vmov v16  }
.Ltmp4:
0x191: {  	v16 =	vsub.f32 v44, v6;
	v24 =	vadd.f32 v25, v30;
	v29 =	vld [tilespmem:s16+$0x4210];
	v25 =	vmul.f32 v18, v14;
	[tilespmem:s17+$0xE200] =	vst v20;
	(pc) =	sbr.rel @p1 .LBB2_7-.Ltmp4, $4  }
0x192: {  	v17 =	vmax.f32 v17, $0.0e+00;
	v31 =	vmul.f32 v20, v9;
	v9 =	vmovc v33;
	v23 =	vadd.f32 v39, v34;
	v27 =	vld [tilespmem:s16+$0xA260];
	[tilespmem:s17+$0xE250] =	vst v13  }
0x193: {  	v20 =	vmul.f32 v17, v2;
	v34 =	vadd.f32 v28, v43;
	v30 =	vld [tilespmem:s16+$0x6220];
	(erf) = vpow2.f32 v19;
	[tilespmem:s17+$0xE260] =	vst v15;
	v14 =	vpop (erf)  }
0x194: {  	v15 =	vmovc v36;
	v19 =	vadd.f32 v32, v45;
	v32 =	vmul.f32 $1.442695020e+00, v16;
	[tilespmem:s17+$0xC220] =	vst v14;
	v28 =	vmul.f32 v14, v35  }
0x195: {  	v13 =	vmovc v38;
	v14 =	vmovc v41;
	v16 =	vmax.f32 v34, $0.0e+00;
	v33 =	vadd.f32 v37, v42;
	(erf) = vpow2.f32 v40;
	[tilespmem:s17+$0xC250] =	vst v46  }
0x196: {  	_ = 	snop  }
0x197: {  	v12 =	vadd.f32 v12, v29;
	v21 =	vmul.f32 $1.442695020e+00, v21;
	(erf) = vpow2.f32 v26  }
0x198: {  	v61 =	vmul.f32 v7, v2;
	v24 =	vmax.f32 v24, $0.0e+00;
	v22 =	vmul.f32 $1.442695020e+00, v22;
	[tilespmem:s17+$0xE240] =	vst v31  }
0x199: {  	[tilespmem:s17+$0xC270] =	vst v25;
	v34 =	vmax.f32 v23, $0.0e+00;
	v55 =	vmul.f32 v16, v2;
	(erf) = vpow2.f32 v32  }
0x19a: {  	[tilespmem:s17+$0xC230] =	vst v18;
	v62 =	vmul.f32 v24, v2;
	v36 =	vpop (erf);
	v27 =	vadd.f32 v27, v30;
	v29 =	vsub.f32 v61, v5  }
0x19b: {  	[tilespmem:s17+$0xC260] =	vst v28;
	v19 =	vmax.f32 v19, $0.0e+00;
	v40 =	vmul.f32 v34, v2;
	v11 =	vmul.f32 v36, v11  }
0x19c: {  	(erf) = vpow2.f32 v21;
	[tilespmem:s10+$0xC200] =	vst v36;
	v63 =	vmax.f32 v27, $0.0e+00;
	v35 =	vmul.f32 $1.442695020e+00, v29  }
0x19d: {  	(erf) = vpow2.f32 v22;
	v21 =	vsub.f32 v62, v3;
	[tilespmem:s10+$0xC240] =	vst v11;
	v38 =	vmul.f32 v63, v2;
	v39 =	vpop (erf)  }
0x19e: {  	v26 =	vmax.f32 v33, $0.0e+00;
	(erf) = vpow2.f32 v35;
	[tilespmem:s10+$0xE220] =	vst v39;
	v15 =	vmul.f32 v39, v15;
	v42 =	vpop (erf)  }
0x19f: {  	v46 =	vmul.f32 v19, v2;
	v12 =	vmax.f32 v12, $0.0e+00;
	v21 =	vmul.f32 $1.442695020e+00, v21;
	[tilespmem:s10+$0xE210] =	vst v42  }
0x1a0: {  	v37 =	vmul.f32 v26, v2;
	v41 =	vsub.f32 v38, v5;
	v44 =	vpop (erf);
	v48 =	vmul.f32 v42, v13;
	[tilespmem:s10+$0xE260] =	vst v15  }
0x1a1: {  	v43 =	vsub.f32 v40, v4;
	(erf) = vpow2.f32 v21;
	[tilespmem:s10+$0xE230] =	vst v44;
	v8 =	vmul.f32 v44, v8  }
0x1a2: {  	v20 =	vsub.f32 v20, v6;
	v33 =	vmul.f32 v12, v2;
	v23 =	vmul.f32 $1.442695020e+00, v41;
	v45 =	vpop (erf);
	[tilespmem:s10+$0xE250] =	vst v48  }
0x1a3: {  	v50 =	vsub.f32 v46, v6;
	v47 =	vmul.f32 $1.442695020e+00, v43;
	v14 =	vmul.f32 v45, v14;
	[tilespmem:s10+$0xC230] =	vst v45  }
0x1a4: {  	v20 =	vmul.f32 $1.442695020e+00, v20;
	v18 =	vsub.f32 v33, v4;
	(erf) = vpow2.f32 v23;
	[tilespmem:s10+$0xE270] =	vst v8  }
0x1a5: {  	v53 =	vmul.f32 $1.442695020e+00, v50;
	(erf) = vpow2.f32 v47;
	[tilespmem:s10+$0xC270] =	vst v14;
	v8 =	vpop (erf)  }
0x1a6: {  	v51 =	vsub.f32 v37, v3;
	v54 =	vmul.f32 $1.442695020e+00, v18;
	[tilespmem:s10+$0xC210] =	vst v8;
	v8 =	vmul.f32 v8, v10;
	v49 =	vpop (erf)  }
0x1a7: {  	[tilespmem:s10+$0xE200] =	vst v49;
	v9 =	vmul.f32 v49, v9;
	v52 =	vpop (erf);
	(erf) = vpow2.f32 v20  }
0x1a8: {  	v56 =	vsub.f32 v55, v5;
	[tilespmem:s10+$0xC250] =	vst v8;
	(erf) = vpow2.f32 v53;
	v8 =	vmul.f32 $1.442695020e+00, v51  }
0x1a9: {  	[tilespmem:s10+$0xC220] =	vst v52;
	v7 =	vmul.f32 v52, v7;
	(erf) = vpow2.f32 v54  }
0x1aa: {  	v57 =	vpop (erf);
	[tilespmem:s10+$0xE240] =	vst v9;
	(erf) = vpow2.f32 v8;
	v8 =	vmul.f32 $1.442695020e+00, v56  }
0x1ab: {  	v9 =	vmul.f32 v57, v24;
	[tilespmem:s10+$0xC260] =	vst v7  }
0x1ac: {  	[tilespmem:s16+$0xC200] =	vst v57  }
0x1ad: {  	[tilespmem:s16+$0xC240] =	vst v9;
	v7 =	vpop (erf)  }
0x1ae: {  	(erf) = vpow2.f32 v8;
	[tilespmem:s16+$0xE220] =	vst v7;
	v7 =	vmul.f32 v7, v63;
	v8 =	vpop (erf)  }
0x1af: {  	[tilespmem:s16+$0xE210] =	vst v8  }
0x1b0: {  	v8 =	vmul.f32 v8, v34;
	[tilespmem:s16+$0xE260] =	vst v7;
	v58 =	vpop (erf)  }
0x1b1: {  	[tilespmem:s16+$0xE230] =	vst v58  }
0x1b2: {  	v10 =	vmul.f32 v58, v17;
	v59 =	vpop (erf);
	[tilespmem:s16+$0xE250] =	vst v8  }
0x1b3: {  	[tilespmem:s16+$0xC230] =	vst v59  }
0x1b4: {  	v60 =	vpop (erf);
	[tilespmem:s16+$0xE270] =	vst v10  }
0x1b5: {  	v63 =	vmul.f32 v59, v19;
	[tilespmem:s16+$0xC210] =	vst v60;
	v61 =	vpop (erf)  }
0x1b6: {  	v8 =	vmul.f32 v60, v12;
	[tilespmem:s16+$0xE200] =	vst v61  }
0x1b7: {  	[tilespmem:s16+$0xC270] =	vst v63  }
0x1b8: {  	v62 =	vmul.f32 v61, v26;
	v7 =	vpop (erf);
	[tilespmem:s16+$0xC250] =	vst v8  }
0x1b9: {  	[tilespmem:s16+$0xC220] =	vst v7;
	v7 =	vmul.f32 v7, v16  }
0x1ba: {  	[tilespmem:s16+$0xE240] =	vst v62  }
.Ltmp5:
0x1bb: {  	[tilespmem:s16+$0xC260] =	vst v7;
	(pc) =	sbr.rel @p0 .LBB2_10-.Ltmp5, $4  }
0x1bc: {  	[spmem:s2] =	stream.indirect.scatter.add.f32 [tilespmem:s29], [sflag:$0x7], $0x80, s22, s30, $0xb8;
	[tilespmem:$0x1A780] =	vst v63  }
0x1bd: {  	_ =	swait.ge [sflag:s25], $0x4000  }
0x1be: {  	[sflag:s25] =	ssyncset.done $0x0  }
0x1bf: {  	[sflag:s25] =	ssyncadd.s32 $0xFFFFC000  }
0x1c0: {  	s10 =	sadd.s32 s14, s18  }
.Ltmp6:
0x1c1: {  	s10 =	sshll.u32 s10, $0x4;
	(pc) =	sbr.rel .LBB2_4-.Ltmp6, $4  }
0x1c2: {  	s11 =	sadd.s32 s1, s10  }
0x1c3: {  	[tilespmem:s26], [sflag:$0x6] =	stream.linear.gather [hbm4b:s11+s4], $0x80, $0x38;
	[tilespmem:$0x1A780] =	vst v63  }
0x1c4: {  	s13 =	sadd.s32 $0x1, s13;
	s10 =	sadd.s32 s6, s10  }
0x1c5: {  	[tilespmem:s28], [sflag:$0x6] =	stream.linear.gather [hbm4b:s10+s4], $0x80, $0x38;
	[tilespmem:$0x1A780] =	vst v63  }
.LBB2_10:
0x1c6: {  	s10 =	stileid.u32;
	[bflag:$0x0] =	sbarrier.arrive $0xFFFF  }
0x1c7: {  	s10 =	sshll.u32 s10, $0x6;
	s17 =	rddreg [dreg:$0x7]  }
0x1c8: {  	s31 =	rddreg [dreg:$0xe];
	s11 =	sor.u32 $0x1C07, s10  }
0x1c9: {  	s12 =	sshrl.u32 s17, $0x3;
	[dreg:$0x12] =	wrdreg s11  }
0x1ca: {  	[dreg:$0x13] =	wrdreg s12  }
0x1cb: {  	[hbm:s31], [sflag:s11] =	dma.local [spmem:s12], $0x1400  }
0x1cc: {  	_ =	swait.ge [sflag:s25], $0x1400  }
0x1cd: {  	[sflag:s25] =	ssyncset.done $0x0  }
0x1ce: {  	[sflag:s25] =	ssyncadd.s32 $0xFFFFEC00  }
0x1cf: {  	s10 =	simm.s32 $0x0;
	s12 =	simm.s32 $0x200;
	[bflag:$0x0] =	sbarrier.arrive $0xFFFF  }
.LBB2_11:
0x1d0: {  	p0 =	sne.s32 s12, $0xFE00;
	[tilespmem:s10+$0xC270] =	vst v1  }
0x1d1: {  	[tilespmem:s10+$0xC200] =	vst v1  }
0x1d2: {  	[tilespmem:s10+$0xC210] =	vst v1  }
.Ltmp7:
0x1d3: {  	[tilespmem:s10+$0xC220] =	vst v1;
	(pc) =	sbr.rel @p0 .LBB2_11-.Ltmp7, $4  }
0x1d4: {  	[tilespmem:s10+$0xC230] =	vst v1  }
0x1d5: {  	[tilespmem:s10+$0xC240] =	vst v1  }
0x1d6: {  	[tilespmem:s10+$0xC250] =	vst v1  }
0x1d7: {  	[tilespmem:s10+$0xC260] =	vst v1;
	s10 =	sshra.s32 s12, $0x2;
	s12 =	sadd.s32 $0x200, s12  }
0x1d8: {  	[tilespmem:s10+$0xC270] =	vst v1  }
0x1d9: {  	[tilespmem:s10+$0xC200] =	vst v1  }
0x1da: {  	[tilespmem:s10+$0xC210] =	vst v1  }
0x1db: {  	[tilespmem:s10+$0xC220] =	vst v1  }
0x1dc: {  	[tilespmem:s10+$0xC230] =	vst v1  }
0x1dd: {  	[tilespmem:s10+$0xC240] =	vst v1  }
0x1de: {  	[tilespmem:s10+$0xC250] =	vst v1  }
0x1df: {  	[tilespmem:s10+$0xC260] =	vst v1;
	s14 =	rddreg [dreg:$0x7]  }
0x1e0: {  	[spmem:s14] =	stream.linear.scatter [tilespmem:s29], [sflag:$0x7], $0x4000, $0x38;
	[tilespmem:$0x1A780] =	vst v63  }
0x1e1: {  	_ =	swait.ge [sflag:s25], $0x4000  }
0x1e2: {  	[sflag:s25] =	ssyncset.done $0x0  }
0x1e3: {  	s16 =	rddreg [dreg:$0x8];
	[sflag:s25] =	ssyncadd.s32 $0xFFFFC000  }
0x1e4: {  	[spmem:s16] =	stream.linear.scatter [tilespmem:s29], [sflag:$0x7], $0x4000, $0x38;
	[tilespmem:$0x1A780] =	vst v63  }
0x1e5: {  	_ =	swait.ge [sflag:s25], $0x4000  }
0x1e6: {  	[sflag:s25] =	ssyncset.done $0x0  }
0x1e7: {  	s17 =	rddreg [dreg:$0x9];
	[sflag:s25] =	ssyncadd.s32 $0xFFFFC000  }
0x1e8: {  	[spmem:s17] =	stream.linear.scatter [tilespmem:s29], [sflag:$0x7], $0x2000, $0x38;
	[tilespmem:$0x1A780] =	vst v63  }
0x1e9: {  	_ =	swait.ge [sflag:s25], $0x2000  }
0x1ea: {  	[sflag:s25] =	ssyncset.done $0x0  }
0x1eb: {  	[sflag:s25] =	ssyncadd.s32 $0xFFFFE000  }
0x1ec: {  	[bflag:$0x0] =	sbarrier.arrive $0xFFFF  }
0x1ed: {  	s14 =	simm.s32 $0x0;
	s31 =	rddreg [dreg:$0xa]  }
0x1ee: {  	[tilespmem:s14], [sflag:$0x5] =	stream.linear.gather [hbm4b:s31+s14], $0x80, $0x38;
	[tilespmem:$0x1A780] =	vst v63  }
0x1ef: {  	s12 =	simm.s32 $0x5;
	s11 =	rddreg [dreg:$0xb]  }
0x1f0: {  	[tilespmem:s30], [sflag:$0x5] =	stream.linear.gather [hbm4b:s11+s14], $0x80, $0x38;
	[tilespmem:$0x1A780] =	vst v63  }
0x1f1: {  	_ =	swait.ge [sflag:s12], $0x80  }
0x1f2: {  	[sflag:s12] =	ssyncset.done $0x0  }
0x1f3: {  	[sflag:s12] =	ssyncadd.s32 $0xFFFFFF80  }
0x1f4: {  	_ =	swait.ge [sflag:s12], $0x80  }
0x1f5: {  	[sflag:s12] =	ssyncset.done $0x0  }
0x1f6: {  	[sflag:s12] =	ssyncadd.s32 $0xFFFFFF80  }
0x1f7: {  	v7 =	vld [tilespmem:$0x0]  }
0x1f8: {  	v8 =	vld [tilespmem:$0x10]  }
0x1f9: {  	v9 =	vld [tilespmem:$0x20]  }
0x1fa: {  	v10 =	vld [tilespmem:$0x30]  }
0x1fb: {  	v11 =	vld [tilespmem:$0x40]  }
0x1fc: {  	v12 =	vld [tilespmem:$0x50];
	v7 =	vadd.s32 v0, v7  }
0x1fd: {  	[tilespmem:$0x0] =	vst v7;
	v7 =	vadd.s32 v0, v8;
	v8 =	vld [tilespmem:$0x60]  }
0x1fe: {  	v63 =	vld [tilespmem:$0x70];
	[tilespmem:$0x10] =	vst v7;
	v7 =	vadd.s32 v0, v9  }
0x1ff: {  	[tilespmem:$0x20] =	vst v7;
	v7 =	vadd.s32 v0, v10  }
0x200: {  	[tilespmem:$0x30] =	vst v7;
	v7 =	vadd.s32 v0, v11  }
0x201: {  	[tilespmem:$0x40] =	vst v7;
	v7 =	vadd.s32 v0, v12  }
0x202: {  	[tilespmem:$0x50] =	vst v7;
	v7 =	vadd.s32 v0, v8  }
0x203: {  	[tilespmem:$0x60] =	vst v7;
	v7 =	vadd.s32 v0, v63  }
0x204: {  	s13 =	simm.s32 $0x200;
	[tilespmem:$0x70] =	vst v7  }
0x205: {  	[tilespmem:s13], [sflag:$0x1] =	stream.indirect.gather [hbm4b:s5+s30], $0x80, s14, s30, $0xb8;
	[tilespmem:$0x1A780] =	vst v63  }
0x206: {  	s16 =	simm.s32 $0x8200  }
0x207: {  	[tilespmem:s16], [sflag:$0x3] =	stream.linear.gather [hbm4b:s20+s14], $0x2000, $0x38;
	[tilespmem:$0x1A780] =	vst v63  }
0x208: {  	s17 =	rddreg [dreg:$0xc]  }
0x209: {  	[tilespmem:s26], [sflag:$0x6] =	stream.linear.gather [hbm4b:s17+s14], $0x80, $0x38;
	[tilespmem:$0x1A780] =	vst v63  }
0x20a: {  	s31 =	rddreg [dreg:$0xd];
	s16 =	simm.s32 $0x0  }
0x20b: {  	[tilespmem:s28], [sflag:$0x6] =	stream.linear.gather [hbm4b:s31+s14], $0x80, $0x38;
	[tilespmem:$0x1A780] =	vst v63  }
.LBB2_13:
0x20c: {  	_ =	swait.ge [sflag:s3], $0x80  }
0x20d: {  	[sflag:s3] =	ssyncset.done $0x0  }
0x20e: {  	[sflag:s3] =	ssyncadd.s32 $0xFFFFFF80  }
0x20f: {  	_ =	swait.ge [sflag:s3], $0x80  }
0x210: {  	[sflag:s3] =	ssyncset.done $0x0  }
0x211: {  	[sflag:s3] =	ssyncadd.s32 $0xFFFFFF80  }
0x212: {  	v7 =	vld [tilespmem:$0x100]  }
0x213: {  	v8 =	vld [tilespmem:$0x110]  }
0x214: {  	v9 =	vld [tilespmem:$0x120]  }
0x215: {  	v10 =	vld [tilespmem:$0x130]  }
0x216: {  	v11 =	vld [tilespmem:$0x140]  }
0x217: {  	v12 =	vld [tilespmem:$0x150];
	v7 =	vadd.s32 v0, v7  }
0x218: {  	[tilespmem:$0x100] =	vst v7;
	v7 =	vadd.s32 v0, v8;
	v8 =	vld [tilespmem:$0x160]  }
0x219: {  	[tilespmem:$0x110] =	vst v7;
	v7 =	vadd.s32 v0, v9;
	v9 =	vld [tilespmem:$0x170]  }
0x21a: {  	[tilespmem:$0x120] =	vst v7;
	v7 =	vadd.s32 v0, v10  }
0x21b: {  	[tilespmem:$0x130] =	vst v7;
	v7 =	vadd.s32 v0, v11  }
0x21c: {  	[tilespmem:$0x140] =	vst v7;
	v7 =	vadd.s32 v0, v12  }
0x21d: {  	[tilespmem:$0x150] =	vst v7;
	v7 =	vadd.s32 v0, v8  }
0x21e: {  	[tilespmem:$0x160] =	vst v7;
	v7 =	vadd.s32 v0, v9  }
0x21f: {  	s10 =	sshll.u32 s16, $0xB;
	[tilespmem:$0x170] =	vst v7  }
0x220: {  	[tilespmem:s0], [sflag:$0x2] =	stream.indirect.gather [hbm4b:s5+s30], $0x80, s26, s30, $0xb8;
	[tilespmem:$0x1A780] =	vst v63  }
0x221: {  	s10 =	sadd.s32 s23, s10  }
0x222: {  	[tilespmem:s24], [sflag:$0x4] =	stream.linear.gather [hbm4b:s10+s14], $0x2000, $0x38;
	[tilespmem:$0x1A780] =	vst v63  }
0x223: {  	v7 =	vld [tilespmem:$0x80]  }
0x224: {  	v8 =	vld [tilespmem:$0x90]  }
0x225: {  	v9 =	vld [tilespmem:$0xA0]  }
0x226: {  	v10 =	vld [tilespmem:$0xB0]  }
0x227: {  	v11 =	vld [tilespmem:$0xC0]  }
0x228: {  	v12 =	vld [tilespmem:$0xD0];
	v7 =	vadd.s32 $0xFFFFEC78, v7  }
0x229: {  	v13 =	vld [tilespmem:$0xE0];
	v8 =	vadd.s32 $0xFFFFEC78, v8;
	vm0 =	vlt.u32 v7, $0x1388  }
0x22a: {  	v14 =	vld [tilespmem:$0xF0];
	v9 =	vadd.s32 $0xFFFFEC78, v9;
	vm9 =	vlt.u32 v8, $0x1388;
	v7 =	vnsel vm0, $0x13EC, v7  }
0x22b: {  	vm10 =	vlt.u32 v9, $0x1388;
	[tilespmem:$0x10200] =	vst v7;
	v7 =	vnsel vm9, $0x13EC, v8;
	v8 =	vadd.s32 $0xFFFFEC78, v10  }
0x22c: {  	[tilespmem:$0x10210] =	vst v7;
	v7 =	vnsel vm10, $0x13EC, v9;
	vm11 =	vlt.u32 v8, $0x1388;
	v9 =	vadd.s32 $0xFFFFEC78, v11  }
0x22d: {  	[tilespmem:$0x10220] =	vst v7;
	v7 =	vnsel vm11, $0x13EC, v8;
	vm12 =	vlt.u32 v9, $0x1388;
	v8 =	vadd.s32 $0xFFFFEC78, v12  }
0x22e: {  	[tilespmem:$0x10230] =	vst v7;
	v7 =	vnsel vm12, $0x13EC, v9;
	vm13 =	vlt.u32 v8, $0x1388;
	v9 =	vadd.s32 $0xFFFFEC78, v13  }
0x22f: {  	[tilespmem:$0x10240] =	vst v7;
	v7 =	vnsel vm13, $0x13EC, v8;
	vm14 =	vlt.u32 v9, $0x1388;
	v8 =	vadd.s32 $0xFFFFEC78, v14  }
0x230: {  	[tilespmem:$0x10250] =	vst v7;
	v7 =	vnsel vm14, $0x13EC, v9;
	vm15 =	vlt.u32 v8, $0x1388  }
0x231: {  	[tilespmem:$0x10260] =	vst v7;
	v7 =	vnsel vm15, $0x13EC, v8  }
0x232: {  	[tilespmem:$0x10270] =	vst v7  }
0x233: {  	_ =	swait.ge [sflag:s7], $0x4000  }
0x234: {  	[sflag:s7] =	ssyncset.done $0x0  }
0x235: {  	[sflag:s7] =	ssyncadd.s32 $0xFFFFC000  }
0x236: {  	_ =	swait.ge [sflag:s8], $0x2000  }
0x237: {  	[sflag:s8] =	ssyncset.done $0x0  }
0x238: {  	s12 =	simm.s32 $0x0;
	[sflag:s8] =	ssyncadd.s32 $0xFFFFE000  }
0x239: {  	v7 =	vld [tilespmem:s12+$0x8270]  }
0x23a: {  	v8 =	vld [tilespmem:s12+$0x8200]  }
0x23b: {  	v9 =	vld [tilespmem:s12+$0x8210]  }
0x23c: {  	v10 =	vld [tilespmem:s12+$0x8220]  }
0x23d: {  	v11 =	vld [tilespmem:s12+$0x8240]  }
0x23e: {  	v12 =	vld [tilespmem:s12+$0x8230]  }
0x23f: {  	v13 =	vld [tilespmem:s12+$0x2230]  }
0x240: {  	v14 =	vld [tilespmem:s12+$0x8250]  }
0x241: {  	v15 =	vld [tilespmem:s12+$0x200]  }
0x242: {  	v16 =	vld [tilespmem:s12+$0x2210]  }
0x243: {  	v17 =	vld [tilespmem:s12+$0x220]  }
0x244: {  	v18 =	vld [tilespmem:s12+$0x230]  }
0x245: {  	v21 =	vld [tilespmem:s12+$0x8260]  }
0x246: {  	v22 =	vld [tilespmem:s12+$0x2220]  }
0x247: {  	v19 =	vld [tilespmem:s12+$0x2200]  }
0x248: {  	s10 =	simm.s32 $0x80;
	v20 =	vld [tilespmem:s12+$0x210];
	v8 =	vadd.f32 v8, v15  }
0x249: {  	v23 =	vld [tilespmem:s10+$0x8270]  }
0x24a: {  	v24 =	vld [tilespmem:s10+$0x8210];
	v25 =	vmax.f32 v8, $0.0e+00  }
0x24b: {  	v26 =	vld [tilespmem:s10+$0x8220];
	v21 =	vadd.f32 v21, v22;
	v8 =	vmul.f32 v25, v2  }
0x24c: {  	v27 =	vld [tilespmem:s10+$0x8240]  }
0x24d: {  	v28 =	vld [tilespmem:s10+$0x2230];
	v29 =	vmax.f32 v21, $0.0e+00;
	v8 =	vsub.f32 v8, v3  }
0x24e: {  	v30 =	vld [tilespmem:s10+$0x200];
	v14 =	vadd.f32 v14, v16;
	v16 =	vmul.f32 v29, v2  }
0x24f: {  	v32 =	vld [tilespmem:s10+$0x230];
	v7 =	vadd.f32 v7, v13;
	v8 =	vmul.f32 $1.442695020e+00, v8  }
0x250: {  	v15 =	vld [tilespmem:s10+$0x8200];
	v9 =	vadd.f32 v9, v20;
	v31 =	vmax.f32 v14, $0.0e+00;
	v14 =	vsub.f32 v16, v5  }
0x251: {  	v22 =	vld [tilespmem:s10+$0x8230];
	v33 =	vmax.f32 v7, $0.0e+00;
	(erf) = vpow2.f32 v8;
	v8 =	vmul.f32 v31, v2  }
0x252: {  	v13 =	vld [tilespmem:s10+$0x2210];
	v37 =	vmax.f32 v9, $0.0e+00;
	v34 =	vmul.f32 v33, v2;
	v7 =	vmul.f32 $1.442695020e+00, v14  }
0x253: {  	v11 =	vadd.f32 v11, v19;
	v21 =	vld [tilespmem:s10+$0x8250];
	v9 =	vmul.f32 v37, v2;
	v8 =	vsub.f32 v8, v4  }
0x254: {  	v35 =	vld [tilespmem:s10+$0x210];
	(erf) = vpow2.f32 v7;
	v7 =	vadd.f32 v12, v18;
	v12 =	vsub.f32 v34, v6  }
0x255: {  	s31 =	simm.s32 $0x100;
	v36 =	vld [tilespmem:s10+$0x8260];
	v38 =	vmax.f32 v11, $0.0e+00;
	v11 =	vadd.f32 v23, v28;
	v8 =	vmul.f32 $1.442695020e+00, v8  }
0x256: {  	v55 =	vld [tilespmem:s31+$0x8200];
	v9 =	vsub.f32 v9, v4;
	v20 =	vmax.f32 v7, $0.0e+00;
	v7 =	vmul.f32 $1.442695020e+00, v12  }
0x257: {  	v40 =	vld [tilespmem:s31+$0x8220];
	v15 =	vadd.f32 v15, v30;
	(erf) = vpow2.f32 v8;
	v8 =	vmul.f32 v20, v2  }
0x258: {  	v16 =	vld [tilespmem:s10+$0x220];
	v22 =	vadd.f32 v22, v32;
	v13 =	vadd.f32 v21, v13;
	(erf) = vpow2.f32 v7  }
0x259: {  	v14 =	vld [tilespmem:s10+$0x2200];
	v7 =	vadd.f32 v10, v17;
	v10 =	vmul.f32 v38, v2;
	v8 =	vsub.f32 v8, v6  }
0x25a: {  	v19 =	vld [tilespmem:s31+$0x8270];
	v9 =	vmul.f32 $1.442695020e+00, v9;
	v21 =	vadd.f32 v24, v35;
	v13 =	vmax.f32 v13, $0.0e+00  }
0x25b: {  	v18 =	vld [tilespmem:s10+$0x2220];
	v39 =	vpop (erf);
	v28 =	vmax.f32 v7, $0.0e+00;
	v7 =	vsub.f32 v10, v3;
	v10 =	vmul.f32 $1.442695020e+00, v8  }
0x25c: {  	v43 =	vmul.f32 v13, v2;
	v12 =	vld [tilespmem:s31+$0x8210];
	[tilespmem:s12+$0xC200] =	vst v39;
	v8 =	vmax.f32 v11, $0.0e+00;
	v24 =	vmul.f32 v39, v25  }
0x25d: {  	v11 =	vadd.f32 v26, v16;
	v41 =	vld [tilespmem:s31+$0x8240];
	(erf) = vpow2.f32 v10;
	v10 =	vmul.f32 $1.442695020e+00, v7  }
0x25e: {  	v14 =	vadd.f32 v27, v14;
	v17 =	vpop (erf);
	v42 =	vld [tilespmem:s31+$0x8230];
	(erf) = vpow2.f32 v9;
	v9 =	vmul.f32 v28, v2  }
0x25f: {  	v23 =	vld [tilespmem:s31+$0x2230];
	v16 =	vmul.f32 v8, v2;
	[tilespmem:s12+$0xE220] =	vst v17;
	v7 =	vmax.f32 v11, $0.0e+00;
	v11 =	vmax.f32 v15, $0.0e+00  }
0x260: {  	v30 =	vld [tilespmem:s31+$0x8250];
	v15 =	vadd.f32 v36, v18;
	v26 =	vpop (erf);
	(erf) = vpow2.f32 v10;
	v9 =	vsub.f32 v9, v5  }
0x261: {  	v60 =	vmul.f32 v17, v29;
	v56 =	vld [tilespmem:s31+$0x200];
	v10 =	vmax.f32 v21, $0.0e+00;
	v21 =	vmul.f32 v11, v2;
	[tilespmem:s12+$0xE210] =	vst v26;
	v18 =	vpop (erf)  }
0x262: {  	v16 =	vsub.f32 v16, v6;
	v15 =	vmax.f32 v15, $0.0e+00;
	v57 =	vld [tilespmem:s31+$0x2210];
	[tilespmem:s12+$0xE230] =	vst v18;
	v27 =	vmul.f32 $1.442695020e+00, v9  }
0x263: {  	v25 =	vmul.f32 v10, v2;
	v31 =	vmul.f32 v26, v31;
	v58 =	vld [tilespmem:s31+$0x220];
	[tilespmem:s12+$0xC240] =	vst v24;
	v24 =	vsub.f32 v21, v3  }
0x264: {  	v9 =	vmax.f32 v14, $0.0e+00;
	v14 =	vmul.f32 v15, v2;
	(erf) = vpow2.f32 v27  }
0x265: {  	v33 =	vmul.f32 v18, v33;
	v21 =	vsub.f32 v25, v4;
	v24 =	vmul.f32 $1.442695020e+00, v24  }
0x266: {  	v26 =	vmul.f32 $1.442695020e+00, v16;
	v25 =	vsub.f32 v43, v4;
	v14 =	vsub.f32 v14, v5  }
0x267: {  	v19 =	vadd.f32 v19, v23;
	v59 =	vld [tilespmem:s31+$0x230];
	v27 =	vmul.f32 v9, v2;
	[tilespmem:s12+$0xE270] =	vst v33;
	v18 =	vpop (erf);
	(erf) = vpow2.f32 v24  }
0x268: {  	v44 =	vld [tilespmem:s31+$0x2200];
	v46 =	vmul.f32 $1.442695020e+00, v25;
	v61 =	vmul.f32 $1.442695020e+00, v14;
	v14 =	vmax.f32 v22, $0.0e+00;
	v17 =	vpop (erf)  }
0x269: {  	v22 =	vsub.f32 v27, v3;
	v23 =	vmul.f32 v14, v2;
	v24 =	vadd.f32 v55, v56;
	[tilespmem:s12+$0xC210] =	vst v17;
	v45 =	vpop (erf)  }
0x26a: {  	v25 =	vmul.f32 v18, v20;
	v37 =	vmul.f32 v17, v37;
	v17 =	vmax.f32 v19, $0.0e+00;
	v29 =	vld [tilespmem:s31+$0x210];
	[tilespmem:s12+$0xE200] =	vst v45  }
0x26b: {  	v62 =	vadd.f32 v40, v58;
	(erf) = vpow2.f32 v61;
	v16 =	vsub.f32 v23, v6;
	v27 =	vld [tilespmem:s31+$0x8260];
	[tilespmem:s12+$0xE250] =	vst v31  }
0x26c: {  	v23 =	vadd.f32 v30, v57;
	v20 =	vmul.f32 v17, v2;
	v19 =	vadd.f32 v42, v59;
	v30 =	vld [tilespmem:s31+$0x2220];
	[tilespmem:s12+$0xE260] =	vst v60  }
0x26d: {  	(erf) = vpow2.f32 v46;
	v33 =	vadd.f32 v41, v44;
	v31 =	vmul.f32 v45, v38;
	[tilespmem:s12+$0xC250] =	vst v37;
	v63 =	vpop (erf)  }
0x26e: {  	s17 =	sshll.u32 s16, $0x1;
	s13 =	simm.s32 $0x600;
	v32 =	vmul.f32 $1.442695020e+00, v16;
	v16 =	vmax.f32 v62, $0.0e+00;
	[tilespmem:s12+$0xC220] =	vst v63;
	v28 =	vmul.f32 v63, v28  }
.LBB2_14:
0x26f: {  	s11 =	sshra.s32 s13, $0x2;
	p0 =	sne.s32 s13, $0x7E00;
	s13 =	sadd.s32 $0x200, s13;
	v29 =	vadd.f32 v12, v29;
	v21 =	vmul.f32 $1.442695020e+00, v21;
	(erf) = vpow2.f32 v26;
	[tilespmem:s12+$0xE240] =	vst v31;
	v26 =	vmovc v8;
	v8 =	vmovc v17  }
0x270: {  	v31 =	vmul.f32 v7, v2;
	v17 =	vld [tilespmem:s11+$0x8270];
	v33 =	vmax.f32 v33, $0.0e+00;
	v34 =	vpop (erf);
	(erf) = vpow2.f32 v32;
	[tilespmem:s12+$0xC270] =	vst v25  }
0x271: {  	v24 =	vmax.f32 v24, $0.0e+00;
	v22 =	vmul.f32 $1.442695020e+00, v22;
	v35 =	vmovc v7;
	v7 =	vmovc v16;
	v25 =	vld [tilespmem:s11+$0x8200];
	v27 =	vadd.f32 v27, v30;
	[tilespmem:s12+$0xC230] =	vst v18  }
0x272: {  	v16 =	vmax.f32 v29, $0.0e+00;
	v18 =	vsub.f32 v31, v5;
	v12 =	vld [tilespmem:s11+$0x8210];
	(erf) = vpow2.f32 v21;
	[tilespmem:s12+$0xC260] =	vst v28;
	s12 =	smov.u32 s10;
	s10 =	smov.u32 s31;
	s31 =	smov.u32 s11  }
0x273: {  	v21 =	vmul.f32 v24, v2;
	v28 =	vld [tilespmem:s31+$0x8220];
	v36 =	vmax.f32 v27, $0.0e+00;
	[tilespmem:s12+$0xC200] =	vst v34;
	(erf) = vpow2.f32 v22  }
0x274: {  	v38 =	vmax.f32 v23, $0.0e+00;
	v22 =	vmul.f32 v16, v2;
	v18 =	vmul.f32 $1.442695020e+00, v18;
	v37 =	vld [tilespmem:s31+$0x8240]  }
0x275: {  	v27 =	vmul.f32 v33, v2;
	v23 =	vsub.f32 v21, v3;
	v40 =	vmul.f32 v36, v2;
	v32 =	vld [tilespmem:s31+$0x8230];
	v30 =	vpop (erf)  }
0x276: {  	v41 =	vmul.f32 v38, v2;
	v21 =	vsub.f32 v22, v4;
	v31 =	vld [tilespmem:s31+$0x2230];
	[tilespmem:s12+$0xE220] =	vst v30;
	(erf) = vpow2.f32 v18  }
0x277: {  	v23 =	vmul.f32 $1.442695020e+00, v23;
	v43 =	vsub.f32 v40, v5;
	v15 =	vmul.f32 v30, v15;
	v39 =	vld [tilespmem:s31+$0x8250];
	v29 =	vpop (erf)  }
0x278: {  	v46 =	vsub.f32 v20, v6;
	v45 =	vmul.f32 v34, v11;
	v40 =	vsub.f32 v41, v4;
	v30 =	vld [tilespmem:s31+$0x200];
	[tilespmem:s12+$0xE210] =	vst v29;
	v22 =	vpop (erf)  }
0x279: {  	v41 =	vmax.f32 v19, $0.0e+00;
	v19 =	vmul.f32 $1.442695020e+00, v43;
	v34 =	vld [tilespmem:s31+$0x2210];
	[tilespmem:s12+$0xE230] =	vst v22;
	v42 =	vmul.f32 v22, v26;
	v18 =	vpop (erf)  }
0x27a: {  	v11 =	vmovc v24;
	v44 =	vmul.f32 v41, v2;
	v22 =	vsub.f32 v27, v3;
	v43 =	vld [tilespmem:s31+$0x220];
	(erf) = vpow2.f32 v23;
	[tilespmem:s12+$0xC240] =	vst v45  }
0x27b: {  	v40 =	vmul.f32 $1.442695020e+00, v40;
	v26 =	vmul.f32 $1.442695020e+00, v46;
	v45 =	vld [tilespmem:s31+$0x230];
	v17 =	vadd.f32 v17, v31;
	[tilespmem:s12+$0xE270] =	vst v42;
	v20 =	vpop (erf)  }
0x27c: {  	v13 =	vmul.f32 v29, v13;
	v42 =	vld [tilespmem:s31+$0x2200];
	[tilespmem:s12+$0xC210] =	vst v20;
	v46 =	vmul.f32 v20, v10;
	v20 =	vpop (erf);
	v10 =	vmov v16  }
.Ltmp8:
0x27d: {  	v16 =	vsub.f32 v44, v6;
	v24 =	vadd.f32 v25, v30;
	v29 =	vld [tilespmem:s31+$0x210];
	v25 =	vmul.f32 v18, v14;
	[tilespmem:s12+$0xE200] =	vst v20;
	(pc) =	sbr.rel @p0 .LBB2_14-.Ltmp8, $4  }
0x27e: {  	v17 =	vmax.f32 v17, $0.0e+00;
	v31 =	vmul.f32 v20, v9;
	v9 =	vmovc v33;
	v23 =	vadd.f32 v39, v34;
	v27 =	vld [tilespmem:s31+$0x8260];
	[tilespmem:s12+$0xE250] =	vst v13  }
0x27f: {  	v20 =	vmul.f32 v17, v2;
	v34 =	vadd.f32 v28, v43;
	v30 =	vld [tilespmem:s31+$0x2220];
	(erf) = vpow2.f32 v19;
	[tilespmem:s12+$0xE260] =	vst v15;
	v14 =	vpop (erf)  }
0x280: {  	v15 =	vmovc v36;
	v19 =	vadd.f32 v32, v45;
	v32 =	vmul.f32 $1.442695020e+00, v16;
	[tilespmem:s12+$0xC220] =	vst v14;
	v28 =	vmul.f32 v14, v35  }
0x281: {  	v13 =	vmovc v38;
	v14 =	vmovc v41;
	v16 =	vmax.f32 v34, $0.0e+00;
	v33 =	vadd.f32 v37, v42;
	(erf) = vpow2.f32 v40;
	[tilespmem:s12+$0xC250] =	vst v46  }
0x282: {  	v21 =	vmul.f32 $1.442695020e+00, v21  }
0x283: {  	v12 =	vadd.f32 v12, v29;
	(erf) = vpow2.f32 v26;
	v29 =	vmul.f32 v7, v2  }
0x284: {  	v22 =	vmul.f32 $1.442695020e+00, v22;
	(erf) = vpow2.f32 v32;
	v27 =	vadd.f32 v27, v30  }
0x285: {  	v24 =	vmax.f32 v24, $0.0e+00;
	v29 =	vsub.f32 v29, v5;
	(erf) = vpow2.f32 v21  }
0x286: {  	[tilespmem:s12+$0xC270] =	vst v25;
	v20 =	vsub.f32 v20, v6;
	(erf) = vpow2.f32 v22;
	v25 =	vmax.f32 v27, $0.0e+00  }
0x287: {  	[tilespmem:s12+$0xE240] =	vst v31;
	v22 =	vmax.f32 v23, $0.0e+00;
	v23 =	vmul.f32 $1.442695020e+00, v29;
	v29 =	vmul.f32 v25, v2  }
0x288: {  	[tilespmem:s12+$0xC230] =	vst v18;
	v26 =	vmax.f32 v33, $0.0e+00;
	v21 =	vmul.f32 v24, v2  }
0x289: {  	[tilespmem:s12+$0xC260] =	vst v28;
	v12 =	vmax.f32 v12, $0.0e+00;
	v28 =	vmul.f32 v26, v2;
	v20 =	vmul.f32 $1.442695020e+00, v20;
	v27 =	vpop (erf)  }
0x28a: {  	v18 =	vmul.f32 v12, v2;
	[tilespmem:s10+$0xC200] =	vst v27;
	v30 =	vpop (erf);
	v11 =	vmul.f32 v27, v11  }
0x28b: {  	v21 =	vsub.f32 v21, v3;
	(erf) = vpow2.f32 v23;
	v23 =	vsub.f32 v29, v5;
	[tilespmem:s10+$0xE220] =	vst v30;
	v29 =	vpop (erf)  }
0x28c: {  	v31 =	vmul.f32 v22, v2;
	v15 =	vmul.f32 v30, v15;
	[tilespmem:s10+$0xC240] =	vst v11;
	v27 =	vpop (erf)  }
0x28d: {  	v19 =	vmax.f32 v19, $0.0e+00;
	v21 =	vmul.f32 $1.442695020e+00, v21;
	[tilespmem:s10+$0xE210] =	vst v29;
	v8 =	vmul.f32 v27, v8  }
0x28e: {  	v18 =	vsub.f32 v18, v4;
	v30 =	vsub.f32 v31, v4;
	v31 =	vmul.f32 v19, v2;
	[tilespmem:s10+$0xE260] =	vst v15  }
0x28f: {  	(erf) = vpow2.f32 v21;
	v23 =	vmul.f32 $1.442695020e+00, v23;
	[tilespmem:s10+$0xE230] =	vst v27;
	v27 =	vpop (erf)  }
0x290: {  	v11 =	vmul.f32 $1.442695020e+00, v30;
	v15 =	vmul.f32 $1.442695020e+00, v18;
	[tilespmem:s10+$0xC230] =	vst v27  }
0x291: {  	v18 =	vmul.f32 v16, v2;
	(erf) = vpow2.f32 v23;
	[tilespmem:s10+$0xE270] =	vst v8;
	v8 =	vpop (erf)  }
0x292: {  	v21 =	vsub.f32 v31, v6;
	[tilespmem:s10+$0xC210] =	vst v8;
	v8 =	vmul.f32 v8, v10;
	v10 =	vmul.f32 v29, v13;
	v13 =	vpop (erf)  }
0x293: {  	(erf) = vpow2.f32 v11;
	[tilespmem:s10+$0xE200] =	vst v13;
	v9 =	vmul.f32 v13, v9  }
0x294: {  	v14 =	vmul.f32 v27, v14;
	v11 =	vpop (erf);
	v13 =	vmul.f32 $1.442695020e+00, v21;
	[tilespmem:s10+$0xE250] =	vst v10;
	v10 =	vsub.f32 v28, v3  }
0x295: {  	(erf) = vpow2.f32 v20;
	v7 =	vmul.f32 v11, v7;
	[tilespmem:s10+$0xE240] =	vst v9;
	v9 =	vsub.f32 v18, v5  }
0x296: {  	[tilespmem:s10+$0xC250] =	vst v8;
	(erf) = vpow2.f32 v13;
	v8 =	vmul.f32 $1.442695020e+00, v10  }
0x297: {  	[tilespmem:s10+$0xC270] =	vst v14;
	(erf) = vpow2.f32 v15  }
0x298: {  	[tilespmem:s10+$0xC220] =	vst v11;
	(erf) = vpow2.f32 v8;
	v8 =	vmul.f32 $1.442695020e+00, v9  }
0x299: {  	[tilespmem:s10+$0xC260] =	vst v7;
	v9 =	vpop (erf)  }
0x29a: {  	[tilespmem:s31+$0xC200] =	vst v9;
	v7 =	vpop (erf);
	v9 =	vmul.f32 v9, v24  }
0x29b: {  	[tilespmem:s31+$0xE220] =	vst v7  }
0x29c: {  	(erf) = vpow2.f32 v8;
	v7 =	vmul.f32 v7, v25;
	v8 =	vpop (erf);
	[tilespmem:s31+$0xC240] =	vst v9  }
0x29d: {  	[tilespmem:s31+$0xE210] =	vst v8  }
0x29e: {  	v10 =	vpop (erf);
	v8 =	vmul.f32 v8, v22;
	[tilespmem:s31+$0xE260] =	vst v7  }
0x29f: {  	[tilespmem:s31+$0xE230] =	vst v10  }
0x2a0: {  	v10 =	vmul.f32 v10, v17;
	v11 =	vpop (erf);
	[tilespmem:s31+$0xE250] =	vst v8  }
0x2a1: {  	v9 =	vpop (erf);
	[tilespmem:s31+$0xC230] =	vst v11  }
0x2a2: {  	[tilespmem:s31+$0xE270] =	vst v10;
	v8 =	vmul.f32 v9, v12  }
0x2a3: {  	[tilespmem:s31+$0xC210] =	vst v9  }
0x2a4: {  	v10 =	vpop (erf);
	[tilespmem:s31+$0xC250] =	vst v8  }
0x2a5: {  	[tilespmem:s31+$0xE200] =	vst v10;
	v7 =	vpop (erf);
	v9 =	vmul.f32 v10, v26  }
0x2a6: {  	v10 =	vmul.f32 v11, v19;
	[tilespmem:s31+$0xC220] =	vst v7  }
0x2a7: {  	v7 =	vmul.f32 v7, v16;
	[tilespmem:s31+$0xE240] =	vst v9  }
0x2a8: {  	p0 =	seq.s32 s16, $0x4F;
	[tilespmem:s31+$0xC270] =	vst v10  }
0x2a9: {  	s10 =	sadd.s32 @!p0 $0x2, s17;
	[tilespmem:s31+$0xC260] =	vst v7  }
0x2aa: {  	[spmem:s2] =	stream.indirect.scatter.add.f32 [tilespmem:s29], [sflag:$0x7], $0x80, s9, s30, $0xb8;
	[tilespmem:$0x1A780] =	vst v63  }
0x2ab: {  	s11 =	sadd.s32 @!p0 s15, s10;
	_ =	swait.ge [sflag:s25], $0x4000  }
0x2ac: {  	s11 =	sshll.u32 @!p0 s11, $0x4;
	[sflag:s25] =	ssyncset.done $0x0  }
0x2ad: {  	s13 =	simm.s32 @!p0 $0x0;
	s12 =	sadd.s32 @!p0 s1, s11;
	[sflag:s25] =	ssyncadd.s32 $0xFFFFC000  }
0x2ae: {  	[tilespmem:s13], [sflag:$0x5] =	stream.linear.gather @!p0 [hbm4b:s12+s13], $0x80, $0x38;
	[tilespmem:$0x1A780] =	vst v63  }
0x2af: {  	s11 =	sadd.s32 @!p0 s6, s11;
	s12 =	simm.s32 @!p0 $0x80  }
0x2b0: {  	[tilespmem:s12], [sflag:$0x5] =	stream.linear.gather @!p0 [hbm4b:s11+s13], $0x80, $0x38;
	[tilespmem:$0x1A780] =	vst v63  }
0x2b1: {  	s11 =	simm.s32 @!p0 $0x5  }
0x2b2: {  	_ =	swait.ge @!p0 [sflag:s11], $0x80  }
0x2b3: {  	[sflag:s11] =	ssyncset.done @!p0 $0x0  }
0x2b4: {  	[sflag:s11] =	ssyncadd.s32 @!p0 $0xFFFFFF80  }
0x2b5: {  	_ =	swait.ge @!p0 [sflag:s11], $0x80  }
0x2b6: {  	[sflag:s11] =	ssyncset.done @!p0 $0x0  }
0x2b7: {  	[sflag:s11] =	ssyncadd.s32 @!p0 $0xFFFFFF80  }
0x2b8: {  	v7 =	vld @!p0 [tilespmem:$0x0]  }
0x2b9: {  	v8 =	vld @!p0 [tilespmem:$0x10]  }
0x2ba: {  	v9 =	vld @!p0 [tilespmem:$0x20]  }
0x2bb: {  	v10 =	vld @!p0 [tilespmem:$0x30]  }
0x2bc: {  	v11 =	vld @!p0 [tilespmem:$0x40]  }
0x2bd: {  	v12 =	vld @!p0 [tilespmem:$0x50];
	v7 =	vadd.s32 @!p0 v0, v7  }
0x2be: {  	[tilespmem:$0x0] =	vst @!p0 v7;
	v7 =	vadd.s32 @!p0 v0, v8;
	v8 =	vld @!p0 [tilespmem:$0x60]  }
0x2bf: {  	[tilespmem:$0x10] =	vst @!p0 v7;
	v7 =	vadd.s32 @!p0 v0, v9;
	v9 =	vld @!p0 [tilespmem:$0x70]  }
0x2c0: {  	[tilespmem:$0x20] =	vst @!p0 v7;
	v7 =	vadd.s32 @!p0 v0, v10  }
0x2c1: {  	[tilespmem:$0x30] =	vst @!p0 v7;
	v7 =	vadd.s32 @!p0 v0, v11  }
0x2c2: {  	[tilespmem:$0x40] =	vst @!p0 v7;
	v7 =	vadd.s32 @!p0 v0, v12  }
0x2c3: {  	[tilespmem:$0x50] =	vst @!p0 v7;
	v7 =	vadd.s32 @!p0 v0, v8  }
0x2c4: {  	[tilespmem:$0x60] =	vst @!p0 v7;
	v7 =	vadd.s32 @!p0 v0, v9  }
0x2c5: {  	s10 =	sshll.u32 @!p0 s10, $0xA;
	s11 =	simm.s32 @!p0 $0x200;
	[tilespmem:$0x70] =	vst @!p0 v7  }
0x2c6: {  	[tilespmem:s11], [sflag:$0x1] =	stream.indirect.gather @!p0 [hbm4b:s5+s12], $0x80, s13, s12, $0xb8;
	[tilespmem:$0x1A780] =	vst v63  }
0x2c7: {  	s10 =	sadd.s32 @!p0 s20, s10;
	s11 =	simm.s32 @!p0 $0x8200  }
0x2c8: {  	[tilespmem:s11], [sflag:$0x3] =	stream.linear.gather @!p0 [hbm4b:s10+s13], $0x2000, $0x38;
	[tilespmem:$0x1A780] =	vst v63  }
0x2c9: {  	v7 =	vld [tilespmem:$0x180]  }
0x2ca: {  	v8 =	vld [tilespmem:$0x190]  }
0x2cb: {  	v9 =	vld [tilespmem:$0x1A0]  }
0x2cc: {  	v10 =	vld [tilespmem:$0x1B0]  }
0x2cd: {  	v11 =	vld [tilespmem:$0x1C0]  }
0x2ce: {  	v12 =	vld [tilespmem:$0x1D0];
	v7 =	vadd.s32 $0xFFFFEC78, v7  }
0x2cf: {  	v13 =	vld [tilespmem:$0x1E0];
	v8 =	vadd.s32 $0xFFFFEC78, v8;
	vm0 =	vlt.u32 v7, $0x1388  }
0x2d0: {  	v14 =	vld [tilespmem:$0x1F0];
	v9 =	vadd.s32 $0xFFFFEC78, v9;
	vm9 =	vlt.u32 v8, $0x1388;
	v7 =	vnsel vm0, $0x13EC, v7  }
0x2d1: {  	vm10 =	vlt.u32 v9, $0x1388;
	[tilespmem:$0x10280] =	vst v7;
	v7 =	vnsel vm9, $0x13EC, v8;
	v8 =	vadd.s32 $0xFFFFEC78, v10  }
0x2d2: {  	[tilespmem:$0x10290] =	vst v7;
	v7 =	vnsel vm10, $0x13EC, v9;
	vm11 =	vlt.u32 v8, $0x1388;
	v9 =	vadd.s32 $0xFFFFEC78, v11  }
0x2d3: {  	[tilespmem:$0x102A0] =	vst v7;
	v7 =	vnsel vm11, $0x13EC, v8;
	vm12 =	vlt.u32 v9, $0x1388;
	v8 =	vadd.s32 $0xFFFFEC78, v12  }
0x2d4: {  	[tilespmem:$0x102B0] =	vst v7;
	v7 =	vnsel vm12, $0x13EC, v9;
	vm13 =	vlt.u32 v8, $0x1388;
	v9 =	vadd.s32 $0xFFFFEC78, v13  }
0x2d5: {  	[tilespmem:$0x102C0] =	vst v7;
	v7 =	vnsel vm13, $0x13EC, v8;
	vm14 =	vlt.u32 v9, $0x1388;
	v8 =	vadd.s32 $0xFFFFEC78, v14  }
0x2d6: {  	[tilespmem:$0x102D0] =	vst v7;
	v7 =	vnsel vm14, $0x13EC, v9;
	vm15 =	vlt.u32 v8, $0x1388  }
0x2d7: {  	[tilespmem:$0x102E0] =	vst v7;
	v7 =	vnsel vm15, $0x13EC, v8  }
0x2d8: {  	[tilespmem:$0x102F0] =	vst v7  }
0x2d9: {  	_ =	swait.ge [sflag:s19], $0x4000  }
0x2da: {  	[sflag:s19] =	ssyncset.done $0x0  }
0x2db: {  	[sflag:s19] =	ssyncadd.s32 $0xFFFFC000  }
0x2dc: {  	_ =	swait.ge [sflag:s21], $0x2000  }
0x2dd: {  	[sflag:s21] =	ssyncset.done $0x0  }
0x2de: {  	s12 =	simm.s32 $0x0;
	[sflag:s21] =	ssyncadd.s32 $0xFFFFE000  }
0x2df: {  	v7 =	vld [tilespmem:s12+$0xA270]  }
0x2e0: {  	v8 =	vld [tilespmem:s12+$0xA200]  }
0x2e1: {  	v9 =	vld [tilespmem:s12+$0xA210]  }
0x2e2: {  	v10 =	vld [tilespmem:s12+$0xA220]  }
0x2e3: {  	v11 =	vld [tilespmem:s12+$0xA240]  }
0x2e4: {  	v12 =	vld [tilespmem:s12+$0xA230]  }
0x2e5: {  	v13 =	vld [tilespmem:s12+$0x6230]  }
0x2e6: {  	v14 =	vld [tilespmem:s12+$0xA250]  }
0x2e7: {  	v15 =	vld [tilespmem:s12+$0x4200]  }
0x2e8: {  	v16 =	vld [tilespmem:s12+$0x6210]  }
0x2e9: {  	v17 =	vld [tilespmem:s12+$0x4220]  }
0x2ea: {  	v18 =	vld [tilespmem:s12+$0x4230]  }
0x2eb: {  	v21 =	vld [tilespmem:s12+$0xA260]  }
0x2ec: {  	v22 =	vld [tilespmem:s12+$0x6220]  }
0x2ed: {  	v19 =	vld [tilespmem:s12+$0x6200]  }
0x2ee: {  	s10 =	simm.s32 $0x80;
	v20 =	vld [tilespmem:s12+$0x4210];
	v8 =	vadd.f32 v8, v15  }
0x2ef: {  	v23 =	vld [tilespmem:s10+$0xA270]  }
0x2f0: {  	v24 =	vld [tilespmem:s10+$0xA210];
	v25 =	vmax.f32 v8, $0.0e+00  }
0x2f1: {  	v26 =	vld [tilespmem:s10+$0xA220];
	v21 =	vadd.f32 v21, v22;
	v8 =	vmul.f32 v25, v2  }
0x2f2: {  	v27 =	vld [tilespmem:s10+$0xA240]  }
0x2f3: {  	v28 =	vld [tilespmem:s10+$0x6230];
	v29 =	vmax.f32 v21, $0.0e+00;
	v8 =	vsub.f32 v8, v3  }
0x2f4: {  	v30 =	vld [tilespmem:s10+$0x4200];
	v14 =	vadd.f32 v14, v16;
	v16 =	vmul.f32 v29, v2  }
0x2f5: {  	v53 =	vld [tilespmem:s10+$0x4230];
	v7 =	vadd.f32 v7, v13;
	v8 =	vmul.f32 $1.442695020e+00, v8  }
0x2f6: {  	v15 =	vld [tilespmem:s10+$0xA200];
	v9 =	vadd.f32 v9, v20;
	v31 =	vmax.f32 v14, $0.0e+00;
	v14 =	vsub.f32 v16, v5  }
0x2f7: {  	v22 =	vld [tilespmem:s10+$0xA230];
	v54 =	vmax.f32 v7, $0.0e+00;
	(erf) = vpow2.f32 v8;
	v8 =	vmul.f32 v31, v2  }
0x2f8: {  	v13 =	vld [tilespmem:s10+$0x6210];
	v37 =	vmax.f32 v9, $0.0e+00;
	v34 =	vmul.f32 v54, v2;
	v7 =	vmul.f32 $1.442695020e+00, v14  }
0x2f9: {  	v11 =	vadd.f32 v11, v19;
	v21 =	vld [tilespmem:s10+$0xA250];
	v9 =	vmul.f32 v37, v2;
	v8 =	vsub.f32 v8, v4  }
0x2fa: {  	v35 =	vld [tilespmem:s10+$0x4210];
	(erf) = vpow2.f32 v7;
	v7 =	vadd.f32 v12, v18;
	v12 =	vsub.f32 v34, v6  }
0x2fb: {  	s31 =	simm.s32 $0x100;
	v36 =	vld [tilespmem:s10+$0xA260];
	v38 =	vmax.f32 v11, $0.0e+00;
	v11 =	vadd.f32 v23, v28;
	v8 =	vmul.f32 $1.442695020e+00, v8  }
0x2fc: {  	v55 =	vld [tilespmem:s31+$0xA200];
	v9 =	vsub.f32 v9, v4;
	v20 =	vmax.f32 v7, $0.0e+00;
	v7 =	vmul.f32 $1.442695020e+00, v12  }
0x2fd: {  	v40 =	vld [tilespmem:s31+$0xA220];
	v15 =	vadd.f32 v15, v30;
	(erf) = vpow2.f32 v8;
	v8 =	vmul.f32 v20, v2  }
0x2fe: {  	v16 =	vld [tilespmem:s10+$0x4220];
	v22 =	vadd.f32 v22, v53;
	v13 =	vadd.f32 v21, v13;
	(erf) = vpow2.f32 v7  }
0x2ff: {  	v14 =	vld [tilespmem:s10+$0x6200];
	v7 =	vadd.f32 v10, v17;
	v10 =	vmul.f32 v38, v2;
	v8 =	vsub.f32 v8, v6  }
0x300: {  	v19 =	vld [tilespmem:s31+$0xA270];
	v9 =	vmul.f32 $1.442695020e+00, v9;
	v21 =	vadd.f32 v24, v35;
	v13 =	vmax.f32 v13, $0.0e+00  }
0x301: {  	v18 =	vld [tilespmem:s10+$0x6220];
	v39 =	vpop (erf);
	v28 =	vmax.f32 v7, $0.0e+00;
	v7 =	vsub.f32 v10, v3;
	v10 =	vmul.f32 $1.442695020e+00, v8  }
0x302: {  	v43 =	vmul.f32 v13, v2;
	v12 =	vld [tilespmem:s31+$0xA210];
	[tilespmem:s12+$0xC200] =	vst v39;
	v8 =	vmax.f32 v11, $0.0e+00;
	v24 =	vmul.f32 v39, v25  }
0x303: {  	v11 =	vadd.f32 v26, v16;
	v41 =	vld [tilespmem:s31+$0xA240];
	(erf) = vpow2.f32 v10;
	v10 =	vmul.f32 $1.442695020e+00, v7  }
0x304: {  	v14 =	vadd.f32 v27, v14;
	v17 =	vpop (erf);
	v42 =	vld [tilespmem:s31+$0xA230];
	(erf) = vpow2.f32 v9;
	v9 =	vmul.f32 v28, v2  }
0x305: {  	v23 =	vld [tilespmem:s31+$0x6230];
	v16 =	vmul.f32 v8, v2;
	[tilespmem:s12+$0xE220] =	vst v17;
	v7 =	vmax.f32 v11, $0.0e+00;
	v11 =	vmax.f32 v15, $0.0e+00  }
0x306: {  	v30 =	vld [tilespmem:s31+$0xA250];
	v15 =	vadd.f32 v36, v18;
	v26 =	vpop (erf);
	(erf) = vpow2.f32 v10;
	v9 =	vsub.f32 v9, v5  }
0x307: {  	v60 =	vmul.f32 v17, v29;
	v56 =	vld [tilespmem:s31+$0x4200];
	v10 =	vmax.f32 v21, $0.0e+00;
	v21 =	vmul.f32 v11, v2;
	[tilespmem:s12+$0xE210] =	vst v26;
	v18 =	vpop (erf)  }
0x308: {  	v16 =	vsub.f32 v16, v6;
	v15 =	vmax.f32 v15, $0.0e+00;
	v57 =	vld [tilespmem:s31+$0x6210];
	[tilespmem:s12+$0xE230] =	vst v18;
	v27 =	vmul.f32 $1.442695020e+00, v9  }
0x309: {  	v25 =	vmul.f32 v10, v2;
	v31 =	vmul.f32 v26, v31;
	v58 =	vld [tilespmem:s31+$0x4220];
	[tilespmem:s12+$0xC240] =	vst v24;
	v24 =	vsub.f32 v21, v3  }
0x30a: {  	v9 =	vmax.f32 v14, $0.0e+00;
	v14 =	vmul.f32 v15, v2;
	(erf) = vpow2.f32 v27  }
0x30b: {  	v33 =	vmul.f32 v18, v54;
	v21 =	vsub.f32 v25, v4;
	v24 =	vmul.f32 $1.442695020e+00, v24  }
0x30c: {  	v26 =	vmul.f32 $1.442695020e+00, v16;
	v25 =	vsub.f32 v43, v4;
	v14 =	vsub.f32 v14, v5  }
0x30d: {  	v19 =	vadd.f32 v19, v23;
	v59 =	vld [tilespmem:s31+$0x4230];
	v27 =	vmul.f32 v9, v2;
	[tilespmem:s12+$0xE270] =	vst v33;
	v18 =	vpop (erf);
	(erf) = vpow2.f32 v24  }
0x30e: {  	v44 =	vld [tilespmem:s31+$0x6200];
	v46 =	vmul.f32 $1.442695020e+00, v25;
	v61 =	vmul.f32 $1.442695020e+00, v14;
	v14 =	vmax.f32 v22, $0.0e+00;
	v17 =	vpop (erf)  }
0x30f: {  	v22 =	vsub.f32 v27, v3;
	v23 =	vmul.f32 v14, v2;
	v24 =	vadd.f32 v55, v56;
	[tilespmem:s12+$0xC210] =	vst v17;
	v45 =	vpop (erf)  }
0x310: {  	v25 =	vmul.f32 v18, v20;
	v37 =	vmul.f32 v17, v37;
	v17 =	vmax.f32 v19, $0.0e+00;
	v29 =	vld [tilespmem:s31+$0x4210];
	[tilespmem:s12+$0xE200] =	vst v45  }
0x311: {  	v62 =	vadd.f32 v40, v58;
	(erf) = vpow2.f32 v61;
	v16 =	vsub.f32 v23, v6;
	v27 =	vld [tilespmem:s31+$0xA260];
	[tilespmem:s12+$0xE250] =	vst v31  }
0x312: {  	v23 =	vadd.f32 v30, v57;
	v20 =	vmul.f32 v17, v2;
	v19 =	vadd.f32 v42, v59;
	v30 =	vld [tilespmem:s31+$0x6220];
	[tilespmem:s12+$0xE260] =	vst v60  }
0x313: {  	(erf) = vpow2.f32 v46;
	v33 =	vadd.f32 v41, v44;
	v31 =	vmul.f32 v45, v38;
	[tilespmem:s12+$0xC250] =	vst v37;
	v63 =	vpop (erf)  }
0x314: {  	s13 =	simm.s32 $0x600;
	v32 =	vmul.f32 $1.442695020e+00, v16;
	v16 =	vmax.f32 v62, $0.0e+00;
	[tilespmem:s12+$0xC220] =	vst v63;
	v28 =	vmul.f32 v63, v28  }
.LBB2_16:
0x315: {  	s11 =	sshra.s32 s13, $0x2;
	p1 =	sne.s32 s13, $0x7E00;
	s13 =	sadd.s32 $0x200, s13;
	v29 =	vadd.f32 v12, v29;
	v21 =	vmul.f32 $1.442695020e+00, v21;
	(erf) = vpow2.f32 v26;
	[tilespmem:s12+$0xE240] =	vst v31;
	v26 =	vmovc v8;
	v8 =	vmovc v17  }
0x316: {  	v31 =	vmul.f32 v7, v2;
	v17 =	vld [tilespmem:s11+$0xA270];
	v33 =	vmax.f32 v33, $0.0e+00;
	v34 =	vpop (erf);
	(erf) = vpow2.f32 v32;
	[tilespmem:s12+$0xC270] =	vst v25  }
0x317: {  	v24 =	vmax.f32 v24, $0.0e+00;
	v22 =	vmul.f32 $1.442695020e+00, v22;
	v35 =	vmovc v7;
	v7 =	vmovc v16;
	v25 =	vld [tilespmem:s11+$0xA200];
	v27 =	vadd.f32 v27, v30;
	[tilespmem:s12+$0xC230] =	vst v18  }
0x318: {  	v16 =	vmax.f32 v29, $0.0e+00;
	v18 =	vsub.f32 v31, v5;
	v12 =	vld [tilespmem:s11+$0xA210];
	(erf) = vpow2.f32 v21;
	[tilespmem:s12+$0xC260] =	vst v28;
	s12 =	smov.u32 s10;
	s10 =	smov.u32 s31;
	s31 =	smov.u32 s11  }
0x319: {  	v21 =	vmul.f32 v24, v2;
	v28 =	vld [tilespmem:s31+$0xA220];
	v36 =	vmax.f32 v27, $0.0e+00;
	[tilespmem:s12+$0xC200] =	vst v34;
	(erf) = vpow2.f32 v22  }
0x31a: {  	v38 =	vmax.f32 v23, $0.0e+00;
	v22 =	vmul.f32 v16, v2;
	v18 =	vmul.f32 $1.442695020e+00, v18;
	v37 =	vld [tilespmem:s31+$0xA240]  }
0x31b: {  	v27 =	vmul.f32 v33, v2;
	v23 =	vsub.f32 v21, v3;
	v40 =	vmul.f32 v36, v2;
	v32 =	vld [tilespmem:s31+$0xA230];
	v30 =	vpop (erf)  }
0x31c: {  	v41 =	vmul.f32 v38, v2;
	v21 =	vsub.f32 v22, v4;
	v31 =	vld [tilespmem:s31+$0x6230];
	[tilespmem:s12+$0xE220] =	vst v30;
	(erf) = vpow2.f32 v18  }
0x31d: {  	v23 =	vmul.f32 $1.442695020e+00, v23;
	v43 =	vsub.f32 v40, v5;
	v15 =	vmul.f32 v30, v15;
	v39 =	vld [tilespmem:s31+$0xA250];
	v29 =	vpop (erf)  }
0x31e: {  	v46 =	vsub.f32 v20, v6;
	v45 =	vmul.f32 v34, v11;
	v40 =	vsub.f32 v41, v4;
	v30 =	vld [tilespmem:s31+$0x4200];
	[tilespmem:s12+$0xE210] =	vst v29;
	v22 =	vpop (erf)  }
0x31f: {  	v41 =	vmax.f32 v19, $0.0e+00;
	v19 =	vmul.f32 $1.442695020e+00, v43;
	v34 =	vld [tilespmem:s31+$0x6210];
	[tilespmem:s12+$0xE230] =	vst v22;
	v42 =	vmul.f32 v22, v26;
	v18 =	vpop (erf)  }
0x320: {  	v11 =	vmovc v24;
	v44 =	vmul.f32 v41, v2;
	v22 =	vsub.f32 v27, v3;
	v43 =	vld [tilespmem:s31+$0x4220];
	(erf) = vpow2.f32 v23;
	[tilespmem:s12+$0xC240] =	vst v45  }
0x321: {  	v40 =	vmul.f32 $1.442695020e+00, v40;
	v26 =	vmul.f32 $1.442695020e+00, v46;
	v45 =	vld [tilespmem:s31+$0x4230];
	v17 =	vadd.f32 v17, v31;
	[tilespmem:s12+$0xE270] =	vst v42;
	v20 =	vpop (erf)  }
0x322: {  	v13 =	vmul.f32 v29, v13;
	v42 =	vld [tilespmem:s31+$0x6200];
	[tilespmem:s12+$0xC210] =	vst v20;
	v46 =	vmul.f32 v20, v10;
	v20 =	vpop (erf);
	v10 =	vmov v16  }
.Ltmp9:
0x323: {  	v16 =	vsub.f32 v44, v6;
	v24 =	vadd.f32 v25, v30;
	v29 =	vld [tilespmem:s31+$0x4210];
	v25 =	vmul.f32 v18, v14;
	[tilespmem:s12+$0xE200] =	vst v20;
	(pc) =	sbr.rel @p1 .LBB2_16-.Ltmp9, $4  }
0x324: {  	v17 =	vmax.f32 v17, $0.0e+00;
	v31 =	vmul.f32 v20, v9;
	v9 =	vmovc v33;
	v23 =	vadd.f32 v39, v34;
	v27 =	vld [tilespmem:s31+$0xA260];
	[tilespmem:s12+$0xE250] =	vst v13  }
0x325: {  	v20 =	vmul.f32 v17, v2;
	v34 =	vadd.f32 v28, v43;
	v30 =	vld [tilespmem:s31+$0x6220];
	(erf) = vpow2.f32 v19;
	[tilespmem:s12+$0xE260] =	vst v15;
	v14 =	vpop (erf)  }
0x326: {  	v15 =	vmovc v36;
	v19 =	vadd.f32 v32, v45;
	v32 =	vmul.f32 $1.442695020e+00, v16;
	[tilespmem:s12+$0xC220] =	vst v14;
	v28 =	vmul.f32 v14, v35  }
0x327: {  	v13 =	vmovc v38;
	v14 =	vmovc v41;
	v16 =	vmax.f32 v34, $0.0e+00;
	v33 =	vadd.f32 v37, v42;
	(erf) = vpow2.f32 v40;
	[tilespmem:s12+$0xC250] =	vst v46  }
0x328: {  	_ = 	snop  }
0x329: {  	v12 =	vadd.f32 v12, v29;
	v21 =	vmul.f32 $1.442695020e+00, v21;
	(erf) = vpow2.f32 v26  }
0x32a: {  	v61 =	vmul.f32 v7, v2;
	v24 =	vmax.f32 v24, $0.0e+00;
	v22 =	vmul.f32 $1.442695020e+00, v22;
	[tilespmem:s12+$0xE240] =	vst v31  }
0x32b: {  	[tilespmem:s12+$0xC270] =	vst v25;
	v34 =	vmax.f32 v23, $0.0e+00;
	v55 =	vmul.f32 v16, v2;
	(erf) = vpow2.f32 v32  }
0x32c: {  	[tilespmem:s12+$0xC230] =	vst v18;
	v62 =	vmul.f32 v24, v2;
	v36 =	vpop (erf);
	v27 =	vadd.f32 v27, v30;
	v29 =	vsub.f32 v61, v5  }
0x32d: {  	[tilespmem:s12+$0xC260] =	vst v28;
	v19 =	vmax.f32 v19, $0.0e+00;
	v40 =	vmul.f32 v34, v2;
	v11 =	vmul.f32 v36, v11  }
0x32e: {  	(erf) = vpow2.f32 v21;
	[tilespmem:s10+$0xC200] =	vst v36;
	v63 =	vmax.f32 v27, $0.0e+00;
	v35 =	vmul.f32 $1.442695020e+00, v29  }
0x32f: {  	(erf) = vpow2.f32 v22;
	v21 =	vsub.f32 v62, v3;
	[tilespmem:s10+$0xC240] =	vst v11;
	v38 =	vmul.f32 v63, v2;
	v39 =	vpop (erf)  }
0x330: {  	v26 =	vmax.f32 v33, $0.0e+00;
	(erf) = vpow2.f32 v35;
	[tilespmem:s10+$0xE220] =	vst v39;
	v15 =	vmul.f32 v39, v15;
	v42 =	vpop (erf)  }
0x331: {  	v46 =	vmul.f32 v19, v2;
	v12 =	vmax.f32 v12, $0.0e+00;
	v21 =	vmul.f32 $1.442695020e+00, v21;
	[tilespmem:s10+$0xE210] =	vst v42  }
0x332: {  	v37 =	vmul.f32 v26, v2;
	v41 =	vsub.f32 v38, v5;
	v44 =	vpop (erf);
	v48 =	vmul.f32 v42, v13;
	[tilespmem:s10+$0xE260] =	vst v15  }
0x333: {  	v43 =	vsub.f32 v40, v4;
	(erf) = vpow2.f32 v21;
	[tilespmem:s10+$0xE230] =	vst v44;
	v8 =	vmul.f32 v44, v8  }
0x334: {  	v20 =	vsub.f32 v20, v6;
	v33 =	vmul.f32 v12, v2;
	v23 =	vmul.f32 $1.442695020e+00, v41;
	v45 =	vpop (erf);
	[tilespmem:s10+$0xE250] =	vst v48  }
0x335: {  	v50 =	vsub.f32 v46, v6;
	v47 =	vmul.f32 $1.442695020e+00, v43;
	v14 =	vmul.f32 v45, v14;
	[tilespmem:s10+$0xC230] =	vst v45  }
0x336: {  	v20 =	vmul.f32 $1.442695020e+00, v20;
	v18 =	vsub.f32 v33, v4;
	(erf) = vpow2.f32 v23;
	[tilespmem:s10+$0xE270] =	vst v8  }
0x337: {  	v53 =	vmul.f32 $1.442695020e+00, v50;
	(erf) = vpow2.f32 v47;
	[tilespmem:s10+$0xC270] =	vst v14;
	v8 =	vpop (erf)  }
0x338: {  	v51 =	vsub.f32 v37, v3;
	v54 =	vmul.f32 $1.442695020e+00, v18;
	[tilespmem:s10+$0xC210] =	vst v8;
	v8 =	vmul.f32 v8, v10;
	v49 =	vpop (erf)  }
0x339: {  	[tilespmem:s10+$0xE200] =	vst v49;
	v9 =	vmul.f32 v49, v9;
	v52 =	vpop (erf);
	(erf) = vpow2.f32 v20  }
0x33a: {  	v56 =	vsub.f32 v55, v5;
	[tilespmem:s10+$0xC250] =	vst v8;
	(erf) = vpow2.f32 v53;
	v8 =	vmul.f32 $1.442695020e+00, v51  }
0x33b: {  	[tilespmem:s10+$0xC220] =	vst v52;
	v7 =	vmul.f32 v52, v7;
	(erf) = vpow2.f32 v54  }
0x33c: {  	v57 =	vpop (erf);
	[tilespmem:s10+$0xE240] =	vst v9;
	(erf) = vpow2.f32 v8;
	v8 =	vmul.f32 $1.442695020e+00, v56  }
0x33d: {  	v9 =	vmul.f32 v57, v24;
	[tilespmem:s10+$0xC260] =	vst v7  }
0x33e: {  	[tilespmem:s31+$0xC200] =	vst v57  }
0x33f: {  	[tilespmem:s31+$0xC240] =	vst v9;
	v7 =	vpop (erf)  }
0x340: {  	(erf) = vpow2.f32 v8;
	[tilespmem:s31+$0xE220] =	vst v7;
	v7 =	vmul.f32 v7, v63;
	v8 =	vpop (erf)  }
0x341: {  	[tilespmem:s31+$0xE210] =	vst v8  }
0x342: {  	v8 =	vmul.f32 v8, v34;
	[tilespmem:s31+$0xE260] =	vst v7;
	v58 =	vpop (erf)  }
0x343: {  	[tilespmem:s31+$0xE230] =	vst v58  }
0x344: {  	v10 =	vmul.f32 v58, v17;
	v59 =	vpop (erf);
	[tilespmem:s31+$0xE250] =	vst v8  }
0x345: {  	[tilespmem:s31+$0xC230] =	vst v59  }
0x346: {  	v60 =	vpop (erf);
	[tilespmem:s31+$0xE270] =	vst v10  }
0x347: {  	v63 =	vmul.f32 v59, v19;
	[tilespmem:s31+$0xC210] =	vst v60;
	v61 =	vpop (erf)  }
0x348: {  	v8 =	vmul.f32 v60, v12;
	[tilespmem:s31+$0xE200] =	vst v61  }
0x349: {  	[tilespmem:s31+$0xC270] =	vst v63  }
0x34a: {  	v62 =	vmul.f32 v61, v26;
	v7 =	vpop (erf);
	[tilespmem:s31+$0xC250] =	vst v8  }
0x34b: {  	[tilespmem:s31+$0xC220] =	vst v7;
	v7 =	vmul.f32 v7, v16  }
0x34c: {  	[tilespmem:s31+$0xE240] =	vst v62  }
.Ltmp10:
0x34d: {  	[tilespmem:s31+$0xC260] =	vst v7;
	(pc) =	sbr.rel @p0 .LBB2_19-.Ltmp10, $4  }
0x34e: {  	[spmem:s2] =	stream.indirect.scatter.add.f32 [tilespmem:s29], [sflag:$0x7], $0x80, s22, s30, $0xb8;
	[tilespmem:$0x1A780] =	vst v63  }
0x34f: {  	_ =	swait.ge [sflag:s25], $0x4000  }
0x350: {  	[sflag:s25] =	ssyncset.done $0x0  }
0x351: {  	[sflag:s25] =	ssyncadd.s32 $0xFFFFC000  }
0x352: {  	s10 =	sadd.s32 s17, s18  }
.Ltmp11:
0x353: {  	s10 =	sshll.u32 s10, $0x4;
	(pc) =	sbr.rel .LBB2_13-.Ltmp11, $4  }
0x354: {  	s11 =	sadd.s32 s1, s10  }
0x355: {  	[tilespmem:s26], [sflag:$0x6] =	stream.linear.gather [hbm4b:s11+s4], $0x80, $0x38;
	[tilespmem:$0x1A780] =	vst v63  }
0x356: {  	s16 =	sadd.s32 $0x1, s16;
	s10 =	sadd.s32 s6, s10  }
0x357: {  	[tilespmem:s28], [sflag:$0x6] =	stream.linear.gather [hbm4b:s10+s4], $0x80, $0x38;
	[tilespmem:$0x1A780] =	vst v63  }
.LBB2_20:
0x358: {  	_ =	sfence.sel $0x180000  }
0x359: {  	[bflag:$0x0] =	sbarrier.arrive $0xFFFF  }
0x35a: {  	_ =	strace $0x90000047  }
0x35b: {  	s0 =	stileid.u32;
	[bflag:$0x2] =	sbarrier.arrive $0xFFFF  }
0x35c: {  	p0 =	sne.s32 s0, $0x0;
	s0 =	rddreg [dreg:$0x3]  }
0x35d: {  	s0 =	sadd.s32 @!p0 $0x100000, s0  }
0x35e: {  	[sflag:s0] =	ssyncadd.tile.s32 @!p0 $0x1;
	_ =	shalt  }
.Lfunc_end2:
_tile_overlayer_lowered:
.L_overlay_start_2:
0x35f: {  	(tag) =	ssettag $0x2  }
0x360: {  	s0 =	rddreg [dreg:$0x0];
	s2 =	stileid.u32  }
0x361: {  	s1 =	rddreg [dreg:$0x1];
	p0 =	sne.s32 s2, $0x0  }
0x362: {  	s3 =	rddreg [dreg:$0x2];
	[bflag:$0x3] =	sbarrier.arrive $0xFFFF;
	s2 =	simm.s32 @!p0 $0x1C07  }
0x363: {  	[timem:s3], [sflag:s2] =	dma.local @!p0 [hbm:s0], s1  }
0x364: {  	s0 =	simm.s32 @!p0 $0x7  }
0x365: {  	_ =	swait.ge @!p0 [sflag:s0], s1  }
0x366: {  	s1 =	ssub.s32 @!p0 $0x0, s1;
	[sflag:s0] =	ssyncset.done @!p0 $0x0  }
0x367: {  	[sflag:s0] =	ssyncadd.s32 @!p0 s1  }
0x368: {  	[bflag:$0x3] =	sbarrier.arrive $0xFFFF  }
0x369: {  	_ =	shalt  }

</sc_bundles>
